<compile_context>
chip_gen: v7x
topology: tpu7x:2x2x1
jax: 0.10.2.dev20260603
libtpu: 0.0.44.dev20260713+nightly
codegen_flags: <defaults>
</compile_context>

<pallas_src>
import functools

import jax
import jax.numpy as jnp
from jax import lax
from jax.experimental import pallas as pl
from jax.experimental.pallas import tpu as pltpu
from jax.experimental.pallas import tpu_sc as plsc

N = 10000
NP = 10240
E = 320000
EP = 327680
D = 128
G = 64
NBLK = 5
RB = NP // NBLK
TILES = 32
EPT = EP // TILES
CHUNKS = EPT // 128
STRIPE = NP // 16

_mesh = plsc.VectorSubcoreMesh(core_axis_name="c", subcore_axis_name="s")



@functools.partial(
    pl.kernel,
    out_type=jax.ShapeDtypeStruct((2 * NP,), jnp.float32),
    mesh=_mesh,
    scratch_types=[
        pltpu.VMEM((CHUNKS, 128), jnp.int32),
        pltpu.VMEM((128,), jnp.float32),
        pltpu.VMEM((STRIPE,), jnp.float32),
        pltpu.VMEM_SHARED((NP,), jnp.float32),
    ],
)
def _deg_sc(dst_hbm, out_hbm, dst_v, ones_v, zer_v, deg_sh):
    c = lax.axis_index("c")
    s = lax.axis_index("s")
    wid = c * 16 + s
    for k in range(8):
        ones_v[pl.ds(k * 16, 16)] = jnp.full((16,), 1.0, jnp.float32)
    for k in range(STRIPE // 16):
        zer_v[pl.ds(k * 16, 16)] = jnp.zeros((16,), jnp.float32)
    pltpu.sync_copy(dst_hbm.at[pl.ds(wid * CHUNKS, CHUNKS)], dst_v)
    pltpu.sync_copy(zer_v, deg_sh.at[pl.ds(s * STRIPE, STRIPE)])
    plsc.subcore_barrier()

    def body(j, carry):
        pltpu.sync_copy(ones_v, deg_sh.at[dst_v.at[j]], add=True)
        return carry

    lax.fori_loop(0, CHUNKS, body, 0)
    plsc.subcore_barrier()
    pltpu.sync_copy(deg_sh.at[pl.ds(s * STRIPE, STRIPE)],
                    out_hbm.at[pl.ds(c * NP + s * STRIPE, STRIPE)])


NB = 2
NI = 4
NU = 4
NGRP = CHUNKS // NU


@functools.partial(
    pl.kernel,
    out_type=jax.ShapeDtypeStruct((2, NP, D), jnp.float32),
    mesh=_mesh,
    scratch_types=[
        pltpu.VMEM((CHUNKS, 128), jnp.int32),
        [pltpu.VMEM((1, 128), jnp.int32)] * NI,
        [pltpu.VMEM((128, D), jnp.float32)] * NB,
        pltpu.VMEM_SHARED((NP, D), jnp.float32),
        [pltpu.SemaphoreType.DMA] * NI,
        [pltpu.SemaphoreType.DMA] * NB,
    ],
)
def _agg_sc(hs_hbm, src_hbm, dst_hbm, out_hbm, dst_v, idxr, bufs, agg_sh,
            isem, gsem):
    c = lax.axis_index("c")
    s = lax.axis_index("s")
    wid = c * 16 + s
    pltpu.sync_copy(dst_hbm.at[pl.ds(wid * CHUNKS, CHUNKS)], dst_v)
    pltpu.sync_copy(hs_hbm.at[pl.ds(s * STRIPE, STRIPE)],
                    agg_sh.at[pl.ds(s * STRIPE, STRIPE)])
    plsc.subcore_barrier()

    def ifetch(j, i):
        pltpu.async_copy(src_hbm.at[pl.ds(wid * CHUNKS + j, 1)], idxr[i],
                         isem[i])

    def iwait(j, i):
        pltpu.make_async_copy(src_hbm.at[pl.ds(wid * CHUNKS + j, 1)],
                              idxr[i], isem[i]).wait()

    def gather(i, b):
        pltpu.async_copy(hs_hbm.at[idxr[i].at[0]], bufs[b], gsem[b])

    def gwait(i, b):
        pltpu.make_async_copy(hs_hbm.at[idxr[i].at[0]], bufs[b],
                              gsem[b]).wait()

    def scat(j, b):
        pltpu.sync_copy(bufs[b], agg_sh.at[dst_v.at[j]], add=True)

    for i in range(NI):
        ifetch(i, i)
    for j in range(NB):
        iwait(j, j % NI)
        gather(j % NI, j % NB)

    def body(g, carry):
        for u in range(NU):
            j = g * NU + u
            b = u % NB
            gwait(u % NI, b)
            scat(j, b)
            ifetch(j + NI, u % NI)
            iwait(j + NB, (u + NB) % NI)
            gather((u + NB) % NI, b)
        return carry

    lax.fori_loop(0, NGRP - 1, body, 0)

    g = NGRP - 1
    for u in range(NU):
        j = g * NU + u
        b = u % NB
        gwait(u % NI, b)
        scat(j, b)
        if j + NB < CHUNKS:
            iwait(j + NB, (u + NB) % NI)
            gather((u + NB) % NI, b)

    plsc.subcore_barrier()
    pltpu.sync_copy(agg_sh.at[pl.ds(s * STRIPE, STRIPE)],
                    out_hbm.at[c, pl.ds(s * STRIPE, STRIPE)])



def _first_body(x_ref, w_ref, dinv_ref, hs_ref):
    hs_ref[...] = dinv_ref[...] * jnp.dot(
        x_ref[...], w_ref[...], preferred_element_type=jnp.float32)


_dense_first = pl.pallas_call(
    _first_body,
    grid=(NBLK,),
    in_specs=[
        pl.BlockSpec((RB, D), lambda i: (i, 0)),
        pl.BlockSpec((D, D), lambda i: (0, 0)),
        pl.BlockSpec((RB, 1), lambda i: (i, 0)),
    ],
    out_specs=pl.BlockSpec((RB, D), lambda i: (i, 0)),
    out_shape=jax.ShapeDtypeStruct((NP, D), jnp.float32),
)


def _step_body(p_ref, hs_ref, dinv_ref, b_ref, w_ref, h_ref, hsn_ref):
    t = p_ref[0] + p_ref[1] - hs_ref[...]
    h = jnp.maximum(dinv_ref[...] * t + b_ref[...], 0.0)
    h_ref[...] = h
    hsn_ref[...] = dinv_ref[...] * jnp.dot(
        h, w_ref[...], preferred_element_type=jnp.float32)


_dense_step = pl.pallas_call(
    _step_body,
    grid=(NBLK,),
    in_specs=[
        pl.BlockSpec((2, RB, D), lambda i: (0, i, 0)),
        pl.BlockSpec((RB, D), lambda i: (i, 0)),
        pl.BlockSpec((RB, 1), lambda i: (i, 0)),
        pl.BlockSpec((1, D), lambda i: (0, 0)),
        pl.BlockSpec((D, D), lambda i: (0, 0)),
    ],
    out_specs=[
        pl.BlockSpec((RB, D), lambda i: (i, 0)),
        pl.BlockSpec((RB, D), lambda i: (i, 0)),
    ],
    out_shape=[
        jax.ShapeDtypeStruct((NP, D), jnp.float32),
        jax.ShapeDtypeStruct((NP, D), jnp.float32),
    ],
)


def _pool_body(h1_ref, h2_ref, p_ref, hs_ref, dinv_ref, b_ref, batch_ref,
               fw1_ref, fb1_ref, fw2_ref, fb2_ref, ow_ref, ob_ref,
               out_ref, sums_ref, cnt_ref):
    i = pl.program_id(0)

    @pl.when(i == 0)
    def _():
        sums_ref[...] = jnp.zeros_like(sums_ref)
        cnt_ref[...] = jnp.zeros_like(cnt_ref)

    t = p_ref[0] + p_ref[1] - hs_ref[...]
    h3 = jnp.maximum(dinv_ref[...] * t + b_ref[...], 0.0)
    hcat = jnp.concatenate([h1_ref[...], h2_ref[...], h3], axis=1)
    bt = batch_ref[0]
    gids = lax.broadcasted_iota(jnp.int32, (G, RB), 0)
    oh = (gids == bt).astype(jnp.float32)
    sums_ref[...] += lax.dot_general(
        oh, hcat, (((1,), (0,)), ((), ())),
        precision=lax.Precision.HIGHEST,
        preferred_element_type=jnp.float32)
    cnt_ref[...] += lax.dot_general(
        oh, jnp.ones((RB, 1), jnp.float32), (((1,), (0,)), ((), ())),
        precision=lax.Precision.HIGHEST,
        preferred_element_type=jnp.float32)

    @pl.when(i == NBLK - 1)
    def _():
        pooled = sums_ref[...] / jnp.maximum(cnt_ref[...], 1.0)
        z = jnp.maximum(jnp.dot(pooled, fw1_ref[...],
                                precision=lax.Precision.HIGHEST,
                                preferred_element_type=jnp.float32)
                        + fb1_ref[...], 0.0)
        z = jnp.maximum(jnp.dot(z, fw2_ref[...],
                                precision=lax.Precision.HIGHEST,
                                preferred_element_type=jnp.float32)
                        + fb2_ref[...], 0.0)
        out_ref[...] = jnp.dot(z, ow_ref[...],
                               precision=lax.Precision.HIGHEST,
                               preferred_element_type=jnp.float32) + ob_ref[...]


_pool_head = pl.pallas_call(
    _pool_body,
    grid=(NBLK,),
    in_specs=[
        pl.BlockSpec((RB, D), lambda i: (i, 0)),
        pl.BlockSpec((RB, D), lambda i: (i, 0)),
        pl.BlockSpec((2, RB, D), lambda i: (0, i, 0)),
        pl.BlockSpec((RB, D), lambda i: (i, 0)),
        pl.BlockSpec((RB, 1), lambda i: (i, 0)),
        pl.BlockSpec((1, D), lambda i: (0, 0)),
        pl.BlockSpec((1, 1, RB), lambda i: (i, 0, 0)),
        pl.BlockSpec((3 * D, G), lambda i: (0, 0)),
        pl.BlockSpec((1, G), lambda i: (0, 0)),
        pl.BlockSpec((G, G), lambda i: (0, 0)),
        pl.BlockSpec((1, G), lambda i: (0, 0)),
        pl.BlockSpec((G, 1), lambda i: (0, 0)),
        pl.BlockSpec((1, 1), lambda i: (0, 0)),
    ],
    out_specs=pl.BlockSpec((G, 1), lambda i: (0, 0)),
    out_shape=jax.ShapeDtypeStruct((G, 1), jnp.float32),
    scratch_shapes=[
        pltpu.VMEM((G, 3 * D), jnp.float32),
        pltpu.VMEM((G, 1), jnp.float32),
    ],
)



def kernel(x, edge_index, batch, W1, b1, W2, b2, W3, b3, fcW1, fcb1, fcW2, fcb2, oW, ob):
    x_p = jnp.pad(x, ((0, NP - N), (0, 0)))
    src2d = jnp.pad(edge_index[0].reshape(TILES, E // TILES),
                    ((0, 0), (0, EPT - E // TILES))).reshape(TILES * CHUNKS, 128)
    dst2d = jnp.pad(edge_index[1].reshape(TILES, E // TILES),
                    ((0, 0), (0, EPT - E // TILES)),
                    constant_values=NP - 1).reshape(TILES * CHUNKS, 128)
    batch3d = jnp.pad(batch, (0, NP - N), constant_values=G).reshape(NBLK, 1, RB)

    degp = _deg_sc(dst2d)
    deg = degp[:NP] + degp[NP:] + 1.0
    dinv = (deg ** -0.5).reshape(NP, 1)

    b1r, b2r, b3r = b1.reshape(1, D), b2.reshape(1, D), b3.reshape(1, D)
    hs1 = _dense_first(x_p, W1, dinv)
    p1 = _agg_sc(hs1, src2d, dst2d)
    h1, hs2 = _dense_step(p1, hs1, dinv, b1r, W2)
    p2 = _agg_sc(hs2, src2d, dst2d)
    h2, hs3 = _dense_step(p2, hs2, dinv, b2r, W3)
    p3 = _agg_sc(hs3, src2d, dst2d)
    return _pool_head(h1, h2, p3, hs3, dinv, b3r, batch3d,
                      fcW1, fcb1.reshape(1, G), fcW2, fcb2.reshape(1, G),
                      oW, ob.reshape(1, 1))

# --- scband reference (transcript-rebuilt; emitter-appended) ---
"""Pipeline reference for scband-gcn-68779606278800 (READ-ONLY COPY).

The authoritative reference and input builder live on the scoring server;
editing this copy changes nothing except your own understanding.
"""

import jax, jax.numpy as jnp
import numpy as np

N = 10000
E = 320000
D = 128
M = 128
G = 64
FC = 64


def setup_inputs(seed: int = 0) -> dict:
    key = jax.random.key(seed)
    ks = jax.random.split(key, 20)
    x = jax.random.normal(ks[0], (N, D), dtype=jnp.float32)
    edge_index = jax.random.randint(ks[1], (2, E), 0, N, dtype=jnp.int32)
    batch = jnp.sort(jax.random.randint(ks[2], (N,), 0, G, dtype=jnp.int32))
    s = 0.05
    W1 = jax.random.normal(ks[3], (D, M), dtype=jnp.float32) * s
    b1 = jnp.zeros((M,), dtype=jnp.float32)
    W2 = jax.random.normal(ks[4], (M, M), dtype=jnp.float32) * s
    b2 = jnp.zeros((M,), dtype=jnp.float32)
    W3 = jax.random.normal(ks[5], (M, M), dtype=jnp.float32) * s
    b3 = jnp.zeros((M,), dtype=jnp.float32)
    fcW1 = jax.random.normal(ks[6], (3 * M, FC), dtype=jnp.float32) * s
    fcb1 = jnp.zeros((FC,), dtype=jnp.float32)
    fcW2 = jax.random.normal(ks[7], (FC, FC), dtype=jnp.float32) * s
    fcb2 = jnp.zeros((FC,), dtype=jnp.float32)
    oW = jax.random.normal(ks[8], (FC, 1), dtype=jnp.float32) * s
    ob = jnp.zeros((1,), dtype=jnp.float32)
    return {"x": x, "edge_index": edge_index, "batch": batch,
            "W1": W1, "b1": b1, "W2": W2, "b2": b2, "W3": W3, "b3": b3,
            "fcW1": fcW1, "fcb1": fcb1, "fcW2": fcW2, "fcb2": fcb2,
            "oW": oW, "ob": ob}


def reference(x, edge_index, batch, W1, b1, W2, b2, W3, b3, fcW1, fcb1, fcW2, fcb2, oW, ob):
    n = x.shape[0]
    loop = jnp.arange(n, dtype=edge_index.dtype)
    src = jnp.concatenate([edge_index[0], loop])
    dst = jnp.concatenate([edge_index[1], loop])
    # symmetric GCN normalization with self-loops (edge weight = 1)
    deg = jnp.zeros((n,), x.dtype).at[dst].add(1.0)
    dinv = jnp.where(deg > 0, deg ** -0.5, 0.0)
    norm = dinv[src] * dinv[dst]

    def conv(h, W, b):
        h = h @ W
        msg = h[src] * norm[:, None]
        out = jnp.zeros_like(h).at[dst].add(msg)
        return out + b

    h1 = jax.nn.relu(conv(x, W1, b1))   # dropout is identity at inference
    h2 = jax.nn.relu(conv(h1, W2, b2))
    h3 = jax.nn.relu(conv(h2, W3, b3))
    xc = jnp.concatenate([h1, h2, h3], axis=1)
    sums = jax.ops.segment_sum(xc, batch, num_segments=G)
    cnt = jax.ops.segment_sum(jnp.ones((n,), xc.dtype), batch, num_segments=G)
    pooled = sums / jnp.clip(cnt, 1.0)[:, None]
    h = jax.nn.relu(pooled @ fcW1 + fcb1)
    h = jax.nn.relu(h @ fcW2 + fcb2)
    return h @ oW + ob

if __name__ == "__main__":
    import jax
    _d = setup_inputs()
    print(jax.jit(kernel)(*tuple(_d.values())))

</pallas_src>

<mosaic_0001>
#map = affine_map<(d0, d1) -> (0, 0)>
#map1 = affine_map<(d0, d1) -> (0, 0, 0)>
module attributes {stable_mosaic.version = 14 : i64} {
  func.func @_agg_sc(%arg0: i32, %arg1: i32, %arg2: memref<10240x128xf32, #tpu.memory_space<hbm>>, %arg3: memref<2560x128xi32, #tpu.memory_space<hbm>>, %arg4: memref<2560x128xi32, #tpu.memory_space<hbm>>, %arg5: memref<2x10240x128xf32, #tpu.memory_space<hbm>>, %arg6: memref<80x128xi32, #tpu.memory_space<vmem>>, %arg7: memref<1x128xi32, #tpu.memory_space<vmem>>, %arg8: memref<1x128xi32, #tpu.memory_space<vmem>>, %arg9: memref<1x128xi32, #tpu.memory_space<vmem>>, %arg10: memref<1x128xi32, #tpu.memory_space<vmem>>, %arg11: memref<128x128xf32, #tpu.memory_space<vmem>>, %arg12: memref<128x128xf32, #tpu.memory_space<vmem>>, %arg13: memref<10240x128xf32, #tpu.memory_space<vmem_shared>>, %arg14: memref<!tpu.dma_semaphore, #tpu.memory_space<semaphore_mem>>, %arg15: memref<!tpu.dma_semaphore, #tpu.memory_space<semaphore_mem>>, %arg16: memref<!tpu.dma_semaphore, #tpu.memory_space<semaphore_mem>>, %arg17: memref<!tpu.dma_semaphore, #tpu.memory_space<semaphore_mem>>, %arg18: memref<!tpu.dma_semaphore, #tpu.memory_space<semaphore_mem>>, %arg19: memref<!tpu.dma_semaphore, #tpu.memory_space<semaphore_mem>>) attributes {dimension_semantics = [#tpu.dimension_semantics<core_parallel>, #tpu.dimension_semantics<subcore_parallel>], iteration_bounds = array<i64: 2, 16>, scalar_prefetch = 0 : i64, scratch_operands = 14 : i64, tpu.core_type = #tpu.core_type<sc_vector_subcore>, window_params = [{transform_indices = #map}, {transform_indices = #map}, {transform_indices = #map}, {transform_indices = #map1}]} {
    %mul3A = arith.constant 16 : i32
    %mul3A_0 = arith.muli %arg0, %mul3A : i32
    %add3A = arith.addi %mul3A_0, %arg1 : i32
    %mul3A_1 = arith.constant 80 : i32
    %mul3A_2 = arith.muli %add3A, %mul3A_1 : i32
    "tpu.region"() ({
      %run_scoped3A_138 = tpu.sem_alloc : memref<!tpu.dma_semaphore, #tpu.memory_space<semaphore_mem>>
      %dma_start3A_139 = arith.constant 0 : i32
      %dma_start3A_140 = tpu.memref_slice %arg4[%mul3A_2, %dma_start3A_139] : memref<2560x128xi32, #tpu.memory_space<hbm>> -> memref<80x128xi32, #tpu.memory_space<hbm>>
      %dma_start3A_141 = arith.constant 0 : i32
      %dma_start3A_142 = tpu.memref_slice %arg4[%mul3A_2, %dma_start3A_141] : memref<2560x128xi32, #tpu.memory_space<hbm>> -> memref<80x128xi32, #tpu.memory_space<hbm>>
      tpu.enqueue_dma source(%dma_start3A_142 : memref<80x128xi32, #tpu.memory_space<hbm>>) target(%arg6 : memref<80x128xi32, #tpu.memory_space<vmem>>) target_semaphore(%run_scoped3A_138 : memref<!tpu.dma_semaphore, #tpu.memory_space<semaphore_mem>>)
      %dma_wait3A_143 = arith.constant 0 : i32
      %dma_wait3A_144 = tpu.memref_slice %arg4[%mul3A_2, %dma_wait3A_143] : memref<2560x128xi32, #tpu.memory_space<hbm>> -> memref<80x128xi32, #tpu.memory_space<hbm>>
      %dma_wait3A_145 = arith.constant 0 : i32
      %dma_wait3A_146 = tpu.memref_slice %arg4[%mul3A_2, %dma_wait3A_145] : memref<2560x128xi32, #tpu.memory_space<hbm>> -> memref<80x128xi32, #tpu.memory_space<hbm>>
      tpu.wait_dma2 semaphore(%run_scoped3A_138 : memref<!tpu.dma_semaphore, #tpu.memory_space<semaphore_mem>>) src(%dma_wait3A_146 : memref<80x128xi32, #tpu.memory_space<hbm>>) dst(%arg6 : memref<80x128xi32, #tpu.memory_space<vmem>>)
      tpu.yield
    }) : () -> ()
    %mul3A_3 = arith.constant 640 : i32
    %mul3A_4 = arith.muli %arg1, %mul3A_3 : i32
    %mul3A_5 = arith.constant 640 : i32
    %mul3A_6 = arith.muli %arg1, %mul3A_5 : i32
    "tpu.region"() ({
      %run_scoped3A_138 = tpu.sem_alloc : memref<!tpu.dma_semaphore, #tpu.memory_space<semaphore_mem>>
      %dma_start3A_139 = arith.constant 0 : i32
      %dma_start3A_140 = tpu.memref_slice %arg13[%mul3A_6, %dma_start3A_139] : memref<10240x128xf32, #tpu.memory_space<vmem_shared>> -> memref<640x128xf32, #tpu.memory_space<vmem_shared>>
      %dma_start3A_141 = arith.constant 0 : i32
      %dma_start3A_142 = tpu.memref_slice %arg2[%mul3A_4, %dma_start3A_141] : memref<10240x128xf32, #tpu.memory_space<hbm>> -> memref<640x128xf32, #tpu.memory_space<hbm>>
      tpu.enqueue_dma source(%dma_start3A_142 : memref<640x128xf32, #tpu.memory_space<hbm>>) target(%dma_start3A_140 : memref<640x128xf32, #tpu.memory_space<vmem_shared>>) target_semaphore(%run_scoped3A_138 : memref<!tpu.dma_semaphore, #tpu.memory_space<semaphore_mem>>)
      %dma_wait3A_143 = arith.constant 0 : i32
      %dma_wait3A_144 = tpu.memref_slice %arg13[%mul3A_6, %dma_wait3A_143] : memref<10240x128xf32, #tpu.memory_space<vmem_shared>> -> memref<640x128xf32, #tpu.memory_space<vmem_shared>>
      %dma_wait3A_145 = arith.constant 0 : i32
      %dma_wait3A_146 = tpu.memref_slice %arg2[%mul3A_4, %dma_wait3A_145] : memref<10240x128xf32, #tpu.memory_space<hbm>> -> memref<640x128xf32, #tpu.memory_space<hbm>>
      tpu.wait_dma2 semaphore(%run_scoped3A_138 : memref<!tpu.dma_semaphore, #tpu.memory_space<semaphore_mem>>) src(%dma_wait3A_146 : memref<640x128xf32, #tpu.memory_space<hbm>>) dst(%dma_wait3A_144 : memref<640x128xf32, #tpu.memory_space<vmem_shared>>)
      tpu.yield
    }) : () -> ()
    %barrier3A = arith.constant 0 : index
    tpu.barrier barrier_id(%barrier3A)
    %mul3A_7 = arith.constant 80 : i32
    %mul3A_8 = arith.muli %add3A, %mul3A_7 : i32
    %add3A_9 = arith.constant 0 : i32
    %add3A_10 = arith.addi %mul3A_8, %add3A_9 : i32
    %dma_start3A = arith.constant 0 : i32
    %dma_start3A_11 = tpu.memref_slice %arg3[%add3A_10, %dma_start3A] : memref<2560x128xi32, #tpu.memory_space<hbm>> -> memref<1x128xi32, #tpu.memory_space<hbm>>
    %dma_start3A_12 = arith.constant 0 : i32
    %dma_start3A_13 = tpu.memref_slice %arg3[%add3A_10, %dma_start3A_12] : memref<2560x128xi32, #tpu.memory_space<hbm>> -> memref<1x128xi32, #tpu.memory_space<hbm>>
    tpu.enqueue_dma source(%dma_start3A_13 : memref<1x128xi32, #tpu.memory_space<hbm>>) target(%arg7 : memref<1x128xi32, #tpu.memory_space<vmem>>) target_semaphore(%arg14 : memref<!tpu.dma_semaphore, #tpu.memory_space<semaphore_mem>>)
    %mul3A_14 = arith.constant 80 : i32
    %mul3A_15 = arith.muli %add3A, %mul3A_14 : i32
    %add3A_16 = arith.constant 1 : i32
    %add3A_17 = arith.addi %mul3A_15, %add3A_16 : i32
    %dma_start3A_18 = arith.constant 0 : i32
    %dma_start3A_19 = tpu.memref_slice %arg3[%add3A_17, %dma_start3A_18] : memref<2560x128xi32, #tpu.memory_space<hbm>> -> memref<1x128xi32, #tpu.memory_space<hbm>>
    %dma_start3A_20 = arith.constant 0 : i32
    %dma_start3A_21 = tpu.memref_slice %arg3[%add3A_17, %dma_start3A_20] : memref<2560x128xi32, #tpu.memory_space<hbm>> -> memref<1x128xi32, #tpu.memory_space<hbm>>
    tpu.enqueue_dma source(%dma_start3A_21 : memref<1x128xi32, #tpu.memory_space<hbm>>) target(%arg8 : memref<1x128xi32, #tpu.memory_space<vmem>>) target_semaphore(%arg15 : memref<!tpu.dma_semaphore, #tpu.memory_space<semaphore_mem>>)
    %mul3A_22 = arith.constant 80 : i32
    %mul3A_23 = arith.muli %add3A, %mul3A_22 : i32
    %add3A_24 = arith.constant 2 : i32
    %add3A_25 = arith.addi %mul3A_23, %add3A_24 : i32
    %dma_start3A_26 = arith.constant 0 : i32
    %dma_start3A_27 = tpu.memref_slice %arg3[%add3A_25, %dma_start3A_26] : memref<2560x128xi32, #tpu.memory_space<hbm>> -> memref<1x128xi32, #tpu.memory_space<hbm>>
    %dma_start3A_28 = arith.constant 0 : i32
    %dma_start3A_29 = tpu.memref_slice %arg3[%add3A_25, %dma_start3A_28] : memref<2560x128xi32, #tpu.memory_space<hbm>> -> memref<1x128xi32, #tpu.memory_space<hbm>>
    tpu.enqueue_dma source(%dma_start3A_29 : memref<1x128xi32, #tpu.memory_space<hbm>>) target(%arg9 : memref<1x128xi32, #tpu.memory_space<vmem>>) target_semaphore(%arg16 : memref<!tpu.dma_semaphore, #tpu.memory_space<semaphore_mem>>)
    %mul3A_30 = arith.constant 80 : i32
    %mul3A_31 = arith.muli %add3A, %mul3A_30 : i32
    %add3A_32 = arith.constant 3 : i32
    %add3A_33 = arith.addi %mul3A_31, %add3A_32 : i32
    %dma_start3A_34 = arith.constant 0 : i32
    %dma_start3A_35 = tpu.memref_slice %arg3[%add3A_33, %dma_start3A_34] : memref<2560x128xi32, #tpu.memory_space<hbm>> -> memref<1x128xi32, #tpu.memory_space<hbm>>
    %dma_start3A_36 = arith.constant 0 : i32
    %dma_start3A_37 = tpu.memref_slice %arg3[%add3A_33, %dma_start3A_36] : memref<2560x128xi32, #tpu.memory_space<hbm>> -> memref<1x128xi32, #tpu.memory_space<hbm>>
    tpu.enqueue_dma source(%dma_start3A_37 : memref<1x128xi32, #tpu.memory_space<hbm>>) target(%arg10 : memref<1x128xi32, #tpu.memory_space<vmem>>) target_semaphore(%arg17 : memref<!tpu.dma_semaphore, #tpu.memory_space<semaphore_mem>>)
    %mul3A_38 = arith.constant 80 : i32
    %mul3A_39 = arith.muli %add3A, %mul3A_38 : i32
    %add3A_40 = arith.constant 0 : i32
    %add3A_41 = arith.addi %mul3A_39, %add3A_40 : i32
    %dma_wait3A = arith.constant 0 : i32
    %dma_wait3A_42 = tpu.memref_slice %arg3[%add3A_41, %dma_wait3A] : memref<2560x128xi32, #tpu.memory_space<hbm>> -> memref<1x128xi32, #tpu.memory_space<hbm>>
    %dma_wait3A_43 = arith.constant 0 : i32
    %dma_wait3A_44 = tpu.memref_slice %arg3[%add3A_41, %dma_wait3A_43] : memref<2560x128xi32, #tpu.memory_space<hbm>> -> memref<1x128xi32, #tpu.memory_space<hbm>>
    tpu.wait_dma2 semaphore(%arg14 : memref<!tpu.dma_semaphore, #tpu.memory_space<semaphore_mem>>) src(%dma_wait3A_44 : memref<1x128xi32, #tpu.memory_space<hbm>>) dst(%arg7 : memref<1x128xi32, #tpu.memory_space<vmem>>)
    %dma_start3A_45 = arith.constant 0 : i32
    %dma_start3A_46 = arith.constant 0 : i32
    %dma_start3A_47 = tpu.memref_slice %arg7[%dma_start3A_45, %dma_start3A_46] : memref<1x128xi32, #tpu.memory_space<vmem>> -> memref<1x128xi32, #tpu.memory_space<vmem>>
    %dma_start3A_48 = tpu.memref_squeeze %dma_start3A_47 : memref<1x128xi32, #tpu.memory_space<vmem>> -> memref<128xi32, #tpu.memory_space<vmem>>
    %dma_start3A_49 = arith.constant 0 : i32
    %dma_start3A_50 = arith.constant 0 : i32
    %dma_start3A_51 = tpu.memref_slice %arg2[%dma_start3A_49, %dma_start3A_50] : memref<10240x128xf32, #tpu.memory_space<hbm>> -> memref<10240x128xf32, #tpu.memory_space<hbm>>
    tpu.enqueue_indirect_dma source(%dma_start3A_51 : memref<10240x128xf32, #tpu.memory_space<hbm>>) target(%arg11 : memref<128x128xf32, #tpu.memory_space<vmem>>) offsets(%dma_start3A_48 : memref<128xi32, #tpu.memory_space<vmem>>) semaphore(%arg18 : memref<!tpu.dma_semaphore, #tpu.memory_space<semaphore_mem>>)
    %mul3A_52 = arith.constant 80 : i32
    %mul3A_53 = arith.muli %add3A, %mul3A_52 : i32
    %add3A_54 = arith.constant 1 : i32
    %add3A_55 = arith.addi %mul3A_53, %add3A_54 : i32
    %dma_wait3A_56 = arith.constant 0 : i32
    %dma_wait3A_57 = tpu.memref_slice %arg3[%add3A_55, %dma_wait3A_56] : memref<2560x128xi32, #tpu.memory_space<hbm>> -> memref<1x128xi32, #tpu.memory_space<hbm>>
    %dma_wait3A_58 = arith.constant 0 : i32
    %dma_wait3A_59 = tpu.memref_slice %arg3[%add3A_55, %dma_wait3A_58] : memref<2560x128xi32, #tpu.memory_space<hbm>> -> memref<1x128xi32, #tpu.memory_space<hbm>>
    tpu.wait_dma2 semaphore(%arg15 : memref<!tpu.dma_semaphore, #tpu.memory_space<semaphore_mem>>) src(%dma_wait3A_59 : memref<1x128xi32, #tpu.memory_space<hbm>>) dst(%arg8 : memref<1x128xi32, #tpu.memory_space<vmem>>)
    %dma_start3A_60 = arith.constant 0 : i32
    %dma_start3A_61 = arith.constant 0 : i32
    %dma_start3A_62 = tpu.memref_slice %arg8[%dma_start3A_60, %dma_start3A_61] : memref<1x128xi32, #tpu.memory_space<vmem>> -> memref<1x128xi32, #tpu.memory_space<vmem>>
    %dma_start3A_63 = tpu.memref_squeeze %dma_start3A_62 : memref<1x128xi32, #tpu.memory_space<vmem>> -> memref<128xi32, #tpu.memory_space<vmem>>
    %dma_start3A_64 = arith.constant 0 : i32
    %dma_start3A_65 = arith.constant 0 : i32
    %dma_start3A_66 = tpu.memref_slice %arg2[%dma_start3A_64, %dma_start3A_65] : memref<10240x128xf32, #tpu.memory_space<hbm>> -> memref<10240x128xf32, #tpu.memory_space<hbm>>
    tpu.enqueue_indirect_dma source(%dma_start3A_66 : memref<10240x128xf32, #tpu.memory_space<hbm>>) target(%arg12 : memref<128x128xf32, #tpu.memory_space<vmem>>) offsets(%dma_start3A_63 : memref<128xi32, #tpu.memory_space<vmem>>) semaphore(%arg19 : memref<!tpu.dma_semaphore, #tpu.memory_space<semaphore_mem>>)
    %scan3A = arith.constant 0 : i32
    %scan3A_67 = arith.constant 0 : i32
    %scan3A_68 = arith.constant 19 : i32
    %scan3A_69 = arith.addi %scan3A_67, %scan3A_68 : i32
    %scan3A_70 = arith.constant 1 : i32
    scf.for %scan3A_138 = %scan3A_67 to %scan3A_69 step %scan3A_70  : i32 {
      %mul3A_139 = arith.constant 4 : i32
      %mul3A_140 = arith.muli %scan3A_138, %mul3A_139 : i32
      %add3A_141 = arith.constant 0 : i32
      %add3A_142 = arith.addi %mul3A_140, %add3A_141 : i32
      %dma_wait3A_143 = arith.constant 0 : i32
      %dma_wait3A_144 = arith.constant 0 : i32
      %dma_wait3A_145 = tpu.memref_slice %arg7[%dma_wait3A_143, %dma_wait3A_144] : memref<1x128xi32, #tpu.memory_space<vmem>> -> memref<1x128xi32, #tpu.memory_space<vmem>>
      %dma_wait3A_146 = tpu.memref_squeeze %dma_wait3A_145 : memref<1x128xi32, #tpu.memory_space<vmem>> -> memref<128xi32, #tpu.memory_space<vmem>>
      %dma_wait3A_147 = arith.constant 0 : i32
      %dma_wait3A_148 = arith.constant 0 : i32
      %dma_wait3A_149 = tpu.memref_slice %arg2[%dma_wait3A_147, %dma_wait3A_148] : memref<10240x128xf32, #tpu.memory_space<hbm>> -> memref<10240x128xf32, #tpu.memory_space<hbm>>
      tpu.wait_indirect_dma semaphore(%arg18 : memref<!tpu.dma_semaphore, #tpu.memory_space<semaphore_mem>>) src(%dma_wait3A_149 : memref<10240x128xf32, #tpu.memory_space<hbm>>) dst(%arg11 : memref<128x128xf32, #tpu.memory_space<vmem>>)
      "tpu.region"() ({
        %run_scoped3A_283 = tpu.sem_alloc : memref<!tpu.dma_semaphore, #tpu.memory_space<semaphore_mem>>
        %dma_start3A_284 = arith.constant 0 : i32
        %dma_start3A_285 = tpu.memref_slice %arg6[%add3A_142, %dma_start3A_284] : memref<80x128xi32, #tpu.memory_space<vmem>> -> memref<1x128xi32, #tpu.memory_space<vmem>>
        %dma_start3A_286 = tpu.memref_squeeze %dma_start3A_285 : memref<1x128xi32, #tpu.memory_space<vmem>> -> memref<128xi32, #tpu.memory_space<vmem>>
        %dma_start3A_287 = arith.constant 0 : i32
        %dma_start3A_288 = arith.constant 0 : i32
        %dma_start3A_289 = tpu.memref_slice %arg13[%dma_start3A_287, %dma_start3A_288] : memref<10240x128xf32, #tpu.memory_space<vmem_shared>> -> memref<10240x128xf32, #tpu.memory_space<vmem_shared>>
        tpu.enqueue_indirect_dma source(%arg11 : memref<128x128xf32, #tpu.memory_space<vmem>>) target(%dma_start3A_289 : memref<10240x128xf32, #tpu.memory_space<vmem_shared>>) offsets(%dma_start3A_286 : memref<128xi32, #tpu.memory_space<vmem>>) semaphore(%run_scoped3A_283 : memref<!tpu.dma_semaphore, #tpu.memory_space<semaphore_mem>>) {add = true}
        %dma_wait3A_290 = arith.constant 0 : i32
        %dma_wait3A_291 = tpu.memref_slice %arg6[%add3A_142, %dma_wait3A_290] : memref<80x128xi32, #tpu.memory_space<vmem>> -> memref<1x128xi32, #tpu.memory_space<vmem>>
        %dma_wait3A_292 = tpu.memref_squeeze %dma_wait3A_291 : memref<1x128xi32, #tpu.memory_space<vmem>> -> memref<128xi32, #tpu.memory_space<vmem>>
        %dma_wait3A_293 = arith.constant 0 : i32
        %dma_wait3A_294 = arith.constant 0 : i32
        %dma_wait3A_295 = tpu.memref_slice %arg13[%dma_wait3A_293, %dma_wait3A_294] : memref<10240x128xf32, #tpu.memory_space<vmem_shared>> -> memref<10240x128xf32, #tpu.memory_space<vmem_shared>>
        tpu.wait_indirect_dma semaphore(%run_scoped3A_283 : memref<!tpu.dma_semaphore, #tpu.memory_space<semaphore_mem>>) src(%arg11 : memref<128x128xf32, #tpu.memory_space<vmem>>) dst(%dma_wait3A_295 : memref<10240x128xf32, #tpu.memory_space<vmem_shared>>)
        tpu.yield
      }) : () -> ()
      %add3A_150 = arith.constant 4 : i32
      %add3A_151 = arith.addi %add3A_142, %add3A_150 : i32
      %mul3A_152 = arith.constant 80 : i32
      %mul3A_153 = arith.muli %add3A, %mul3A_152 : i32
      %add3A_154 = arith.addi %mul3A_153, %add3A_151 : i32
      %dma_start3A_155 = arith.constant 0 : i32
      %dma_start3A_156 = tpu.memref_slice %arg3[%add3A_154, %dma_start3A_155] : memref<2560x128xi32, #tpu.memory_space<hbm>> -> memref<1x128xi32, #tpu.memory_space<hbm>>
      %dma_start3A_157 = arith.constant 0 : i32
      %dma_start3A_158 = tpu.memref_slice %arg3[%add3A_154, %dma_start3A_157] : memref<2560x128xi32, #tpu.memory_space<hbm>> -> memref<1x128xi32, #tpu.memory_space<hbm>>
      tpu.enqueue_dma source(%dma_start3A_158 : memref<1x128xi32, #tpu.memory_space<hbm>>) target(%arg7 : memref<1x128xi32, #tpu.memory_space<vmem>>) target_semaphore(%arg14 : memref<!tpu.dma_semaphore, #tpu.memory_space<semaphore_mem>>)
      %add3A_159 = arith.constant 2 : i32
      %add3A_160 = arith.addi %add3A_142, %add3A_159 : i32
      %mul3A_161 = arith.constant 80 : i32
      %mul3A_162 = arith.muli %add3A, %mul3A_161 : i32
      %add3A_163 = arith.addi %mul3A_162, %add3A_160 : i32
      %dma_wait3A_164 = arith.constant 0 : i32
      %dma_wait3A_165 = tpu.memref_slice %arg3[%add3A_163, %dma_wait3A_164] : memref<2560x128xi32, #tpu.memory_space<hbm>> -> memref<1x128xi32, #tpu.memory_space<hbm>>
      %dma_wait3A_166 = arith.constant 0 : i32
      %dma_wait3A_167 = tpu.memref_slice %arg3[%add3A_163, %dma_wait3A_166] : memref<2560x128xi32, #tpu.memory_space<hbm>> -> memref<1x128xi32, #tpu.memory_space<hbm>>
      tpu.wait_dma2 semaphore(%arg16 : memref<!tpu.dma_semaphore, #tpu.memory_space<semaphore_mem>>) src(%dma_wait3A_167 : memref<1x128xi32, #tpu.memory_space<hbm>>) dst(%arg9 : memref<1x128xi32, #tpu.memory_space<vmem>>)
      %dma_start3A_168 = arith.constant 0 : i32
      %dma_start3A_169 = arith.constant 0 : i32
      %dma_start3A_170 = tpu.memref_slice %arg9[%dma_start3A_168, %dma_start3A_169] : memref<1x128xi32, #tpu.memory_space<vmem>> -> memref<1x128xi32, #tpu.memory_space<vmem>>
      %dma_start3A_171 = tpu.memref_squeeze %dma_start3A_170 : memref<1x128xi32, #tpu.memory_space<vmem>> -> memref<128xi32, #tpu.memory_space<vmem>>
      %dma_start3A_172 = arith.constant 0 : i32
      %dma_start3A_173 = arith.constant 0 : i32
      %dma_start3A_174 = tpu.memref_slice %arg2[%dma_start3A_172, %dma_start3A_173] : memref<10240x128xf32, #tpu.memory_space<hbm>> -> memref<10240x128xf32, #tpu.memory_space<hbm>>
      tpu.enqueue_indirect_dma source(%dma_start3A_174 : memref<10240x128xf32, #tpu.memory_space<hbm>>) target(%arg11 : memref<128x128xf32, #tpu.memory_space<vmem>>) offsets(%dma_start3A_171 : memref<128xi32, #tpu.memory_space<vmem>>) semaphore(%arg18 : memref<!tpu.dma_semaphore, #tpu.memory_space<semaphore_mem>>)
      %mul3A_175 = arith.constant 4 : i32
      %mul3A_176 = arith.muli %scan3A_138, %mul3A_175 : i32
      %add3A_177 = arith.constant 1 : i32
      %add3A_178 = arith.addi %mul3A_176, %add3A_177 : i32
      %dma_wait3A_179 = arith.constant 0 : i32
      %dma_wait3A_180 = arith.constant 0 : i32
      %dma_wait3A_181 = tpu.memref_slice %arg8[%dma_wait3A_179, %dma_wait3A_180] : memref<1x128xi32, #tpu.memory_space<vmem>> -> memref<1x128xi32, #tpu.memory_space<vmem>>
      %dma_wait3A_182 = tpu.memref_squeeze %dma_wait3A_181 : memref<1x128xi32, #tpu.memory_space<vmem>> -> memref<128xi32, #tpu.memory_space<vmem>>
      %dma_wait3A_183 = arith.constant 0 : i32
      %dma_wait3A_184 = arith.constant 0 : i32
      %dma_wait3A_185 = tpu.memref_slice %arg2[%dma_wait3A_183, %dma_wait3A_184] : memref<10240x128xf32, #tpu.memory_space<hbm>> -> memref<10240x128xf32, #tpu.memory_space<hbm>>
      tpu.wait_indirect_dma semaphore(%arg19 : memref<!tpu.dma_semaphore, #tpu.memory_space<semaphore_mem>>) src(%dma_wait3A_185 : memref<10240x128xf32, #tpu.memory_space<hbm>>) dst(%arg12 : memref<128x128xf32, #tpu.memory_space<vmem>>)
      "tpu.region"() ({
        %run_scoped3A_283 = tpu.sem_alloc : memref<!tpu.dma_semaphore, #tpu.memory_space<semaphore_mem>>
        %dma_start3A_284 = arith.constant 0 : i32
        %dma_start3A_285 = tpu.memref_slice %arg6[%add3A_178, %dma_start3A_284] : memref<80x128xi32, #tpu.memory_space<vmem>> -> memref<1x128xi32, #tpu.memory_space<vmem>>
        %dma_start3A_286 = tpu.memref_squeeze %dma_start3A_285 : memref<1x128xi32, #tpu.memory_space<vmem>> -> memref<128xi32, #tpu.memory_space<vmem>>
        %dma_start3A_287 = arith.constant 0 : i32
        %dma_start3A_288 = arith.constant 0 : i32
        %dma_start3A_289 = tpu.memref_slice %arg13[%dma_start3A_287, %dma_start3A_288] : memref<10240x128xf32, #tpu.memory_space<vmem_shared>> -> memref<10240x128xf32, #tpu.memory_space<vmem_shared>>
        tpu.enqueue_indirect_dma source(%arg12 : memref<128x128xf32, #tpu.memory_space<vmem>>) target(%dma_start3A_289 : memref<10240x128xf32, #tpu.memory_space<vmem_shared>>) offsets(%dma_start3A_286 : memref<128xi32, #tpu.memory_space<vmem>>) semaphore(%run_scoped3A_283 : memref<!tpu.dma_semaphore, #tpu.memory_space<semaphore_mem>>) {add = true}
        %dma_wait3A_290 = arith.constant 0 : i32
        %dma_wait3A_291 = tpu.memref_slice %arg6[%add3A_178, %dma_wait3A_290] : memref<80x128xi32, #tpu.memory_space<vmem>> -> memref<1x128xi32, #tpu.memory_space<vmem>>
        %dma_wait3A_292 = tpu.memref_squeeze %dma_wait3A_291 : memref<1x128xi32, #tpu.memory_space<vmem>> -> memref<128xi32, #tpu.memory_space<vmem>>
        %dma_wait3A_293 = arith.constant 0 : i32
        %dma_wait3A_294 = arith.constant 0 : i32
        %dma_wait3A_295 = tpu.memref_slice %arg13[%dma_wait3A_293, %dma_wait3A_294] : memref<10240x128xf32, #tpu.memory_space<vmem_shared>> -> memref<10240x128xf32, #tpu.memory_space<vmem_shared>>
        tpu.wait_indirect_dma semaphore(%run_scoped3A_283 : memref<!tpu.dma_semaphore, #tpu.memory_space<semaphore_mem>>) src(%arg12 : memref<128x128xf32, #tpu.memory_space<vmem>>) dst(%dma_wait3A_295 : memref<10240x128xf32, #tpu.memory_space<vmem_shared>>)
        tpu.yield
      }) : () -> ()
      %add3A_186 = arith.constant 4 : i32
      %add3A_187 = arith.addi %add3A_178, %add3A_186 : i32
      %mul3A_188 = arith.constant 80 : i32
      %mul3A_189 = arith.muli %add3A, %mul3A_188 : i32
      %add3A_190 = arith.addi %mul3A_189, %add3A_187 : i32
      %dma_start3A_191 = arith.constant 0 : i32
      %dma_start3A_192 = tpu.memref_slice %arg3[%add3A_190, %dma_start3A_191] : memref<2560x128xi32, #tpu.memory_space<hbm>> -> memref<1x128xi32, #tpu.memory_space<hbm>>
      %dma_start3A_193 = arith.constant 0 : i32
      %dma_start3A_194 = tpu.memref_slice %arg3[%add3A_190, %dma_start3A_193] : memref<2560x128xi32, #tpu.memory_space<hbm>> -> memref<1x128xi32, #tpu.memory_space<hbm>>
      tpu.enqueue_dma source(%dma_start3A_194 : memref<1x128xi32, #tpu.memory_space<hbm>>) target(%arg8 : memref<1x128xi32, #tpu.memory_space<vmem>>) target_semaphore(%arg15 : memref<!tpu.dma_semaphore, #tpu.memory_space<semaphore_mem>>)
      %add3A_195 = arith.constant 2 : i32
      %add3A_196 = arith.addi %add3A_178, %add3A_195 : i32
      %mul3A_197 = arith.constant 80 : i32
      %mul3A_198 = arith.muli %add3A, %mul3A_197 : i32
      %add3A_199 = arith.addi %mul3A_198, %add3A_196 : i32
      %dma_wait3A_200 = arith.constant 0 : i32
      %dma_wait3A_201 = tpu.memref_slice %arg3[%add3A_199, %dma_wait3A_200] : memref<2560x128xi32, #tpu.memory_space<hbm>> -> memref<1x128xi32, #tpu.memory_space<hbm>>
      %dma_wait3A_202 = arith.constant 0 : i32
      %dma_wait3A_203 = tpu.memref_slice %arg3[%add3A_199, %dma_wait3A_202] : memref<2560x128xi32, #tpu.memory_space<hbm>> -> memref<1x128xi32, #tpu.memory_space<hbm>>
      tpu.wait_dma2 semaphore(%arg17 : memref<!tpu.dma_semaphore, #tpu.memory_space<semaphore_mem>>) src(%dma_wait3A_203 : memref<1x128xi32, #tpu.memory_space<hbm>>) dst(%arg10 : memref<1x128xi32, #tpu.memory_space<vmem>>)
      %dma_start3A_204 = arith.constant 0 : i32
      %dma_start3A_205 = arith.constant 0 : i32
      %dma_start3A_206 = tpu.memref_slice %arg10[%dma_start3A_204, %dma_start3A_205] : memref<1x128xi32, #tpu.memory_space<vmem>> -> memref<1x128xi32, #tpu.memory_space<vmem>>
      %dma_start3A_207 = tpu.memref_squeeze %dma_start3A_206 : memref<1x128xi32, #tpu.memory_space<vmem>> -> memref<128xi32, #tpu.memory_space<vmem>>
      %dma_start3A_208 = arith.constant 0 : i32
      %dma_start3A_209 = arith.constant 0 : i32
      %dma_start3A_210 = tpu.memref_slice %arg2[%dma_start3A_208, %dma_start3A_209] : memref<10240x128xf32, #tpu.memory_space<hbm>> -> memref<10240x128xf32, #tpu.memory_space<hbm>>
      tpu.enqueue_indirect_dma source(%dma_start3A_210 : memref<10240x128xf32, #tpu.memory_space<hbm>>) target(%arg12 : memref<128x128xf32, #tpu.memory_space<vmem>>) offsets(%dma_start3A_207 : memref<128xi32, #tpu.memory_space<vmem>>) semaphore(%arg19 : memref<!tpu.dma_semaphore, #tpu.memory_space<semaphore_mem>>)
      %mul3A_211 = arith.constant 4 : i32
      %mul3A_212 = arith.muli %scan3A_138, %mul3A_211 : i32
      %add3A_213 = arith.constant 2 : i32
      %add3A_214 = arith.addi %mul3A_212, %add3A_213 : i32
      %dma_wait3A_215 = arith.constant 0 : i32
      %dma_wait3A_216 = arith.constant 0 : i32
      %dma_wait3A_217 = tpu.memref_slice %arg9[%dma_wait3A_215, %dma_wait3A_216] : memref<1x128xi32, #tpu.memory_space<vmem>> -> memref<1x128xi32, #tpu.memory_space<vmem>>
      %dma_wait3A_218 = tpu.memref_squeeze %dma_wait3A_217 : memref<1x128xi32, #tpu.memory_space<vmem>> -> memref<128xi32, #tpu.memory_space<vmem>>
      %dma_wait3A_219 = arith.constant 0 : i32
      %dma_wait3A_220 = arith.constant 0 : i32
      %dma_wait3A_221 = tpu.memref_slice %arg2[%dma_wait3A_219, %dma_wait3A_220] : memref<10240x128xf32, #tpu.memory_space<hbm>> -> memref<10240x128xf32, #tpu.memory_space<hbm>>
      tpu.wait_indirect_dma semaphore(%arg18 : memref<!tpu.dma_semaphore, #tpu.memory_space<semaphore_mem>>) src(%dma_wait3A_221 : memref<10240x128xf32, #tpu.memory_space<hbm>>) dst(%arg11 : memref<128x128xf32, #tpu.memory_space<vmem>>)
      "tpu.region"() ({
        %run_scoped3A_283 = tpu.sem_alloc : memref<!tpu.dma_semaphore, #tpu.memory_space<semaphore_mem>>
        %dma_start3A_284 = arith.constant 0 : i32
        %dma_start3A_285 = tpu.memref_slice %arg6[%add3A_214, %dma_start3A_284] : memref<80x128xi32, #tpu.memory_space<vmem>> -> memref<1x128xi32, #tpu.memory_space<vmem>>
        %dma_start3A_286 = tpu.memref_squeeze %dma_start3A_285 : memref<1x128xi32, #tpu.memory_space<vmem>> -> memref<128xi32, #tpu.memory_space<vmem>>
        %dma_start3A_287 = arith.constant 0 : i32
        %dma_start3A_288 = arith.constant 0 : i32
        %dma_start3A_289 = tpu.memref_slice %arg13[%dma_start3A_287, %dma_start3A_288] : memref<10240x128xf32, #tpu.memory_space<vmem_shared>> -> memref<10240x128xf32, #tpu.memory_space<vmem_shared>>
        tpu.enqueue_indirect_dma source(%arg11 : memref<128x128xf32, #tpu.memory_space<vmem>>) target(%dma_start3A_289 : memref<10240x128xf32, #tpu.memory_space<vmem_shared>>) offsets(%dma_start3A_286 : memref<128xi32, #tpu.memory_space<vmem>>) semaphore(%run_scoped3A_283 : memref<!tpu.dma_semaphore, #tpu.memory_space<semaphore_mem>>) {add = true}
        %dma_wait3A_290 = arith.constant 0 : i32
        %dma_wait3A_291 = tpu.memref_slice %arg6[%add3A_214, %dma_wait3A_290] : memref<80x128xi32, #tpu.memory_space<vmem>> -> memref<1x128xi32, #tpu.memory_space<vmem>>
        %dma_wait3A_292 = tpu.memref_squeeze %dma_wait3A_291 : memref<1x128xi32, #tpu.memory_space<vmem>> -> memref<128xi32, #tpu.memory_space<vmem>>
        %dma_wait3A_293 = arith.constant 0 : i32
        %dma_wait3A_294 = arith.constant 0 : i32
        %dma_wait3A_295 = tpu.memref_slice %arg13[%dma_wait3A_293, %dma_wait3A_294] : memref<10240x128xf32, #tpu.memory_space<vmem_shared>> -> memref<10240x128xf32, #tpu.memory_space<vmem_shared>>
        tpu.wait_indirect_dma semaphore(%run_scoped3A_283 : memref<!tpu.dma_semaphore, #tpu.memory_space<semaphore_mem>>) src(%arg11 : memref<128x128xf32, #tpu.memory_space<vmem>>) dst(%dma_wait3A_295 : memref<10240x128xf32, #tpu.memory_space<vmem_shared>>)
        tpu.yield
      }) : () -> ()
      %add3A_222 = arith.constant 4 : i32
      %add3A_223 = arith.addi %add3A_214, %add3A_222 : i32
      %mul3A_224 = arith.constant 80 : i32
      %mul3A_225 = arith.muli %add3A, %mul3A_224 : i32
      %add3A_226 = arith.addi %mul3A_225, %add3A_223 : i32
      %dma_start3A_227 = arith.constant 0 : i32
      %dma_start3A_228 = tpu.memref_slice %arg3[%add3A_226, %dma_start3A_227] : memref<2560x128xi32, #tpu.memory_space<hbm>> -> memref<1x128xi32, #tpu.memory_space<hbm>>
      %dma_start3A_229 = arith.constant 0 : i32
      %dma_start3A_230 = tpu.memref_slice %arg3[%add3A_226, %dma_start3A_229] : memref<2560x128xi32, #tpu.memory_space<hbm>> -> memref<1x128xi32, #tpu.memory_space<hbm>>
      tpu.enqueue_dma source(%dma_start3A_230 : memref<1x128xi32, #tpu.memory_space<hbm>>) target(%arg9 : memref<1x128xi32, #tpu.memory_space<vmem>>) target_semaphore(%arg16 : memref<!tpu.dma_semaphore, #tpu.memory_space<semaphore_mem>>)
      %add3A_231 = arith.constant 2 : i32
      %add3A_232 = arith.addi %add3A_214, %add3A_231 : i32
      %mul3A_233 = arith.constant 80 : i32
      %mul3A_234 = arith.muli %add3A, %mul3A_233 : i32
      %add3A_235 = arith.addi %mul3A_234, %add3A_232 : i32
      %dma_wait3A_236 = arith.constant 0 : i32
      %dma_wait3A_237 = tpu.memref_slice %arg3[%add3A_235, %dma_wait3A_236] : memref<2560x128xi32, #tpu.memory_space<hbm>> -> memref<1x128xi32, #tpu.memory_space<hbm>>
      %dma_wait3A_238 = arith.constant 0 : i32
      %dma_wait3A_239 = tpu.memref_slice %arg3[%add3A_235, %dma_wait3A_238] : memref<2560x128xi32, #tpu.memory_space<hbm>> -> memref<1x128xi32, #tpu.memory_space<hbm>>
      tpu.wait_dma2 semaphore(%arg14 : memref<!tpu.dma_semaphore, #tpu.memory_space<semaphore_mem>>) src(%dma_wait3A_239 : memref<1x128xi32, #tpu.memory_space<hbm>>) dst(%arg7 : memref<1x128xi32, #tpu.memory_space<vmem>>)
      %dma_start3A_240 = arith.constant 0 : i32
      %dma_start3A_241 = arith.constant 0 : i32
      %dma_start3A_242 = tpu.memref_slice %arg7[%dma_start3A_240, %dma_start3A_241] : memref<1x128xi32, #tpu.memory_space<vmem>> -> memref<1x128xi32, #tpu.memory_space<vmem>>
      %dma_start3A_243 = tpu.memref_squeeze %dma_start3A_242 : memref<1x128xi32, #tpu.memory_space<vmem>> -> memref<128xi32, #tpu.memory_space<vmem>>
      %dma_start3A_244 = arith.constant 0 : i32
      %dma_start3A_245 = arith.constant 0 : i32
      %dma_start3A_246 = tpu.memref_slice %arg2[%dma_start3A_244, %dma_start3A_245] : memref<10240x128xf32, #tpu.memory_space<hbm>> -> memref<10240x128xf32, #tpu.memory_space<hbm>>
      tpu.enqueue_indirect_dma source(%dma_start3A_246 : memref<10240x128xf32, #tpu.memory_space<hbm>>) target(%arg11 : memref<128x128xf32, #tpu.memory_space<vmem>>) offsets(%dma_start3A_243 : memref<128xi32, #tpu.memory_space<vmem>>) semaphore(%arg18 : memref<!tpu.dma_semaphore, #tpu.memory_space<semaphore_mem>>)
      %mul3A_247 = arith.constant 4 : i32
      %mul3A_248 = arith.muli %scan3A_138, %mul3A_247 : i32
      %add3A_249 = arith.constant 3 : i32
      %add3A_250 = arith.addi %mul3A_248, %add3A_249 : i32
      %dma_wait3A_251 = arith.constant 0 : i32
      %dma_wait3A_252 = arith.constant 0 : i32
      %dma_wait3A_253 = tpu.memref_slice %arg10[%dma_wait3A_251, %dma_wait3A_252] : memref<1x128xi32, #tpu.memory_space<vmem>> -> memref<1x128xi32, #tpu.memory_space<vmem>>
      %dma_wait3A_254 = tpu.memref_squeeze %dma_wait3A_253 : memref<1x128xi32, #tpu.memory_space<vmem>> -> memref<128xi32, #tpu.memory_space<vmem>>
      %dma_wait3A_255 = arith.constant 0 : i32
      %dma_wait3A_256 = arith.constant 0 : i32
      %dma_wait3A_257 = tpu.memref_slice %arg2[%dma_wait3A_255, %dma_wait3A_256] : memref<10240x128xf32, #tpu.memory_space<hbm>> -> memref<10240x128xf32, #tpu.memory_space<hbm>>
      tpu.wait_indirect_dma semaphore(%arg19 : memref<!tpu.dma_semaphore, #tpu.memory_space<semaphore_mem>>) src(%dma_wait3A_257 : memref<10240x128xf32, #tpu.memory_space<hbm>>) dst(%arg12 : memref<128x128xf32, #tpu.memory_space<vmem>>)
      "tpu.region"() ({
        %run_scoped3A_283 = tpu.sem_alloc : memref<!tpu.dma_semaphore, #tpu.memory_space<semaphore_mem>>
        %dma_start3A_284 = arith.constant 0 : i32
        %dma_start3A_285 = tpu.memref_slice %arg6[%add3A_250, %dma_start3A_284] : memref<80x128xi32, #tpu.memory_space<vmem>> -> memref<1x128xi32, #tpu.memory_space<vmem>>
        %dma_start3A_286 = tpu.memref_squeeze %dma_start3A_285 : memref<1x128xi32, #tpu.memory_space<vmem>> -> memref<128xi32, #tpu.memory_space<vmem>>
        %dma_start3A_287 = arith.constant 0 : i32
        %dma_start3A_288 = arith.constant 0 : i32
        %dma_start3A_289 = tpu.memref_slice %arg13[%dma_start3A_287, %dma_start3A_288] : memref<10240x128xf32, #tpu.memory_space<vmem_shared>> -> memref<10240x128xf32, #tpu.memory_space<vmem_shared>>
        tpu.enqueue_indirect_dma source(%arg12 : memref<128x128xf32, #tpu.memory_space<vmem>>) target(%dma_start3A_289 : memref<10240x128xf32, #tpu.memory_space<vmem_shared>>) offsets(%dma_start3A_286 : memref<128xi32, #tpu.memory_space<vmem>>) semaphore(%run_scoped3A_283 : memref<!tpu.dma_semaphore, #tpu.memory_space<semaphore_mem>>) {add = true}
        %dma_wait3A_290 = arith.constant 0 : i32
        %dma_wait3A_291 = tpu.memref_slice %arg6[%add3A_250, %dma_wait3A_290] : memref<80x128xi32, #tpu.memory_space<vmem>> -> memref<1x128xi32, #tpu.memory_space<vmem>>
        %dma_wait3A_292 = tpu.memref_squeeze %dma_wait3A_291 : memref<1x128xi32, #tpu.memory_space<vmem>> -> memref<128xi32, #tpu.memory_space<vmem>>
        %dma_wait3A_293 = arith.constant 0 : i32
        %dma_wait3A_294 = arith.constant 0 : i32
        %dma_wait3A_295 = tpu.memref_slice %arg13[%dma_wait3A_293, %dma_wait3A_294] : memref<10240x128xf32, #tpu.memory_space<vmem_shared>> -> memref<10240x128xf32, #tpu.memory_space<vmem_shared>>
        tpu.wait_indirect_dma semaphore(%run_scoped3A_283 : memref<!tpu.dma_semaphore, #tpu.memory_space<semaphore_mem>>) src(%arg12 : memref<128x128xf32, #tpu.memory_space<vmem>>) dst(%dma_wait3A_295 : memref<10240x128xf32, #tpu.memory_space<vmem_shared>>)
        tpu.yield
      }) : () -> ()
      %add3A_258 = arith.constant 4 : i32
      %add3A_259 = arith.addi %add3A_250, %add3A_258 : i32
      %mul3A_260 = arith.constant 80 : i32
      %mul3A_261 = arith.muli %add3A, %mul3A_260 : i32
      %add3A_262 = arith.addi %mul3A_261, %add3A_259 : i32
      %dma_start3A_263 = arith.constant 0 : i32
      %dma_start3A_264 = tpu.memref_slice %arg3[%add3A_262, %dma_start3A_263] : memref<2560x128xi32, #tpu.memory_space<hbm>> -> memref<1x128xi32, #tpu.memory_space<hbm>>
      %dma_start3A_265 = arith.constant 0 : i32
      %dma_start3A_266 = tpu.memref_slice %arg3[%add3A_262, %dma_start3A_265] : memref<2560x128xi32, #tpu.memory_space<hbm>> -> memref<1x128xi32, #tpu.memory_space<hbm>>
      tpu.enqueue_dma source(%dma_start3A_266 : memref<1x128xi32, #tpu.memory_space<hbm>>) target(%arg10 : memref<1x128xi32, #tpu.memory_space<vmem>>) target_semaphore(%arg17 : memref<!tpu.dma_semaphore, #tpu.memory_space<semaphore_mem>>)
      %add3A_267 = arith.constant 2 : i32
      %add3A_268 = arith.addi %add3A_250, %add3A_267 : i32
      %mul3A_269 = arith.constant 80 : i32
      %mul3A_270 = arith.muli %add3A, %mul3A_269 : i32
      %add3A_271 = arith.addi %mul3A_270, %add3A_268 : i32
      %dma_wait3A_272 = arith.constant 0 : i32
      %dma_wait3A_273 = tpu.memref_slice %arg3[%add3A_271, %dma_wait3A_272] : memref<2560x128xi32, #tpu.memory_space<hbm>> -> memref<1x128xi32, #tpu.memory_space<hbm>>
      %dma_wait3A_274 = arith.constant 0 : i32
      %dma_wait3A_275 = tpu.memref_slice %arg3[%add3A_271, %dma_wait3A_274] : memref<2560x128xi32, #tpu.memory_space<hbm>> -> memref<1x128xi32, #tpu.memory_space<hbm>>
      tpu.wait_dma2 semaphore(%arg15 : memref<!tpu.dma_semaphore, #tpu.memory_space<semaphore_mem>>) src(%dma_wait3A_275 : memref<1x128xi32, #tpu.memory_space<hbm>>) dst(%arg8 : memref<1x128xi32, #tpu.memory_space<vmem>>)
      %dma_start3A_276 = arith.constant 0 : i32
      %dma_start3A_277 = arith.constant 0 : i32
      %dma_start3A_278 = tpu.memref_slice %arg8[%dma_start3A_276, %dma_start3A_277] : memref<1x128xi32, #tpu.memory_space<vmem>> -> memref<1x128xi32, #tpu.memory_space<vmem>>
      %dma_start3A_279 = tpu.memref_squeeze %dma_start3A_278 : memref<1x128xi32, #tpu.memory_space<vmem>> -> memref<128xi32, #tpu.memory_space<vmem>>
      %dma_start3A_280 = arith.constant 0 : i32
      %dma_start3A_281 = arith.constant 0 : i32
      %dma_start3A_282 = tpu.memref_slice %arg2[%dma_start3A_280, %dma_start3A_281] : memref<10240x128xf32, #tpu.memory_space<hbm>> -> memref<10240x128xf32, #tpu.memory_space<hbm>>
      tpu.enqueue_indirect_dma source(%dma_start3A_282 : memref<10240x128xf32, #tpu.memory_space<hbm>>) target(%arg12 : memref<128x128xf32, #tpu.memory_space<vmem>>) offsets(%dma_start3A_279 : memref<128xi32, #tpu.memory_space<vmem>>) semaphore(%arg19 : memref<!tpu.dma_semaphore, #tpu.memory_space<semaphore_mem>>)
    }
    %scan3A_71 = arith.constant 19 : i32
    %dma_wait3A_72 = arith.constant 0 : i32
    %dma_wait3A_73 = arith.constant 0 : i32
    %dma_wait3A_74 = tpu.memref_slice %arg7[%dma_wait3A_72, %dma_wait3A_73] : memref<1x128xi32, #tpu.memory_space<vmem>> -> memref<1x128xi32, #tpu.memory_space<vmem>>
    %dma_wait3A_75 = tpu.memref_squeeze %dma_wait3A_74 : memref<1x128xi32, #tpu.memory_space<vmem>> -> memref<128xi32, #tpu.memory_space<vmem>>
    %dma_wait3A_76 = arith.constant 0 : i32
    %dma_wait3A_77 = arith.constant 0 : i32
    %dma_wait3A_78 = tpu.memref_slice %arg2[%dma_wait3A_76, %dma_wait3A_77] : memref<10240x128xf32, #tpu.memory_space<hbm>> -> memref<10240x128xf32, #tpu.memory_space<hbm>>
    tpu.wait_indirect_dma semaphore(%arg18 : memref<!tpu.dma_semaphore, #tpu.memory_space<semaphore_mem>>) src(%dma_wait3A_78 : memref<10240x128xf32, #tpu.memory_space<hbm>>) dst(%arg11 : memref<128x128xf32, #tpu.memory_space<vmem>>)
    %run_scoped3A = arith.constant 76 : i32
    "tpu.region"() ({
      %run_scoped3A_138 = tpu.sem_alloc : memref<!tpu.dma_semaphore, #tpu.memory_space<semaphore_mem>>
      %dma_start3A_139 = arith.constant 0 : i32
      %dma_start3A_140 = tpu.memref_slice %arg6[%run_scoped3A, %dma_start3A_139] : memref<80x128xi32, #tpu.memory_space<vmem>> -> memref<1x128xi32, #tpu.memory_space<vmem>>
      %dma_start3A_141 = tpu.memref_squeeze %dma_start3A_140 : memref<1x128xi32, #tpu.memory_space<vmem>> -> memref<128xi32, #tpu.memory_space<vmem>>
      %dma_start3A_142 = arith.constant 0 : i32
      %dma_start3A_143 = arith.constant 0 : i32
      %dma_start3A_144 = tpu.memref_slice %arg13[%dma_start3A_142, %dma_start3A_143] : memref<10240x128xf32, #tpu.memory_space<vmem_shared>> -> memref<10240x128xf32, #tpu.memory_space<vmem_shared>>
      tpu.enqueue_indirect_dma source(%arg11 : memref<128x128xf32, #tpu.memory_space<vmem>>) target(%dma_start3A_144 : memref<10240x128xf32, #tpu.memory_space<vmem_shared>>) offsets(%dma_start3A_141 : memref<128xi32, #tpu.memory_space<vmem>>) semaphore(%run_scoped3A_138 : memref<!tpu.dma_semaphore, #tpu.memory_space<semaphore_mem>>) {add = true}
      %dma_wait3A_145 = arith.constant 0 : i32
      %dma_wait3A_146 = tpu.memref_slice %arg6[%run_scoped3A, %dma_wait3A_145] : memref<80x128xi32, #tpu.memory_space<vmem>> -> memref<1x128xi32, #tpu.memory_space<vmem>>
      %dma_wait3A_147 = tpu.memref_squeeze %dma_wait3A_146 : memref<1x128xi32, #tpu.memory_space<vmem>> -> memref<128xi32, #tpu.memory_space<vmem>>
      %dma_wait3A_148 = arith.constant 0 : i32
      %dma_wait3A_149 = arith.constant 0 : i32
      %dma_wait3A_150 = tpu.memref_slice %arg13[%dma_wait3A_148, %dma_wait3A_149] : memref<10240x128xf32, #tpu.memory_space<vmem_shared>> -> memref<10240x128xf32, #tpu.memory_space<vmem_shared>>
      tpu.wait_indirect_dma semaphore(%run_scoped3A_138 : memref<!tpu.dma_semaphore, #tpu.memory_space<semaphore_mem>>) src(%arg11 : memref<128x128xf32, #tpu.memory_space<vmem>>) dst(%dma_wait3A_150 : memref<10240x128xf32, #tpu.memory_space<vmem_shared>>)
      tpu.yield
    }) : () -> ()
    %mul3A_79 = arith.constant 80 : i32
    %mul3A_80 = arith.muli %add3A, %mul3A_79 : i32
    %add3A_81 = arith.constant 78 : i32
    %add3A_82 = arith.addi %mul3A_80, %add3A_81 : i32
    %dma_wait3A_83 = arith.constant 0 : i32
    %dma_wait3A_84 = tpu.memref_slice %arg3[%add3A_82, %dma_wait3A_83] : memref<2560x128xi32, #tpu.memory_space<hbm>> -> memref<1x128xi32, #tpu.memory_space<hbm>>
    %dma_wait3A_85 = arith.constant 0 : i32
    %dma_wait3A_86 = tpu.memref_slice %arg3[%add3A_82, %dma_wait3A_85] : memref<2560x128xi32, #tpu.memory_space<hbm>> -> memref<1x128xi32, #tpu.memory_space<hbm>>
    tpu.wait_dma2 semaphore(%arg16 : memref<!tpu.dma_semaphore, #tpu.memory_space<semaphore_mem>>) src(%dma_wait3A_86 : memref<1x128xi32, #tpu.memory_space<hbm>>) dst(%arg9 : memref<1x128xi32, #tpu.memory_space<vmem>>)
    %dma_start3A_87 = arith.constant 0 : i32
    %dma_start3A_88 = arith.constant 0 : i32
    %dma_start3A_89 = tpu.memref_slice %arg9[%dma_start3A_87, %dma_start3A_88] : memref<1x128xi32, #tpu.memory_space<vmem>> -> memref<1x128xi32, #tpu.memory_space<vmem>>
    %dma_start3A_90 = tpu.memref_squeeze %dma_start3A_89 : memref<1x128xi32, #tpu.memory_space<vmem>> -> memref<128xi32, #tpu.memory_space<vmem>>
    %dma_start3A_91 = arith.constant 0 : i32
    %dma_start3A_92 = arith.constant 0 : i32
    %dma_start3A_93 = tpu.memref_slice %arg2[%dma_start3A_91, %dma_start3A_92] : memref<10240x128xf32, #tpu.memory_space<hbm>> -> memref<10240x128xf32, #tpu.memory_space<hbm>>
    tpu.enqueue_indirect_dma source(%dma_start3A_93 : memref<10240x128xf32, #tpu.memory_space<hbm>>) target(%arg11 : memref<128x128xf32, #tpu.memory_space<vmem>>) offsets(%dma_start3A_90 : memref<128xi32, #tpu.memory_space<vmem>>) semaphore(%arg18 : memref<!tpu.dma_semaphore, #tpu.memory_space<semaphore_mem>>)
    %dma_wait3A_94 = arith.constant 0 : i32
    %dma_wait3A_95 = arith.constant 0 : i32
    %dma_wait3A_96 = tpu.memref_slice %arg8[%dma_wait3A_94, %dma_wait3A_95] : memref<1x128xi32, #tpu.memory_space<vmem>> -> memref<1x128xi32, #tpu.memory_space<vmem>>
    %dma_wait3A_97 = tpu.memref_squeeze %dma_wait3A_96 : memref<1x128xi32, #tpu.memory_space<vmem>> -> memref<128xi32, #tpu.memory_space<vmem>>
    %dma_wait3A_98 = arith.constant 0 : i32
    %dma_wait3A_99 = arith.constant 0 : i32
    %dma_wait3A_100 = tpu.memref_slice %arg2[%dma_wait3A_98, %dma_wait3A_99] : memref<10240x128xf32, #tpu.memory_space<hbm>> -> memref<10240x128xf32, #tpu.memory_space<hbm>>
    tpu.wait_indirect_dma semaphore(%arg19 : memref<!tpu.dma_semaphore, #tpu.memory_space<semaphore_mem>>) src(%dma_wait3A_100 : memref<10240x128xf32, #tpu.memory_space<hbm>>) dst(%arg12 : memref<128x128xf32, #tpu.memory_space<vmem>>)
    %run_scoped3A_101 = arith.constant 77 : i32
    "tpu.region"() ({
      %run_scoped3A_138 = tpu.sem_alloc : memref<!tpu.dma_semaphore, #tpu.memory_space<semaphore_mem>>
      %dma_start3A_139 = arith.constant 0 : i32
      %dma_start3A_140 = tpu.memref_slice %arg6[%run_scoped3A_101, %dma_start3A_139] : memref<80x128xi32, #tpu.memory_space<vmem>> -> memref<1x128xi32, #tpu.memory_space<vmem>>
      %dma_start3A_141 = tpu.memref_squeeze %dma_start3A_140 : memref<1x128xi32, #tpu.memory_space<vmem>> -> memref<128xi32, #tpu.memory_space<vmem>>
      %dma_start3A_142 = arith.constant 0 : i32
      %dma_start3A_143 = arith.constant 0 : i32
      %dma_start3A_144 = tpu.memref_slice %arg13[%dma_start3A_142, %dma_start3A_143] : memref<10240x128xf32, #tpu.memory_space<vmem_shared>> -> memref<10240x128xf32, #tpu.memory_space<vmem_shared>>
      tpu.enqueue_indirect_dma source(%arg12 : memref<128x128xf32, #tpu.memory_space<vmem>>) target(%dma_start3A_144 : memref<10240x128xf32, #tpu.memory_space<vmem_shared>>) offsets(%dma_start3A_141 : memref<128xi32, #tpu.memory_space<vmem>>) semaphore(%run_scoped3A_138 : memref<!tpu.dma_semaphore, #tpu.memory_space<semaphore_mem>>) {add = true}
      %dma_wait3A_145 = arith.constant 0 : i32
      %dma_wait3A_146 = tpu.memref_slice %arg6[%run_scoped3A_101, %dma_wait3A_145] : memref<80x128xi32, #tpu.memory_space<vmem>> -> memref<1x128xi32, #tpu.memory_space<vmem>>
      %dma_wait3A_147 = tpu.memref_squeeze %dma_wait3A_146 : memref<1x128xi32, #tpu.memory_space<vmem>> -> memref<128xi32, #tpu.memory_space<vmem>>
      %dma_wait3A_148 = arith.constant 0 : i32
      %dma_wait3A_149 = arith.constant 0 : i32
      %dma_wait3A_150 = tpu.memref_slice %arg13[%dma_wait3A_148, %dma_wait3A_149] : memref<10240x128xf32, #tpu.memory_space<vmem_shared>> -> memref<10240x128xf32, #tpu.memory_space<vmem_shared>>
      tpu.wait_indirect_dma semaphore(%run_scoped3A_138 : memref<!tpu.dma_semaphore, #tpu.memory_space<semaphore_mem>>) src(%arg12 : memref<128x128xf32, #tpu.memory_space<vmem>>) dst(%dma_wait3A_150 : memref<10240x128xf32, #tpu.memory_space<vmem_shared>>)
      tpu.yield
    }) : () -> ()
    %mul3A_102 = arith.constant 80 : i32
    %mul3A_103 = arith.muli %add3A, %mul3A_102 : i32
    %add3A_104 = arith.constant 79 : i32
    %add3A_105 = arith.addi %mul3A_103, %add3A_104 : i32
    %dma_wait3A_106 = arith.constant 0 : i32
    %dma_wait3A_107 = tpu.memref_slice %arg3[%add3A_105, %dma_wait3A_106] : memref<2560x128xi32, #tpu.memory_space<hbm>> -> memref<1x128xi32, #tpu.memory_space<hbm>>
    %dma_wait3A_108 = arith.constant 0 : i32
    %dma_wait3A_109 = tpu.memref_slice %arg3[%add3A_105, %dma_wait3A_108] : memref<2560x128xi32, #tpu.memory_space<hbm>> -> memref<1x128xi32, #tpu.memory_space<hbm>>
    tpu.wait_dma2 semaphore(%arg17 : memref<!tpu.dma_semaphore, #tpu.memory_space<semaphore_mem>>) src(%dma_wait3A_109 : memref<1x128xi32, #tpu.memory_space<hbm>>) dst(%arg10 : memref<1x128xi32, #tpu.memory_space<vmem>>)
    %dma_start3A_110 = arith.constant 0 : i32
    %dma_start3A_111 = arith.constant 0 : i32
    %dma_start3A_112 = tpu.memref_slice %arg10[%dma_start3A_110, %dma_start3A_111] : memref<1x128xi32, #tpu.memory_space<vmem>> -> memref<1x128xi32, #tpu.memory_space<vmem>>
    %dma_start3A_113 = tpu.memref_squeeze %dma_start3A_112 : memref<1x128xi32, #tpu.memory_space<vmem>> -> memref<128xi32, #tpu.memory_space<vmem>>
    %dma_start3A_114 = arith.constant 0 : i32
    %dma_start3A_115 = arith.constant 0 : i32
    %dma_start3A_116 = tpu.memref_slice %arg2[%dma_start3A_114, %dma_start3A_115] : memref<10240x128xf32, #tpu.memory_space<hbm>> -> memref<10240x128xf32, #tpu.memory_space<hbm>>
    tpu.enqueue_indirect_dma source(%dma_start3A_116 : memref<10240x128xf32, #tpu.memory_space<hbm>>) target(%arg12 : memref<128x128xf32, #tpu.memory_space<vmem>>) offsets(%dma_start3A_113 : memref<128xi32, #tpu.memory_space<vmem>>) semaphore(%arg19 : memref<!tpu.dma_semaphore, #tpu.memory_space<semaphore_mem>>)
    %dma_wait3A_117 = arith.constant 0 : i32
    %dma_wait3A_118 = arith.constant 0 : i32
    %dma_wait3A_119 = tpu.memref_slice %arg9[%dma_wait3A_117, %dma_wait3A_118] : memref<1x128xi32, #tpu.memory_space<vmem>> -> memref<1x128xi32, #tpu.memory_space<vmem>>
    %dma_wait3A_120 = tpu.memref_squeeze %dma_wait3A_119 : memref<1x128xi32, #tpu.memory_space<vmem>> -> memref<128xi32, #tpu.memory_space<vmem>>
    %dma_wait3A_121 = arith.constant 0 : i32
    %dma_wait3A_122 = arith.constant 0 : i32
    %dma_wait3A_123 = tpu.memref_slice %arg2[%dma_wait3A_121, %dma_wait3A_122] : memref<10240x128xf32, #tpu.memory_space<hbm>> -> memref<10240x128xf32, #tpu.memory_space<hbm>>
    tpu.wait_indirect_dma semaphore(%arg18 : memref<!tpu.dma_semaphore, #tpu.memory_space<semaphore_mem>>) src(%dma_wait3A_123 : memref<10240x128xf32, #tpu.memory_space<hbm>>) dst(%arg11 : memref<128x128xf32, #tpu.memory_space<vmem>>)
    %run_scoped3A_124 = arith.constant 78 : i32
    "tpu.region"() ({
      %run_scoped3A_138 = tpu.sem_alloc : memref<!tpu.dma_semaphore, #tpu.memory_space<semaphore_mem>>
      %dma_start3A_139 = arith.constant 0 : i32
      %dma_start3A_140 = tpu.memref_slice %arg6[%run_scoped3A_124, %dma_start3A_139] : memref<80x128xi32, #tpu.memory_space<vmem>> -> memref<1x128xi32, #tpu.memory_space<vmem>>
      %dma_start3A_141 = tpu.memref_squeeze %dma_start3A_140 : memref<1x128xi32, #tpu.memory_space<vmem>> -> memref<128xi32, #tpu.memory_space<vmem>>
      %dma_start3A_142 = arith.constant 0 : i32
      %dma_start3A_143 = arith.constant 0 : i32
      %dma_start3A_144 = tpu.memref_slice %arg13[%dma_start3A_142, %dma_start3A_143] : memref<10240x128xf32, #tpu.memory_space<vmem_shared>> -> memref<10240x128xf32, #tpu.memory_space<vmem_shared>>
      tpu.enqueue_indirect_dma source(%arg11 : memref<128x128xf32, #tpu.memory_space<vmem>>) target(%dma_start3A_144 : memref<10240x128xf32, #tpu.memory_space<vmem_shared>>) offsets(%dma_start3A_141 : memref<128xi32, #tpu.memory_space<vmem>>) semaphore(%run_scoped3A_138 : memref<!tpu.dma_semaphore, #tpu.memory_space<semaphore_mem>>) {add = true}
      %dma_wait3A_145 = arith.constant 0 : i32
      %dma_wait3A_146 = tpu.memref_slice %arg6[%run_scoped3A_124, %dma_wait3A_145] : memref<80x128xi32, #tpu.memory_space<vmem>> -> memref<1x128xi32, #tpu.memory_space<vmem>>
      %dma_wait3A_147 = tpu.memref_squeeze %dma_wait3A_146 : memref<1x128xi32, #tpu.memory_space<vmem>> -> memref<128xi32, #tpu.memory_space<vmem>>
      %dma_wait3A_148 = arith.constant 0 : i32
      %dma_wait3A_149 = arith.constant 0 : i32
      %dma_wait3A_150 = tpu.memref_slice %arg13[%dma_wait3A_148, %dma_wait3A_149] : memref<10240x128xf32, #tpu.memory_space<vmem_shared>> -> memref<10240x128xf32, #tpu.memory_space<vmem_shared>>
      tpu.wait_indirect_dma semaphore(%run_scoped3A_138 : memref<!tpu.dma_semaphore, #tpu.memory_space<semaphore_mem>>) src(%arg11 : memref<128x128xf32, #tpu.memory_space<vmem>>) dst(%dma_wait3A_150 : memref<10240x128xf32, #tpu.memory_space<vmem_shared>>)
      tpu.yield
    }) : () -> ()
    %dma_wait3A_125 = arith.constant 0 : i32
    %dma_wait3A_126 = arith.constant 0 : i32
    %dma_wait3A_127 = tpu.memref_slice %arg10[%dma_wait3A_125, %dma_wait3A_126] : memref<1x128xi32, #tpu.memory_space<vmem>> -> memref<1x128xi32, #tpu.memory_space<vmem>>
    %dma_wait3A_128 = tpu.memref_squeeze %dma_wait3A_127 : memref<1x128xi32, #tpu.memory_space<vmem>> -> memref<128xi32, #tpu.memory_space<vmem>>
    %dma_wait3A_129 = arith.constant 0 : i32
    %dma_wait3A_130 = arith.constant 0 : i32
    %dma_wait3A_131 = tpu.memref_slice %arg2[%dma_wait3A_129, %dma_wait3A_130] : memref<10240x128xf32, #tpu.memory_space<hbm>> -> memref<10240x128xf32, #tpu.memory_space<hbm>>
    tpu.wait_indirect_dma semaphore(%arg19 : memref<!tpu.dma_semaphore, #tpu.memory_space<semaphore_mem>>) src(%dma_wait3A_131 : memref<10240x128xf32, #tpu.memory_space<hbm>>) dst(%arg12 : memref<128x128xf32, #tpu.memory_space<vmem>>)
    %run_scoped3A_132 = arith.constant 79 : i32
    "tpu.region"() ({
      %run_scoped3A_138 = tpu.sem_alloc : memref<!tpu.dma_semaphore, #tpu.memory_space<semaphore_mem>>
      %dma_start3A_139 = arith.constant 0 : i32
      %dma_start3A_140 = tpu.memref_slice %arg6[%run_scoped3A_132, %dma_start3A_139] : memref<80x128xi32, #tpu.memory_space<vmem>> -> memref<1x128xi32, #tpu.memory_space<vmem>>
      %dma_start3A_141 = tpu.memref_squeeze %dma_start3A_140 : memref<1x128xi32, #tpu.memory_space<vmem>> -> memref<128xi32, #tpu.memory_space<vmem>>
      %dma_start3A_142 = arith.constant 0 : i32
      %dma_start3A_143 = arith.constant 0 : i32
      %dma_start3A_144 = tpu.memref_slice %arg13[%dma_start3A_142, %dma_start3A_143] : memref<10240x128xf32, #tpu.memory_space<vmem_shared>> -> memref<10240x128xf32, #tpu.memory_space<vmem_shared>>
      tpu.enqueue_indirect_dma source(%arg12 : memref<128x128xf32, #tpu.memory_space<vmem>>) target(%dma_start3A_144 : memref<10240x128xf32, #tpu.memory_space<vmem_shared>>) offsets(%dma_start3A_141 : memref<128xi32, #tpu.memory_space<vmem>>) semaphore(%run_scoped3A_138 : memref<!tpu.dma_semaphore, #tpu.memory_space<semaphore_mem>>) {add = true}
      %dma_wait3A_145 = arith.constant 0 : i32
      %dma_wait3A_146 = tpu.memref_slice %arg6[%run_scoped3A_132, %dma_wait3A_145] : memref<80x128xi32, #tpu.memory_space<vmem>> -> memref<1x128xi32, #tpu.memory_space<vmem>>
      %dma_wait3A_147 = tpu.memref_squeeze %dma_wait3A_146 : memref<1x128xi32, #tpu.memory_space<vmem>> -> memref<128xi32, #tpu.memory_space<vmem>>
      %dma_wait3A_148 = arith.constant 0 : i32
      %dma_wait3A_149 = arith.constant 0 : i32
      %dma_wait3A_150 = tpu.memref_slice %arg13[%dma_wait3A_148, %dma_wait3A_149] : memref<10240x128xf32, #tpu.memory_space<vmem_shared>> -> memref<10240x128xf32, #tpu.memory_space<vmem_shared>>
      tpu.wait_indirect_dma semaphore(%run_scoped3A_138 : memref<!tpu.dma_semaphore, #tpu.memory_space<semaphore_mem>>) src(%arg12 : memref<128x128xf32, #tpu.memory_space<vmem>>) dst(%dma_wait3A_150 : memref<10240x128xf32, #tpu.memory_space<vmem_shared>>)
      tpu.yield
    }) : () -> ()
    %barrier3A_133 = arith.constant 0 : index
    tpu.barrier barrier_id(%barrier3A_133)
    %mul3A_134 = arith.constant 640 : i32
    %mul3A_135 = arith.muli %arg1, %mul3A_134 : i32
    %mul3A_136 = arith.constant 640 : i32
    %mul3A_137 = arith.muli %arg1, %mul3A_136 : i32
    "tpu.region"() ({
      %run_scoped3A_138 = tpu.sem_alloc : memref<!tpu.dma_semaphore, #tpu.memory_space<semaphore_mem>>
      %dma_start3A_139 = arith.constant 0 : i32
      %dma_start3A_140 = tpu.memref_slice %arg5[%arg0, %mul3A_137, %dma_start3A_139] : memref<2x10240x128xf32, #tpu.memory_space<hbm>> -> memref<1x640x128xf32, #tpu.memory_space<hbm>>
      %dma_start3A_141 = tpu.memref_squeeze %dma_start3A_140 : memref<1x640x128xf32, #tpu.memory_space<hbm>> -> memref<640x128xf32, #tpu.memory_space<hbm>>
      %dma_start3A_142 = arith.constant 0 : i32
      %dma_start3A_143 = tpu.memref_slice %arg13[%mul3A_135, %dma_start3A_142] : memref<10240x128xf32, #tpu.memory_space<vmem_shared>> -> memref<640x128xf32, #tpu.memory_space<vmem_shared>>
      tpu.enqueue_dma source(%dma_start3A_143 : memref<640x128xf32, #tpu.memory_space<vmem_shared>>) target(%dma_start3A_141 : memref<640x128xf32, #tpu.memory_space<hbm>>) target_semaphore(%run_scoped3A_138 : memref<!tpu.dma_semaphore, #tpu.memory_space<semaphore_mem>>)
      %dma_wait3A_144 = arith.constant 0 : i32
      %dma_wait3A_145 = tpu.memref_slice %arg5[%arg0, %mul3A_137, %dma_wait3A_144] : memref<2x10240x128xf32, #tpu.memory_space<hbm>> -> memref<1x640x128xf32, #tpu.memory_space<hbm>>
      %dma_wait3A_146 = tpu.memref_squeeze %dma_wait3A_145 : memref<1x640x128xf32, #tpu.memory_space<hbm>> -> memref<640x128xf32, #tpu.memory_space<hbm>>
      %dma_wait3A_147 = arith.constant 0 : i32
      %dma_wait3A_148 = tpu.memref_slice %arg13[%mul3A_135, %dma_wait3A_147] : memref<10240x128xf32, #tpu.memory_space<vmem_shared>> -> memref<640x128xf32, #tpu.memory_space<vmem_shared>>
      tpu.wait_dma2 semaphore(%run_scoped3A_138 : memref<!tpu.dma_semaphore, #tpu.memory_space<semaphore_mem>>) src(%dma_wait3A_148 : memref<640x128xf32, #tpu.memory_space<vmem_shared>>) dst(%dma_wait3A_146 : memref<640x128xf32, #tpu.memory_space<hbm>>)
      tpu.yield
    }) : () -> ()
    return
  }
}

#map = affine_map<(d0, d1) -> (0, 0)>
#map1 = affine_map<(d0, d1) -> (0)>
module attributes {stable_mosaic.version = 14 : i64} {
  func.func @_deg_sc(%arg0: i32, %arg1: i32, %arg2: memref<2560x128xi32, #tpu.memory_space<hbm>>, %arg3: memref<20480xf32, #tpu.memory_space<hbm>>, %arg4: memref<80x128xi32, #tpu.memory_space<vmem>>, %arg5: memref<128xf32, #tpu.memory_space<vmem>>, %arg6: memref<640xf32, #tpu.memory_space<vmem>>, %arg7: memref<10240xf32, #tpu.memory_space<vmem_shared>>) attributes {dimension_semantics = [#tpu.dimension_semantics<core_parallel>, #tpu.dimension_semantics<subcore_parallel>], iteration_bounds = array<i64: 2, 16>, scalar_prefetch = 0 : i64, scratch_operands = 4 : i64, tpu.core_type = #tpu.core_type<sc_vector_subcore>, window_params = [{transform_indices = #map}, {transform_indices = #map1}]} {
    %mul3A = arith.constant 16 : i32
    %mul3A_0 = arith.muli %arg0, %mul3A : i32
    %add3A = arith.addi %mul3A_0, %arg1 : i32
    %broadcast_in_dim3A = arith.constant 1.000000e+00 : f32
    %broadcast_in_dim3A_1 = vector.broadcast %broadcast_in_dim3A : f32 to vector<16xf32>
    %swap3A = arith.constant 0 : index
    %swap3A_2 = tpu.vector_load %arg5[%swap3A] {strides = array<i32>} : memref<128xf32, #tpu.memory_space<vmem>>, vector<16xf32>,
    %swap3A_3 = vector.shape_cast %swap3A_2 : vector<16xf32> to vector<16xf32>
    %swap3A_4 = vector.shape_cast %broadcast_in_dim3A_1 : vector<16xf32> to vector<16xf32>
    tpu.vector_store %arg5[%swap3A], %swap3A_4 {strides = array<i32>} : memref<128xf32, #tpu.memory_space<vmem>>, vector<16xf32>,
    %broadcast_in_dim3A_5 = arith.constant 1.000000e+00 : f32
    %broadcast_in_dim3A_6 = vector.broadcast %broadcast_in_dim3A_5 : f32 to vector<16xf32>
    %swap3A_7 = arith.constant 16 : index
    %swap3A_8 = tpu.vector_load %arg5[%swap3A_7] {strides = array<i32>} : memref<128xf32, #tpu.memory_space<vmem>>, vector<16xf32>,
    %swap3A_9 = vector.shape_cast %swap3A_8 : vector<16xf32> to vector<16xf32>
    %swap3A_10 = vector.shape_cast %broadcast_in_dim3A_6 : vector<16xf32> to vector<16xf32>
    tpu.vector_store %arg5[%swap3A_7], %swap3A_10 {strides = array<i32>} : memref<128xf32, #tpu.memory_space<vmem>>, vector<16xf32>,
    %broadcast_in_dim3A_11 = arith.constant 1.000000e+00 : f32
    %broadcast_in_dim3A_12 = vector.broadcast %broadcast_in_dim3A_11 : f32 to vector<16xf32>
    %swap3A_13 = arith.constant 32 : index
    %swap3A_14 = tpu.vector_load %arg5[%swap3A_13] {strides = array<i32>} : memref<128xf32, #tpu.memory_space<vmem>>, vector<16xf32>,
    %swap3A_15 = vector.shape_cast %swap3A_14 : vector<16xf32> to vector<16xf32>
    %swap3A_16 = vector.shape_cast %broadcast_in_dim3A_12 : vector<16xf32> to vector<16xf32>
    tpu.vector_store %arg5[%swap3A_13], %swap3A_16 {strides = array<i32>} : memref<128xf32, #tpu.memory_space<vmem>>, vector<16xf32>,
    %broadcast_in_dim3A_17 = arith.constant 1.000000e+00 : f32
    %broadcast_in_dim3A_18 = vector.broadcast %broadcast_in_dim3A_17 : f32 to vector<16xf32>
    %swap3A_19 = arith.constant 48 : index
    %swap3A_20 = tpu.vector_load %arg5[%swap3A_19] {strides = array<i32>} : memref<128xf32, #tpu.memory_space<vmem>>, vector<16xf32>,
    %swap3A_21 = vector.shape_cast %swap3A_20 : vector<16xf32> to vector<16xf32>
    %swap3A_22 = vector.shape_cast %broadcast_in_dim3A_18 : vector<16xf32> to vector<16xf32>
    tpu.vector_store %arg5[%swap3A_19], %swap3A_22 {strides = array<i32>} : memref<128xf32, #tpu.memory_space<vmem>>, vector<16xf32>,
    %broadcast_in_dim3A_23 = arith.constant 1.000000e+00 : f32
    %broadcast_in_dim3A_24 = vector.broadcast %broadcast_in_dim3A_23 : f32 to vector<16xf32>
    %swap3A_25 = arith.constant 64 : index
    %swap3A_26 = tpu.vector_load %arg5[%swap3A_25] {strides = array<i32>} : memref<128xf32, #tpu.memory_space<vmem>>, vector<16xf32>,
    %swap3A_27 = vector.shape_cast %swap3A_26 : vector<16xf32> to vector<16xf32>
    %swap3A_28 = vector.shape_cast %broadcast_in_dim3A_24 : vector<16xf32> to vector<16xf32>
    tpu.vector_store %arg5[%swap3A_25], %swap3A_28 {strides = array<i32>} : memref<128xf32, #tpu.memory_space<vmem>>, vector<16xf32>,
    %broadcast_in_dim3A_29 = arith.constant 1.000000e+00 : f32
    %broadcast_in_dim3A_30 = vector.broadcast %broadcast_in_dim3A_29 : f32 to vector<16xf32>
    %swap3A_31 = arith.constant 80 : index
    %swap3A_32 = tpu.vector_load %arg5[%swap3A_31] {strides = array<i32>} : memref<128xf32, #tpu.memory_space<vmem>>, vector<16xf32>,
    %swap3A_33 = vector.shape_cast %swap3A_32 : vector<16xf32> to vector<16xf32>
    %swap3A_34 = vector.shape_cast %broadcast_in_dim3A_30 : vector<16xf32> to vector<16xf32>
    tpu.vector_store %arg5[%swap3A_31], %swap3A_34 {strides = array<i32>} : memref<128xf32, #tpu.memory_space<vmem>>, vector<16xf32>,
    %broadcast_in_dim3A_35 = arith.constant 1.000000e+00 : f32
    %broadcast_in_dim3A_36 = vector.broadcast %broadcast_in_dim3A_35 : f32 to vector<16xf32>
    %swap3A_37 = arith.constant 96 : index
    %swap3A_38 = tpu.vector_load %arg5[%swap3A_37] {strides = array<i32>} : memref<128xf32, #tpu.memory_space<vmem>>, vector<16xf32>,
    %swap3A_39 = vector.shape_cast %swap3A_38 : vector<16xf32> to vector<16xf32>
    %swap3A_40 = vector.shape_cast %broadcast_in_dim3A_36 : vector<16xf32> to vector<16xf32>
    tpu.vector_store %arg5[%swap3A_37], %swap3A_40 {strides = array<i32>} : memref<128xf32, #tpu.memory_space<vmem>>, vector<16xf32>,
    %broadcast_in_dim3A_41 = arith.constant 1.000000e+00 : f32
    %broadcast_in_dim3A_42 = vector.broadcast %broadcast_in_dim3A_41 : f32 to vector<16xf32>
    %swap3A_43 = arith.constant 112 : index
    %swap3A_44 = tpu.vector_load %arg5[%swap3A_43] {strides = array<i32>} : memref<128xf32, #tpu.memory_space<vmem>>, vector<16xf32>,
    %swap3A_45 = vector.shape_cast %swap3A_44 : vector<16xf32> to vector<16xf32>
    %swap3A_46 = vector.shape_cast %broadcast_in_dim3A_42 : vector<16xf32> to vector<16xf32>
    tpu.vector_store %arg5[%swap3A_43], %swap3A_46 {strides = array<i32>} : memref<128xf32, #tpu.memory_space<vmem>>, vector<16xf32>,
    %broadcast_in_dim3A_47 = arith.constant 0.000000e+00 : f32
    %broadcast_in_dim3A_48 = vector.broadcast %broadcast_in_dim3A_47 : f32 to vector<16xf32>
    %swap3A_49 = arith.constant 0 : index
    %swap3A_50 = tpu.vector_load %arg6[%swap3A_49] {strides = array<i32>} : memref<640xf32, #tpu.memory_space<vmem>>, vector<16xf32>,
    %swap3A_51 = vector.shape_cast %swap3A_50 : vector<16xf32> to vector<16xf32>
    %swap3A_52 = vector.shape_cast %broadcast_in_dim3A_48 : vector<16xf32> to vector<16xf32>
    tpu.vector_store %arg6[%swap3A_49], %swap3A_52 {strides = array<i32>} : memref<640xf32, #tpu.memory_space<vmem>>, vector<16xf32>,
    %broadcast_in_dim3A_53 = arith.constant 0.000000e+00 : f32
    %broadcast_in_dim3A_54 = vector.broadcast %broadcast_in_dim3A_53 : f32 to vector<16xf32>
    %swap3A_55 = arith.constant 16 : index
    %swap3A_56 = tpu.vector_load %arg6[%swap3A_55] {strides = array<i32>} : memref<640xf32, #tpu.memory_space<vmem>>, vector<16xf32>,
    %swap3A_57 = vector.shape_cast %swap3A_56 : vector<16xf32> to vector<16xf32>
    %swap3A_58 = vector.shape_cast %broadcast_in_dim3A_54 : vector<16xf32> to vector<16xf32>
    tpu.vector_store %arg6[%swap3A_55], %swap3A_58 {strides = array<i32>} : memref<640xf32, #tpu.memory_space<vmem>>, vector<16xf32>,
    %broadcast_in_dim3A_59 = arith.constant 0.000000e+00 : f32
    %broadcast_in_dim3A_60 = vector.broadcast %broadcast_in_dim3A_59 : f32 to vector<16xf32>
    %swap3A_61 = arith.constant 32 : index
    %swap3A_62 = tpu.vector_load %arg6[%swap3A_61] {strides = array<i32>} : memref<640xf32, #tpu.memory_space<vmem>>, vector<16xf32>,
    %swap3A_63 = vector.shape_cast %swap3A_62 : vector<16xf32> to vector<16xf32>
    %swap3A_64 = vector.shape_cast %broadcast_in_dim3A_60 : vector<16xf32> to vector<16xf32>
    tpu.vector_store %arg6[%swap3A_61], %swap3A_64 {strides = array<i32>} : memref<640xf32, #tpu.memory_space<vmem>>, vector<16xf32>,
    %broadcast_in_dim3A_65 = arith.constant 0.000000e+00 : f32
    %broadcast_in_dim3A_66 = vector.broadcast %broadcast_in_dim3A_65 : f32 to vector<16xf32>
    %swap3A_67 = arith.constant 48 : index
    %swap3A_68 = tpu.vector_load %arg6[%swap3A_67] {strides = array<i32>} : memref<640xf32, #tpu.memory_space<vmem>>, vector<16xf32>,
    %swap3A_69 = vector.shape_cast %swap3A_68 : vector<16xf32> to vector<16xf32>
    %swap3A_70 = vector.shape_cast %broadcast_in_dim3A_66 : vector<16xf32> to vector<16xf32>
    tpu.vector_store %arg6[%swap3A_67], %swap3A_70 {strides = array<i32>} : memref<640xf32, #tpu.memory_space<vmem>>, vector<16xf32>,
    %broadcast_in_dim3A_71 = arith.constant 0.000000e+00 : f32
    %broadcast_in_dim3A_72 = vector.broadcast %broadcast_in_dim3A_71 : f32 to vector<16xf32>
    %swap3A_73 = arith.constant 64 : index
    %swap3A_74 = tpu.vector_load %arg6[%swap3A_73] {strides = array<i32>} : memref<640xf32, #tpu.memory_space<vmem>>, vector<16xf32>,
    %swap3A_75 = vector.shape_cast %swap3A_74 : vector<16xf32> to vector<16xf32>
    %swap3A_76 = vector.shape_cast %broadcast_in_dim3A_72 : vector<16xf32> to vector<16xf32>
    tpu.vector_store %arg6[%swap3A_73], %swap3A_76 {strides = array<i32>} : memref<640xf32, #tpu.memory_space<vmem>>, vector<16xf32>,
    %broadcast_in_dim3A_77 = arith.constant 0.000000e+00 : f32
    %broadcast_in_dim3A_78 = vector.broadcast %broadcast_in_dim3A_77 : f32 to vector<16xf32>
    %swap3A_79 = arith.constant 80 : index
    %swap3A_80 = tpu.vector_load %arg6[%swap3A_79] {strides = array<i32>} : memref<640xf32, #tpu.memory_space<vmem>>, vector<16xf32>,
    %swap3A_81 = vector.shape_cast %swap3A_80 : vector<16xf32> to vector<16xf32>
    %swap3A_82 = vector.shape_cast %broadcast_in_dim3A_78 : vector<16xf32> to vector<16xf32>
    tpu.vector_store %arg6[%swap3A_79], %swap3A_82 {strides = array<i32>} : memref<640xf32, #tpu.memory_space<vmem>>, vector<16xf32>,
    %broadcast_in_dim3A_83 = arith.constant 0.000000e+00 : f32
    %broadcast_in_dim3A_84 = vector.broadcast %broadcast_in_dim3A_83 : f32 to vector<16xf32>
    %swap3A_85 = arith.constant 96 : index
    %swap3A_86 = tpu.vector_load %arg6[%swap3A_85] {strides = array<i32>} : memref<640xf32, #tpu.memory_space<vmem>>, vector<16xf32>,
    %swap3A_87 = vector.shape_cast %swap3A_86 : vector<16xf32> to vector<16xf32>
    %swap3A_88 = vector.shape_cast %broadcast_in_dim3A_84 : vector<16xf32> to vector<16xf32>
    tpu.vector_store %arg6[%swap3A_85], %swap3A_88 {strides = array<i32>} : memref<640xf32, #tpu.memory_space<vmem>>, vector<16xf32>,
    %broadcast_in_dim3A_89 = arith.constant 0.000000e+00 : f32
    %broadcast_in_dim3A_90 = vector.broadcast %broadcast_in_dim3A_89 : f32 to vector<16xf32>
    %swap3A_91 = arith.constant 112 : index
    %swap3A_92 = tpu.vector_load %arg6[%swap3A_91] {strides = array<i32>} : memref<640xf32, #tpu.memory_space<vmem>>, vector<16xf32>,
    %swap3A_93 = vector.shape_cast %swap3A_92 : vector<16xf32> to vector<16xf32>
    %swap3A_94 = vector.shape_cast %broadcast_in_dim3A_90 : vector<16xf32> to vector<16xf32>
    tpu.vector_store %arg6[%swap3A_91], %swap3A_94 {strides = array<i32>} : memref<640xf32, #tpu.memory_space<vmem>>, vector<16xf32>,
    %broadcast_in_dim3A_95 = arith.constant 0.000000e+00 : f32
    %broadcast_in_dim3A_96 = vector.broadcast %broadcast_in_dim3A_95 : f32 to vector<16xf32>
    %swap3A_97 = arith.constant 128 : index
    %swap3A_98 = tpu.vector_load %arg6[%swap3A_97] {strides = array<i32>} : memref<640xf32, #tpu.memory_space<vmem>>, vector<16xf32>,
    %swap3A_99 = vector.shape_cast %swap3A_98 : vector<16xf32> to vector<16xf32>
    %swap3A_100 = vector.shape_cast %broadcast_in_dim3A_96 : vector<16xf32> to vector<16xf32>
    tpu.vector_store %arg6[%swap3A_97], %swap3A_100 {strides = array<i32>} : memref<640xf32, #tpu.memory_space<vmem>>, vector<16xf32>,
    %broadcast_in_dim3A_101 = arith.constant 0.000000e+00 : f32
    %broadcast_in_dim3A_102 = vector.broadcast %broadcast_in_dim3A_101 : f32 to vector<16xf32>
    %swap3A_103 = arith.constant 144 : index
    %swap3A_104 = tpu.vector_load %arg6[%swap3A_103] {strides = array<i32>} : memref<640xf32, #tpu.memory_space<vmem>>, vector<16xf32>,
    %swap3A_105 = vector.shape_cast %swap3A_104 : vector<16xf32> to vector<16xf32>
    %swap3A_106 = vector.shape_cast %broadcast_in_dim3A_102 : vector<16xf32> to vector<16xf32>
    tpu.vector_store %arg6[%swap3A_103], %swap3A_106 {strides = array<i32>} : memref<640xf32, #tpu.memory_space<vmem>>, vector<16xf32>,
    %broadcast_in_dim3A_107 = arith.constant 0.000000e+00 : f32
    %broadcast_in_dim3A_108 = vector.broadcast %broadcast_in_dim3A_107 : f32 to vector<16xf32>
    %swap3A_109 = arith.constant 160 : index
    %swap3A_110 = tpu.vector_load %arg6[%swap3A_109] {strides = array<i32>} : memref<640xf32, #tpu.memory_space<vmem>>, vector<16xf32>,
    %swap3A_111 = vector.shape_cast %swap3A_110 : vector<16xf32> to vector<16xf32>
    %swap3A_112 = vector.shape_cast %broadcast_in_dim3A_108 : vector<16xf32> to vector<16xf32>
    tpu.vector_store %arg6[%swap3A_109], %swap3A_112 {strides = array<i32>} : memref<640xf32, #tpu.memory_space<vmem>>, vector<16xf32>,
    %broadcast_in_dim3A_113 = arith.constant 0.000000e+00 : f32
    %broadcast_in_dim3A_114 = vector.broadcast %broadcast_in_dim3A_113 : f32 to vector<16xf32>
    %swap3A_115 = arith.constant 176 : index
    %swap3A_116 = tpu.vector_load %arg6[%swap3A_115] {strides = array<i32>} : memref<640xf32, #tpu.memory_space<vmem>>, vector<16xf32>,
    %swap3A_117 = vector.shape_cast %swap3A_116 : vector<16xf32> to vector<16xf32>
    %swap3A_118 = vector.shape_cast %broadcast_in_dim3A_114 : vector<16xf32> to vector<16xf32>
    tpu.vector_store %arg6[%swap3A_115], %swap3A_118 {strides = array<i32>} : memref<640xf32, #tpu.memory_space<vmem>>, vector<16xf32>,
    %broadcast_in_dim3A_119 = arith.constant 0.000000e+00 : f32
    %broadcast_in_dim3A_120 = vector.broadcast %broadcast_in_dim3A_119 : f32 to vector<16xf32>
    %swap3A_121 = arith.constant 192 : index
    %swap3A_122 = tpu.vector_load %arg6[%swap3A_121] {strides = array<i32>} : memref<640xf32, #tpu.memory_space<vmem>>, vector<16xf32>,
    %swap3A_123 = vector.shape_cast %swap3A_122 : vector<16xf32> to vector<16xf32>
    %swap3A_124 = vector.shape_cast %broadcast_in_dim3A_120 : vector<16xf32> to vector<16xf32>
    tpu.vector_store %arg6[%swap3A_121], %swap3A_124 {strides = array<i32>} : memref<640xf32, #tpu.memory_space<vmem>>, vector<16xf32>,
    %broadcast_in_dim3A_125 = arith.constant 0.000000e+00 : f32
    %broadcast_in_dim3A_126 = vector.broadcast %broadcast_in_dim3A_125 : f32 to vector<16xf32>
    %swap3A_127 = arith.constant 208 : index
    %swap3A_128 = tpu.vector_load %arg6[%swap3A_127] {strides = array<i32>} : memref<640xf32, #tpu.memory_space<vmem>>, vector<16xf32>,
    %swap3A_129 = vector.shape_cast %swap3A_128 : vector<16xf32> to vector<16xf32>
    %swap3A_130 = vector.shape_cast %broadcast_in_dim3A_126 : vector<16xf32> to vector<16xf32>
    tpu.vector_store %arg6[%swap3A_127], %swap3A_130 {strides = array<i32>} : memref<640xf32, #tpu.memory_space<vmem>>, vector<16xf32>,
    %broadcast_in_dim3A_131 = arith.constant 0.000000e+00 : f32
    %broadcast_in_dim3A_132 = vector.broadcast %broadcast_in_dim3A_131 : f32 to vector<16xf32>
    %swap3A_133 = arith.constant 224 : index
    %swap3A_134 = tpu.vector_load %arg6[%swap3A_133] {strides = array<i32>} : memref<640xf32, #tpu.memory_space<vmem>>, vector<16xf32>,
    %swap3A_135 = vector.shape_cast %swap3A_134 : vector<16xf32> to vector<16xf32>
    %swap3A_136 = vector.shape_cast %broadcast_in_dim3A_132 : vector<16xf32> to vector<16xf32>
    tpu.vector_store %arg6[%swap3A_133], %swap3A_136 {strides = array<i32>} : memref<640xf32, #tpu.memory_space<vmem>>, vector<16xf32>,
    %broadcast_in_dim3A_137 = arith.constant 0.000000e+00 : f32
    %broadcast_in_dim3A_138 = vector.broadcast %broadcast_in_dim3A_137 : f32 to vector<16xf32>
    %swap3A_139 = arith.constant 240 : index
    %swap3A_140 = tpu.vector_load %arg6[%swap3A_139] {strides = array<i32>} : memref<640xf32, #tpu.memory_space<vmem>>, vector<16xf32>,
    %swap3A_141 = vector.shape_cast %swap3A_140 : vector<16xf32> to vector<16xf32>
    %swap3A_142 = vector.shape_cast %broadcast_in_dim3A_138 : vector<16xf32> to vector<16xf32>
    tpu.vector_store %arg6[%swap3A_139], %swap3A_142 {strides = array<i32>} : memref<640xf32, #tpu.memory_space<vmem>>, vector<16xf32>,
    %broadcast_in_dim3A_143 = arith.constant 0.000000e+00 : f32
    %broadcast_in_dim3A_144 = vector.broadcast %broadcast_in_dim3A_143 : f32 to vector<16xf32>
    %swap3A_145 = arith.constant 256 : index
    %swap3A_146 = tpu.vector_load %arg6[%swap3A_145] {strides = array<i32>} : memref<640xf32, #tpu.memory_space<vmem>>, vector<16xf32>,
    %swap3A_147 = vector.shape_cast %swap3A_146 : vector<16xf32> to vector<16xf32>
    %swap3A_148 = vector.shape_cast %broadcast_in_dim3A_144 : vector<16xf32> to vector<16xf32>
    tpu.vector_store %arg6[%swap3A_145], %swap3A_148 {strides = array<i32>} : memref<640xf32, #tpu.memory_space<vmem>>, vector<16xf32>,
    %broadcast_in_dim3A_149 = arith.constant 0.000000e+00 : f32
    %broadcast_in_dim3A_150 = vector.broadcast %broadcast_in_dim3A_149 : f32 to vector<16xf32>
    %swap3A_151 = arith.constant 272 : index
    %swap3A_152 = tpu.vector_load %arg6[%swap3A_151] {strides = array<i32>} : memref<640xf32, #tpu.memory_space<vmem>>, vector<16xf32>,
    %swap3A_153 = vector.shape_cast %swap3A_152 : vector<16xf32> to vector<16xf32>
    %swap3A_154 = vector.shape_cast %broadcast_in_dim3A_150 : vector<16xf32> to vector<16xf32>
    tpu.vector_store %arg6[%swap3A_151], %swap3A_154 {strides = array<i32>} : memref<640xf32, #tpu.memory_space<vmem>>, vector<16xf32>,
    %broadcast_in_dim3A_155 = arith.constant 0.000000e+00 : f32
    %broadcast_in_dim3A_156 = vector.broadcast %broadcast_in_dim3A_155 : f32 to vector<16xf32>
    %swap3A_157 = arith.constant 288 : index
    %swap3A_158 = tpu.vector_load %arg6[%swap3A_157] {strides = array<i32>} : memref<640xf32, #tpu.memory_space<vmem>>, vector<16xf32>,
    %swap3A_159 = vector.shape_cast %swap3A_158 : vector<16xf32> to vector<16xf32>
    %swap3A_160 = vector.shape_cast %broadcast_in_dim3A_156 : vector<16xf32> to vector<16xf32>
    tpu.vector_store %arg6[%swap3A_157], %swap3A_160 {strides = array<i32>} : memref<640xf32, #tpu.memory_space<vmem>>, vector<16xf32>,
    %broadcast_in_dim3A_161 = arith.constant 0.000000e+00 : f32
    %broadcast_in_dim3A_162 = vector.broadcast %broadcast_in_dim3A_161 : f32 to vector<16xf32>
    %swap3A_163 = arith.constant 304 : index
    %swap3A_164 = tpu.vector_load %arg6[%swap3A_163] {strides = array<i32>} : memref<640xf32, #tpu.memory_space<vmem>>, vector<16xf32>,
    %swap3A_165 = vector.shape_cast %swap3A_164 : vector<16xf32> to vector<16xf32>
    %swap3A_166 = vector.shape_cast %broadcast_in_dim3A_162 : vector<16xf32> to vector<16xf32>
    tpu.vector_store %arg6[%swap3A_163], %swap3A_166 {strides = array<i32>} : memref<640xf32, #tpu.memory_space<vmem>>, vector<16xf32>,
    %broadcast_in_dim3A_167 = arith.constant 0.000000e+00 : f32
    %broadcast_in_dim3A_168 = vector.broadcast %broadcast_in_dim3A_167 : f32 to vector<16xf32>
    %swap3A_169 = arith.constant 320 : index
    %swap3A_170 = tpu.vector_load %arg6[%swap3A_169] {strides = array<i32>} : memref<640xf32, #tpu.memory_space<vmem>>, vector<16xf32>,
    %swap3A_171 = vector.shape_cast %swap3A_170 : vector<16xf32> to vector<16xf32>
    %swap3A_172 = vector.shape_cast %broadcast_in_dim3A_168 : vector<16xf32> to vector<16xf32>
    tpu.vector_store %arg6[%swap3A_169], %swap3A_172 {strides = array<i32>} : memref<640xf32, #tpu.memory_space<vmem>>, vector<16xf32>,
    %broadcast_in_dim3A_173 = arith.constant 0.000000e+00 : f32
    %broadcast_in_dim3A_174 = vector.broadcast %broadcast_in_dim3A_173 : f32 to vector<16xf32>
    %swap3A_175 = arith.constant 336 : index
    %swap3A_176 = tpu.vector_load %arg6[%swap3A_175] {strides = array<i32>} : memref<640xf32, #tpu.memory_space<vmem>>, vector<16xf32>,
    %swap3A_177 = vector.shape_cast %swap3A_176 : vector<16xf32> to vector<16xf32>
    %swap3A_178 = vector.shape_cast %broadcast_in_dim3A_174 : vector<16xf32> to vector<16xf32>
    tpu.vector_store %arg6[%swap3A_175], %swap3A_178 {strides = array<i32>} : memref<640xf32, #tpu.memory_space<vmem>>, vector<16xf32>,
    %broadcast_in_dim3A_179 = arith.constant 0.000000e+00 : f32
    %broadcast_in_dim3A_180 = vector.broadcast %broadcast_in_dim3A_179 : f32 to vector<16xf32>
    %swap3A_181 = arith.constant 352 : index
    %swap3A_182 = tpu.vector_load %arg6[%swap3A_181] {strides = array<i32>} : memref<640xf32, #tpu.memory_space<vmem>>, vector<16xf32>,
    %swap3A_183 = vector.shape_cast %swap3A_182 : vector<16xf32> to vector<16xf32>
    %swap3A_184 = vector.shape_cast %broadcast_in_dim3A_180 : vector<16xf32> to vector<16xf32>
    tpu.vector_store %arg6[%swap3A_181], %swap3A_184 {strides = array<i32>} : memref<640xf32, #tpu.memory_space<vmem>>, vector<16xf32>,
    %broadcast_in_dim3A_185 = arith.constant 0.000000e+00 : f32
    %broadcast_in_dim3A_186 = vector.broadcast %broadcast_in_dim3A_185 : f32 to vector<16xf32>
    %swap3A_187 = arith.constant 368 : index
    %swap3A_188 = tpu.vector_load %arg6[%swap3A_187] {strides = array<i32>} : memref<640xf32, #tpu.memory_space<vmem>>, vector<16xf32>,
    %swap3A_189 = vector.shape_cast %swap3A_188 : vector<16xf32> to vector<16xf32>
    %swap3A_190 = vector.shape_cast %broadcast_in_dim3A_186 : vector<16xf32> to vector<16xf32>
    tpu.vector_store %arg6[%swap3A_187], %swap3A_190 {strides = array<i32>} : memref<640xf32, #tpu.memory_space<vmem>>, vector<16xf32>,
    %broadcast_in_dim3A_191 = arith.constant 0.000000e+00 : f32
    %broadcast_in_dim3A_192 = vector.broadcast %broadcast_in_dim3A_191 : f32 to vector<16xf32>
    %swap3A_193 = arith.constant 384 : index
    %swap3A_194 = tpu.vector_load %arg6[%swap3A_193] {strides = array<i32>} : memref<640xf32, #tpu.memory_space<vmem>>, vector<16xf32>,
    %swap3A_195 = vector.shape_cast %swap3A_194 : vector<16xf32> to vector<16xf32>
    %swap3A_196 = vector.shape_cast %broadcast_in_dim3A_192 : vector<16xf32> to vector<16xf32>
    tpu.vector_store %arg6[%swap3A_193], %swap3A_196 {strides = array<i32>} : memref<640xf32, #tpu.memory_space<vmem>>, vector<16xf32>,
    %broadcast_in_dim3A_197 = arith.constant 0.000000e+00 : f32
    %broadcast_in_dim3A_198 = vector.broadcast %broadcast_in_dim3A_197 : f32 to vector<16xf32>
    %swap3A_199 = arith.constant 400 : index
    %swap3A_200 = tpu.vector_load %arg6[%swap3A_199] {strides = array<i32>} : memref<640xf32, #tpu.memory_space<vmem>>, vector<16xf32>,
    %swap3A_201 = vector.shape_cast %swap3A_200 : vector<16xf32> to vector<16xf32>
    %swap3A_202 = vector.shape_cast %broadcast_in_dim3A_198 : vector<16xf32> to vector<16xf32>
    tpu.vector_store %arg6[%swap3A_199], %swap3A_202 {strides = array<i32>} : memref<640xf32, #tpu.memory_space<vmem>>, vector<16xf32>,
    %broadcast_in_dim3A_203 = arith.constant 0.000000e+00 : f32
    %broadcast_in_dim3A_204 = vector.broadcast %broadcast_in_dim3A_203 : f32 to vector<16xf32>
    %swap3A_205 = arith.constant 416 : index
    %swap3A_206 = tpu.vector_load %arg6[%swap3A_205] {strides = array<i32>} : memref<640xf32, #tpu.memory_space<vmem>>, vector<16xf32>,
    %swap3A_207 = vector.shape_cast %swap3A_206 : vector<16xf32> to vector<16xf32>
    %swap3A_208 = vector.shape_cast %broadcast_in_dim3A_204 : vector<16xf32> to vector<16xf32>
    tpu.vector_store %arg6[%swap3A_205], %swap3A_208 {strides = array<i32>} : memref<640xf32, #tpu.memory_space<vmem>>, vector<16xf32>,
    %broadcast_in_dim3A_209 = arith.constant 0.000000e+00 : f32
    %broadcast_in_dim3A_210 = vector.broadcast %broadcast_in_dim3A_209 : f32 to vector<16xf32>
    %swap3A_211 = arith.constant 432 : index
    %swap3A_212 = tpu.vector_load %arg6[%swap3A_211] {strides = array<i32>} : memref<640xf32, #tpu.memory_space<vmem>>, vector<16xf32>,
    %swap3A_213 = vector.shape_cast %swap3A_212 : vector<16xf32> to vector<16xf32>
    %swap3A_214 = vector.shape_cast %broadcast_in_dim3A_210 : vector<16xf32> to vector<16xf32>
    tpu.vector_store %arg6[%swap3A_211], %swap3A_214 {strides = array<i32>} : memref<640xf32, #tpu.memory_space<vmem>>, vector<16xf32>,
    %broadcast_in_dim3A_215 = arith.constant 0.000000e+00 : f32
    %broadcast_in_dim3A_216 = vector.broadcast %broadcast_in_dim3A_215 : f32 to vector<16xf32>
    %swap3A_217 = arith.constant 448 : index
    %swap3A_218 = tpu.vector_load %arg6[%swap3A_217] {strides = array<i32>} : memref<640xf32, #tpu.memory_space<vmem>>, vector<16xf32>,
    %swap3A_219 = vector.shape_cast %swap3A_218 : vector<16xf32> to vector<16xf32>
    %swap3A_220 = vector.shape_cast %broadcast_in_dim3A_216 : vector<16xf32> to vector<16xf32>
    tpu.vector_store %arg6[%swap3A_217], %swap3A_220 {strides = array<i32>} : memref<640xf32, #tpu.memory_space<vmem>>, vector<16xf32>,
    %broadcast_in_dim3A_221 = arith.constant 0.000000e+00 : f32
    %broadcast_in_dim3A_222 = vector.broadcast %broadcast_in_dim3A_221 : f32 to vector<16xf32>
    %swap3A_223 = arith.constant 464 : index
    %swap3A_224 = tpu.vector_load %arg6[%swap3A_223] {strides = array<i32>} : memref<640xf32, #tpu.memory_space<vmem>>, vector<16xf32>,
    %swap3A_225 = vector.shape_cast %swap3A_224 : vector<16xf32> to vector<16xf32>
    %swap3A_226 = vector.shape_cast %broadcast_in_dim3A_222 : vector<16xf32> to vector<16xf32>
    tpu.vector_store %arg6[%swap3A_223], %swap3A_226 {strides = array<i32>} : memref<640xf32, #tpu.memory_space<vmem>>, vector<16xf32>,
    %broadcast_in_dim3A_227 = arith.constant 0.000000e+00 : f32
    %broadcast_in_dim3A_228 = vector.broadcast %broadcast_in_dim3A_227 : f32 to vector<16xf32>
    %swap3A_229 = arith.constant 480 : index
    %swap3A_230 = tpu.vector_load %arg6[%swap3A_229] {strides = array<i32>} : memref<640xf32, #tpu.memory_space<vmem>>, vector<16xf32>,
    %swap3A_231 = vector.shape_cast %swap3A_230 : vector<16xf32> to vector<16xf32>
    %swap3A_232 = vector.shape_cast %broadcast_in_dim3A_228 : vector<16xf32> to vector<16xf32>
    tpu.vector_store %arg6[%swap3A_229], %swap3A_232 {strides = array<i32>} : memref<640xf32, #tpu.memory_space<vmem>>, vector<16xf32>,
    %broadcast_in_dim3A_233 = arith.constant 0.000000e+00 : f32
    %broadcast_in_dim3A_234 = vector.broadcast %broadcast_in_dim3A_233 : f32 to vector<16xf32>
    %swap3A_235 = arith.constant 496 : index
    %swap3A_236 = tpu.vector_load %arg6[%swap3A_235] {strides = array<i32>} : memref<640xf32, #tpu.memory_space<vmem>>, vector<16xf32>,
    %swap3A_237 = vector.shape_cast %swap3A_236 : vector<16xf32> to vector<16xf32>
    %swap3A_238 = vector.shape_cast %broadcast_in_dim3A_234 : vector<16xf32> to vector<16xf32>
    tpu.vector_store %arg6[%swap3A_235], %swap3A_238 {strides = array<i32>} : memref<640xf32, #tpu.memory_space<vmem>>, vector<16xf32>,
    %broadcast_in_dim3A_239 = arith.constant 0.000000e+00 : f32
    %broadcast_in_dim3A_240 = vector.broadcast %broadcast_in_dim3A_239 : f32 to vector<16xf32>
    %swap3A_241 = arith.constant 512 : index
    %swap3A_242 = tpu.vector_load %arg6[%swap3A_241] {strides = array<i32>} : memref<640xf32, #tpu.memory_space<vmem>>, vector<16xf32>,
    %swap3A_243 = vector.shape_cast %swap3A_242 : vector<16xf32> to vector<16xf32>
    %swap3A_244 = vector.shape_cast %broadcast_in_dim3A_240 : vector<16xf32> to vector<16xf32>
    tpu.vector_store %arg6[%swap3A_241], %swap3A_244 {strides = array<i32>} : memref<640xf32, #tpu.memory_space<vmem>>, vector<16xf32>,
    %broadcast_in_dim3A_245 = arith.constant 0.000000e+00 : f32
    %broadcast_in_dim3A_246 = vector.broadcast %broadcast_in_dim3A_245 : f32 to vector<16xf32>
    %swap3A_247 = arith.constant 528 : index
    %swap3A_248 = tpu.vector_load %arg6[%swap3A_247] {strides = array<i32>} : memref<640xf32, #tpu.memory_space<vmem>>, vector<16xf32>,
    %swap3A_249 = vector.shape_cast %swap3A_248 : vector<16xf32> to vector<16xf32>
    %swap3A_250 = vector.shape_cast %broadcast_in_dim3A_246 : vector<16xf32> to vector<16xf32>
    tpu.vector_store %arg6[%swap3A_247], %swap3A_250 {strides = array<i32>} : memref<640xf32, #tpu.memory_space<vmem>>, vector<16xf32>,
    %broadcast_in_dim3A_251 = arith.constant 0.000000e+00 : f32
    %broadcast_in_dim3A_252 = vector.broadcast %broadcast_in_dim3A_251 : f32 to vector<16xf32>
    %swap3A_253 = arith.constant 544 : index
    %swap3A_254 = tpu.vector_load %arg6[%swap3A_253] {strides = array<i32>} : memref<640xf32, #tpu.memory_space<vmem>>, vector<16xf32>,
    %swap3A_255 = vector.shape_cast %swap3A_254 : vector<16xf32> to vector<16xf32>
    %swap3A_256 = vector.shape_cast %broadcast_in_dim3A_252 : vector<16xf32> to vector<16xf32>
    tpu.vector_store %arg6[%swap3A_253], %swap3A_256 {strides = array<i32>} : memref<640xf32, #tpu.memory_space<vmem>>, vector<16xf32>,
    %broadcast_in_dim3A_257 = arith.constant 0.000000e+00 : f32
    %broadcast_in_dim3A_258 = vector.broadcast %broadcast_in_dim3A_257 : f32 to vector<16xf32>
    %swap3A_259 = arith.constant 560 : index
    %swap3A_260 = tpu.vector_load %arg6[%swap3A_259] {strides = array<i32>} : memref<640xf32, #tpu.memory_space<vmem>>, vector<16xf32>,
    %swap3A_261 = vector.shape_cast %swap3A_260 : vector<16xf32> to vector<16xf32>
    %swap3A_262 = vector.shape_cast %broadcast_in_dim3A_258 : vector<16xf32> to vector<16xf32>
    tpu.vector_store %arg6[%swap3A_259], %swap3A_262 {strides = array<i32>} : memref<640xf32, #tpu.memory_space<vmem>>, vector<16xf32>,
    %broadcast_in_dim3A_263 = arith.constant 0.000000e+00 : f32
    %broadcast_in_dim3A_264 = vector.broadcast %broadcast_in_dim3A_263 : f32 to vector<16xf32>
    %swap3A_265 = arith.constant 576 : index
    %swap3A_266 = tpu.vector_load %arg6[%swap3A_265] {strides = array<i32>} : memref<640xf32, #tpu.memory_space<vmem>>, vector<16xf32>,
    %swap3A_267 = vector.shape_cast %swap3A_266 : vector<16xf32> to vector<16xf32>
    %swap3A_268 = vector.shape_cast %broadcast_in_dim3A_264 : vector<16xf32> to vector<16xf32>
    tpu.vector_store %arg6[%swap3A_265], %swap3A_268 {strides = array<i32>} : memref<640xf32, #tpu.memory_space<vmem>>, vector<16xf32>,
    %broadcast_in_dim3A_269 = arith.constant 0.000000e+00 : f32
    %broadcast_in_dim3A_270 = vector.broadcast %broadcast_in_dim3A_269 : f32 to vector<16xf32>
    %swap3A_271 = arith.constant 592 : index
    %swap3A_272 = tpu.vector_load %arg6[%swap3A_271] {strides = array<i32>} : memref<640xf32, #tpu.memory_space<vmem>>, vector<16xf32>,
    %swap3A_273 = vector.shape_cast %swap3A_272 : vector<16xf32> to vector<16xf32>
    %swap3A_274 = vector.shape_cast %broadcast_in_dim3A_270 : vector<16xf32> to vector<16xf32>
    tpu.vector_store %arg6[%swap3A_271], %swap3A_274 {strides = array<i32>} : memref<640xf32, #tpu.memory_space<vmem>>, vector<16xf32>,
    %broadcast_in_dim3A_275 = arith.constant 0.000000e+00 : f32
    %broadcast_in_dim3A_276 = vector.broadcast %broadcast_in_dim3A_275 : f32 to vector<16xf32>
    %swap3A_277 = arith.constant 608 : index
    %swap3A_278 = tpu.vector_load %arg6[%swap3A_277] {strides = array<i32>} : memref<640xf32, #tpu.memory_space<vmem>>, vector<16xf32>,
    %swap3A_279 = vector.shape_cast %swap3A_278 : vector<16xf32> to vector<16xf32>
    %swap3A_280 = vector.shape_cast %broadcast_in_dim3A_276 : vector<16xf32> to vector<16xf32>
    tpu.vector_store %arg6[%swap3A_277], %swap3A_280 {strides = array<i32>} : memref<640xf32, #tpu.memory_space<vmem>>, vector<16xf32>,
    %broadcast_in_dim3A_281 = arith.constant 0.000000e+00 : f32
    %broadcast_in_dim3A_282 = vector.broadcast %broadcast_in_dim3A_281 : f32 to vector<16xf32>
    %swap3A_283 = arith.constant 624 : index
    %swap3A_284 = tpu.vector_load %arg6[%swap3A_283] {strides = array<i32>} : memref<640xf32, #tpu.memory_space<vmem>>, vector<16xf32>,
    %swap3A_285 = vector.shape_cast %swap3A_284 : vector<16xf32> to vector<16xf32>
    %swap3A_286 = vector.shape_cast %broadcast_in_dim3A_282 : vector<16xf32> to vector<16xf32>
    tpu.vector_store %arg6[%swap3A_283], %swap3A_286 {strides = array<i32>} : memref<640xf32, #tpu.memory_space<vmem>>, vector<16xf32>,
    %mul3A_287 = arith.constant 80 : i32
    %mul3A_288 = arith.muli %add3A, %mul3A_287 : i32
    "tpu.region"() ({
      %run_scoped3A = tpu.sem_alloc : memref<!tpu.dma_semaphore, #tpu.memory_space<semaphore_mem>>
      %dma_start3A = arith.constant 0 : i32
      %dma_start3A_304 = tpu.memref_slice %arg2[%mul3A_288, %dma_start3A] : memref<2560x128xi32, #tpu.memory_space<hbm>> -> memref<80x128xi32, #tpu.memory_space<hbm>>
      %dma_start3A_305 = arith.constant 0 : i32
      %dma_start3A_306 = tpu.memref_slice %arg2[%mul3A_288, %dma_start3A_305] : memref<2560x128xi32, #tpu.memory_space<hbm>> -> memref<80x128xi32, #tpu.memory_space<hbm>>
      tpu.enqueue_dma source(%dma_start3A_306 : memref<80x128xi32, #tpu.memory_space<hbm>>) target(%arg4 : memref<80x128xi32, #tpu.memory_space<vmem>>) target_semaphore(%run_scoped3A : memref<!tpu.dma_semaphore, #tpu.memory_space<semaphore_mem>>)
      %dma_wait3A = arith.constant 0 : i32
      %dma_wait3A_307 = tpu.memref_slice %arg2[%mul3A_288, %dma_wait3A] : memref<2560x128xi32, #tpu.memory_space<hbm>> -> memref<80x128xi32, #tpu.memory_space<hbm>>
      %dma_wait3A_308 = arith.constant 0 : i32
      %dma_wait3A_309 = tpu.memref_slice %arg2[%mul3A_288, %dma_wait3A_308] : memref<2560x128xi32, #tpu.memory_space<hbm>> -> memref<80x128xi32, #tpu.memory_space<hbm>>
      tpu.wait_dma2 semaphore(%run_scoped3A : memref<!tpu.dma_semaphore, #tpu.memory_space<semaphore_mem>>) src(%dma_wait3A_309 : memref<80x128xi32, #tpu.memory_space<hbm>>) dst(%arg4 : memref<80x128xi32, #tpu.memory_space<vmem>>)
      tpu.yield
    }) : () -> ()
    %mul3A_289 = arith.constant 640 : i32
    %mul3A_290 = arith.muli %arg1, %mul3A_289 : i32
    "tpu.region"() ({
      %run_scoped3A = tpu.sem_alloc : memref<!tpu.dma_semaphore, #tpu.memory_space<semaphore_mem>>
      %dma_start3A = tpu.memref_slice %arg7[%mul3A_290] : memref<10240xf32, #tpu.memory_space<vmem_shared>> -> memref<640xf32, #tpu.memory_space<vmem_shared>>
      %dma_start3A_304 = tpu.memref_slice %arg7[%mul3A_290] : memref<10240xf32, #tpu.memory_space<vmem_shared>> -> memref<640xf32, #tpu.memory_space<vmem_shared>>
      tpu.enqueue_dma source(%arg6 : memref<640xf32, #tpu.memory_space<vmem>>) target(%dma_start3A_304 : memref<640xf32, #tpu.memory_space<vmem_shared>>) target_semaphore(%run_scoped3A : memref<!tpu.dma_semaphore, #tpu.memory_space<semaphore_mem>>)
      %dma_wait3A = tpu.memref_slice %arg7[%mul3A_290] : memref<10240xf32, #tpu.memory_space<vmem_shared>> -> memref<640xf32, #tpu.memory_space<vmem_shared>>
      %dma_wait3A_305 = tpu.memref_slice %arg7[%mul3A_290] : memref<10240xf32, #tpu.memory_space<vmem_shared>> -> memref<640xf32, #tpu.memory_space<vmem_shared>>
      tpu.wait_dma2 semaphore(%run_scoped3A : memref<!tpu.dma_semaphore, #tpu.memory_space<semaphore_mem>>) src(%arg6 : memref<640xf32, #tpu.memory_space<vmem>>) dst(%dma_wait3A_305 : memref<640xf32, #tpu.memory_space<vmem_shared>>)
      tpu.yield
    }) : () -> ()
    %barrier3A = arith.constant 0 : index
    tpu.barrier barrier_id(%barrier3A)
    %scan3A = arith.constant 0 : i32
    %scan3A_291 = arith.constant 0 : i32
    %scan3A_292 = arith.constant 80 : i32
    %scan3A_293 = arith.addi %scan3A_291, %scan3A_292 : i32
    %scan3A_294 = arith.constant 1 : i32
    scf.for %scan3A_304 = %scan3A_291 to %scan3A_293 step %scan3A_294  : i32 {
      "tpu.region"() ({
        %run_scoped3A = tpu.sem_alloc : memref<!tpu.dma_semaphore, #tpu.memory_space<semaphore_mem>>
        %dma_start3A = arith.constant 0 : i32
        %dma_start3A_305 = tpu.memref_slice %arg4[%scan3A_304, %dma_start3A] : memref<80x128xi32, #tpu.memory_space<vmem>> -> memref<1x128xi32, #tpu.memory_space<vmem>>
        %dma_start3A_306 = tpu.memref_squeeze %dma_start3A_305 : memref<1x128xi32, #tpu.memory_space<vmem>> -> memref<128xi32, #tpu.memory_space<vmem>>
        %dma_start3A_307 = arith.constant 0 : i32
        %dma_start3A_308 = tpu.memref_slice %arg7[%dma_start3A_307] : memref<10240xf32, #tpu.memory_space<vmem_shared>> -> memref<10240xf32, #tpu.memory_space<vmem_shared>>
        tpu.enqueue_indirect_dma source(%arg5 : memref<128xf32, #tpu.memory_space<vmem>>) target(%dma_start3A_308 : memref<10240xf32, #tpu.memory_space<vmem_shared>>) offsets(%dma_start3A_306 : memref<128xi32, #tpu.memory_space<vmem>>) semaphore(%run_scoped3A : memref<!tpu.dma_semaphore, #tpu.memory_space<semaphore_mem>>) {add = true}
        %dma_wait3A = arith.constant 0 : i32
        %dma_wait3A_309 = tpu.memref_slice %arg4[%scan3A_304, %dma_wait3A] : memref<80x128xi32, #tpu.memory_space<vmem>> -> memref<1x128xi32, #tpu.memory_space<vmem>>
        %dma_wait3A_310 = tpu.memref_squeeze %dma_wait3A_309 : memref<1x128xi32, #tpu.memory_space<vmem>> -> memref<128xi32, #tpu.memory_space<vmem>>
        %dma_wait3A_311 = arith.constant 0 : i32
        %dma_wait3A_312 = tpu.memref_slice %arg7[%dma_wait3A_311] : memref<10240xf32, #tpu.memory_space<vmem_shared>> -> memref<10240xf32, #tpu.memory_space<vmem_shared>>
        tpu.wait_indirect_dma semaphore(%run_scoped3A : memref<!tpu.dma_semaphore, #tpu.memory_space<semaphore_mem>>) src(%arg5 : memref<128xf32, #tpu.memory_space<vmem>>) dst(%dma_wait3A_312 : memref<10240xf32, #tpu.memory_space<vmem_shared>>)
        tpu.yield
      }) : () -> ()
    }
    %scan3A_295 = arith.constant 80 : i32
    %barrier3A_296 = arith.constant 0 : index
    tpu.barrier barrier_id(%barrier3A_296)
    %mul3A_297 = arith.constant 640 : i32
    %mul3A_298 = arith.muli %arg1, %mul3A_297 : i32
    %mul3A_299 = arith.constant 10240 : i32
    %mul3A_300 = arith.muli %arg0, %mul3A_299 : i32
    %mul3A_301 = arith.constant 640 : i32
    %mul3A_302 = arith.muli %arg1, %mul3A_301 : i32
    %add3A_303 = arith.addi %mul3A_300, %mul3A_302 : i32
    "tpu.region"() ({
      %run_scoped3A = tpu.sem_alloc : memref<!tpu.dma_semaphore, #tpu.memory_space<semaphore_mem>>
      %dma_start3A = tpu.memref_slice %arg3[%add3A_303] : memref<20480xf32, #tpu.memory_space<hbm>> -> memref<640xf32, #tpu.memory_space<hbm>>
      %dma_start3A_304 = tpu.memref_slice %arg7[%mul3A_298] : memref<10240xf32, #tpu.memory_space<vmem_shared>> -> memref<640xf32, #tpu.memory_space<vmem_shared>>
      tpu.enqueue_dma source(%dma_start3A_304 : memref<640xf32, #tpu.memory_space<vmem_shared>>) target(%dma_start3A : memref<640xf32, #tpu.memory_space<hbm>>) target_semaphore(%run_scoped3A : memref<!tpu.dma_semaphore, #tpu.memory_space<semaphore_mem>>)
      %dma_wait3A = tpu.memref_slice %arg3[%add3A_303] : memref<20480xf32, #tpu.memory_space<hbm>> -> memref<640xf32, #tpu.memory_space<hbm>>
      %dma_wait3A_305 = tpu.memref_slice %arg7[%mul3A_298] : memref<10240xf32, #tpu.memory_space<vmem_shared>> -> memref<640xf32, #tpu.memory_space<vmem_shared>>
      tpu.wait_dma2 semaphore(%run_scoped3A : memref<!tpu.dma_semaphore, #tpu.memory_space<semaphore_mem>>) src(%dma_wait3A_305 : memref<640xf32, #tpu.memory_space<vmem_shared>>) dst(%dma_wait3A : memref<640xf32, #tpu.memory_space<hbm>>)
      tpu.yield
    }) : () -> ()
    return
  }
}

#map = affine_map<(d0, d1) -> (0, 0)>
#map1 = affine_map<(d0, d1) -> (0, 0, 0)>
module attributes {stable_mosaic.version = 14 : i64} {
  func.func @_agg_sc(%arg0: i32, %arg1: i32, %arg2: memref<10240x128xf32, #tpu.memory_space<hbm>>, %arg3: memref<2560x128xi32, #tpu.memory_space<hbm>>, %arg4: memref<2560x128xi32, #tpu.memory_space<hbm>>, %arg5: memref<2x10240x128xf32, #tpu.memory_space<hbm>>, %arg6: memref<80x128xi32, #tpu.memory_space<vmem>>, %arg7: memref<1x128xi32, #tpu.memory_space<vmem>>, %arg8: memref<1x128xi32, #tpu.memory_space<vmem>>, %arg9: memref<1x128xi32, #tpu.memory_space<vmem>>, %arg10: memref<1x128xi32, #tpu.memory_space<vmem>>, %arg11: memref<128x128xf32, #tpu.memory_space<vmem>>, %arg12: memref<128x128xf32, #tpu.memory_space<vmem>>, %arg13: memref<10240x128xf32, #tpu.memory_space<vmem_shared>>, %arg14: memref<!tpu.dma_semaphore, #tpu.memory_space<semaphore_mem>>, %arg15: memref<!tpu.dma_semaphore, #tpu.memory_space<semaphore_mem>>, %arg16: memref<!tpu.dma_semaphore, #tpu.memory_space<semaphore_mem>>, %arg17: memref<!tpu.dma_semaphore, #tpu.memory_space<semaphore_mem>>, %arg18: memref<!tpu.dma_semaphore, #tpu.memory_space<semaphore_mem>>, %arg19: memref<!tpu.dma_semaphore, #tpu.memory_space<semaphore_mem>>) attributes {dimension_semantics = [#tpu.dimension_semantics<core_parallel>, #tpu.dimension_semantics<subcore_parallel>], iteration_bounds = array<i64: 2, 16>, scalar_prefetch = 0 : i64, scratch_operands = 14 : i64, tpu.core_type = #tpu.core_type<sc_vector_subcore>, window_params = [{transform_indices = #map}, {transform_indices = #map}, {transform_indices = #map}, {transform_indices = #map1}]} {
    %mul3A = arith.constant 16 : i32
    %mul3A_0 = arith.muli %arg0, %mul3A : i32
    %add3A = arith.addi %mul3A_0, %arg1 : i32
    %mul3A_1 = arith.constant 80 : i32
    %mul3A_2 = arith.muli %add3A, %mul3A_1 : i32
    "tpu.region"() ({
      %run_scoped3A_138 = tpu.sem_alloc : memref<!tpu.dma_semaphore, #tpu.memory_space<semaphore_mem>>
      %dma_start3A_139 = arith.constant 0 : i32
      %dma_start3A_140 = tpu.memref_slice %arg4[%mul3A_2, %dma_start3A_139] : memref<2560x128xi32, #tpu.memory_space<hbm>> -> memref<80x128xi32, #tpu.memory_space<hbm>>
      %dma_start3A_141 = arith.constant 0 : i32
      %dma_start3A_142 = tpu.memref_slice %arg4[%mul3A_2, %dma_start3A_141] : memref<2560x128xi32, #tpu.memory_space<hbm>> -> memref<80x128xi32, #tpu.memory_space<hbm>>
      tpu.enqueue_dma source(%dma_start3A_142 : memref<80x128xi32, #tpu.memory_space<hbm>>) target(%arg6 : memref<80x128xi32, #tpu.memory_space<vmem>>) target_semaphore(%run_scoped3A_138 : memref<!tpu.dma_semaphore, #tpu.memory_space<semaphore_mem>>)
      %dma_wait3A_143 = arith.constant 0 : i32
      %dma_wait3A_144 = tpu.memref_slice %arg4[%mul3A_2, %dma_wait3A_143] : memref<2560x128xi32, #tpu.memory_space<hbm>> -> memref<80x128xi32, #tpu.memory_space<hbm>>
      %dma_wait3A_145 = arith.constant 0 : i32
      %dma_wait3A_146 = tpu.memref_slice %arg4[%mul3A_2, %dma_wait3A_145] : memref<2560x128xi32, #tpu.memory_space<hbm>> -> memref<80x128xi32, #tpu.memory_space<hbm>>
      tpu.wait_dma2 semaphore(%run_scoped3A_138 : memref<!tpu.dma_semaphore, #tpu.memory_space<semaphore_mem>>) src(%dma_wait3A_146 : memref<80x128xi32, #tpu.memory_space<hbm>>) dst(%arg6 : memref<80x128xi32, #tpu.memory_space<vmem>>)
      tpu.yield
    }) : () -> ()
    %mul3A_3 = arith.constant 640 : i32
    %mul3A_4 = arith.muli %arg1, %mul3A_3 : i32
    %mul3A_5 = arith.constant 640 : i32
    %mul3A_6 = arith.muli %arg1, %mul3A_5 : i32
    "tpu.region"() ({
      %run_scoped3A_138 = tpu.sem_alloc : memref<!tpu.dma_semaphore, #tpu.memory_space<semaphore_mem>>
      %dma_start3A_139 = arith.constant 0 : i32
      %dma_start3A_140 = tpu.memref_slice %arg13[%mul3A_6, %dma_start3A_139] : memref<10240x128xf32, #tpu.memory_space<vmem_shared>> -> memref<640x128xf32, #tpu.memory_space<vmem_shared>>
      %dma_start3A_141 = arith.constant 0 : i32
      %dma_start3A_142 = tpu.memref_slice %arg2[%mul3A_4, %dma_start3A_141] : memref<10240x128xf32, #tpu.memory_space<hbm>> -> memref<640x128xf32, #tpu.memory_space<hbm>>
      tpu.enqueue_dma source(%dma_start3A_142 : memref<640x128xf32, #tpu.memory_space<hbm>>) target(%dma_start3A_140 : memref<640x128xf32, #tpu.memory_space<vmem_shared>>) target_semaphore(%run_scoped3A_138 : memref<!tpu.dma_semaphore, #tpu.memory_space<semaphore_mem>>)
      %dma_wait3A_143 = arith.constant 0 : i32
      %dma_wait3A_144 = tpu.memref_slice %arg13[%mul3A_6, %dma_wait3A_143] : memref<10240x128xf32, #tpu.memory_space<vmem_shared>> -> memref<640x128xf32, #tpu.memory_space<vmem_shared>>
      %dma_wait3A_145 = arith.constant 0 : i32
      %dma_wait3A_146 = tpu.memref_slice %arg2[%mul3A_4, %dma_wait3A_145] : memref<10240x128xf32, #tpu.memory_space<hbm>> -> memref<640x128xf32, #tpu.memory_space<hbm>>
      tpu.wait_dma2 semaphore(%run_scoped3A_138 : memref<!tpu.dma_semaphore, #tpu.memory_space<semaphore_mem>>) src(%dma_wait3A_146 : memref<640x128xf32, #tpu.memory_space<hbm>>) dst(%dma_wait3A_144 : memref<640x128xf32, #tpu.memory_space<vmem_shared>>)
      tpu.yield
    }) : () -> ()
    %barrier3A = arith.constant 0 : index
    tpu.barrier barrier_id(%barrier3A)
    %mul3A_7 = arith.constant 80 : i32
    %mul3A_8 = arith.muli %add3A, %mul3A_7 : i32
    %add3A_9 = arith.constant 0 : i32
    %add3A_10 = arith.addi %mul3A_8, %add3A_9 : i32
    %dma_start3A = arith.constant 0 : i32
    %dma_start3A_11 = tpu.memref_slice %arg3[%add3A_10, %dma_start3A] : memref<2560x128xi32, #tpu.memory_space<hbm>> -> memref<1x128xi32, #tpu.memory_space<hbm>>
    %dma_start3A_12 = arith.constant 0 : i32
    %dma_start3A_13 = tpu.memref_slice %arg3[%add3A_10, %dma_start3A_12] : memref<2560x128xi32, #tpu.memory_space<hbm>> -> memref<1x128xi32, #tpu.memory_space<hbm>>
    tpu.enqueue_dma source(%dma_start3A_13 : memref<1x128xi32, #tpu.memory_space<hbm>>) target(%arg7 : memref<1x128xi32, #tpu.memory_space<vmem>>) target_semaphore(%arg14 : memref<!tpu.dma_semaphore, #tpu.memory_space<semaphore_mem>>)
    %mul3A_14 = arith.constant 80 : i32
    %mul3A_15 = arith.muli %add3A, %mul3A_14 : i32
    %add3A_16 = arith.constant 1 : i32
    %add3A_17 = arith.addi %mul3A_15, %add3A_16 : i32
    %dma_start3A_18 = arith.constant 0 : i32
    %dma_start3A_19 = tpu.memref_slice %arg3[%add3A_17, %dma_start3A_18] : memref<2560x128xi32, #tpu.memory_space<hbm>> -> memref<1x128xi32, #tpu.memory_space<hbm>>
    %dma_start3A_20 = arith.constant 0 : i32
    %dma_start3A_21 = tpu.memref_slice %arg3[%add3A_17, %dma_start3A_20] : memref<2560x128xi32, #tpu.memory_space<hbm>> -> memref<1x128xi32, #tpu.memory_space<hbm>>
    tpu.enqueue_dma source(%dma_start3A_21 : memref<1x128xi32, #tpu.memory_space<hbm>>) target(%arg8 : memref<1x128xi32, #tpu.memory_space<vmem>>) target_semaphore(%arg15 : memref<!tpu.dma_semaphore, #tpu.memory_space<semaphore_mem>>)
    %mul3A_22 = arith.constant 80 : i32
    %mul3A_23 = arith.muli %add3A, %mul3A_22 : i32
    %add3A_24 = arith.constant 2 : i32
    %add3A_25 = arith.addi %mul3A_23, %add3A_24 : i32
    %dma_start3A_26 = arith.constant 0 : i32
    %dma_start3A_27 = tpu.memref_slice %arg3[%add3A_25, %dma_start3A_26] : memref<2560x128xi32, #tpu.memory_space<hbm>> -> memref<1x128xi32, #tpu.memory_space<hbm>>
    %dma_start3A_28 = arith.constant 0 : i32
    %dma_start3A_29 = tpu.memref_slice %arg3[%add3A_25, %dma_start3A_28] : memref<2560x128xi32, #tpu.memory_space<hbm>> -> memref<1x128xi32, #tpu.memory_space<hbm>>
    tpu.enqueue_dma source(%dma_start3A_29 : memref<1x128xi32, #tpu.memory_space<hbm>>) target(%arg9 : memref<1x128xi32, #tpu.memory_space<vmem>>) target_semaphore(%arg16 : memref<!tpu.dma_semaphore, #tpu.memory_space<semaphore_mem>>)
    %mul3A_30 = arith.constant 80 : i32
    %mul3A_31 = arith.muli %add3A, %mul3A_30 : i32
    %add3A_32 = arith.constant 3 : i32
    %add3A_33 = arith.addi %mul3A_31, %add3A_32 : i32
    %dma_start3A_34 = arith.constant 0 : i32
    %dma_start3A_35 = tpu.memref_slice %arg3[%add3A_33, %dma_start3A_34] : memref<2560x128xi32, #tpu.memory_space<hbm>> -> memref<1x128xi32, #tpu.memory_space<hbm>>
    %dma_start3A_36 = arith.constant 0 : i32
    %dma_start3A_37 = tpu.memref_slice %arg3[%add3A_33, %dma_start3A_36] : memref<2560x128xi32, #tpu.memory_space<hbm>> -> memref<1x128xi32, #tpu.memory_space<hbm>>
    tpu.enqueue_dma source(%dma_start3A_37 : memref<1x128xi32, #tpu.memory_space<hbm>>) target(%arg10 : memref<1x128xi32, #tpu.memory_space<vmem>>) target_semaphore(%arg17 : memref<!tpu.dma_semaphore, #tpu.memory_space<semaphore_mem>>)
    %mul3A_38 = arith.constant 80 : i32
    %mul3A_39 = arith.muli %add3A, %mul3A_38 : i32
    %add3A_40 = arith.constant 0 : i32
    %add3A_41 = arith.addi %mul3A_39, %add3A_40 : i32
    %dma_wait3A = arith.constant 0 : i32
    %dma_wait3A_42 = tpu.memref_slice %arg3[%add3A_41, %dma_wait3A] : memref<2560x128xi32, #tpu.memory_space<hbm>> -> memref<1x128xi32, #tpu.memory_space<hbm>>
    %dma_wait3A_43 = arith.constant 0 : i32
    %dma_wait3A_44 = tpu.memref_slice %arg3[%add3A_41, %dma_wait3A_43] : memref<2560x128xi32, #tpu.memory_space<hbm>> -> memref<1x128xi32, #tpu.memory_space<hbm>>
    tpu.wait_dma2 semaphore(%arg14 : memref<!tpu.dma_semaphore, #tpu.memory_space<semaphore_mem>>) src(%dma_wait3A_44 : memref<1x128xi32, #tpu.memory_space<hbm>>) dst(%arg7 : memref<1x128xi32, #tpu.memory_space<vmem>>)
    %dma_start3A_45 = arith.constant 0 : i32
    %dma_start3A_46 = arith.constant 0 : i32
    %dma_start3A_47 = tpu.memref_slice %arg7[%dma_start3A_45, %dma_start3A_46] : memref<1x128xi32, #tpu.memory_space<vmem>> -> memref<1x128xi32, #tpu.memory_space<vmem>>
    %dma_start3A_48 = tpu.memref_squeeze %dma_start3A_47 : memref<1x128xi32, #tpu.memory_space<vmem>> -> memref<128xi32, #tpu.memory_space<vmem>>
    %dma_start3A_49 = arith.constant 0 : i32
    %dma_start3A_50 = arith.constant 0 : i32
    %dma_start3A_51 = tpu.memref_slice %arg2[%dma_start3A_49, %dma_start3A_50] : memref<10240x128xf32, #tpu.memory_space<hbm>> -> memref<10240x128xf32, #tpu.memory_space<hbm>>
    tpu.enqueue_indirect_dma source(%dma_start3A_51 : memref<10240x128xf32, #tpu.memory_space<hbm>>) target(%arg11 : memref<128x128xf32, #tpu.memory_space<vmem>>) offsets(%dma_start3A_48 : memref<128xi32, #tpu.memory_space<vmem>>) semaphore(%arg18 : memref<!tpu.dma_semaphore, #tpu.memory_space<semaphore_mem>>)
    %mul3A_52 = arith.constant 80 : i32
    %mul3A_53 = arith.muli %add3A, %mul3A_52 : i32
    %add3A_54 = arith.constant 1 : i32
    %add3A_55 = arith.addi %mul3A_53, %add3A_54 : i32
    %dma_wait3A_56 = arith.constant 0 : i32
    %dma_wait3A_57 = tpu.memref_slice %arg3[%add3A_55, %dma_wait3A_56] : memref<2560x128xi32, #tpu.memory_space<hbm>> -> memref<1x128xi32, #tpu.memory_space<hbm>>
    %dma_wait3A_58 = arith.constant 0 : i32
    %dma_wait3A_59 = tpu.memref_slice %arg3[%add3A_55, %dma_wait3A_58] : memref<2560x128xi32, #tpu.memory_space<hbm>> -> memref<1x128xi32, #tpu.memory_space<hbm>>
    tpu.wait_dma2 semaphore(%arg15 : memref<!tpu.dma_semaphore, #tpu.memory_space<semaphore_mem>>) src(%dma_wait3A_59 : memref<1x128xi32, #tpu.memory_space<hbm>>) dst(%arg8 : memref<1x128xi32, #tpu.memory_space<vmem>>)
    %dma_start3A_60 = arith.constant 0 : i32
    %dma_start3A_61 = arith.constant 0 : i32
    %dma_start3A_62 = tpu.memref_slice %arg8[%dma_start3A_60, %dma_start3A_61] : memref<1x128xi32, #tpu.memory_space<vmem>> -> memref<1x128xi32, #tpu.memory_space<vmem>>
    %dma_start3A_63 = tpu.memref_squeeze %dma_start3A_62 : memref<1x128xi32, #tpu.memory_space<vmem>> -> memref<128xi32, #tpu.memory_space<vmem>>
    %dma_start3A_64 = arith.constant 0 : i32
    %dma_start3A_65 = arith.constant 0 : i32
    %dma_start3A_66 = tpu.memref_slice %arg2[%dma_start3A_64, %dma_start3A_65] : memref<10240x128xf32, #tpu.memory_space<hbm>> -> memref<10240x128xf32, #tpu.memory_space<hbm>>
    tpu.enqueue_indirect_dma source(%dma_start3A_66 : memref<10240x128xf32, #tpu.memory_space<hbm>>) target(%arg12 : memref<128x128xf32, #tpu.memory_space<vmem>>) offsets(%dma_start3A_63 : memref<128xi32, #tpu.memory_space<vmem>>) semaphore(%arg19 : memref<!tpu.dma_semaphore, #tpu.memory_space<semaphore_mem>>)
    %scan3A = arith.constant 0 : i32
    %scan3A_67 = arith.constant 0 : i32
    %scan3A_68 = arith.constant 19 : i32
    %scan3A_69 = arith.addi %scan3A_67, %scan3A_68 : i32
    %scan3A_70 = arith.constant 1 : i32
    scf.for %scan3A_138 = %scan3A_67 to %scan3A_69 step %scan3A_70  : i32 {
      %mul3A_139 = arith.constant 4 : i32
      %mul3A_140 = arith.muli %scan3A_138, %mul3A_139 : i32
      %add3A_141 = arith.constant 0 : i32
      %add3A_142 = arith.addi %mul3A_140, %add3A_141 : i32
      %dma_wait3A_143 = arith.constant 0 : i32
      %dma_wait3A_144 = arith.constant 0 : i32
      %dma_wait3A_145 = tpu.memref_slice %arg7[%dma_wait3A_143, %dma_wait3A_144] : memref<1x128xi32, #tpu.memory_space<vmem>> -> memref<1x128xi32, #tpu.memory_space<vmem>>
      %dma_wait3A_146 = tpu.memref_squeeze %dma_wait3A_145 : memref<1x128xi32, #tpu.memory_space<vmem>> -> memref<128xi32, #tpu.memory_space<vmem>>
      %dma_wait3A_147 = arith.constant 0 : i32
      %dma_wait3A_148 = arith.constant 0 : i32
      %dma_wait3A_149 = tpu.memref_slice %arg2[%dma_wait3A_147, %dma_wait3A_148] : memref<10240x128xf32, #tpu.memory_space<hbm>> -> memref<10240x128xf32, #tpu.memory_space<hbm>>
      tpu.wait_indirect_dma semaphore(%arg18 : memref<!tpu.dma_semaphore, #tpu.memory_space<semaphore_mem>>) src(%dma_wait3A_149 : memref<10240x128xf32, #tpu.memory_space<hbm>>) dst(%arg11 : memref<128x128xf32, #tpu.memory_space<vmem>>)
      "tpu.region"() ({
        %run_scoped3A_283 = tpu.sem_alloc : memref<!tpu.dma_semaphore, #tpu.memory_space<semaphore_mem>>
        %dma_start3A_284 = arith.constant 0 : i32
        %dma_start3A_285 = tpu.memref_slice %arg6[%add3A_142, %dma_start3A_284] : memref<80x128xi32, #tpu.memory_space<vmem>> -> memref<1x128xi32, #tpu.memory_space<vmem>>
        %dma_start3A_286 = tpu.memref_squeeze %dma_start3A_285 : memref<1x128xi32, #tpu.memory_space<vmem>> -> memref<128xi32, #tpu.memory_space<vmem>>
        %dma_start3A_287 = arith.constant 0 : i32
        %dma_start3A_288 = arith.constant 0 : i32
        %dma_start3A_289 = tpu.memref_slice %arg13[%dma_start3A_287, %dma_start3A_288] : memref<10240x128xf32, #tpu.memory_space<vmem_shared>> -> memref<10240x128xf32, #tpu.memory_space<vmem_shared>>
        tpu.enqueue_indirect_dma source(%arg11 : memref<128x128xf32, #tpu.memory_space<vmem>>) target(%dma_start3A_289 : memref<10240x128xf32, #tpu.memory_space<vmem_shared>>) offsets(%dma_start3A_286 : memref<128xi32, #tpu.memory_space<vmem>>) semaphore(%run_scoped3A_283 : memref<!tpu.dma_semaphore, #tpu.memory_space<semaphore_mem>>) {add = true}
        %dma_wait3A_290 = arith.constant 0 : i32
        %dma_wait3A_291 = tpu.memref_slice %arg6[%add3A_142, %dma_wait3A_290] : memref<80x128xi32, #tpu.memory_space<vmem>> -> memref<1x128xi32, #tpu.memory_space<vmem>>
        %dma_wait3A_292 = tpu.memref_squeeze %dma_wait3A_291 : memref<1x128xi32, #tpu.memory_space<vmem>> -> memref<128xi32, #tpu.memory_space<vmem>>
        %dma_wait3A_293 = arith.constant 0 : i32
        %dma_wait3A_294 = arith.constant 0 : i32
        %dma_wait3A_295 = tpu.memref_slice %arg13[%dma_wait3A_293, %dma_wait3A_294] : memref<10240x128xf32, #tpu.memory_space<vmem_shared>> -> memref<10240x128xf32, #tpu.memory_space<vmem_shared>>
        tpu.wait_indirect_dma semaphore(%run_scoped3A_283 : memref<!tpu.dma_semaphore, #tpu.memory_space<semaphore_mem>>) src(%arg11 : memref<128x128xf32, #tpu.memory_space<vmem>>) dst(%dma_wait3A_295 : memref<10240x128xf32, #tpu.memory_space<vmem_shared>>)
        tpu.yield
      }) : () -> ()
      %add3A_150 = arith.constant 4 : i32
      %add3A_151 = arith.addi %add3A_142, %add3A_150 : i32
      %mul3A_152 = arith.constant 80 : i32
      %mul3A_153 = arith.muli %add3A, %mul3A_152 : i32
      %add3A_154 = arith.addi %mul3A_153, %add3A_151 : i32
      %dma_start3A_155 = arith.constant 0 : i32
      %dma_start3A_156 = tpu.memref_slice %arg3[%add3A_154, %dma_start3A_155] : memref<2560x128xi32, #tpu.memory_space<hbm>> -> memref<1x128xi32, #tpu.memory_space<hbm>>
      %dma_start3A_157 = arith.constant 0 : i32
      %dma_start3A_158 = tpu.memref_slice %arg3[%add3A_154, %dma_start3A_157] : memref<2560x128xi32, #tpu.memory_space<hbm>> -> memref<1x128xi32, #tpu.memory_space<hbm>>
      tpu.enqueue_dma source(%dma_start3A_158 : memref<1x128xi32, #tpu.memory_space<hbm>>) target(%arg7 : memref<1x128xi32, #tpu.memory_space<vmem>>) target_semaphore(%arg14 : memref<!tpu.dma_semaphore, #tpu.memory_space<semaphore_mem>>)
      %add3A_159 = arith.constant 2 : i32
      %add3A_160 = arith.addi %add3A_142, %add3A_159 : i32
      %mul3A_161 = arith.constant 80 : i32
      %mul3A_162 = arith.muli %add3A, %mul3A_161 : i32
      %add3A_163 = arith.addi %mul3A_162, %add3A_160 : i32
      %dma_wait3A_164 = arith.constant 0 : i32
      %dma_wait3A_165 = tpu.memref_slice %arg3[%add3A_163, %dma_wait3A_164] : memref<2560x128xi32, #tpu.memory_space<hbm>> -> memref<1x128xi32, #tpu.memory_space<hbm>>
      %dma_wait3A_166 = arith.constant 0 : i32
      %dma_wait3A_167 = tpu.memref_slice %arg3[%add3A_163, %dma_wait3A_166] : memref<2560x128xi32, #tpu.memory_space<hbm>> -> memref<1x128xi32, #tpu.memory_space<hbm>>
      tpu.wait_dma2 semaphore(%arg16 : memref<!tpu.dma_semaphore, #tpu.memory_space<semaphore_mem>>) src(%dma_wait3A_167 : memref<1x128xi32, #tpu.memory_space<hbm>>) dst(%arg9 : memref<1x128xi32, #tpu.memory_space<vmem>>)
      %dma_start3A_168 = arith.constant 0 : i32
      %dma_start3A_169 = arith.constant 0 : i32
      %dma_start3A_170 = tpu.memref_slice %arg9[%dma_start3A_168, %dma_start3A_169] : memref<1x128xi32, #tpu.memory_space<vmem>> -> memref<1x128xi32, #tpu.memory_space<vmem>>
      %dma_start3A_171 = tpu.memref_squeeze %dma_start3A_170 : memref<1x128xi32, #tpu.memory_space<vmem>> -> memref<128xi32, #tpu.memory_space<vmem>>
      %dma_start3A_172 = arith.constant 0 : i32
      %dma_start3A_173 = arith.constant 0 : i32
      %dma_start3A_174 = tpu.memref_slice %arg2[%dma_start3A_172, %dma_start3A_173] : memref<10240x128xf32, #tpu.memory_space<hbm>> -> memref<10240x128xf32, #tpu.memory_space<hbm>>
      tpu.enqueue_indirect_dma source(%dma_start3A_174 : memref<10240x128xf32, #tpu.memory_space<hbm>>) target(%arg11 : memref<128x128xf32, #tpu.memory_space<vmem>>) offsets(%dma_start3A_171 : memref<128xi32, #tpu.memory_space<vmem>>) semaphore(%arg18 : memref<!tpu.dma_semaphore, #tpu.memory_space<semaphore_mem>>)
      %mul3A_175 = arith.constant 4 : i32
      %mul3A_176 = arith.muli %scan3A_138, %mul3A_175 : i32
      %add3A_177 = arith.constant 1 : i32
      %add3A_178 = arith.addi %mul3A_176, %add3A_177 : i32
      %dma_wait3A_179 = arith.constant 0 : i32
      %dma_wait3A_180 = arith.constant 0 : i32
      %dma_wait3A_181 = tpu.memref_slice %arg8[%dma_wait3A_179, %dma_wait3A_180] : memref<1x128xi32, #tpu.memory_space<vmem>> -> memref<1x128xi32, #tpu.memory_space<vmem>>
      %dma_wait3A_182 = tpu.memref_squeeze %dma_wait3A_181 : memref<1x128xi32, #tpu.memory_space<vmem>> -> memref<128xi32, #tpu.memory_space<vmem>>
      %dma_wait3A_183 = arith.constant 0 : i32
      %dma_wait3A_184 = arith.constant 0 : i32
      %dma_wait3A_185 = tpu.memref_slice %arg2[%dma_wait3A_183, %dma_wait3A_184] : memref<10240x128xf32, #tpu.memory_space<hbm>> -> memref<10240x128xf32, #tpu.memory_space<hbm>>
      tpu.wait_indirect_dma semaphore(%arg19 : memref<!tpu.dma_semaphore, #tpu.memory_space<semaphore_mem>>) src(%dma_wait3A_185 : memref<10240x128xf32, #tpu.memory_space<hbm>>) dst(%arg12 : memref<128x128xf32, #tpu.memory_space<vmem>>)
      "tpu.region"() ({
        %run_scoped3A_283 = tpu.sem_alloc : memref<!tpu.dma_semaphore, #tpu.memory_space<semaphore_mem>>
        %dma_start3A_284 = arith.constant 0 : i32
        %dma_start3A_285 = tpu.memref_slice %arg6[%add3A_178, %dma_start3A_284] : memref<80x128xi32, #tpu.memory_space<vmem>> -> memref<1x128xi32, #tpu.memory_space<vmem>>
        %dma_start3A_286 = tpu.memref_squeeze %dma_start3A_285 : memref<1x128xi32, #tpu.memory_space<vmem>> -> memref<128xi32, #tpu.memory_space<vmem>>
        %dma_start3A_287 = arith.constant 0 : i32
        %dma_start3A_288 = arith.constant 0 : i32
        %dma_start3A_289 = tpu.memref_slice %arg13[%dma_start3A_287, %dma_start3A_288] : memref<10240x128xf32, #tpu.memory_space<vmem_shared>> -> memref<10240x128xf32, #tpu.memory_space<vmem_shared>>
        tpu.enqueue_indirect_dma source(%arg12 : memref<128x128xf32, #tpu.memory_space<vmem>>) target(%dma_start3A_289 : memref<10240x128xf32, #tpu.memory_space<vmem_shared>>) offsets(%dma_start3A_286 : memref<128xi32, #tpu.memory_space<vmem>>) semaphore(%run_scoped3A_283 : memref<!tpu.dma_semaphore, #tpu.memory_space<semaphore_mem>>) {add = true}
        %dma_wait3A_290 = arith.constant 0 : i32
        %dma_wait3A_291 = tpu.memref_slice %arg6[%add3A_178, %dma_wait3A_290] : memref<80x128xi32, #tpu.memory_space<vmem>> -> memref<1x128xi32, #tpu.memory_space<vmem>>
        %dma_wait3A_292 = tpu.memref_squeeze %dma_wait3A_291 : memref<1x128xi32, #tpu.memory_space<vmem>> -> memref<128xi32, #tpu.memory_space<vmem>>
        %dma_wait3A_293 = arith.constant 0 : i32
        %dma_wait3A_294 = arith.constant 0 : i32
        %dma_wait3A_295 = tpu.memref_slice %arg13[%dma_wait3A_293, %dma_wait3A_294] : memref<10240x128xf32, #tpu.memory_space<vmem_shared>> -> memref<10240x128xf32, #tpu.memory_space<vmem_shared>>
        tpu.wait_indirect_dma semaphore(%run_scoped3A_283 : memref<!tpu.dma_semaphore, #tpu.memory_space<semaphore_mem>>) src(%arg12 : memref<128x128xf32, #tpu.memory_space<vmem>>) dst(%dma_wait3A_295 : memref<10240x128xf32, #tpu.memory_space<vmem_shared>>)
        tpu.yield
      }) : () -> ()
      %add3A_186 = arith.constant 4 : i32
      %add3A_187 = arith.addi %add3A_178, %add3A_186 : i32
      %mul3A_188 = arith.constant 80 : i32
      %mul3A_189 = arith.muli %add3A, %mul3A_188 : i32
      %add3A_190 = arith.addi %mul3A_189, %add3A_187 : i32
      %dma_start3A_191 = arith.constant 0 : i32
      %dma_start3A_192 = tpu.memref_slice %arg3[%add3A_190, %dma_start3A_191] : memref<2560x128xi32, #tpu.memory_space<hbm>> -> memref<1x128xi32, #tpu.memory_space<hbm>>
      %dma_start3A_193 = arith.constant 0 : i32
      %dma_start3A_194 = tpu.memref_slice %arg3[%add3A_190, %dma_start3A_193] : memref<2560x128xi32, #tpu.memory_space<hbm>> -> memref<1x128xi32, #tpu.memory_space<hbm>>
      tpu.enqueue_dma source(%dma_start3A_194 : memref<1x128xi32, #tpu.memory_space<hbm>>) target(%arg8 : memref<1x128xi32, #tpu.memory_space<vmem>>) target_semaphore(%arg15 : memref<!tpu.dma_semaphore, #tpu.memory_space<semaphore_mem>>)
      %add3A_195 = arith.constant 2 : i32
      %add3A_196 = arith.addi %add3A_178, %add3A_195 : i32
      %mul3A_197 = arith.constant 80 : i32
      %mul3A_198 = arith.muli %add3A, %mul3A_197 : i32
      %add3A_199 = arith.addi %mul3A_198, %add3A_196 : i32
      %dma_wait3A_200 = arith.constant 0 : i32
      %dma_wait3A_201 = tpu.memref_slice %arg3[%add3A_199, %dma_wait3A_200] : memref<2560x128xi32, #tpu.memory_space<hbm>> -> memref<1x128xi32, #tpu.memory_space<hbm>>
      %dma_wait3A_202 = arith.constant 0 : i32
      %dma_wait3A_203 = tpu.memref_slice %arg3[%add3A_199, %dma_wait3A_202] : memref<2560x128xi32, #tpu.memory_space<hbm>> -> memref<1x128xi32, #tpu.memory_space<hbm>>
      tpu.wait_dma2 semaphore(%arg17 : memref<!tpu.dma_semaphore, #tpu.memory_space<semaphore_mem>>) src(%dma_wait3A_203 : memref<1x128xi32, #tpu.memory_space<hbm>>) dst(%arg10 : memref<1x128xi32, #tpu.memory_space<vmem>>)
      %dma_start3A_204 = arith.constant 0 : i32
      %dma_start3A_205 = arith.constant 0 : i32
      %dma_start3A_206 = tpu.memref_slice %arg10[%dma_start3A_204, %dma_start3A_205] : memref<1x128xi32, #tpu.memory_space<vmem>> -> memref<1x128xi32, #tpu.memory_space<vmem>>
      %dma_start3A_207 = tpu.memref_squeeze %dma_start3A_206 : memref<1x128xi32, #tpu.memory_space<vmem>> -> memref<128xi32, #tpu.memory_space<vmem>>
      %dma_start3A_208 = arith.constant 0 : i32
      %dma_start3A_209 = arith.constant 0 : i32
      %dma_start3A_210 = tpu.memref_slice %arg2[%dma_start3A_208, %dma_start3A_209] : memref<10240x128xf32, #tpu.memory_space<hbm>> -> memref<10240x128xf32, #tpu.memory_space<hbm>>
      tpu.enqueue_indirect_dma source(%dma_start3A_210 : memref<10240x128xf32, #tpu.memory_space<hbm>>) target(%arg12 : memref<128x128xf32, #tpu.memory_space<vmem>>) offsets(%dma_start3A_207 : memref<128xi32, #tpu.memory_space<vmem>>) semaphore(%arg19 : memref<!tpu.dma_semaphore, #tpu.memory_space<semaphore_mem>>)
      %mul3A_211 = arith.constant 4 : i32
      %mul3A_212 = arith.muli %scan3A_138, %mul3A_211 : i32
      %add3A_213 = arith.constant 2 : i32
      %add3A_214 = arith.addi %mul3A_212, %add3A_213 : i32
      %dma_wait3A_215 = arith.constant 0 : i32
      %dma_wait3A_216 = arith.constant 0 : i32
      %dma_wait3A_217 = tpu.memref_slice %arg9[%dma_wait3A_215, %dma_wait3A_216] : memref<1x128xi32, #tpu.memory_space<vmem>> -> memref<1x128xi32, #tpu.memory_space<vmem>>
      %dma_wait3A_218 = tpu.memref_squeeze %dma_wait3A_217 : memref<1x128xi32, #tpu.memory_space<vmem>> -> memref<128xi32, #tpu.memory_space<vmem>>
      %dma_wait3A_219 = arith.constant 0 : i32
      %dma_wait3A_220 = arith.constant 0 : i32
      %dma_wait3A_221 = tpu.memref_slice %arg2[%dma_wait3A_219, %dma_wait3A_220] : memref<10240x128xf32, #tpu.memory_space<hbm>> -> memref<10240x128xf32, #tpu.memory_space<hbm>>
      tpu.wait_indirect_dma semaphore(%arg18 : memref<!tpu.dma_semaphore, #tpu.memory_space<semaphore_mem>>) src(%dma_wait3A_221 : memref<10240x128xf32, #tpu.memory_space<hbm>>) dst(%arg11 : memref<128x128xf32, #tpu.memory_space<vmem>>)
      "tpu.region"() ({
        %run_scoped3A_283 = tpu.sem_alloc : memref<!tpu.dma_semaphore, #tpu.memory_space<semaphore_mem>>
        %dma_start3A_284 = arith.constant 0 : i32
        %dma_start3A_285 = tpu.memref_slice %arg6[%add3A_214, %dma_start3A_284] : memref<80x128xi32, #tpu.memory_space<vmem>> -> memref<1x128xi32, #tpu.memory_space<vmem>>
        %dma_start3A_286 = tpu.memref_squeeze %dma_start3A_285 : memref<1x128xi32, #tpu.memory_space<vmem>> -> memref<128xi32, #tpu.memory_space<vmem>>
        %dma_start3A_287 = arith.constant 0 : i32
        %dma_start3A_288 = arith.constant 0 : i32
        %dma_start3A_289 = tpu.memref_slice %arg13[%dma_start3A_287, %dma_start3A_288] : memref<10240x128xf32, #tpu.memory_space<vmem_shared>> -> memref<10240x128xf32, #tpu.memory_space<vmem_shared>>
        tpu.enqueue_indirect_dma source(%arg11 : memref<128x128xf32, #tpu.memory_space<vmem>>) target(%dma_start3A_289 : memref<10240x128xf32, #tpu.memory_space<vmem_shared>>) offsets(%dma_start3A_286 : memref<128xi32, #tpu.memory_space<vmem>>) semaphore(%run_scoped3A_283 : memref<!tpu.dma_semaphore, #tpu.memory_space<semaphore_mem>>) {add = true}
        %dma_wait3A_290 = arith.constant 0 : i32
        %dma_wait3A_291 = tpu.memref_slice %arg6[%add3A_214, %dma_wait3A_290] : memref<80x128xi32, #tpu.memory_space<vmem>> -> memref<1x128xi32, #tpu.memory_space<vmem>>
        %dma_wait3A_292 = tpu.memref_squeeze %dma_wait3A_291 : memref<1x128xi32, #tpu.memory_space<vmem>> -> memref<128xi32, #tpu.memory_space<vmem>>
        %dma_wait3A_293 = arith.constant 0 : i32
        %dma_wait3A_294 = arith.constant 0 : i32
        %dma_wait3A_295 = tpu.memref_slice %arg13[%dma_wait3A_293, %dma_wait3A_294] : memref<10240x128xf32, #tpu.memory_space<vmem_shared>> -> memref<10240x128xf32, #tpu.memory_space<vmem_shared>>
        tpu.wait_indirect_dma semaphore(%run_scoped3A_283 : memref<!tpu.dma_semaphore, #tpu.memory_space<semaphore_mem>>) src(%arg11 : memref<128x128xf32, #tpu.memory_space<vmem>>) dst(%dma_wait3A_295 : memref<10240x128xf32, #tpu.memory_space<vmem_shared>>)
        tpu.yield
      }) : () -> ()
      %add3A_222 = arith.constant 4 : i32
      %add3A_223 = arith.addi %add3A_214, %add3A_222 : i32
      %mul3A_224 = arith.constant 80 : i32
      %mul3A_225 = arith.muli %add3A, %mul3A_224 : i32
      %add3A_226 = arith.addi %mul3A_225, %add3A_223 : i32
      %dma_start3A_227 = arith.constant 0 : i32
      %dma_start3A_228 = tpu.memref_slice %arg3[%add3A_226, %dma_start3A_227] : memref<2560x128xi32, #tpu.memory_space<hbm>> -> memref<1x128xi32, #tpu.memory_space<hbm>>
      %dma_start3A_229 = arith.constant 0 : i32
      %dma_start3A_230 = tpu.memref_slice %arg3[%add3A_226, %dma_start3A_229] : memref<2560x128xi32, #tpu.memory_space<hbm>> -> memref<1x128xi32, #tpu.memory_space<hbm>>
      tpu.enqueue_dma source(%dma_start3A_230 : memref<1x128xi32, #tpu.memory_space<hbm>>) target(%arg9 : memref<1x128xi32, #tpu.memory_space<vmem>>) target_semaphore(%arg16 : memref<!tpu.dma_semaphore, #tpu.memory_space<semaphore_mem>>)
      %add3A_231 = arith.constant 2 : i32
      %add3A_232 = arith.addi %add3A_214, %add3A_231 : i32
      %mul3A_233 = arith.constant 80 : i32
      %mul3A_234 = arith.muli %add3A, %mul3A_233 : i32
      %add3A_235 = arith.addi %mul3A_234, %add3A_232 : i32
      %dma_wait3A_236 = arith.constant 0 : i32
      %dma_wait3A_237 = tpu.memref_slice %arg3[%add3A_235, %dma_wait3A_236] : memref<2560x128xi32, #tpu.memory_space<hbm>> -> memref<1x128xi32, #tpu.memory_space<hbm>>
      %dma_wait3A_238 = arith.constant 0 : i32
      %dma_wait3A_239 = tpu.memref_slice %arg3[%add3A_235, %dma_wait3A_238] : memref<2560x128xi32, #tpu.memory_space<hbm>> -> memref<1x128xi32, #tpu.memory_space<hbm>>
      tpu.wait_dma2 semaphore(%arg14 : memref<!tpu.dma_semaphore, #tpu.memory_space<semaphore_mem>>) src(%dma_wait3A_239 : memref<1x128xi32, #tpu.memory_space<hbm>>) dst(%arg7 : memref<1x128xi32, #tpu.memory_space<vmem>>)
      %dma_start3A_240 = arith.constant 0 : i32
      %dma_start3A_241 = arith.constant 0 : i32
      %dma_start3A_242 = tpu.memref_slice %arg7[%dma_start3A_240, %dma_start3A_241] : memref<1x128xi32, #tpu.memory_space<vmem>> -> memref<1x128xi32, #tpu.memory_space<vmem>>
      %dma_start3A_243 = tpu.memref_squeeze %dma_start3A_242 : memref<1x128xi32, #tpu.memory_space<vmem>> -> memref<128xi32, #tpu.memory_space<vmem>>
      %dma_start3A_244 = arith.constant 0 : i32
      %dma_start3A_245 = arith.constant 0 : i32
      %dma_start3A_246 = tpu.memref_slice %arg2[%dma_start3A_244, %dma_start3A_245] : memref<10240x128xf32, #tpu.memory_space<hbm>> -> memref<10240x128xf32, #tpu.memory_space<hbm>>
      tpu.enqueue_indirect_dma source(%dma_start3A_246 : memref<10240x128xf32, #tpu.memory_space<hbm>>) target(%arg11 : memref<128x128xf32, #tpu.memory_space<vmem>>) offsets(%dma_start3A_243 : memref<128xi32, #tpu.memory_space<vmem>>) semaphore(%arg18 : memref<!tpu.dma_semaphore, #tpu.memory_space<semaphore_mem>>)
      %mul3A_247 = arith.constant 4 : i32
      %mul3A_248 = arith.muli %scan3A_138, %mul3A_247 : i32
      %add3A_249 = arith.constant 3 : i32
      %add3A_250 = arith.addi %mul3A_248, %add3A_249 : i32
      %dma_wait3A_251 = arith.constant 0 : i32
      %dma_wait3A_252 = arith.constant 0 : i32
      %dma_wait3A_253 = tpu.memref_slice %arg10[%dma_wait3A_251, %dma_wait3A_252] : memref<1x128xi32, #tpu.memory_space<vmem>> -> memref<1x128xi32, #tpu.memory_space<vmem>>
      %dma_wait3A_254 = tpu.memref_squeeze %dma_wait3A_253 : memref<1x128xi32, #tpu.memory_space<vmem>> -> memref<128xi32, #tpu.memory_space<vmem>>
      %dma_wait3A_255 = arith.constant 0 : i32
      %dma_wait3A_256 = arith.constant 0 : i32
      %dma_wait3A_257 = tpu.memref_slice %arg2[%dma_wait3A_255, %dma_wait3A_256] : memref<10240x128xf32, #tpu.memory_space<hbm>> -> memref<10240x128xf32, #tpu.memory_space<hbm>>
      tpu.wait_indirect_dma semaphore(%arg19 : memref<!tpu.dma_semaphore, #tpu.memory_space<semaphore_mem>>) src(%dma_wait3A_257 : memref<10240x128xf32, #tpu.memory_space<hbm>>) dst(%arg12 : memref<128x128xf32, #tpu.memory_space<vmem>>)
      "tpu.region"() ({
        %run_scoped3A_283 = tpu.sem_alloc : memref<!tpu.dma_semaphore, #tpu.memory_space<semaphore_mem>>
        %dma_start3A_284 = arith.constant 0 : i32
        %dma_start3A_285 = tpu.memref_slice %arg6[%add3A_250, %dma_start3A_284] : memref<80x128xi32, #tpu.memory_space<vmem>> -> memref<1x128xi32, #tpu.memory_space<vmem>>
        %dma_start3A_286 = tpu.memref_squeeze %dma_start3A_285 : memref<1x128xi32, #tpu.memory_space<vmem>> -> memref<128xi32, #tpu.memory_space<vmem>>
        %dma_start3A_287 = arith.constant 0 : i32
        %dma_start3A_288 = arith.constant 0 : i32
        %dma_start3A_289 = tpu.memref_slice %arg13[%dma_start3A_287, %dma_start3A_288] : memref<10240x128xf32, #tpu.memory_space<vmem_shared>> -> memref<10240x128xf32, #tpu.memory_space<vmem_shared>>
        tpu.enqueue_indirect_dma source(%arg12 : memref<128x128xf32, #tpu.memory_space<vmem>>) target(%dma_start3A_289 : memref<10240x128xf32, #tpu.memory_space<vmem_shared>>) offsets(%dma_start3A_286 : memref<128xi32, #tpu.memory_space<vmem>>) semaphore(%run_scoped3A_283 : memref<!tpu.dma_semaphore, #tpu.memory_space<semaphore_mem>>) {add = true}
        %dma_wait3A_290 = arith.constant 0 : i32
        %dma_wait3A_291 = tpu.memref_slice %arg6[%add3A_250, %dma_wait3A_290] : memref<80x128xi32, #tpu.memory_space<vmem>> -> memref<1x128xi32, #tpu.memory_space<vmem>>
        %dma_wait3A_292 = tpu.memref_squeeze %dma_wait3A_291 : memref<1x128xi32, #tpu.memory_space<vmem>> -> memref<128xi32, #tpu.memory_space<vmem>>
        %dma_wait3A_293 = arith.constant 0 : i32
        %dma_wait3A_294 = arith.constant 0 : i32
        %dma_wait3A_295 = tpu.memref_slice %arg13[%dma_wait3A_293, %dma_wait3A_294] : memref<10240x128xf32, #tpu.memory_space<vmem_shared>> -> memref<10240x128xf32, #tpu.memory_space<vmem_shared>>
        tpu.wait_indirect_dma semaphore(%run_scoped3A_283 : memref<!tpu.dma_semaphore, #tpu.memory_space<semaphore_mem>>) src(%arg12 : memref<128x128xf32, #tpu.memory_space<vmem>>) dst(%dma_wait3A_295 : memref<10240x128xf32, #tpu.memory_space<vmem_shared>>)
        tpu.yield
      }) : () -> ()
      %add3A_258 = arith.constant 4 : i32
      %add3A_259 = arith.addi %add3A_250, %add3A_258 : i32
      %mul3A_260 = arith.constant 80 : i32
      %mul3A_261 = arith.muli %add3A, %mul3A_260 : i32
      %add3A_262 = arith.addi %mul3A_261, %add3A_259 : i32
      %dma_start3A_263 = arith.constant 0 : i32
      %dma_start3A_264 = tpu.memref_slice %arg3[%add3A_262, %dma_start3A_263] : memref<2560x128xi32, #tpu.memory_space<hbm>> -> memref<1x128xi32, #tpu.memory_space<hbm>>
      %dma_start3A_265 = arith.constant 0 : i32
      %dma_start3A_266 = tpu.memref_slice %arg3[%add3A_262, %dma_start3A_265] : memref<2560x128xi32, #tpu.memory_space<hbm>> -> memref<1x128xi32, #tpu.memory_space<hbm>>
      tpu.enqueue_dma source(%dma_start3A_266 : memref<1x128xi32, #tpu.memory_space<hbm>>) target(%arg10 : memref<1x128xi32, #tpu.memory_space<vmem>>) target_semaphore(%arg17 : memref<!tpu.dma_semaphore, #tpu.memory_space<semaphore_mem>>)
      %add3A_267 = arith.constant 2 : i32
      %add3A_268 = arith.addi %add3A_250, %add3A_267 : i32
      %mul3A_269 = arith.constant 80 : i32
      %mul3A_270 = arith.muli %add3A, %mul3A_269 : i32
      %add3A_271 = arith.addi %mul3A_270, %add3A_268 : i32
      %dma_wait3A_272 = arith.constant 0 : i32
      %dma_wait3A_273 = tpu.memref_slice %arg3[%add3A_271, %dma_wait3A_272] : memref<2560x128xi32, #tpu.memory_space<hbm>> -> memref<1x128xi32, #tpu.memory_space<hbm>>
      %dma_wait3A_274 = arith.constant 0 : i32
      %dma_wait3A_275 = tpu.memref_slice %arg3[%add3A_271, %dma_wait3A_274] : memref<2560x128xi32, #tpu.memory_space<hbm>> -> memref<1x128xi32, #tpu.memory_space<hbm>>
      tpu.wait_dma2 semaphore(%arg15 : memref<!tpu.dma_semaphore, #tpu.memory_space<semaphore_mem>>) src(%dma_wait3A_275 : memref<1x128xi32, #tpu.memory_space<hbm>>) dst(%arg8 : memref<1x128xi32, #tpu.memory_space<vmem>>)
      %dma_start3A_276 = arith.constant 0 : i32
      %dma_start3A_277 = arith.constant 0 : i32
      %dma_start3A_278 = tpu.memref_slice %arg8[%dma_start3A_276, %dma_start3A_277] : memref<1x128xi32, #tpu.memory_space<vmem>> -> memref<1x128xi32, #tpu.memory_space<vmem>>
      %dma_start3A_279 = tpu.memref_squeeze %dma_start3A_278 : memref<1x128xi32, #tpu.memory_space<vmem>> -> memref<128xi32, #tpu.memory_space<vmem>>
      %dma_start3A_280 = arith.constant 0 : i32
      %dma_start3A_281 = arith.constant 0 : i32
      %dma_start3A_282 = tpu.memref_slice %arg2[%dma_start3A_280, %dma_start3A_281] : memref<10240x128xf32, #tpu.memory_space<hbm>> -> memref<10240x128xf32, #tpu.memory_space<hbm>>
      tpu.enqueue_indirect_dma source(%dma_start3A_282 : memref<10240x128xf32, #tpu.memory_space<hbm>>) target(%arg12 : memref<128x128xf32, #tpu.memory_space<vmem>>) offsets(%dma_start3A_279 : memref<128xi32, #tpu.memory_space<vmem>>) semaphore(%arg19 : memref<!tpu.dma_semaphore, #tpu.memory_space<semaphore_mem>>)
    }
    %scan3A_71 = arith.constant 19 : i32
    %dma_wait3A_72 = arith.constant 0 : i32
    %dma_wait3A_73 = arith.constant 0 : i32
    %dma_wait3A_74 = tpu.memref_slice %arg7[%dma_wait3A_72, %dma_wait3A_73] : memref<1x128xi32, #tpu.memory_space<vmem>> -> memref<1x128xi32, #tpu.memory_space<vmem>>
    %dma_wait3A_75 = tpu.memref_squeeze %dma_wait3A_74 : memref<1x128xi32, #tpu.memory_space<vmem>> -> memref<128xi32, #tpu.memory_space<vmem>>
    %dma_wait3A_76 = arith.constant 0 : i32
    %dma_wait3A_77 = arith.constant 0 : i32
    %dma_wait3A_78 = tpu.memref_slice %arg2[%dma_wait3A_76, %dma_wait3A_77] : memref<10240x128xf32, #tpu.memory_space<hbm>> -> memref<10240x128xf32, #tpu.memory_space<hbm>>
    tpu.wait_indirect_dma semaphore(%arg18 : memref<!tpu.dma_semaphore, #tpu.memory_space<semaphore_mem>>) src(%dma_wait3A_78 : memref<10240x128xf32, #tpu.memory_space<hbm>>) dst(%arg11 : memref<128x128xf32, #tpu.memory_space<vmem>>)
    %run_scoped3A = arith.constant 76 : i32
    "tpu.region"() ({
      %run_scoped3A_138 = tpu.sem_alloc : memref<!tpu.dma_semaphore, #tpu.memory_space<semaphore_mem>>
      %dma_start3A_139 = arith.constant 0 : i32
      %dma_start3A_140 = tpu.memref_slice %arg6[%run_scoped3A, %dma_start3A_139] : memref<80x128xi32, #tpu.memory_space<vmem>> -> memref<1x128xi32, #tpu.memory_space<vmem>>
      %dma_start3A_141 = tpu.memref_squeeze %dma_start3A_140 : memref<1x128xi32, #tpu.memory_space<vmem>> -> memref<128xi32, #tpu.memory_space<vmem>>
      %dma_start3A_142 = arith.constant 0 : i32
      %dma_start3A_143 = arith.constant 0 : i32
      %dma_start3A_144 = tpu.memref_slice %arg13[%dma_start3A_142, %dma_start3A_143] : memref<10240x128xf32, #tpu.memory_space<vmem_shared>> -> memref<10240x128xf32, #tpu.memory_space<vmem_shared>>
      tpu.enqueue_indirect_dma source(%arg11 : memref<128x128xf32, #tpu.memory_space<vmem>>) target(%dma_start3A_144 : memref<10240x128xf32, #tpu.memory_space<vmem_shared>>) offsets(%dma_start3A_141 : memref<128xi32, #tpu.memory_space<vmem>>) semaphore(%run_scoped3A_138 : memref<!tpu.dma_semaphore, #tpu.memory_space<semaphore_mem>>) {add = true}
      %dma_wait3A_145 = arith.constant 0 : i32
      %dma_wait3A_146 = tpu.memref_slice %arg6[%run_scoped3A, %dma_wait3A_145] : memref<80x128xi32, #tpu.memory_space<vmem>> -> memref<1x128xi32, #tpu.memory_space<vmem>>
      %dma_wait3A_147 = tpu.memref_squeeze %dma_wait3A_146 : memref<1x128xi32, #tpu.memory_space<vmem>> -> memref<128xi32, #tpu.memory_space<vmem>>
      %dma_wait3A_148 = arith.constant 0 : i32
      %dma_wait3A_149 = arith.constant 0 : i32
      %dma_wait3A_150 = tpu.memref_slice %arg13[%dma_wait3A_148, %dma_wait3A_149] : memref<10240x128xf32, #tpu.memory_space<vmem_shared>> -> memref<10240x128xf32, #tpu.memory_space<vmem_shared>>
      tpu.wait_indirect_dma semaphore(%run_scoped3A_138 : memref<!tpu.dma_semaphore, #tpu.memory_space<semaphore_mem>>) src(%arg11 : memref<128x128xf32, #tpu.memory_space<vmem>>) dst(%dma_wait3A_150 : memref<10240x128xf32, #tpu.memory_space<vmem_shared>>)
      tpu.yield
    }) : () -> ()
    %mul3A_79 = arith.constant 80 : i32
    %mul3A_80 = arith.muli %add3A, %mul3A_79 : i32
    %add3A_81 = arith.constant 78 : i32
    %add3A_82 = arith.addi %mul3A_80, %add3A_81 : i32
    %dma_wait3A_83 = arith.constant 0 : i32
    %dma_wait3A_84 = tpu.memref_slice %arg3[%add3A_82, %dma_wait3A_83] : memref<2560x128xi32, #tpu.memory_space<hbm>> -> memref<1x128xi32, #tpu.memory_space<hbm>>
    %dma_wait3A_85 = arith.constant 0 : i32
    %dma_wait3A_86 = tpu.memref_slice %arg3[%add3A_82, %dma_wait3A_85] : memref<2560x128xi32, #tpu.memory_space<hbm>> -> memref<1x128xi32, #tpu.memory_space<hbm>>
    tpu.wait_dma2 semaphore(%arg16 : memref<!tpu.dma_semaphore, #tpu.memory_space<semaphore_mem>>) src(%dma_wait3A_86 : memref<1x128xi32, #tpu.memory_space<hbm>>) dst(%arg9 : memref<1x128xi32, #tpu.memory_space<vmem>>)
    %dma_start3A_87 = arith.constant 0 : i32
    %dma_start3A_88 = arith.constant 0 : i32
    %dma_start3A_89 = tpu.memref_slice %arg9[%dma_start3A_87, %dma_start3A_88] : memref<1x128xi32, #tpu.memory_space<vmem>> -> memref<1x128xi32, #tpu.memory_space<vmem>>
    %dma_start3A_90 = tpu.memref_squeeze %dma_start3A_89 : memref<1x128xi32, #tpu.memory_space<vmem>> -> memref<128xi32, #tpu.memory_space<vmem>>
    %dma_start3A_91 = arith.constant 0 : i32
    %dma_start3A_92 = arith.constant 0 : i32
    %dma_start3A_93 = tpu.memref_slice %arg2[%dma_start3A_91, %dma_start3A_92] : memref<10240x128xf32, #tpu.memory_space<hbm>> -> memref<10240x128xf32, #tpu.memory_space<hbm>>
    tpu.enqueue_indirect_dma source(%dma_start3A_93 : memref<10240x128xf32, #tpu.memory_space<hbm>>) target(%arg11 : memref<128x128xf32, #tpu.memory_space<vmem>>) offsets(%dma_start3A_90 : memref<128xi32, #tpu.memory_space<vmem>>) semaphore(%arg18 : memref<!tpu.dma_semaphore, #tpu.memory_space<semaphore_mem>>)
    %dma_wait3A_94 = arith.constant 0 : i32
    %dma_wait3A_95 = arith.constant 0 : i32
    %dma_wait3A_96 = tpu.memref_slice %arg8[%dma_wait3A_94, %dma_wait3A_95] : memref<1x128xi32, #tpu.memory_space<vmem>> -> memref<1x128xi32, #tpu.memory_space<vmem>>
    %dma_wait3A_97 = tpu.memref_squeeze %dma_wait3A_96 : memref<1x128xi32, #tpu.memory_space<vmem>> -> memref<128xi32, #tpu.memory_space<vmem>>
    %dma_wait3A_98 = arith.constant 0 : i32
    %dma_wait3A_99 = arith.constant 0 : i32
    %dma_wait3A_100 = tpu.memref_slice %arg2[%dma_wait3A_98, %dma_wait3A_99] : memref<10240x128xf32, #tpu.memory_space<hbm>> -> memref<10240x128xf32, #tpu.memory_space<hbm>>
    tpu.wait_indirect_dma semaphore(%arg19 : memref<!tpu.dma_semaphore, #tpu.memory_space<semaphore_mem>>) src(%dma_wait3A_100 : memref<10240x128xf32, #tpu.memory_space<hbm>>) dst(%arg12 : memref<128x128xf32, #tpu.memory_space<vmem>>)
    %run_scoped3A_101 = arith.constant 77 : i32
    "tpu.region"() ({
      %run_scoped3A_138 = tpu.sem_alloc : memref<!tpu.dma_semaphore, #tpu.memory_space<semaphore_mem>>
      %dma_start3A_139 = arith.constant 0 : i32
      %dma_start3A_140 = tpu.memref_slice %arg6[%run_scoped3A_101, %dma_start3A_139] : memref<80x128xi32, #tpu.memory_space<vmem>> -> memref<1x128xi32, #tpu.memory_space<vmem>>
      %dma_start3A_141 = tpu.memref_squeeze %dma_start3A_140 : memref<1x128xi32, #tpu.memory_space<vmem>> -> memref<128xi32, #tpu.memory_space<vmem>>
      %dma_start3A_142 = arith.constant 0 : i32
      %dma_start3A_143 = arith.constant 0 : i32
      %dma_start3A_144 = tpu.memref_slice %arg13[%dma_start3A_142, %dma_start3A_143] : memref<10240x128xf32, #tpu.memory_space<vmem_shared>> -> memref<10240x128xf32, #tpu.memory_space<vmem_shared>>
      tpu.enqueue_indirect_dma source(%arg12 : memref<128x128xf32, #tpu.memory_space<vmem>>) target(%dma_start3A_144 : memref<10240x128xf32, #tpu.memory_space<vmem_shared>>) offsets(%dma_start3A_141 : memref<128xi32, #tpu.memory_space<vmem>>) semaphore(%run_scoped3A_138 : memref<!tpu.dma_semaphore, #tpu.memory_space<semaphore_mem>>) {add = true}
      %dma_wait3A_145 = arith.constant 0 : i32
      %dma_wait3A_146 = tpu.memref_slice %arg6[%run_scoped3A_101, %dma_wait3A_145] : memref<80x128xi32, #tpu.memory_space<vmem>> -> memref<1x128xi32, #tpu.memory_space<vmem>>
      %dma_wait3A_147 = tpu.memref_squeeze %dma_wait3A_146 : memref<1x128xi32, #tpu.memory_space<vmem>> -> memref<128xi32, #tpu.memory_space<vmem>>
      %dma_wait3A_148 = arith.constant 0 : i32
      %dma_wait3A_149 = arith.constant 0 : i32
      %dma_wait3A_150 = tpu.memref_slice %arg13[%dma_wait3A_148, %dma_wait3A_149] : memref<10240x128xf32, #tpu.memory_space<vmem_shared>> -> memref<10240x128xf32, #tpu.memory_space<vmem_shared>>
      tpu.wait_indirect_dma semaphore(%run_scoped3A_138 : memref<!tpu.dma_semaphore, #tpu.memory_space<semaphore_mem>>) src(%arg12 : memref<128x128xf32, #tpu.memory_space<vmem>>) dst(%dma_wait3A_150 : memref<10240x128xf32, #tpu.memory_space<vmem_shared>>)
      tpu.yield
    }) : () -> ()
    %mul3A_102 = arith.constant 80 : i32
    %mul3A_103 = arith.muli %add3A, %mul3A_102 : i32
    %add3A_104 = arith.constant 79 : i32
    %add3A_105 = arith.addi %mul3A_103, %add3A_104 : i32
    %dma_wait3A_106 = arith.constant 0 : i32
    %dma_wait3A_107 = tpu.memref_slice %arg3[%add3A_105, %dma_wait3A_106] : memref<2560x128xi32, #tpu.memory_space<hbm>> -> memref<1x128xi32, #tpu.memory_space<hbm>>
    %dma_wait3A_108 = arith.constant 0 : i32
    %dma_wait3A_109 = tpu.memref_slice %arg3[%add3A_105, %dma_wait3A_108] : memref<2560x128xi32, #tpu.memory_space<hbm>> -> memref<1x128xi32, #tpu.memory_space<hbm>>
    tpu.wait_dma2 semaphore(%arg17 : memref<!tpu.dma_semaphore, #tpu.memory_space<semaphore_mem>>) src(%dma_wait3A_109 : memref<1x128xi32, #tpu.memory_space<hbm>>) dst(%arg10 : memref<1x128xi32, #tpu.memory_space<vmem>>)
    %dma_start3A_110 = arith.constant 0 : i32
    %dma_start3A_111 = arith.constant 0 : i32
    %dma_start3A_112 = tpu.memref_slice %arg10[%dma_start3A_110, %dma_start3A_111] : memref<1x128xi32, #tpu.memory_space<vmem>> -> memref<1x128xi32, #tpu.memory_space<vmem>>
    %dma_start3A_113 = tpu.memref_squeeze %dma_start3A_112 : memref<1x128xi32, #tpu.memory_space<vmem>> -> memref<128xi32, #tpu.memory_space<vmem>>
    %dma_start3A_114 = arith.constant 0 : i32
    %dma_start3A_115 = arith.constant 0 : i32
    %dma_start3A_116 = tpu.memref_slice %arg2[%dma_start3A_114, %dma_start3A_115] : memref<10240x128xf32, #tpu.memory_space<hbm>> -> memref<10240x128xf32, #tpu.memory_space<hbm>>
    tpu.enqueue_indirect_dma source(%dma_start3A_116 : memref<10240x128xf32, #tpu.memory_space<hbm>>) target(%arg12 : memref<128x128xf32, #tpu.memory_space<vmem>>) offsets(%dma_start3A_113 : memref<128xi32, #tpu.memory_space<vmem>>) semaphore(%arg19 : memref<!tpu.dma_semaphore, #tpu.memory_space<semaphore_mem>>)
    %dma_wait3A_117 = arith.constant 0 : i32
    %dma_wait3A_118 = arith.constant 0 : i32
    %dma_wait3A_119 = tpu.memref_slice %arg9[%dma_wait3A_117, %dma_wait3A_118] : memref<1x128xi32, #tpu.memory_space<vmem>> -> memref<1x128xi32, #tpu.memory_space<vmem>>
    %dma_wait3A_120 = tpu.memref_squeeze %dma_wait3A_119 : memref<1x128xi32, #tpu.memory_space<vmem>> -> memref<128xi32, #tpu.memory_space<vmem>>
    %dma_wait3A_121 = arith.constant 0 : i32
    %dma_wait3A_122 = arith.constant 0 : i32
    %dma_wait3A_123 = tpu.memref_slice %arg2[%dma_wait3A_121, %dma_wait3A_122] : memref<10240x128xf32, #tpu.memory_space<hbm>> -> memref<10240x128xf32, #tpu.memory_space<hbm>>
    tpu.wait_indirect_dma semaphore(%arg18 : memref<!tpu.dma_semaphore, #tpu.memory_space<semaphore_mem>>) src(%dma_wait3A_123 : memref<10240x128xf32, #tpu.memory_space<hbm>>) dst(%arg11 : memref<128x128xf32, #tpu.memory_space<vmem>>)
    %run_scoped3A_124 = arith.constant 78 : i32
    "tpu.region"() ({
      %run_scoped3A_138 = tpu.sem_alloc : memref<!tpu.dma_semaphore, #tpu.memory_space<semaphore_mem>>
      %dma_start3A_139 = arith.constant 0 : i32
      %dma_start3A_140 = tpu.memref_slice %arg6[%run_scoped3A_124, %dma_start3A_139] : memref<80x128xi32, #tpu.memory_space<vmem>> -> memref<1x128xi32, #tpu.memory_space<vmem>>
      %dma_start3A_141 = tpu.memref_squeeze %dma_start3A_140 : memref<1x128xi32, #tpu.memory_space<vmem>> -> memref<128xi32, #tpu.memory_space<vmem>>
      %dma_start3A_142 = arith.constant 0 : i32
      %dma_start3A_143 = arith.constant 0 : i32
      %dma_start3A_144 = tpu.memref_slice %arg13[%dma_start3A_142, %dma_start3A_143] : memref<10240x128xf32, #tpu.memory_space<vmem_shared>> -> memref<10240x128xf32, #tpu.memory_space<vmem_shared>>
      tpu.enqueue_indirect_dma source(%arg11 : memref<128x128xf32, #tpu.memory_space<vmem>>) target(%dma_start3A_144 : memref<10240x128xf32, #tpu.memory_space<vmem_shared>>) offsets(%dma_start3A_141 : memref<128xi32, #tpu.memory_space<vmem>>) semaphore(%run_scoped3A_138 : memref<!tpu.dma_semaphore, #tpu.memory_space<semaphore_mem>>) {add = true}
      %dma_wait3A_145 = arith.constant 0 : i32
      %dma_wait3A_146 = tpu.memref_slice %arg6[%run_scoped3A_124, %dma_wait3A_145] : memref<80x128xi32, #tpu.memory_space<vmem>> -> memref<1x128xi32, #tpu.memory_space<vmem>>
      %dma_wait3A_147 = tpu.memref_squeeze %dma_wait3A_146 : memref<1x128xi32, #tpu.memory_space<vmem>> -> memref<128xi32, #tpu.memory_space<vmem>>
      %dma_wait3A_148 = arith.constant 0 : i32
      %dma_wait3A_149 = arith.constant 0 : i32
      %dma_wait3A_150 = tpu.memref_slice %arg13[%dma_wait3A_148, %dma_wait3A_149] : memref<10240x128xf32, #tpu.memory_space<vmem_shared>> -> memref<10240x128xf32, #tpu.memory_space<vmem_shared>>
      tpu.wait_indirect_dma semaphore(%run_scoped3A_138 : memref<!tpu.dma_semaphore, #tpu.memory_space<semaphore_mem>>) src(%arg11 : memref<128x128xf32, #tpu.memory_space<vmem>>) dst(%dma_wait3A_150 : memref<10240x128xf32, #tpu.memory_space<vmem_shared>>)
      tpu.yield
    }) : () -> ()
    %dma_wait3A_125 = arith.constant 0 : i32
    %dma_wait3A_126 = arith.constant 0 : i32
    %dma_wait3A_127 = tpu.memref_slice %arg10[%dma_wait3A_125, %dma_wait3A_126] : memref<1x128xi32, #tpu.memory_space<vmem>> -> memref<1x128xi32, #tpu.memory_space<vmem>>
    %dma_wait3A_128 = tpu.memref_squeeze %dma_wait3A_127 : memref<1x128xi32, #tpu.memory_space<vmem>> -> memref<128xi32, #tpu.memory_space<vmem>>
    %dma_wait3A_129 = arith.constant 0 : i32
    %dma_wait3A_130 = arith.constant 0 : i32
    %dma_wait3A_131 = tpu.memref_slice %arg2[%dma_wait3A_129, %dma_wait3A_130] : memref<10240x128xf32, #tpu.memory_space<hbm>> -> memref<10240x128xf32, #tpu.memory_space<hbm>>
    tpu.wait_indirect_dma semaphore(%arg19 : memref<!tpu.dma_semaphore, #tpu.memory_space<semaphore_mem>>) src(%dma_wait3A_131 : memref<10240x128xf32, #tpu.memory_space<hbm>>) dst(%arg12 : memref<128x128xf32, #tpu.memory_space<vmem>>)
    %run_scoped3A_132 = arith.constant 79 : i32
    "tpu.region"() ({
      %run_scoped3A_138 = tpu.sem_alloc : memref<!tpu.dma_semaphore, #tpu.memory_space<semaphore_mem>>
      %dma_start3A_139 = arith.constant 0 : i32
      %dma_start3A_140 = tpu.memref_slice %arg6[%run_scoped3A_132, %dma_start3A_139] : memref<80x128xi32, #tpu.memory_space<vmem>> -> memref<1x128xi32, #tpu.memory_space<vmem>>
      %dma_start3A_141 = tpu.memref_squeeze %dma_start3A_140 : memref<1x128xi32, #tpu.memory_space<vmem>> -> memref<128xi32, #tpu.memory_space<vmem>>
      %dma_start3A_142 = arith.constant 0 : i32
      %dma_start3A_143 = arith.constant 0 : i32
      %dma_start3A_144 = tpu.memref_slice %arg13[%dma_start3A_142, %dma_start3A_143] : memref<10240x128xf32, #tpu.memory_space<vmem_shared>> -> memref<10240x128xf32, #tpu.memory_space<vmem_shared>>
      tpu.enqueue_indirect_dma source(%arg12 : memref<128x128xf32, #tpu.memory_space<vmem>>) target(%dma_start3A_144 : memref<10240x128xf32, #tpu.memory_space<vmem_shared>>) offsets(%dma_start3A_141 : memref<128xi32, #tpu.memory_space<vmem>>) semaphore(%run_scoped3A_138 : memref<!tpu.dma_semaphore, #tpu.memory_space<semaphore_mem>>) {add = true}
      %dma_wait3A_145 = arith.constant 0 : i32
      %dma_wait3A_146 = tpu.memref_slice %arg6[%run_scoped3A_132, %dma_wait3A_145] : memref<80x128xi32, #tpu.memory_space<vmem>> -> memref<1x128xi32, #tpu.memory_space<vmem>>
      %dma_wait3A_147 = tpu.memref_squeeze %dma_wait3A_146 : memref<1x128xi32, #tpu.memory_space<vmem>> -> memref<128xi32, #tpu.memory_space<vmem>>
      %dma_wait3A_148 = arith.constant 0 : i32
      %dma_wait3A_149 = arith.constant 0 : i32
      %dma_wait3A_150 = tpu.memref_slice %arg13[%dma_wait3A_148, %dma_wait3A_149] : memref<10240x128xf32, #tpu.memory_space<vmem_shared>> -> memref<10240x128xf32, #tpu.memory_space<vmem_shared>>
      tpu.wait_indirect_dma semaphore(%run_scoped3A_138 : memref<!tpu.dma_semaphore, #tpu.memory_space<semaphore_mem>>) src(%arg12 : memref<128x128xf32, #tpu.memory_space<vmem>>) dst(%dma_wait3A_150 : memref<10240x128xf32, #tpu.memory_space<vmem_shared>>)
      tpu.yield
    }) : () -> ()
    %barrier3A_133 = arith.constant 0 : index
    tpu.barrier barrier_id(%barrier3A_133)
    %mul3A_134 = arith.constant 640 : i32
    %mul3A_135 = arith.muli %arg1, %mul3A_134 : i32
    %mul3A_136 = arith.constant 640 : i32
    %mul3A_137 = arith.muli %arg1, %mul3A_136 : i32
    "tpu.region"() ({
      %run_scoped3A_138 = tpu.sem_alloc : memref<!tpu.dma_semaphore, #tpu.memory_space<semaphore_mem>>
      %dma_start3A_139 = arith.constant 0 : i32
      %dma_start3A_140 = tpu.memref_slice %arg5[%arg0, %mul3A_137, %dma_start3A_139] : memref<2x10240x128xf32, #tpu.memory_space<hbm>> -> memref<1x640x128xf32, #tpu.memory_space<hbm>>
      %dma_start3A_141 = tpu.memref_squeeze %dma_start3A_140 : memref<1x640x128xf32, #tpu.memory_space<hbm>> -> memref<640x128xf32, #tpu.memory_space<hbm>>
      %dma_start3A_142 = arith.constant 0 : i32
      %dma_start3A_143 = tpu.memref_slice %arg13[%mul3A_135, %dma_start3A_142] : memref<10240x128xf32, #tpu.memory_space<vmem_shared>> -> memref<640x128xf32, #tpu.memory_space<vmem_shared>>
      tpu.enqueue_dma source(%dma_start3A_143 : memref<640x128xf32, #tpu.memory_space<vmem_shared>>) target(%dma_start3A_141 : memref<640x128xf32, #tpu.memory_space<hbm>>) target_semaphore(%run_scoped3A_138 : memref<!tpu.dma_semaphore, #tpu.memory_space<semaphore_mem>>)
      %dma_wait3A_144 = arith.constant 0 : i32
      %dma_wait3A_145 = tpu.memref_slice %arg5[%arg0, %mul3A_137, %dma_wait3A_144] : memref<2x10240x128xf32, #tpu.memory_space<hbm>> -> memref<1x640x128xf32, #tpu.memory_space<hbm>>
      %dma_wait3A_146 = tpu.memref_squeeze %dma_wait3A_145 : memref<1x640x128xf32, #tpu.memory_space<hbm>> -> memref<640x128xf32, #tpu.memory_space<hbm>>
      %dma_wait3A_147 = arith.constant 0 : i32
      %dma_wait3A_148 = tpu.memref_slice %arg13[%mul3A_135, %dma_wait3A_147] : memref<10240x128xf32, #tpu.memory_space<vmem_shared>> -> memref<640x128xf32, #tpu.memory_space<vmem_shared>>
      tpu.wait_dma2 semaphore(%run_scoped3A_138 : memref<!tpu.dma_semaphore, #tpu.memory_space<semaphore_mem>>) src(%dma_wait3A_148 : memref<640x128xf32, #tpu.memory_space<vmem_shared>>) dst(%dma_wait3A_146 : memref<640x128xf32, #tpu.memory_space<hbm>>)
      tpu.yield
    }) : () -> ()
    return
  }
}

#map = affine_map<(d0, d1) -> (0, 0)>
#map1 = affine_map<(d0, d1) -> (0, 0, 0)>
module attributes {stable_mosaic.version = 14 : i64} {
  func.func @_agg_sc(%arg0: i32, %arg1: i32, %arg2: memref<10240x128xf32, #tpu.memory_space<hbm>>, %arg3: memref<2560x128xi32, #tpu.memory_space<hbm>>, %arg4: memref<2560x128xi32, #tpu.memory_space<hbm>>, %arg5: memref<2x10240x128xf32, #tpu.memory_space<hbm>>, %arg6: memref<80x128xi32, #tpu.memory_space<vmem>>, %arg7: memref<1x128xi32, #tpu.memory_space<vmem>>, %arg8: memref<1x128xi32, #tpu.memory_space<vmem>>, %arg9: memref<1x128xi32, #tpu.memory_space<vmem>>, %arg10: memref<1x128xi32, #tpu.memory_space<vmem>>, %arg11: memref<128x128xf32, #tpu.memory_space<vmem>>, %arg12: memref<128x128xf32, #tpu.memory_space<vmem>>, %arg13: memref<10240x128xf32, #tpu.memory_space<vmem_shared>>, %arg14: memref<!tpu.dma_semaphore, #tpu.memory_space<semaphore_mem>>, %arg15: memref<!tpu.dma_semaphore, #tpu.memory_space<semaphore_mem>>, %arg16: memref<!tpu.dma_semaphore, #tpu.memory_space<semaphore_mem>>, %arg17: memref<!tpu.dma_semaphore, #tpu.memory_space<semaphore_mem>>, %arg18: memref<!tpu.dma_semaphore, #tpu.memory_space<semaphore_mem>>, %arg19: memref<!tpu.dma_semaphore, #tpu.memory_space<semaphore_mem>>) attributes {dimension_semantics = [#tpu.dimension_semantics<core_parallel>, #tpu.dimension_semantics<subcore_parallel>], iteration_bounds = array<i64: 2, 16>, scalar_prefetch = 0 : i64, scratch_operands = 14 : i64, tpu.core_type = #tpu.core_type<sc_vector_subcore>, window_params = [{transform_indices = #map}, {transform_indices = #map}, {transform_indices = #map}, {transform_indices = #map1}]} {
    %mul3A = arith.constant 16 : i32
    %mul3A_0 = arith.muli %arg0, %mul3A : i32
    %add3A = arith.addi %mul3A_0, %arg1 : i32
    %mul3A_1 = arith.constant 80 : i32
    %mul3A_2 = arith.muli %add3A, %mul3A_1 : i32
    "tpu.region"() ({
      %run_scoped3A_138 = tpu.sem_alloc : memref<!tpu.dma_semaphore, #tpu.memory_space<semaphore_mem>>
      %dma_start3A_139 = arith.constant 0 : i32
      %dma_start3A_140 = tpu.memref_slice %arg4[%mul3A_2, %dma_start3A_139] : memref<2560x128xi32, #tpu.memory_space<hbm>> -> memref<80x128xi32, #tpu.memory_space<hbm>>
      %dma_start3A_141 = arith.constant 0 : i32
      %dma_start3A_142 = tpu.memref_slice %arg4[%mul3A_2, %dma_start3A_141] : memref<2560x128xi32, #tpu.memory_space<hbm>> -> memref<80x128xi32, #tpu.memory_space<hbm>>
      tpu.enqueue_dma source(%dma_start3A_142 : memref<80x128xi32, #tpu.memory_space<hbm>>) target(%arg6 : memref<80x128xi32, #tpu.memory_space<vmem>>) target_semaphore(%run_scoped3A_138 : memref<!tpu.dma_semaphore, #tpu.memory_space<semaphore_mem>>)
      %dma_wait3A_143 = arith.constant 0 : i32
      %dma_wait3A_144 = tpu.memref_slice %arg4[%mul3A_2, %dma_wait3A_143] : memref<2560x128xi32, #tpu.memory_space<hbm>> -> memref<80x128xi32, #tpu.memory_space<hbm>>
      %dma_wait3A_145 = arith.constant 0 : i32
      %dma_wait3A_146 = tpu.memref_slice %arg4[%mul3A_2, %dma_wait3A_145] : memref<2560x128xi32, #tpu.memory_space<hbm>> -> memref<80x128xi32, #tpu.memory_space<hbm>>
      tpu.wait_dma2 semaphore(%run_scoped3A_138 : memref<!tpu.dma_semaphore, #tpu.memory_space<semaphore_mem>>) src(%dma_wait3A_146 : memref<80x128xi32, #tpu.memory_space<hbm>>) dst(%arg6 : memref<80x128xi32, #tpu.memory_space<vmem>>)
      tpu.yield
    }) : () -> ()
    %mul3A_3 = arith.constant 640 : i32
    %mul3A_4 = arith.muli %arg1, %mul3A_3 : i32
    %mul3A_5 = arith.constant 640 : i32
    %mul3A_6 = arith.muli %arg1, %mul3A_5 : i32
    "tpu.region"() ({
      %run_scoped3A_138 = tpu.sem_alloc : memref<!tpu.dma_semaphore, #tpu.memory_space<semaphore_mem>>
      %dma_start3A_139 = arith.constant 0 : i32
      %dma_start3A_140 = tpu.memref_slice %arg13[%mul3A_6, %dma_start3A_139] : memref<10240x128xf32, #tpu.memory_space<vmem_shared>> -> memref<640x128xf32, #tpu.memory_space<vmem_shared>>
      %dma_start3A_141 = arith.constant 0 : i32
      %dma_start3A_142 = tpu.memref_slice %arg2[%mul3A_4, %dma_start3A_141] : memref<10240x128xf32, #tpu.memory_space<hbm>> -> memref<640x128xf32, #tpu.memory_space<hbm>>
      tpu.enqueue_dma source(%dma_start3A_142 : memref<640x128xf32, #tpu.memory_space<hbm>>) target(%dma_start3A_140 : memref<640x128xf32, #tpu.memory_space<vmem_shared>>) target_semaphore(%run_scoped3A_138 : memref<!tpu.dma_semaphore, #tpu.memory_space<semaphore_mem>>)
      %dma_wait3A_143 = arith.constant 0 : i32
      %dma_wait3A_144 = tpu.memref_slice %arg13[%mul3A_6, %dma_wait3A_143] : memref<10240x128xf32, #tpu.memory_space<vmem_shared>> -> memref<640x128xf32, #tpu.memory_space<vmem_shared>>
      %dma_wait3A_145 = arith.constant 0 : i32
      %dma_wait3A_146 = tpu.memref_slice %arg2[%mul3A_4, %dma_wait3A_145] : memref<10240x128xf32, #tpu.memory_space<hbm>> -> memref<640x128xf32, #tpu.memory_space<hbm>>
      tpu.wait_dma2 semaphore(%run_scoped3A_138 : memref<!tpu.dma_semaphore, #tpu.memory_space<semaphore_mem>>) src(%dma_wait3A_146 : memref<640x128xf32, #tpu.memory_space<hbm>>) dst(%dma_wait3A_144 : memref<640x128xf32, #tpu.memory_space<vmem_shared>>)
      tpu.yield
    }) : () -> ()
    %barrier3A = arith.constant 0 : index
    tpu.barrier barrier_id(%barrier3A)
    %mul3A_7 = arith.constant 80 : i32
    %mul3A_8 = arith.muli %add3A, %mul3A_7 : i32
    %add3A_9 = arith.constant 0 : i32
    %add3A_10 = arith.addi %mul3A_8, %add3A_9 : i32
    %dma_start3A = arith.constant 0 : i32
    %dma_start3A_11 = tpu.memref_slice %arg3[%add3A_10, %dma_start3A] : memref<2560x128xi32, #tpu.memory_space<hbm>> -> memref<1x128xi32, #tpu.memory_space<hbm>>
    %dma_start3A_12 = arith.constant 0 : i32
    %dma_start3A_13 = tpu.memref_slice %arg3[%add3A_10, %dma_start3A_12] : memref<2560x128xi32, #tpu.memory_space<hbm>> -> memref<1x128xi32, #tpu.memory_space<hbm>>
    tpu.enqueue_dma source(%dma_start3A_13 : memref<1x128xi32, #tpu.memory_space<hbm>>) target(%arg7 : memref<1x128xi32, #tpu.memory_space<vmem>>) target_semaphore(%arg14 : memref<!tpu.dma_semaphore, #tpu.memory_space<semaphore_mem>>)
    %mul3A_14 = arith.constant 80 : i32
    %mul3A_15 = arith.muli %add3A, %mul3A_14 : i32
    %add3A_16 = arith.constant 1 : i32
    %add3A_17 = arith.addi %mul3A_15, %add3A_16 : i32
    %dma_start3A_18 = arith.constant 0 : i32
    %dma_start3A_19 = tpu.memref_slice %arg3[%add3A_17, %dma_start3A_18] : memref<2560x128xi32, #tpu.memory_space<hbm>> -> memref<1x128xi32, #tpu.memory_space<hbm>>
    %dma_start3A_20 = arith.constant 0 : i32
    %dma_start3A_21 = tpu.memref_slice %arg3[%add3A_17, %dma_start3A_20] : memref<2560x128xi32, #tpu.memory_space<hbm>> -> memref<1x128xi32, #tpu.memory_space<hbm>>
    tpu.enqueue_dma source(%dma_start3A_21 : memref<1x128xi32, #tpu.memory_space<hbm>>) target(%arg8 : memref<1x128xi32, #tpu.memory_space<vmem>>) target_semaphore(%arg15 : memref<!tpu.dma_semaphore, #tpu.memory_space<semaphore_mem>>)
    %mul3A_22 = arith.constant 80 : i32
    %mul3A_23 = arith.muli %add3A, %mul3A_22 : i32
    %add3A_24 = arith.constant 2 : i32
    %add3A_25 = arith.addi %mul3A_23, %add3A_24 : i32
    %dma_start3A_26 = arith.constant 0 : i32
    %dma_start3A_27 = tpu.memref_slice %arg3[%add3A_25, %dma_start3A_26] : memref<2560x128xi32, #tpu.memory_space<hbm>> -> memref<1x128xi32, #tpu.memory_space<hbm>>
    %dma_start3A_28 = arith.constant 0 : i32
    %dma_start3A_29 = tpu.memref_slice %arg3[%add3A_25, %dma_start3A_28] : memref<2560x128xi32, #tpu.memory_space<hbm>> -> memref<1x128xi32, #tpu.memory_space<hbm>>
    tpu.enqueue_dma source(%dma_start3A_29 : memref<1x128xi32, #tpu.memory_space<hbm>>) target(%arg9 : memref<1x128xi32, #tpu.memory_space<vmem>>) target_semaphore(%arg16 : memref<!tpu.dma_semaphore, #tpu.memory_space<semaphore_mem>>)
    %mul3A_30 = arith.constant 80 : i32
    %mul3A_31 = arith.muli %add3A, %mul3A_30 : i32
    %add3A_32 = arith.constant 3 : i32
    %add3A_33 = arith.addi %mul3A_31, %add3A_32 : i32
    %dma_start3A_34 = arith.constant 0 : i32
    %dma_start3A_35 = tpu.memref_slice %arg3[%add3A_33, %dma_start3A_34] : memref<2560x128xi32, #tpu.memory_space<hbm>> -> memref<1x128xi32, #tpu.memory_space<hbm>>
    %dma_start3A_36 = arith.constant 0 : i32
    %dma_start3A_37 = tpu.memref_slice %arg3[%add3A_33, %dma_start3A_36] : memref<2560x128xi32, #tpu.memory_space<hbm>> -> memref<1x128xi32, #tpu.memory_space<hbm>>
    tpu.enqueue_dma source(%dma_start3A_37 : memref<1x128xi32, #tpu.memory_space<hbm>>) target(%arg10 : memref<1x128xi32, #tpu.memory_space<vmem>>) target_semaphore(%arg17 : memref<!tpu.dma_semaphore, #tpu.memory_space<semaphore_mem>>)
    %mul3A_38 = arith.constant 80 : i32
    %mul3A_39 = arith.muli %add3A, %mul3A_38 : i32
    %add3A_40 = arith.constant 0 : i32
    %add3A_41 = arith.addi %mul3A_39, %add3A_40 : i32
    %dma_wait3A = arith.constant 0 : i32
    %dma_wait3A_42 = tpu.memref_slice %arg3[%add3A_41, %dma_wait3A] : memref<2560x128xi32, #tpu.memory_space<hbm>> -> memref<1x128xi32, #tpu.memory_space<hbm>>
    %dma_wait3A_43 = arith.constant 0 : i32
    %dma_wait3A_44 = tpu.memref_slice %arg3[%add3A_41, %dma_wait3A_43] : memref<2560x128xi32, #tpu.memory_space<hbm>> -> memref<1x128xi32, #tpu.memory_space<hbm>>
    tpu.wait_dma2 semaphore(%arg14 : memref<!tpu.dma_semaphore, #tpu.memory_space<semaphore_mem>>) src(%dma_wait3A_44 : memref<1x128xi32, #tpu.memory_space<hbm>>) dst(%arg7 : memref<1x128xi32, #tpu.memory_space<vmem>>)
    %dma_start3A_45 = arith.constant 0 : i32
    %dma_start3A_46 = arith.constant 0 : i32
    %dma_start3A_47 = tpu.memref_slice %arg7[%dma_start3A_45, %dma_start3A_46] : memref<1x128xi32, #tpu.memory_space<vmem>> -> memref<1x128xi32, #tpu.memory_space<vmem>>
    %dma_start3A_48 = tpu.memref_squeeze %dma_start3A_47 : memref<1x128xi32, #tpu.memory_space<vmem>> -> memref<128xi32, #tpu.memory_space<vmem>>
    %dma_start3A_49 = arith.constant 0 : i32
    %dma_start3A_50 = arith.constant 0 : i32
    %dma_start3A_51 = tpu.memref_slice %arg2[%dma_start3A_49, %dma_start3A_50] : memref<10240x128xf32, #tpu.memory_space<hbm>> -> memref<10240x128xf32, #tpu.memory_space<hbm>>
    tpu.enqueue_indirect_dma source(%dma_start3A_51 : memref<10240x128xf32, #tpu.memory_space<hbm>>) target(%arg11 : memref<128x128xf32, #tpu.memory_space<vmem>>) offsets(%dma_start3A_48 : memref<128xi32, #tpu.memory_space<vmem>>) semaphore(%arg18 : memref<!tpu.dma_semaphore, #tpu.memory_space<semaphore_mem>>)
    %mul3A_52 = arith.constant 80 : i32
    %mul3A_53 = arith.muli %add3A, %mul3A_52 : i32
    %add3A_54 = arith.constant 1 : i32
    %add3A_55 = arith.addi %mul3A_53, %add3A_54 : i32
    %dma_wait3A_56 = arith.constant 0 : i32
    %dma_wait3A_57 = tpu.memref_slice %arg3[%add3A_55, %dma_wait3A_56] : memref<2560x128xi32, #tpu.memory_space<hbm>> -> memref<1x128xi32, #tpu.memory_space<hbm>>
    %dma_wait3A_58 = arith.constant 0 : i32
    %dma_wait3A_59 = tpu.memref_slice %arg3[%add3A_55, %dma_wait3A_58] : memref<2560x128xi32, #tpu.memory_space<hbm>> -> memref<1x128xi32, #tpu.memory_space<hbm>>
    tpu.wait_dma2 semaphore(%arg15 : memref<!tpu.dma_semaphore, #tpu.memory_space<semaphore_mem>>) src(%dma_wait3A_59 : memref<1x128xi32, #tpu.memory_space<hbm>>) dst(%arg8 : memref<1x128xi32, #tpu.memory_space<vmem>>)
    %dma_start3A_60 = arith.constant 0 : i32
    %dma_start3A_61 = arith.constant 0 : i32
    %dma_start3A_62 = tpu.memref_slice %arg8[%dma_start3A_60, %dma_start3A_61] : memref<1x128xi32, #tpu.memory_space<vmem>> -> memref<1x128xi32, #tpu.memory_space<vmem>>
    %dma_start3A_63 = tpu.memref_squeeze %dma_start3A_62 : memref<1x128xi32, #tpu.memory_space<vmem>> -> memref<128xi32, #tpu.memory_space<vmem>>
    %dma_start3A_64 = arith.constant 0 : i32
    %dma_start3A_65 = arith.constant 0 : i32
    %dma_start3A_66 = tpu.memref_slice %arg2[%dma_start3A_64, %dma_start3A_65] : memref<10240x128xf32, #tpu.memory_space<hbm>> -> memref<10240x128xf32, #tpu.memory_space<hbm>>
    tpu.enqueue_indirect_dma source(%dma_start3A_66 : memref<10240x128xf32, #tpu.memory_space<hbm>>) target(%arg12 : memref<128x128xf32, #tpu.memory_space<vmem>>) offsets(%dma_start3A_63 : memref<128xi32, #tpu.memory_space<vmem>>) semaphore(%arg19 : memref<!tpu.dma_semaphore, #tpu.memory_space<semaphore_mem>>)
    %scan3A = arith.constant 0 : i32
    %scan3A_67 = arith.constant 0 : i32
    %scan3A_68 = arith.constant 19 : i32
    %scan3A_69 = arith.addi %scan3A_67, %scan3A_68 : i32
    %scan3A_70 = arith.constant 1 : i32
    scf.for %scan3A_138 = %scan3A_67 to %scan3A_69 step %scan3A_70  : i32 {
      %mul3A_139 = arith.constant 4 : i32
      %mul3A_140 = arith.muli %scan3A_138, %mul3A_139 : i32
      %add3A_141 = arith.constant 0 : i32
      %add3A_142 = arith.addi %mul3A_140, %add3A_141 : i32
      %dma_wait3A_143 = arith.constant 0 : i32
      %dma_wait3A_144 = arith.constant 0 : i32
      %dma_wait3A_145 = tpu.memref_slice %arg7[%dma_wait3A_143, %dma_wait3A_144] : memref<1x128xi32, #tpu.memory_space<vmem>> -> memref<1x128xi32, #tpu.memory_space<vmem>>
      %dma_wait3A_146 = tpu.memref_squeeze %dma_wait3A_145 : memref<1x128xi32, #tpu.memory_space<vmem>> -> memref<128xi32, #tpu.memory_space<vmem>>
      %dma_wait3A_147 = arith.constant 0 : i32
      %dma_wait3A_148 = arith.constant 0 : i32
      %dma_wait3A_149 = tpu.memref_slice %arg2[%dma_wait3A_147, %dma_wait3A_148] : memref<10240x128xf32, #tpu.memory_space<hbm>> -> memref<10240x128xf32, #tpu.memory_space<hbm>>
      tpu.wait_indirect_dma semaphore(%arg18 : memref<!tpu.dma_semaphore, #tpu.memory_space<semaphore_mem>>) src(%dma_wait3A_149 : memref<10240x128xf32, #tpu.memory_space<hbm>>) dst(%arg11 : memref<128x128xf32, #tpu.memory_space<vmem>>)
      "tpu.region"() ({
        %run_scoped3A_283 = tpu.sem_alloc : memref<!tpu.dma_semaphore, #tpu.memory_space<semaphore_mem>>
        %dma_start3A_284 = arith.constant 0 : i32
        %dma_start3A_285 = tpu.memref_slice %arg6[%add3A_142, %dma_start3A_284] : memref<80x128xi32, #tpu.memory_space<vmem>> -> memref<1x128xi32, #tpu.memory_space<vmem>>
        %dma_start3A_286 = tpu.memref_squeeze %dma_start3A_285 : memref<1x128xi32, #tpu.memory_space<vmem>> -> memref<128xi32, #tpu.memory_space<vmem>>
        %dma_start3A_287 = arith.constant 0 : i32
        %dma_start3A_288 = arith.constant 0 : i32
        %dma_start3A_289 = tpu.memref_slice %arg13[%dma_start3A_287, %dma_start3A_288] : memref<10240x128xf32, #tpu.memory_space<vmem_shared>> -> memref<10240x128xf32, #tpu.memory_space<vmem_shared>>
        tpu.enqueue_indirect_dma source(%arg11 : memref<128x128xf32, #tpu.memory_space<vmem>>) target(%dma_start3A_289 : memref<10240x128xf32, #tpu.memory_space<vmem_shared>>) offsets(%dma_start3A_286 : memref<128xi32, #tpu.memory_space<vmem>>) semaphore(%run_scoped3A_283 : memref<!tpu.dma_semaphore, #tpu.memory_space<semaphore_mem>>) {add = true}
        %dma_wait3A_290 = arith.constant 0 : i32
        %dma_wait3A_291 = tpu.memref_slice %arg6[%add3A_142, %dma_wait3A_290] : memref<80x128xi32, #tpu.memory_space<vmem>> -> memref<1x128xi32, #tpu.memory_space<vmem>>
        %dma_wait3A_292 = tpu.memref_squeeze %dma_wait3A_291 : memref<1x128xi32, #tpu.memory_space<vmem>> -> memref<128xi32, #tpu.memory_space<vmem>>
        %dma_wait3A_293 = arith.constant 0 : i32
        %dma_wait3A_294 = arith.constant 0 : i32
        %dma_wait3A_295 = tpu.memref_slice %arg13[%dma_wait3A_293, %dma_wait3A_294] : memref<10240x128xf32, #tpu.memory_space<vmem_shared>> -> memref<10240x128xf32, #tpu.memory_space<vmem_shared>>
        tpu.wait_indirect_dma semaphore(%run_scoped3A_283 : memref<!tpu.dma_semaphore, #tpu.memory_space<semaphore_mem>>) src(%arg11 : memref<128x128xf32, #tpu.memory_space<vmem>>) dst(%dma_wait3A_295 : memref<10240x128xf32, #tpu.memory_space<vmem_shared>>)
        tpu.yield
      }) : () -> ()
      %add3A_150 = arith.constant 4 : i32
      %add3A_151 = arith.addi %add3A_142, %add3A_150 : i32
      %mul3A_152 = arith.constant 80 : i32
      %mul3A_153 = arith.muli %add3A, %mul3A_152 : i32
      %add3A_154 = arith.addi %mul3A_153, %add3A_151 : i32
      %dma_start3A_155 = arith.constant 0 : i32
      %dma_start3A_156 = tpu.memref_slice %arg3[%add3A_154, %dma_start3A_155] : memref<2560x128xi32, #tpu.memory_space<hbm>> -> memref<1x128xi32, #tpu.memory_space<hbm>>
      %dma_start3A_157 = arith.constant 0 : i32
      %dma_start3A_158 = tpu.memref_slice %arg3[%add3A_154, %dma_start3A_157] : memref<2560x128xi32, #tpu.memory_space<hbm>> -> memref<1x128xi32, #tpu.memory_space<hbm>>
      tpu.enqueue_dma source(%dma_start3A_158 : memref<1x128xi32, #tpu.memory_space<hbm>>) target(%arg7 : memref<1x128xi32, #tpu.memory_space<vmem>>) target_semaphore(%arg14 : memref<!tpu.dma_semaphore, #tpu.memory_space<semaphore_mem>>)
      %add3A_159 = arith.constant 2 : i32
      %add3A_160 = arith.addi %add3A_142, %add3A_159 : i32
      %mul3A_161 = arith.constant 80 : i32
      %mul3A_162 = arith.muli %add3A, %mul3A_161 : i32
      %add3A_163 = arith.addi %mul3A_162, %add3A_160 : i32
      %dma_wait3A_164 = arith.constant 0 : i32
      %dma_wait3A_165 = tpu.memref_slice %arg3[%add3A_163, %dma_wait3A_164] : memref<2560x128xi32, #tpu.memory_space<hbm>> -> memref<1x128xi32, #tpu.memory_space<hbm>>
      %dma_wait3A_166 = arith.constant 0 : i32
      %dma_wait3A_167 = tpu.memref_slice %arg3[%add3A_163, %dma_wait3A_166] : memref<2560x128xi32, #tpu.memory_space<hbm>> -> memref<1x128xi32, #tpu.memory_space<hbm>>
      tpu.wait_dma2 semaphore(%arg16 : memref<!tpu.dma_semaphore, #tpu.memory_space<semaphore_mem>>) src(%dma_wait3A_167 : memref<1x128xi32, #tpu.memory_space<hbm>>) dst(%arg9 : memref<1x128xi32, #tpu.memory_space<vmem>>)
      %dma_start3A_168 = arith.constant 0 : i32
      %dma_start3A_169 = arith.constant 0 : i32
      %dma_start3A_170 = tpu.memref_slice %arg9[%dma_start3A_168, %dma_start3A_169] : memref<1x128xi32, #tpu.memory_space<vmem>> -> memref<1x128xi32, #tpu.memory_space<vmem>>
      %dma_start3A_171 = tpu.memref_squeeze %dma_start3A_170 : memref<1x128xi32, #tpu.memory_space<vmem>> -> memref<128xi32, #tpu.memory_space<vmem>>
      %dma_start3A_172 = arith.constant 0 : i32
      %dma_start3A_173 = arith.constant 0 : i32
      %dma_start3A_174 = tpu.memref_slice %arg2[%dma_start3A_172, %dma_start3A_173] : memref<10240x128xf32, #tpu.memory_space<hbm>> -> memref<10240x128xf32, #tpu.memory_space<hbm>>
      tpu.enqueue_indirect_dma source(%dma_start3A_174 : memref<10240x128xf32, #tpu.memory_space<hbm>>) target(%arg11 : memref<128x128xf32, #tpu.memory_space<vmem>>) offsets(%dma_start3A_171 : memref<128xi32, #tpu.memory_space<vmem>>) semaphore(%arg18 : memref<!tpu.dma_semaphore, #tpu.memory_space<semaphore_mem>>)
      %mul3A_175 = arith.constant 4 : i32
      %mul3A_176 = arith.muli %scan3A_138, %mul3A_175 : i32
      %add3A_177 = arith.constant 1 : i32
      %add3A_178 = arith.addi %mul3A_176, %add3A_177 : i32
      %dma_wait3A_179 = arith.constant 0 : i32
      %dma_wait3A_180 = arith.constant 0 : i32
      %dma_wait3A_181 = tpu.memref_slice %arg8[%dma_wait3A_179, %dma_wait3A_180] : memref<1x128xi32, #tpu.memory_space<vmem>> -> memref<1x128xi32, #tpu.memory_space<vmem>>
      %dma_wait3A_182 = tpu.memref_squeeze %dma_wait3A_181 : memref<1x128xi32, #tpu.memory_space<vmem>> -> memref<128xi32, #tpu.memory_space<vmem>>
      %dma_wait3A_183 = arith.constant 0 : i32
      %dma_wait3A_184 = arith.constant 0 : i32
      %dma_wait3A_185 = tpu.memref_slice %arg2[%dma_wait3A_183, %dma_wait3A_184] : memref<10240x128xf32, #tpu.memory_space<hbm>> -> memref<10240x128xf32, #tpu.memory_space<hbm>>
      tpu.wait_indirect_dma semaphore(%arg19 : memref<!tpu.dma_semaphore, #tpu.memory_space<semaphore_mem>>) src(%dma_wait3A_185 : memref<10240x128xf32, #tpu.memory_space<hbm>>) dst(%arg12 : memref<128x128xf32, #tpu.memory_space<vmem>>)
      "tpu.region"() ({
        %run_scoped3A_283 = tpu.sem_alloc : memref<!tpu.dma_semaphore, #tpu.memory_space<semaphore_mem>>
        %dma_start3A_284 = arith.constant 0 : i32
        %dma_start3A_285 = tpu.memref_slice %arg6[%add3A_178, %dma_start3A_284] : memref<80x128xi32, #tpu.memory_space<vmem>> -> memref<1x128xi32, #tpu.memory_space<vmem>>
        %dma_start3A_286 = tpu.memref_squeeze %dma_start3A_285 : memref<1x128xi32, #tpu.memory_space<vmem>> -> memref<128xi32, #tpu.memory_space<vmem>>
        %dma_start3A_287 = arith.constant 0 : i32
        %dma_start3A_288 = arith.constant 0 : i32
        %dma_start3A_289 = tpu.memref_slice %arg13[%dma_start3A_287, %dma_start3A_288] : memref<10240x128xf32, #tpu.memory_space<vmem_shared>> -> memref<10240x128xf32, #tpu.memory_space<vmem_shared>>
        tpu.enqueue_indirect_dma source(%arg12 : memref<128x128xf32, #tpu.memory_space<vmem>>) target(%dma_start3A_289 : memref<10240x128xf32, #tpu.memory_space<vmem_shared>>) offsets(%dma_start3A_286 : memref<128xi32, #tpu.memory_space<vmem>>) semaphore(%run_scoped3A_283 : memref<!tpu.dma_semaphore, #tpu.memory_space<semaphore_mem>>) {add = true}
        %dma_wait3A_290 = arith.constant 0 : i32
        %dma_wait3A_291 = tpu.memref_slice %arg6[%add3A_178, %dma_wait3A_290] : memref<80x128xi32, #tpu.memory_space<vmem>> -> memref<1x128xi32, #tpu.memory_space<vmem>>
        %dma_wait3A_292 = tpu.memref_squeeze %dma_wait3A_291 : memref<1x128xi32, #tpu.memory_space<vmem>> -> memref<128xi32, #tpu.memory_space<vmem>>
        %dma_wait3A_293 = arith.constant 0 : i32
        %dma_wait3A_294 = arith.constant 0 : i32
        %dma_wait3A_295 = tpu.memref_slice %arg13[%dma_wait3A_293, %dma_wait3A_294] : memref<10240x128xf32, #tpu.memory_space<vmem_shared>> -> memref<10240x128xf32, #tpu.memory_space<vmem_shared>>
        tpu.wait_indirect_dma semaphore(%run_scoped3A_283 : memref<!tpu.dma_semaphore, #tpu.memory_space<semaphore_mem>>) src(%arg12 : memref<128x128xf32, #tpu.memory_space<vmem>>) dst(%dma_wait3A_295 : memref<10240x128xf32, #tpu.memory_space<vmem_shared>>)
        tpu.yield
      }) : () -> ()
      %add3A_186 = arith.constant 4 : i32
      %add3A_187 = arith.addi %add3A_178, %add3A_186 : i32
      %mul3A_188 = arith.constant 80 : i32
      %mul3A_189 = arith.muli %add3A, %mul3A_188 : i32
      %add3A_190 = arith.addi %mul3A_189, %add3A_187 : i32
      %dma_start3A_191 = arith.constant 0 : i32
      %dma_start3A_192 = tpu.memref_slice %arg3[%add3A_190, %dma_start3A_191] : memref<2560x128xi32, #tpu.memory_space<hbm>> -> memref<1x128xi32, #tpu.memory_space<hbm>>
      %dma_start3A_193 = arith.constant 0 : i32
      %dma_start3A_194 = tpu.memref_slice %arg3[%add3A_190, %dma_start3A_193] : memref<2560x128xi32, #tpu.memory_space<hbm>> -> memref<1x128xi32, #tpu.memory_space<hbm>>
      tpu.enqueue_dma source(%dma_start3A_194 : memref<1x128xi32, #tpu.memory_space<hbm>>) target(%arg8 : memref<1x128xi32, #tpu.memory_space<vmem>>) target_semaphore(%arg15 : memref<!tpu.dma_semaphore, #tpu.memory_space<semaphore_mem>>)
      %add3A_195 = arith.constant 2 : i32
      %add3A_196 = arith.addi %add3A_178, %add3A_195 : i32
      %mul3A_197 = arith.constant 80 : i32
      %mul3A_198 = arith.muli %add3A, %mul3A_197 : i32
      %add3A_199 = arith.addi %mul3A_198, %add3A_196 : i32
      %dma_wait3A_200 = arith.constant 0 : i32
      %dma_wait3A_201 = tpu.memref_slice %arg3[%add3A_199, %dma_wait3A_200] : memref<2560x128xi32, #tpu.memory_space<hbm>> -> memref<1x128xi32, #tpu.memory_space<hbm>>
      %dma_wait3A_202 = arith.constant 0 : i32
      %dma_wait3A_203 = tpu.memref_slice %arg3[%add3A_199, %dma_wait3A_202] : memref<2560x128xi32, #tpu.memory_space<hbm>> -> memref<1x128xi32, #tpu.memory_space<hbm>>
      tpu.wait_dma2 semaphore(%arg17 : memref<!tpu.dma_semaphore, #tpu.memory_space<semaphore_mem>>) src(%dma_wait3A_203 : memref<1x128xi32, #tpu.memory_space<hbm>>) dst(%arg10 : memref<1x128xi32, #tpu.memory_space<vmem>>)
      %dma_start3A_204 = arith.constant 0 : i32
      %dma_start3A_205 = arith.constant 0 : i32
      %dma_start3A_206 = tpu.memref_slice %arg10[%dma_start3A_204, %dma_start3A_205] : memref<1x128xi32, #tpu.memory_space<vmem>> -> memref<1x128xi32, #tpu.memory_space<vmem>>
      %dma_start3A_207 = tpu.memref_squeeze %dma_start3A_206 : memref<1x128xi32, #tpu.memory_space<vmem>> -> memref<128xi32, #tpu.memory_space<vmem>>
      %dma_start3A_208 = arith.constant 0 : i32
      %dma_start3A_209 = arith.constant 0 : i32
      %dma_start3A_210 = tpu.memref_slice %arg2[%dma_start3A_208, %dma_start3A_209] : memref<10240x128xf32, #tpu.memory_space<hbm>> -> memref<10240x128xf32, #tpu.memory_space<hbm>>
      tpu.enqueue_indirect_dma source(%dma_start3A_210 : memref<10240x128xf32, #tpu.memory_space<hbm>>) target(%arg12 : memref<128x128xf32, #tpu.memory_space<vmem>>) offsets(%dma_start3A_207 : memref<128xi32, #tpu.memory_space<vmem>>) semaphore(%arg19 : memref<!tpu.dma_semaphore, #tpu.memory_space<semaphore_mem>>)
      %mul3A_211 = arith.constant 4 : i32
      %mul3A_212 = arith.muli %scan3A_138, %mul3A_211 : i32
      %add3A_213 = arith.constant 2 : i32
      %add3A_214 = arith.addi %mul3A_212, %add3A_213 : i32
      %dma_wait3A_215 = arith.constant 0 : i32
      %dma_wait3A_216 = arith.constant 0 : i32
      %dma_wait3A_217 = tpu.memref_slice %arg9[%dma_wait3A_215, %dma_wait3A_216] : memref<1x128xi32, #tpu.memory_space<vmem>> -> memref<1x128xi32, #tpu.memory_space<vmem>>
      %dma_wait3A_218 = tpu.memref_squeeze %dma_wait3A_217 : memref<1x128xi32, #tpu.memory_space<vmem>> -> memref<128xi32, #tpu.memory_space<vmem>>
      %dma_wait3A_219 = arith.constant 0 : i32
      %dma_wait3A_220 = arith.constant 0 : i32
      %dma_wait3A_221 = tpu.memref_slice %arg2[%dma_wait3A_219, %dma_wait3A_220] : memref<10240x128xf32, #tpu.memory_space<hbm>> -> memref<10240x128xf32, #tpu.memory_space<hbm>>
      tpu.wait_indirect_dma semaphore(%arg18 : memref<!tpu.dma_semaphore, #tpu.memory_space<semaphore_mem>>) src(%dma_wait3A_221 : memref<10240x128xf32, #tpu.memory_space<hbm>>) dst(%arg11 : memref<128x128xf32, #tpu.memory_space<vmem>>)
      "tpu.region"() ({
        %run_scoped3A_283 = tpu.sem_alloc : memref<!tpu.dma_semaphore, #tpu.memory_space<semaphore_mem>>
        %dma_start3A_284 = arith.constant 0 : i32
        %dma_start3A_285 = tpu.memref_slice %arg6[%add3A_214, %dma_start3A_284] : memref<80x128xi32, #tpu.memory_space<vmem>> -> memref<1x128xi32, #tpu.memory_space<vmem>>
        %dma_start3A_286 = tpu.memref_squeeze %dma_start3A_285 : memref<1x128xi32, #tpu.memory_space<vmem>> -> memref<128xi32, #tpu.memory_space<vmem>>
        %dma_start3A_287 = arith.constant 0 : i32
        %dma_start3A_288 = arith.constant 0 : i32
        %dma_start3A_289 = tpu.memref_slice %arg13[%dma_start3A_287, %dma_start3A_288] : memref<10240x128xf32, #tpu.memory_space<vmem_shared>> -> memref<10240x128xf32, #tpu.memory_space<vmem_shared>>
        tpu.enqueue_indirect_dma source(%arg11 : memref<128x128xf32, #tpu.memory_space<vmem>>) target(%dma_start3A_289 : memref<10240x128xf32, #tpu.memory_space<vmem_shared>>) offsets(%dma_start3A_286 : memref<128xi32, #tpu.memory_space<vmem>>) semaphore(%run_scoped3A_283 : memref<!tpu.dma_semaphore, #tpu.memory_space<semaphore_mem>>) {add = true}
        %dma_wait3A_290 = arith.constant 0 : i32
        %dma_wait3A_291 = tpu.memref_slice %arg6[%add3A_214, %dma_wait3A_290] : memref<80x128xi32, #tpu.memory_space<vmem>> -> memref<1x128xi32, #tpu.memory_space<vmem>>
        %dma_wait3A_292 = tpu.memref_squeeze %dma_wait3A_291 : memref<1x128xi32, #tpu.memory_space<vmem>> -> memref<128xi32, #tpu.memory_space<vmem>>
        %dma_wait3A_293 = arith.constant 0 : i32
        %dma_wait3A_294 = arith.constant 0 : i32
        %dma_wait3A_295 = tpu.memref_slice %arg13[%dma_wait3A_293, %dma_wait3A_294] : memref<10240x128xf32, #tpu.memory_space<vmem_shared>> -> memref<10240x128xf32, #tpu.memory_space<vmem_shared>>
        tpu.wait_indirect_dma semaphore(%run_scoped3A_283 : memref<!tpu.dma_semaphore, #tpu.memory_space<semaphore_mem>>) src(%arg11 : memref<128x128xf32, #tpu.memory_space<vmem>>) dst(%dma_wait3A_295 : memref<10240x128xf32, #tpu.memory_space<vmem_shared>>)
        tpu.yield
      }) : () -> ()
      %add3A_222 = arith.constant 4 : i32
      %add3A_223 = arith.addi %add3A_214, %add3A_222 : i32
      %mul3A_224 = arith.constant 80 : i32
      %mul3A_225 = arith.muli %add3A, %mul3A_224 : i32
      %add3A_226 = arith.addi %mul3A_225, %add3A_223 : i32
      %dma_start3A_227 = arith.constant 0 : i32
      %dma_start3A_228 = tpu.memref_slice %arg3[%add3A_226, %dma_start3A_227] : memref<2560x128xi32, #tpu.memory_space<hbm>> -> memref<1x128xi32, #tpu.memory_space<hbm>>
      %dma_start3A_229 = arith.constant 0 : i32
      %dma_start3A_230 = tpu.memref_slice %arg3[%add3A_226, %dma_start3A_229] : memref<2560x128xi32, #tpu.memory_space<hbm>> -> memref<1x128xi32, #tpu.memory_space<hbm>>
      tpu.enqueue_dma source(%dma_start3A_230 : memref<1x128xi32, #tpu.memory_space<hbm>>) target(%arg9 : memref<1x128xi32, #tpu.memory_space<vmem>>) target_semaphore(%arg16 : memref<!tpu.dma_semaphore, #tpu.memory_space<semaphore_mem>>)
      %add3A_231 = arith.constant 2 : i32
      %add3A_232 = arith.addi %add3A_214, %add3A_231 : i32
      %mul3A_233 = arith.constant 80 : i32
      %mul3A_234 = arith.muli %add3A, %mul3A_233 : i32
      %add3A_235 = arith.addi %mul3A_234, %add3A_232 : i32
      %dma_wait3A_236 = arith.constant 0 : i32
      %dma_wait3A_237 = tpu.memref_slice %arg3[%add3A_235, %dma_wait3A_236] : memref<2560x128xi32, #tpu.memory_space<hbm>> -> memref<1x128xi32, #tpu.memory_space<hbm>>
      %dma_wait3A_238 = arith.constant 0 : i32
      %dma_wait3A_239 = tpu.memref_slice %arg3[%add3A_235, %dma_wait3A_238] : memref<2560x128xi32, #tpu.memory_space<hbm>> -> memref<1x128xi32, #tpu.memory_space<hbm>>
      tpu.wait_dma2 semaphore(%arg14 : memref<!tpu.dma_semaphore, #tpu.memory_space<semaphore_mem>>) src(%dma_wait3A_239 : memref<1x128xi32, #tpu.memory_space<hbm>>) dst(%arg7 : memref<1x128xi32, #tpu.memory_space<vmem>>)
      %dma_start3A_240 = arith.constant 0 : i32
      %dma_start3A_241 = arith.constant 0 : i32
      %dma_start3A_242 = tpu.memref_slice %arg7[%dma_start3A_240, %dma_start3A_241] : memref<1x128xi32, #tpu.memory_space<vmem>> -> memref<1x128xi32, #tpu.memory_space<vmem>>
      %dma_start3A_243 = tpu.memref_squeeze %dma_start3A_242 : memref<1x128xi32, #tpu.memory_space<vmem>> -> memref<128xi32, #tpu.memory_space<vmem>>
      %dma_start3A_244 = arith.constant 0 : i32
      %dma_start3A_245 = arith.constant 0 : i32
      %dma_start3A_246 = tpu.memref_slice %arg2[%dma_start3A_244, %dma_start3A_245] : memref<10240x128xf32, #tpu.memory_space<hbm>> -> memref<10240x128xf32, #tpu.memory_space<hbm>>
      tpu.enqueue_indirect_dma source(%dma_start3A_246 : memref<10240x128xf32, #tpu.memory_space<hbm>>) target(%arg11 : memref<128x128xf32, #tpu.memory_space<vmem>>) offsets(%dma_start3A_243 : memref<128xi32, #tpu.memory_space<vmem>>) semaphore(%arg18 : memref<!tpu.dma_semaphore, #tpu.memory_space<semaphore_mem>>)
      %mul3A_247 = arith.constant 4 : i32
      %mul3A_248 = arith.muli %scan3A_138, %mul3A_247 : i32
      %add3A_249 = arith.constant 3 : i32
      %add3A_250 = arith.addi %mul3A_248, %add3A_249 : i32
      %dma_wait3A_251 = arith.constant 0 : i32
      %dma_wait3A_252 = arith.constant 0 : i32
      %dma_wait3A_253 = tpu.memref_slice %arg10[%dma_wait3A_251, %dma_wait3A_252] : memref<1x128xi32, #tpu.memory_space<vmem>> -> memref<1x128xi32, #tpu.memory_space<vmem>>
      %dma_wait3A_254 = tpu.memref_squeeze %dma_wait3A_253 : memref<1x128xi32, #tpu.memory_space<vmem>> -> memref<128xi32, #tpu.memory_space<vmem>>
      %dma_wait3A_255 = arith.constant 0 : i32
      %dma_wait3A_256 = arith.constant 0 : i32
      %dma_wait3A_257 = tpu.memref_slice %arg2[%dma_wait3A_255, %dma_wait3A_256] : memref<10240x128xf32, #tpu.memory_space<hbm>> -> memref<10240x128xf32, #tpu.memory_space<hbm>>
      tpu.wait_indirect_dma semaphore(%arg19 : memref<!tpu.dma_semaphore, #tpu.memory_space<semaphore_mem>>) src(%dma_wait3A_257 : memref<10240x128xf32, #tpu.memory_space<hbm>>) dst(%arg12 : memref<128x128xf32, #tpu.memory_space<vmem>>)
      "tpu.region"() ({
        %run_scoped3A_283 = tpu.sem_alloc : memref<!tpu.dma_semaphore, #tpu.memory_space<semaphore_mem>>
        %dma_start3A_284 = arith.constant 0 : i32
        %dma_start3A_285 = tpu.memref_slice %arg6[%add3A_250, %dma_start3A_284] : memref<80x128xi32, #tpu.memory_space<vmem>> -> memref<1x128xi32, #tpu.memory_space<vmem>>
        %dma_start3A_286 = tpu.memref_squeeze %dma_start3A_285 : memref<1x128xi32, #tpu.memory_space<vmem>> -> memref<128xi32, #tpu.memory_space<vmem>>
        %dma_start3A_287 = arith.constant 0 : i32
        %dma_start3A_288 = arith.constant 0 : i32
        %dma_start3A_289 = tpu.memref_slice %arg13[%dma_start3A_287, %dma_start3A_288] : memref<10240x128xf32, #tpu.memory_space<vmem_shared>> -> memref<10240x128xf32, #tpu.memory_space<vmem_shared>>
        tpu.enqueue_indirect_dma source(%arg12 : memref<128x128xf32, #tpu.memory_space<vmem>>) target(%dma_start3A_289 : memref<10240x128xf32, #tpu.memory_space<vmem_shared>>) offsets(%dma_start3A_286 : memref<128xi32, #tpu.memory_space<vmem>>) semaphore(%run_scoped3A_283 : memref<!tpu.dma_semaphore, #tpu.memory_space<semaphore_mem>>) {add = true}
        %dma_wait3A_290 = arith.constant 0 : i32
        %dma_wait3A_291 = tpu.memref_slice %arg6[%add3A_250, %dma_wait3A_290] : memref<80x128xi32, #tpu.memory_space<vmem>> -> memref<1x128xi32, #tpu.memory_space<vmem>>
        %dma_wait3A_292 = tpu.memref_squeeze %dma_wait3A_291 : memref<1x128xi32, #tpu.memory_space<vmem>> -> memref<128xi32, #tpu.memory_space<vmem>>
        %dma_wait3A_293 = arith.constant 0 : i32
        %dma_wait3A_294 = arith.constant 0 : i32
        %dma_wait3A_295 = tpu.memref_slice %arg13[%dma_wait3A_293, %dma_wait3A_294] : memref<10240x128xf32, #tpu.memory_space<vmem_shared>> -> memref<10240x128xf32, #tpu.memory_space<vmem_shared>>
        tpu.wait_indirect_dma semaphore(%run_scoped3A_283 : memref<!tpu.dma_semaphore, #tpu.memory_space<semaphore_mem>>) src(%arg12 : memref<128x128xf32, #tpu.memory_space<vmem>>) dst(%dma_wait3A_295 : memref<10240x128xf32, #tpu.memory_space<vmem_shared>>)
        tpu.yield
      }) : () -> ()
      %add3A_258 = arith.constant 4 : i32
      %add3A_259 = arith.addi %add3A_250, %add3A_258 : i32
      %mul3A_260 = arith.constant 80 : i32
      %mul3A_261 = arith.muli %add3A, %mul3A_260 : i32
      %add3A_262 = arith.addi %mul3A_261, %add3A_259 : i32
      %dma_start3A_263 = arith.constant 0 : i32
      %dma_start3A_264 = tpu.memref_slice %arg3[%add3A_262, %dma_start3A_263] : memref<2560x128xi32, #tpu.memory_space<hbm>> -> memref<1x128xi32, #tpu.memory_space<hbm>>
      %dma_start3A_265 = arith.constant 0 : i32
      %dma_start3A_266 = tpu.memref_slice %arg3[%add3A_262, %dma_start3A_265] : memref<2560x128xi32, #tpu.memory_space<hbm>> -> memref<1x128xi32, #tpu.memory_space<hbm>>
      tpu.enqueue_dma source(%dma_start3A_266 : memref<1x128xi32, #tpu.memory_space<hbm>>) target(%arg10 : memref<1x128xi32, #tpu.memory_space<vmem>>) target_semaphore(%arg17 : memref<!tpu.dma_semaphore, #tpu.memory_space<semaphore_mem>>)
      %add3A_267 = arith.constant 2 : i32
      %add3A_268 = arith.addi %add3A_250, %add3A_267 : i32
      %mul3A_269 = arith.constant 80 : i32
      %mul3A_270 = arith.muli %add3A, %mul3A_269 : i32
      %add3A_271 = arith.addi %mul3A_270, %add3A_268 : i32
      %dma_wait3A_272 = arith.constant 0 : i32
      %dma_wait3A_273 = tpu.memref_slice %arg3[%add3A_271, %dma_wait3A_272] : memref<2560x128xi32, #tpu.memory_space<hbm>> -> memref<1x128xi32, #tpu.memory_space<hbm>>
      %dma_wait3A_274 = arith.constant 0 : i32
      %dma_wait3A_275 = tpu.memref_slice %arg3[%add3A_271, %dma_wait3A_274] : memref<2560x128xi32, #tpu.memory_space<hbm>> -> memref<1x128xi32, #tpu.memory_space<hbm>>
      tpu.wait_dma2 semaphore(%arg15 : memref<!tpu.dma_semaphore, #tpu.memory_space<semaphore_mem>>) src(%dma_wait3A_275 : memref<1x128xi32, #tpu.memory_space<hbm>>) dst(%arg8 : memref<1x128xi32, #tpu.memory_space<vmem>>)
      %dma_start3A_276 = arith.constant 0 : i32
      %dma_start3A_277 = arith.constant 0 : i32
      %dma_start3A_278 = tpu.memref_slice %arg8[%dma_start3A_276, %dma_start3A_277] : memref<1x128xi32, #tpu.memory_space<vmem>> -> memref<1x128xi32, #tpu.memory_space<vmem>>
      %dma_start3A_279 = tpu.memref_squeeze %dma_start3A_278 : memref<1x128xi32, #tpu.memory_space<vmem>> -> memref<128xi32, #tpu.memory_space<vmem>>
      %dma_start3A_280 = arith.constant 0 : i32
      %dma_start3A_281 = arith.constant 0 : i32
      %dma_start3A_282 = tpu.memref_slice %arg2[%dma_start3A_280, %dma_start3A_281] : memref<10240x128xf32, #tpu.memory_space<hbm>> -> memref<10240x128xf32, #tpu.memory_space<hbm>>
      tpu.enqueue_indirect_dma source(%dma_start3A_282 : memref<10240x128xf32, #tpu.memory_space<hbm>>) target(%arg12 : memref<128x128xf32, #tpu.memory_space<vmem>>) offsets(%dma_start3A_279 : memref<128xi32, #tpu.memory_space<vmem>>) semaphore(%arg19 : memref<!tpu.dma_semaphore, #tpu.memory_space<semaphore_mem>>)
    }
    %scan3A_71 = arith.constant 19 : i32
    %dma_wait3A_72 = arith.constant 0 : i32
    %dma_wait3A_73 = arith.constant 0 : i32
    %dma_wait3A_74 = tpu.memref_slice %arg7[%dma_wait3A_72, %dma_wait3A_73] : memref<1x128xi32, #tpu.memory_space<vmem>> -> memref<1x128xi32, #tpu.memory_space<vmem>>
    %dma_wait3A_75 = tpu.memref_squeeze %dma_wait3A_74 : memref<1x128xi32, #tpu.memory_space<vmem>> -> memref<128xi32, #tpu.memory_space<vmem>>
    %dma_wait3A_76 = arith.constant 0 : i32
    %dma_wait3A_77 = arith.constant 0 : i32
    %dma_wait3A_78 = tpu.memref_slice %arg2[%dma_wait3A_76, %dma_wait3A_77] : memref<10240x128xf32, #tpu.memory_space<hbm>> -> memref<10240x128xf32, #tpu.memory_space<hbm>>
    tpu.wait_indirect_dma semaphore(%arg18 : memref<!tpu.dma_semaphore, #tpu.memory_space<semaphore_mem>>) src(%dma_wait3A_78 : memref<10240x128xf32, #tpu.memory_space<hbm>>) dst(%arg11 : memref<128x128xf32, #tpu.memory_space<vmem>>)
    %run_scoped3A = arith.constant 76 : i32
    "tpu.region"() ({
      %run_scoped3A_138 = tpu.sem_alloc : memref<!tpu.dma_semaphore, #tpu.memory_space<semaphore_mem>>
      %dma_start3A_139 = arith.constant 0 : i32
      %dma_start3A_140 = tpu.memref_slice %arg6[%run_scoped3A, %dma_start3A_139] : memref<80x128xi32, #tpu.memory_space<vmem>> -> memref<1x128xi32, #tpu.memory_space<vmem>>
      %dma_start3A_141 = tpu.memref_squeeze %dma_start3A_140 : memref<1x128xi32, #tpu.memory_space<vmem>> -> memref<128xi32, #tpu.memory_space<vmem>>
      %dma_start3A_142 = arith.constant 0 : i32
      %dma_start3A_143 = arith.constant 0 : i32
      %dma_start3A_144 = tpu.memref_slice %arg13[%dma_start3A_142, %dma_start3A_143] : memref<10240x128xf32, #tpu.memory_space<vmem_shared>> -> memref<10240x128xf32, #tpu.memory_space<vmem_shared>>
      tpu.enqueue_indirect_dma source(%arg11 : memref<128x128xf32, #tpu.memory_space<vmem>>) target(%dma_start3A_144 : memref<10240x128xf32, #tpu.memory_space<vmem_shared>>) offsets(%dma_start3A_141 : memref<128xi32, #tpu.memory_space<vmem>>) semaphore(%run_scoped3A_138 : memref<!tpu.dma_semaphore, #tpu.memory_space<semaphore_mem>>) {add = true}
      %dma_wait3A_145 = arith.constant 0 : i32
      %dma_wait3A_146 = tpu.memref_slice %arg6[%run_scoped3A, %dma_wait3A_145] : memref<80x128xi32, #tpu.memory_space<vmem>> -> memref<1x128xi32, #tpu.memory_space<vmem>>
      %dma_wait3A_147 = tpu.memref_squeeze %dma_wait3A_146 : memref<1x128xi32, #tpu.memory_space<vmem>> -> memref<128xi32, #tpu.memory_space<vmem>>
      %dma_wait3A_148 = arith.constant 0 : i32
      %dma_wait3A_149 = arith.constant 0 : i32
      %dma_wait3A_150 = tpu.memref_slice %arg13[%dma_wait3A_148, %dma_wait3A_149] : memref<10240x128xf32, #tpu.memory_space<vmem_shared>> -> memref<10240x128xf32, #tpu.memory_space<vmem_shared>>
      tpu.wait_indirect_dma semaphore(%run_scoped3A_138 : memref<!tpu.dma_semaphore, #tpu.memory_space<semaphore_mem>>) src(%arg11 : memref<128x128xf32, #tpu.memory_space<vmem>>) dst(%dma_wait3A_150 : memref<10240x128xf32, #tpu.memory_space<vmem_shared>>)
      tpu.yield
    }) : () -> ()
    %mul3A_79 = arith.constant 80 : i32
    %mul3A_80 = arith.muli %add3A, %mul3A_79 : i32
    %add3A_81 = arith.constant 78 : i32
    %add3A_82 = arith.addi %mul3A_80, %add3A_81 : i32
    %dma_wait3A_83 = arith.constant 0 : i32
    %dma_wait3A_84 = tpu.memref_slice %arg3[%add3A_82, %dma_wait3A_83] : memref<2560x128xi32, #tpu.memory_space<hbm>> -> memref<1x128xi32, #tpu.memory_space<hbm>>
    %dma_wait3A_85 = arith.constant 0 : i32
    %dma_wait3A_86 = tpu.memref_slice %arg3[%add3A_82, %dma_wait3A_85] : memref<2560x128xi32, #tpu.memory_space<hbm>> -> memref<1x128xi32, #tpu.memory_space<hbm>>
    tpu.wait_dma2 semaphore(%arg16 : memref<!tpu.dma_semaphore, #tpu.memory_space<semaphore_mem>>) src(%dma_wait3A_86 : memref<1x128xi32, #tpu.memory_space<hbm>>) dst(%arg9 : memref<1x128xi32, #tpu.memory_space<vmem>>)
    %dma_start3A_87 = arith.constant 0 : i32
    %dma_start3A_88 = arith.constant 0 : i32
    %dma_start3A_89 = tpu.memref_slice %arg9[%dma_start3A_87, %dma_start3A_88] : memref<1x128xi32, #tpu.memory_space<vmem>> -> memref<1x128xi32, #tpu.memory_space<vmem>>
    %dma_start3A_90 = tpu.memref_squeeze %dma_start3A_89 : memref<1x128xi32, #tpu.memory_space<vmem>> -> memref<128xi32, #tpu.memory_space<vmem>>
    %dma_start3A_91 = arith.constant 0 : i32
    %dma_start3A_92 = arith.constant 0 : i32
    %dma_start3A_93 = tpu.memref_slice %arg2[%dma_start3A_91, %dma_start3A_92] : memref<10240x128xf32, #tpu.memory_space<hbm>> -> memref<10240x128xf32, #tpu.memory_space<hbm>>
    tpu.enqueue_indirect_dma source(%dma_start3A_93 : memref<10240x128xf32, #tpu.memory_space<hbm>>) target(%arg11 : memref<128x128xf32, #tpu.memory_space<vmem>>) offsets(%dma_start3A_90 : memref<128xi32, #tpu.memory_space<vmem>>) semaphore(%arg18 : memref<!tpu.dma_semaphore, #tpu.memory_space<semaphore_mem>>)
    %dma_wait3A_94 = arith.constant 0 : i32
    %dma_wait3A_95 = arith.constant 0 : i32
    %dma_wait3A_96 = tpu.memref_slice %arg8[%dma_wait3A_94, %dma_wait3A_95] : memref<1x128xi32, #tpu.memory_space<vmem>> -> memref<1x128xi32, #tpu.memory_space<vmem>>
    %dma_wait3A_97 = tpu.memref_squeeze %dma_wait3A_96 : memref<1x128xi32, #tpu.memory_space<vmem>> -> memref<128xi32, #tpu.memory_space<vmem>>
    %dma_wait3A_98 = arith.constant 0 : i32
    %dma_wait3A_99 = arith.constant 0 : i32
    %dma_wait3A_100 = tpu.memref_slice %arg2[%dma_wait3A_98, %dma_wait3A_99] : memref<10240x128xf32, #tpu.memory_space<hbm>> -> memref<10240x128xf32, #tpu.memory_space<hbm>>
    tpu.wait_indirect_dma semaphore(%arg19 : memref<!tpu.dma_semaphore, #tpu.memory_space<semaphore_mem>>) src(%dma_wait3A_100 : memref<10240x128xf32, #tpu.memory_space<hbm>>) dst(%arg12 : memref<128x128xf32, #tpu.memory_space<vmem>>)
    %run_scoped3A_101 = arith.constant 77 : i32
    "tpu.region"() ({
      %run_scoped3A_138 = tpu.sem_alloc : memref<!tpu.dma_semaphore, #tpu.memory_space<semaphore_mem>>
      %dma_start3A_139 = arith.constant 0 : i32
      %dma_start3A_140 = tpu.memref_slice %arg6[%run_scoped3A_101, %dma_start3A_139] : memref<80x128xi32, #tpu.memory_space<vmem>> -> memref<1x128xi32, #tpu.memory_space<vmem>>
      %dma_start3A_141 = tpu.memref_squeeze %dma_start3A_140 : memref<1x128xi32, #tpu.memory_space<vmem>> -> memref<128xi32, #tpu.memory_space<vmem>>
      %dma_start3A_142 = arith.constant 0 : i32
      %dma_start3A_143 = arith.constant 0 : i32
      %dma_start3A_144 = tpu.memref_slice %arg13[%dma_start3A_142, %dma_start3A_143] : memref<10240x128xf32, #tpu.memory_space<vmem_shared>> -> memref<10240x128xf32, #tpu.memory_space<vmem_shared>>
      tpu.enqueue_indirect_dma source(%arg12 : memref<128x128xf32, #tpu.memory_space<vmem>>) target(%dma_start3A_144 : memref<10240x128xf32, #tpu.memory_space<vmem_shared>>) offsets(%dma_start3A_141 : memref<128xi32, #tpu.memory_space<vmem>>) semaphore(%run_scoped3A_138 : memref<!tpu.dma_semaphore, #tpu.memory_space<semaphore_mem>>) {add = true}
      %dma_wait3A_145 = arith.constant 0 : i32
      %dma_wait3A_146 = tpu.memref_slice %arg6[%run_scoped3A_101, %dma_wait3A_145] : memref<80x128xi32, #tpu.memory_space<vmem>> -> memref<1x128xi32, #tpu.memory_space<vmem>>
      %dma_wait3A_147 = tpu.memref_squeeze %dma_wait3A_146 : memref<1x128xi32, #tpu.memory_space<vmem>> -> memref<128xi32, #tpu.memory_space<vmem>>
      %dma_wait3A_148 = arith.constant 0 : i32
      %dma_wait3A_149 = arith.constant 0 : i32
      %dma_wait3A_150 = tpu.memref_slice %arg13[%dma_wait3A_148, %dma_wait3A_149] : memref<10240x128xf32, #tpu.memory_space<vmem_shared>> -> memref<10240x128xf32, #tpu.memory_space<vmem_shared>>
      tpu.wait_indirect_dma semaphore(%run_scoped3A_138 : memref<!tpu.dma_semaphore, #tpu.memory_space<semaphore_mem>>) src(%arg12 : memref<128x128xf32, #tpu.memory_space<vmem>>) dst(%dma_wait3A_150 : memref<10240x128xf32, #tpu.memory_space<vmem_shared>>)
      tpu.yield
    }) : () -> ()
    %mul3A_102 = arith.constant 80 : i32
    %mul3A_103 = arith.muli %add3A, %mul3A_102 : i32
    %add3A_104 = arith.constant 79 : i32
    %add3A_105 = arith.addi %mul3A_103, %add3A_104 : i32
    %dma_wait3A_106 = arith.constant 0 : i32
    %dma_wait3A_107 = tpu.memref_slice %arg3[%add3A_105, %dma_wait3A_106] : memref<2560x128xi32, #tpu.memory_space<hbm>> -> memref<1x128xi32, #tpu.memory_space<hbm>>
    %dma_wait3A_108 = arith.constant 0 : i32
    %dma_wait3A_109 = tpu.memref_slice %arg3[%add3A_105, %dma_wait3A_108] : memref<2560x128xi32, #tpu.memory_space<hbm>> -> memref<1x128xi32, #tpu.memory_space<hbm>>
    tpu.wait_dma2 semaphore(%arg17 : memref<!tpu.dma_semaphore, #tpu.memory_space<semaphore_mem>>) src(%dma_wait3A_109 : memref<1x128xi32, #tpu.memory_space<hbm>>) dst(%arg10 : memref<1x128xi32, #tpu.memory_space<vmem>>)
    %dma_start3A_110 = arith.constant 0 : i32
    %dma_start3A_111 = arith.constant 0 : i32
    %dma_start3A_112 = tpu.memref_slice %arg10[%dma_start3A_110, %dma_start3A_111] : memref<1x128xi32, #tpu.memory_space<vmem>> -> memref<1x128xi32, #tpu.memory_space<vmem>>
    %dma_start3A_113 = tpu.memref_squeeze %dma_start3A_112 : memref<1x128xi32, #tpu.memory_space<vmem>> -> memref<128xi32, #tpu.memory_space<vmem>>
    %dma_start3A_114 = arith.constant 0 : i32
    %dma_start3A_115 = arith.constant 0 : i32
    %dma_start3A_116 = tpu.memref_slice %arg2[%dma_start3A_114, %dma_start3A_115] : memref<10240x128xf32, #tpu.memory_space<hbm>> -> memref<10240x128xf32, #tpu.memory_space<hbm>>
    tpu.enqueue_indirect_dma source(%dma_start3A_116 : memref<10240x128xf32, #tpu.memory_space<hbm>>) target(%arg12 : memref<128x128xf32, #tpu.memory_space<vmem>>) offsets(%dma_start3A_113 : memref<128xi32, #tpu.memory_space<vmem>>) semaphore(%arg19 : memref<!tpu.dma_semaphore, #tpu.memory_space<semaphore_mem>>)
    %dma_wait3A_117 = arith.constant 0 : i32
    %dma_wait3A_118 = arith.constant 0 : i32
    %dma_wait3A_119 = tpu.memref_slice %arg9[%dma_wait3A_117, %dma_wait3A_118] : memref<1x128xi32, #tpu.memory_space<vmem>> -> memref<1x128xi32, #tpu.memory_space<vmem>>
    %dma_wait3A_120 = tpu.memref_squeeze %dma_wait3A_119 : memref<1x128xi32, #tpu.memory_space<vmem>> -> memref<128xi32, #tpu.memory_space<vmem>>
    %dma_wait3A_121 = arith.constant 0 : i32
    %dma_wait3A_122 = arith.constant 0 : i32
    %dma_wait3A_123 = tpu.memref_slice %arg2[%dma_wait3A_121, %dma_wait3A_122] : memref<10240x128xf32, #tpu.memory_space<hbm>> -> memref<10240x128xf32, #tpu.memory_space<hbm>>
    tpu.wait_indirect_dma semaphore(%arg18 : memref<!tpu.dma_semaphore, #tpu.memory_space<semaphore_mem>>) src(%dma_wait3A_123 : memref<10240x128xf32, #tpu.memory_space<hbm>>) dst(%arg11 : memref<128x128xf32, #tpu.memory_space<vmem>>)
    %run_scoped3A_124 = arith.constant 78 : i32
    "tpu.region"() ({
      %run_scoped3A_138 = tpu.sem_alloc : memref<!tpu.dma_semaphore, #tpu.memory_space<semaphore_mem>>
      %dma_start3A_139 = arith.constant 0 : i32
      %dma_start3A_140 = tpu.memref_slice %arg6[%run_scoped3A_124, %dma_start3A_139] : memref<80x128xi32, #tpu.memory_space<vmem>> -> memref<1x128xi32, #tpu.memory_space<vmem>>
      %dma_start3A_141 = tpu.memref_squeeze %dma_start3A_140 : memref<1x128xi32, #tpu.memory_space<vmem>> -> memref<128xi32, #tpu.memory_space<vmem>>
      %dma_start3A_142 = arith.constant 0 : i32
      %dma_start3A_143 = arith.constant 0 : i32
      %dma_start3A_144 = tpu.memref_slice %arg13[%dma_start3A_142, %dma_start3A_143] : memref<10240x128xf32, #tpu.memory_space<vmem_shared>> -> memref<10240x128xf32, #tpu.memory_space<vmem_shared>>
      tpu.enqueue_indirect_dma source(%arg11 : memref<128x128xf32, #tpu.memory_space<vmem>>) target(%dma_start3A_144 : memref<10240x128xf32, #tpu.memory_space<vmem_shared>>) offsets(%dma_start3A_141 : memref<128xi32, #tpu.memory_space<vmem>>) semaphore(%run_scoped3A_138 : memref<!tpu.dma_semaphore, #tpu.memory_space<semaphore_mem>>) {add = true}
      %dma_wait3A_145 = arith.constant 0 : i32
      %dma_wait3A_146 = tpu.memref_slice %arg6[%run_scoped3A_124, %dma_wait3A_145] : memref<80x128xi32, #tpu.memory_space<vmem>> -> memref<1x128xi32, #tpu.memory_space<vmem>>
      %dma_wait3A_147 = tpu.memref_squeeze %dma_wait3A_146 : memref<1x128xi32, #tpu.memory_space<vmem>> -> memref<128xi32, #tpu.memory_space<vmem>>
      %dma_wait3A_148 = arith.constant 0 : i32
      %dma_wait3A_149 = arith.constant 0 : i32
      %dma_wait3A_150 = tpu.memref_slice %arg13[%dma_wait3A_148, %dma_wait3A_149] : memref<10240x128xf32, #tpu.memory_space<vmem_shared>> -> memref<10240x128xf32, #tpu.memory_space<vmem_shared>>
      tpu.wait_indirect_dma semaphore(%run_scoped3A_138 : memref<!tpu.dma_semaphore, #tpu.memory_space<semaphore_mem>>) src(%arg11 : memref<128x128xf32, #tpu.memory_space<vmem>>) dst(%dma_wait3A_150 : memref<10240x128xf32, #tpu.memory_space<vmem_shared>>)
      tpu.yield
    }) : () -> ()
    %dma_wait3A_125 = arith.constant 0 : i32
    %dma_wait3A_126 = arith.constant 0 : i32
    %dma_wait3A_127 = tpu.memref_slice %arg10[%dma_wait3A_125, %dma_wait3A_126] : memref<1x128xi32, #tpu.memory_space<vmem>> -> memref<1x128xi32, #tpu.memory_space<vmem>>
    %dma_wait3A_128 = tpu.memref_squeeze %dma_wait3A_127 : memref<1x128xi32, #tpu.memory_space<vmem>> -> memref<128xi32, #tpu.memory_space<vmem>>
    %dma_wait3A_129 = arith.constant 0 : i32
    %dma_wait3A_130 = arith.constant 0 : i32
    %dma_wait3A_131 = tpu.memref_slice %arg2[%dma_wait3A_129, %dma_wait3A_130] : memref<10240x128xf32, #tpu.memory_space<hbm>> -> memref<10240x128xf32, #tpu.memory_space<hbm>>
    tpu.wait_indirect_dma semaphore(%arg19 : memref<!tpu.dma_semaphore, #tpu.memory_space<semaphore_mem>>) src(%dma_wait3A_131 : memref<10240x128xf32, #tpu.memory_space<hbm>>) dst(%arg12 : memref<128x128xf32, #tpu.memory_space<vmem>>)
    %run_scoped3A_132 = arith.constant 79 : i32
    "tpu.region"() ({
      %run_scoped3A_138 = tpu.sem_alloc : memref<!tpu.dma_semaphore, #tpu.memory_space<semaphore_mem>>
      %dma_start3A_139 = arith.constant 0 : i32
      %dma_start3A_140 = tpu.memref_slice %arg6[%run_scoped3A_132, %dma_start3A_139] : memref<80x128xi32, #tpu.memory_space<vmem>> -> memref<1x128xi32, #tpu.memory_space<vmem>>
      %dma_start3A_141 = tpu.memref_squeeze %dma_start3A_140 : memref<1x128xi32, #tpu.memory_space<vmem>> -> memref<128xi32, #tpu.memory_space<vmem>>
      %dma_start3A_142 = arith.constant 0 : i32
      %dma_start3A_143 = arith.constant 0 : i32
      %dma_start3A_144 = tpu.memref_slice %arg13[%dma_start3A_142, %dma_start3A_143] : memref<10240x128xf32, #tpu.memory_space<vmem_shared>> -> memref<10240x128xf32, #tpu.memory_space<vmem_shared>>
      tpu.enqueue_indirect_dma source(%arg12 : memref<128x128xf32, #tpu.memory_space<vmem>>) target(%dma_start3A_144 : memref<10240x128xf32, #tpu.memory_space<vmem_shared>>) offsets(%dma_start3A_141 : memref<128xi32, #tpu.memory_space<vmem>>) semaphore(%run_scoped3A_138 : memref<!tpu.dma_semaphore, #tpu.memory_space<semaphore_mem>>) {add = true}
      %dma_wait3A_145 = arith.constant 0 : i32
      %dma_wait3A_146 = tpu.memref_slice %arg6[%run_scoped3A_132, %dma_wait3A_145] : memref<80x128xi32, #tpu.memory_space<vmem>> -> memref<1x128xi32, #tpu.memory_space<vmem>>
      %dma_wait3A_147 = tpu.memref_squeeze %dma_wait3A_146 : memref<1x128xi32, #tpu.memory_space<vmem>> -> memref<128xi32, #tpu.memory_space<vmem>>
      %dma_wait3A_148 = arith.constant 0 : i32
      %dma_wait3A_149 = arith.constant 0 : i32
      %dma_wait3A_150 = tpu.memref_slice %arg13[%dma_wait3A_148, %dma_wait3A_149] : memref<10240x128xf32, #tpu.memory_space<vmem_shared>> -> memref<10240x128xf32, #tpu.memory_space<vmem_shared>>
      tpu.wait_indirect_dma semaphore(%run_scoped3A_138 : memref<!tpu.dma_semaphore, #tpu.memory_space<semaphore_mem>>) src(%arg12 : memref<128x128xf32, #tpu.memory_space<vmem>>) dst(%dma_wait3A_150 : memref<10240x128xf32, #tpu.memory_space<vmem_shared>>)
      tpu.yield
    }) : () -> ()
    %barrier3A_133 = arith.constant 0 : index
    tpu.barrier barrier_id(%barrier3A_133)
    %mul3A_134 = arith.constant 640 : i32
    %mul3A_135 = arith.muli %arg1, %mul3A_134 : i32
    %mul3A_136 = arith.constant 640 : i32
    %mul3A_137 = arith.muli %arg1, %mul3A_136 : i32
    "tpu.region"() ({
      %run_scoped3A_138 = tpu.sem_alloc : memref<!tpu.dma_semaphore, #tpu.memory_space<semaphore_mem>>
      %dma_start3A_139 = arith.constant 0 : i32
      %dma_start3A_140 = tpu.memref_slice %arg5[%arg0, %mul3A_137, %dma_start3A_139] : memref<2x10240x128xf32, #tpu.memory_space<hbm>> -> memref<1x640x128xf32, #tpu.memory_space<hbm>>
      %dma_start3A_141 = tpu.memref_squeeze %dma_start3A_140 : memref<1x640x128xf32, #tpu.memory_space<hbm>> -> memref<640x128xf32, #tpu.memory_space<hbm>>
      %dma_start3A_142 = arith.constant 0 : i32
      %dma_start3A_143 = tpu.memref_slice %arg13[%mul3A_135, %dma_start3A_142] : memref<10240x128xf32, #tpu.memory_space<vmem_shared>> -> memref<640x128xf32, #tpu.memory_space<vmem_shared>>
      tpu.enqueue_dma source(%dma_start3A_143 : memref<640x128xf32, #tpu.memory_space<vmem_shared>>) target(%dma_start3A_141 : memref<640x128xf32, #tpu.memory_space<hbm>>) target_semaphore(%run_scoped3A_138 : memref<!tpu.dma_semaphore, #tpu.memory_space<semaphore_mem>>)
      %dma_wait3A_144 = arith.constant 0 : i32
      %dma_wait3A_145 = tpu.memref_slice %arg5[%arg0, %mul3A_137, %dma_wait3A_144] : memref<2x10240x128xf32, #tpu.memory_space<hbm>> -> memref<1x640x128xf32, #tpu.memory_space<hbm>>
      %dma_wait3A_146 = tpu.memref_squeeze %dma_wait3A_145 : memref<1x640x128xf32, #tpu.memory_space<hbm>> -> memref<640x128xf32, #tpu.memory_space<hbm>>
      %dma_wait3A_147 = arith.constant 0 : i32
      %dma_wait3A_148 = tpu.memref_slice %arg13[%mul3A_135, %dma_wait3A_147] : memref<10240x128xf32, #tpu.memory_space<vmem_shared>> -> memref<640x128xf32, #tpu.memory_space<vmem_shared>>
      tpu.wait_dma2 semaphore(%run_scoped3A_138 : memref<!tpu.dma_semaphore, #tpu.memory_space<semaphore_mem>>) src(%dma_wait3A_148 : memref<640x128xf32, #tpu.memory_space<vmem_shared>>) dst(%dma_wait3A_146 : memref<640x128xf32, #tpu.memory_space<hbm>>)
      tpu.yield
    }) : () -> ()
    return
  }
}

module attributes {stable_mosaic.version = 14 : i64} {
  func.func @_first_body(%arg0: i32, %arg1: memref<2048x128xf32, #tpu.memory_space<vmem>>, %arg2: memref<128x128xf32, #tpu.memory_space<vmem>>, %arg3: memref<2048x1xf32, #tpu.memory_space<vmem>>, %arg4: memref<2048x128xf32, #tpu.memory_space<vmem>>) attributes {dimension_semantics = [#tpu.dimension_semantics<arbitrary>], iteration_bounds = array<i64: 5>, scalar_prefetch = 0 : i64, scratch_operands = 0 : i64, tpu.core_type = #tpu.core_type<tc>, window_params = [{transform_indices = @transform_0, window_bounds = array<i64: 2048, 128>}, {pipeline_mode = #tpu.pipeline_mode<synchronous>, transform_indices = @transform_1, window_bounds = array<i64: 128, 128>}, {transform_indices = @transform_2, window_bounds = array<i64: 2048, 1>}, {transform_indices = @transform_3, window_bounds = array<i64: 2048, 128>}]} {
    %get3A = arith.constant 0 : index
    %get3A_0 = arith.constant 0 : index
    %get3A_1 = vector.load %arg3[%get3A, %get3A_0] : memref<2048x1xf32, #tpu.memory_space<vmem>>, vector<2048x1xf32>
    %get3A_2 = arith.constant 0 : index
    %get3A_3 = arith.constant 0 : index
    %get3A_4 = vector.load %arg1[%get3A_2, %get3A_3] : memref<2048x128xf32, #tpu.memory_space<vmem>>, vector<2048x128xf32>
    %get3A_5 = arith.constant 0 : index
    %get3A_6 = arith.constant 0 : index
    %get3A_7 = vector.load %arg2[%get3A_5, %get3A_6] : memref<128x128xf32, #tpu.memory_space<vmem>>, vector<128x128xf32>
    %dot_general3A = arith.constant dense<0.000000e+00> : vector<2048x128xf32>
    %dot_general3A_8 = tpu.matmul %get3A_4, %get3A_7, %dot_general3A {dimension_numbers = #tpu.dot_dimension_numbers<[1], [0], [0], [1], [0, 0, 1, 1], [], []>, transpose_lhs_hint = false} : vector<2048x128xf32>, vector<128x128xf32>, vector<2048x128xf32> -> vector<2048x128xf32>
    %mul3A = vector.broadcast %get3A_1 : vector<2048x1xf32> to vector<2048x128xf32>
    %mul3A_9 = arith.mulf %mul3A, %dot_general3A_8 : vector<2048x128xf32>
    %swap3A = arith.constant 0 : index
    %swap3A_10 = arith.constant 0 : index
    %swap3A_11 = vector.load %arg4[%swap3A, %swap3A_10] : memref<2048x128xf32, #tpu.memory_space<vmem>>, vector<2048x128xf32>
    tpu.vector_store %arg4[%swap3A, %swap3A_10], %mul3A_9 {strides = array<i32>} : memref<2048x128xf32, #tpu.memory_space<vmem>>, vector<2048x128xf32>,
    return
  }
  func.func @transform_0(%arg0: i32) -> (i32, i32) {
    %c0_i32 = arith.constant 0 : i32
    %c0_i32_0 = arith.constant 0 : i32
    return %arg0, %c0_i32 : i32, i32
  }
  func.func @transform_1(%arg0: i32) -> (i32, i32) {
    %c0_i32 = arith.constant 0 : i32
    %c0_i32_0 = arith.constant 0 : i32
    %c0_i32_1 = arith.constant 0 : i32
    return %c0_i32, %c0_i32_0 : i32, i32
  }
  func.func @transform_2(%arg0: i32) -> (i32, i32) {
    %c0_i32 = arith.constant 0 : i32
    %c0_i32_0 = arith.constant 0 : i32
    return %arg0, %c0_i32 : i32, i32
  }
  func.func @transform_3(%arg0: i32) -> (i32, i32) {
    %c0_i32 = arith.constant 0 : i32
    %c0_i32_0 = arith.constant 0 : i32
    return %arg0, %c0_i32 : i32, i32
  }
}

module attributes {stable_mosaic.version = 14 : i64} {
  func.func @_step_body(%arg0: i32, %arg1: memref<2x2048x128xf32, #tpu.memory_space<vmem>>, %arg2: memref<2048x128xf32, #tpu.memory_space<vmem>>, %arg3: memref<2048x1xf32, #tpu.memory_space<vmem>>, %arg4: memref<1x128xf32, #tpu.memory_space<vmem>>, %arg5: memref<128x128xf32, #tpu.memory_space<vmem>>, %arg6: memref<2048x128xf32, #tpu.memory_space<vmem>>, %arg7: memref<2048x128xf32, #tpu.memory_space<vmem>>) attributes {dimension_semantics = [#tpu.dimension_semantics<arbitrary>], iteration_bounds = array<i64: 5>, scalar_prefetch = 0 : i64, scratch_operands = 0 : i64, tpu.core_type = #tpu.core_type<tc>, window_params = [{transform_indices = @transform_0, window_bounds = array<i64: 2, 2048, 128>}, {transform_indices = @transform_1, window_bounds = array<i64: 2048, 128>}, {transform_indices = @transform_2, window_bounds = array<i64: 2048, 1>}, {pipeline_mode = #tpu.pipeline_mode<synchronous>, transform_indices = @transform_3, window_bounds = array<i64: 1, 128>}, {pipeline_mode = #tpu.pipeline_mode<synchronous>, transform_indices = @transform_4, window_bounds = array<i64: 128, 128>}, {transform_indices = @transform_5, window_bounds = array<i64: 2048, 128>}, {transform_indices = @transform_6, window_bounds = array<i64: 2048, 128>}]} {
    %get3A = arith.constant 0 : index
    %get3A_0 = arith.constant 0 : index
    %get3A_1 = arith.constant 0 : index
    %get3A_2 = vector.load %arg1[%get3A, %get3A_0, %get3A_1] : memref<2x2048x128xf32, #tpu.memory_space<vmem>>, vector<1x2048x128xf32>
    %get3A_3 = vector.shape_cast %get3A_2 : vector<1x2048x128xf32> to vector<2048x128xf32>
    %get3A_4 = arith.constant 1 : index
    %get3A_5 = arith.constant 0 : index
    %get3A_6 = arith.constant 0 : index
    %get3A_7 = vector.load %arg1[%get3A_4, %get3A_5, %get3A_6] : memref<2x2048x128xf32, #tpu.memory_space<vmem>>, vector<1x2048x128xf32>
    %get3A_8 = vector.shape_cast %get3A_7 : vector<1x2048x128xf32> to vector<2048x128xf32>
    %add3A = arith.addf %get3A_3, %get3A_8 : vector<2048x128xf32>
    %get3A_9 = arith.constant 0 : index
    %get3A_10 = arith.constant 0 : index
    %get3A_11 = vector.load %arg2[%get3A_9, %get3A_10] : memref<2048x128xf32, #tpu.memory_space<vmem>>, vector<2048x128xf32>
    %sub3A = arith.subf %add3A, %get3A_11 : vector<2048x128xf32>
    %get3A_12 = arith.constant 0 : index
    %get3A_13 = arith.constant 0 : index
    %get3A_14 = vector.load %arg3[%get3A_12, %get3A_13] : memref<2048x1xf32, #tpu.memory_space<vmem>>, vector<2048x1xf32>
    %mul3A = vector.broadcast %get3A_14 : vector<2048x1xf32> to vector<2048x128xf32>
    %mul3A_15 = arith.mulf %mul3A, %sub3A : vector<2048x128xf32>
    %get3A_16 = arith.constant 0 : index
    %get3A_17 = arith.constant 0 : index
    %get3A_18 = vector.load %arg4[%get3A_16, %get3A_17] : memref<1x128xf32, #tpu.memory_space<vmem>>, vector<1x128xf32>
    %add3A_19 = vector.broadcast %get3A_18 : vector<1x128xf32> to vector<2048x128xf32>
    %add3A_20 = arith.addf %mul3A_15, %add3A_19 : vector<2048x128xf32>
    %max3A = arith.constant 0.000000e+00 : f32
    %max3A_21 = vector.broadcast %max3A : f32 to vector<2048x128xf32>
    %max3A_22 = arith.maximumf %add3A_20, %max3A_21 : vector<2048x128xf32>
    %swap3A = arith.constant 0 : index
    %swap3A_23 = arith.constant 0 : index
    %swap3A_24 = vector.load %arg6[%swap3A, %swap3A_23] : memref<2048x128xf32, #tpu.memory_space<vmem>>, vector<2048x128xf32>
    tpu.vector_store %arg6[%swap3A, %swap3A_23], %max3A_22 {strides = array<i32>} : memref<2048x128xf32, #tpu.memory_space<vmem>>, vector<2048x128xf32>,
    %get3A_25 = arith.constant 0 : index
    %get3A_26 = arith.constant 0 : index
    %get3A_27 = vector.load %arg3[%get3A_25, %get3A_26] : memref<2048x1xf32, #tpu.memory_space<vmem>>, vector<2048x1xf32>
    %get3A_28 = arith.constant 0 : index
    %get3A_29 = arith.constant 0 : index
    %get3A_30 = vector.load %arg5[%get3A_28, %get3A_29] : memref<128x128xf32, #tpu.memory_space<vmem>>, vector<128x128xf32>
    %dot_general3A = arith.constant dense<0.000000e+00> : vector<2048x128xf32>
    %dot_general3A_31 = tpu.matmul %max3A_22, %get3A_30, %dot_general3A {dimension_numbers = #tpu.dot_dimension_numbers<[1], [0], [0], [1], [0, 0, 1, 1], [], []>, transpose_lhs_hint = false} : vector<2048x128xf32>, vector<128x128xf32>, vector<2048x128xf32> -> vector<2048x128xf32>
    %mul3A_32 = vector.broadcast %get3A_27 : vector<2048x1xf32> to vector<2048x128xf32>
    %mul3A_33 = arith.mulf %mul3A_32, %dot_general3A_31 : vector<2048x128xf32>
    %swap3A_34 = arith.constant 0 : index
    %swap3A_35 = arith.constant 0 : index
    %swap3A_36 = vector.load %arg7[%swap3A_34, %swap3A_35] : memref<2048x128xf32, #tpu.memory_space<vmem>>, vector<2048x128xf32>
    tpu.vector_store %arg7[%swap3A_34, %swap3A_35], %mul3A_33 {strides = array<i32>} : memref<2048x128xf32, #tpu.memory_space<vmem>>, vector<2048x128xf32>,
    return
  }
  func.func @transform_0(%arg0: i32) -> (i32, i32, i32) {
    %c0_i32 = arith.constant 0 : i32
    %c0_i32_0 = arith.constant 0 : i32
    %c0_i32_1 = arith.constant 0 : i32
    return %c0_i32, %arg0, %c0_i32_0 : i32, i32, i32
  }
  func.func @transform_1(%arg0: i32) -> (i32, i32) {
    %c0_i32 = arith.constant 0 : i32
    %c0_i32_0 = arith.constant 0 : i32
    return %arg0, %c0_i32 : i32, i32
  }
  func.func @transform_2(%arg0: i32) -> (i32, i32) {
    %c0_i32 = arith.constant 0 : i32
    %c0_i32_0 = arith.constant 0 : i32
    return %arg0, %c0_i32 : i32, i32
  }
  func.func @transform_3(%arg0: i32) -> (i32, i32) {
    %c0_i32 = arith.constant 0 : i32
    %c0_i32_0 = arith.constant 0 : i32
    %c0_i32_1 = arith.constant 0 : i32
    return %c0_i32, %c0_i32_0 : i32, i32
  }
  func.func @transform_4(%arg0: i32) -> (i32, i32) {
    %c0_i32 = arith.constant 0 : i32
    %c0_i32_0 = arith.constant 0 : i32
    %c0_i32_1 = arith.constant 0 : i32
    return %c0_i32, %c0_i32_0 : i32, i32
  }
  func.func @transform_5(%arg0: i32) -> (i32, i32) {
    %c0_i32 = arith.constant 0 : i32
    %c0_i32_0 = arith.constant 0 : i32
    return %arg0, %c0_i32 : i32, i32
  }
  func.func @transform_6(%arg0: i32) -> (i32, i32) {
    %c0_i32 = arith.constant 0 : i32
    %c0_i32_0 = arith.constant 0 : i32
    return %arg0, %c0_i32 : i32, i32
  }
}

module attributes {stable_mosaic.version = 14 : i64} {
  func.func @_pool_body(%arg0: i32, %arg1: memref<2048x128xf32, #tpu.memory_space<vmem>>, %arg2: memref<2048x128xf32, #tpu.memory_space<vmem>>, %arg3: memref<2x2048x128xf32, #tpu.memory_space<vmem>>, %arg4: memref<2048x128xf32, #tpu.memory_space<vmem>>, %arg5: memref<2048x1xf32, #tpu.memory_space<vmem>>, %arg6: memref<1x128xf32, #tpu.memory_space<vmem>>, %arg7: memref<1x1x2048xi32, #tpu.memory_space<vmem>>, %arg8: memref<384x64xf32, #tpu.memory_space<vmem>>, %arg9: memref<1x64xf32, #tpu.memory_space<vmem>>, %arg10: memref<64x64xf32, #tpu.memory_space<vmem>>, %arg11: memref<1x64xf32, #tpu.memory_space<vmem>>, %arg12: memref<64x1xf32, #tpu.memory_space<vmem>>, %arg13: memref<1x1xf32, #tpu.memory_space<vmem>>, %arg14: memref<64x1xf32, #tpu.memory_space<vmem>>, %arg15: memref<64x384xf32, #tpu.memory_space<vmem>>, %arg16: memref<64x1xf32, #tpu.memory_space<vmem>>) attributes {dimension_semantics = [#tpu.dimension_semantics<arbitrary>], iteration_bounds = array<i64: 5>, scalar_prefetch = 0 : i64, scratch_operands = 2 : i64, tpu.core_type = #tpu.core_type<tc>, window_params = [{transform_indices = @transform_0, window_bounds = array<i64: 2048, 128>}, {transform_indices = @transform_1, window_bounds = array<i64: 2048, 128>}, {transform_indices = @transform_2, window_bounds = array<i64: 2, 2048, 128>}, {transform_indices = @transform_3, window_bounds = array<i64: 2048, 128>}, {transform_indices = @transform_4, window_bounds = array<i64: 2048, 1>}, {pipeline_mode = #tpu.pipeline_mode<synchronous>, transform_indices = @transform_5, window_bounds = array<i64: 1, 128>}, {transform_indices = @transform_6, window_bounds = array<i64: 1, 1, 2048>}, {pipeline_mode = #tpu.pipeline_mode<synchronous>, transform_indices = @transform_7, window_bounds = array<i64: 384, 64>}, {pipeline_mode = #tpu.pipeline_mode<synchronous>, transform_indices = @transform_8, window_bounds = array<i64: 1, 64>}, {pipeline_mode = #tpu.pipeline_mode<synchronous>, transform_indices = @transform_9, window_bounds = array<i64: 64, 64>}, {pipeline_mode = #tpu.pipeline_mode<synchronous>, transform_indices = @transform_10, window_bounds = array<i64: 1, 64>}, {pipeline_mode = #tpu.pipeline_mode<synchronous>, transform_indices = @transform_11, window_bounds = array<i64: 64, 1>}, {pipeline_mode = #tpu.pipeline_mode<synchronous>, transform_indices = @transform_12, window_bounds = array<i64: 1, 1>}, {pipeline_mode = #tpu.pipeline_mode<synchronous>, transform_indices = @transform_13, window_bounds = array<i64: 64, 1>}]} {
    %eq3A = arith.constant 0 : i32
    %eq3A_0 = arith.cmpi eq, %arg0, %eq3A : i32
    %convert_element_type3A = arith.extui %eq3A_0 : i1 to i32
    %cond3A = arith.constant 0 : i32
    %cond3A_1 = arith.cmpi ne, %convert_element_type3A, %cond3A : i32
    scf.if %cond3A_1 {
      %broadcast_in_dim3A_62 = arith.constant 0.000000e+00 : f32
      %broadcast_in_dim3A_63 = vector.broadcast %broadcast_in_dim3A_62 : f32 to vector<64x384xf32>
      %swap3A_64 = arith.constant 0 : index
      %swap3A_65 = arith.constant 0 : index
      %swap3A_66 = vector.load %arg15[%swap3A_64, %swap3A_65] : memref<64x384xf32, #tpu.memory_space<vmem>>, vector<64x384xf32>
      tpu.vector_store %arg15[%swap3A_64, %swap3A_65], %broadcast_in_dim3A_63 {strides = array<i32>} : memref<64x384xf32, #tpu.memory_space<vmem>>, vector<64x384xf32>,
      %broadcast_in_dim3A_67 = arith.constant 0.000000e+00 : f32
      %broadcast_in_dim3A_68 = vector.broadcast %broadcast_in_dim3A_67 : f32 to vector<64x1xf32>
      %swap3A_69 = arith.constant 0 : index
      %swap3A_70 = arith.constant 0 : index
      %swap3A_71 = vector.load %arg16[%swap3A_69, %swap3A_70] : memref<64x1xf32, #tpu.memory_space<vmem>>, vector<64x1xf32>
      tpu.vector_store %arg16[%swap3A_69, %swap3A_70], %broadcast_in_dim3A_68 {strides = array<i32>} : memref<64x1xf32, #tpu.memory_space<vmem>>, vector<64x1xf32>,
    } else {
    }
    %get3A = arith.constant 0 : index
    %get3A_2 = arith.constant 0 : index
    %get3A_3 = arith.constant 0 : index
    %get3A_4 = vector.load %arg3[%get3A, %get3A_2, %get3A_3] : memref<2x2048x128xf32, #tpu.memory_space<vmem>>, vector<1x2048x128xf32>
    %get3A_5 = vector.shape_cast %get3A_4 : vector<1x2048x128xf32> to vector<2048x128xf32>
    %get3A_6 = arith.constant 1 : index
    %get3A_7 = arith.constant 0 : index
    %get3A_8 = arith.constant 0 : index
    %get3A_9 = vector.load %arg3[%get3A_6, %get3A_7, %get3A_8] : memref<2x2048x128xf32, #tpu.memory_space<vmem>>, vector<1x2048x128xf32>
    %get3A_10 = vector.shape_cast %get3A_9 : vector<1x2048x128xf32> to vector<2048x128xf32>
    %add3A = arith.addf %get3A_5, %get3A_10 : vector<2048x128xf32>
    %get3A_11 = arith.constant 0 : index
    %get3A_12 = arith.constant 0 : index
    %get3A_13 = vector.load %arg4[%get3A_11, %get3A_12] : memref<2048x128xf32, #tpu.memory_space<vmem>>, vector<2048x128xf32>
    %sub3A = arith.subf %add3A, %get3A_13 : vector<2048x128xf32>
    %get3A_14 = arith.constant 0 : index
    %get3A_15 = arith.constant 0 : index
    %get3A_16 = vector.load %arg5[%get3A_14, %get3A_15] : memref<2048x1xf32, #tpu.memory_space<vmem>>, vector<2048x1xf32>
    %mul3A = vector.broadcast %get3A_16 : vector<2048x1xf32> to vector<2048x128xf32>
    %mul3A_17 = arith.mulf %mul3A, %sub3A : vector<2048x128xf32>
    %get3A_18 = arith.constant 0 : index
    %get3A_19 = arith.constant 0 : index
    %get3A_20 = vector.load %arg6[%get3A_18, %get3A_19] : memref<1x128xf32, #tpu.memory_space<vmem>>, vector<1x128xf32>
    %add3A_21 = vector.broadcast %get3A_20 : vector<1x128xf32> to vector<2048x128xf32>
    %add3A_22 = arith.addf %mul3A_17, %add3A_21 : vector<2048x128xf32>
    %max3A = arith.constant 0.000000e+00 : f32
    %max3A_23 = vector.broadcast %max3A : f32 to vector<2048x128xf32>
    %max3A_24 = arith.maximumf %add3A_22, %max3A_23 : vector<2048x128xf32>
    %get3A_25 = arith.constant 0 : index
    %get3A_26 = arith.constant 0 : index
    %get3A_27 = vector.load %arg1[%get3A_25, %get3A_26] : memref<2048x128xf32, #tpu.memory_space<vmem>>, vector<2048x128xf32>
    %get3A_28 = arith.constant 0 : index
    %get3A_29 = arith.constant 0 : index
    %get3A_30 = vector.load %arg2[%get3A_28, %get3A_29] : memref<2048x128xf32, #tpu.memory_space<vmem>>, vector<2048x128xf32>
    %concatenate3A = tpu.concatenate %get3A_27, %get3A_30, %max3A_24 in 1 : vector<2048x128xf32>, vector<2048x128xf32>, vector<2048x128xf32> -> vector<2048x384xf32>
    %get3A_31 = arith.constant 0 : index
    %get3A_32 = arith.constant 0 : index
    %get3A_33 = arith.constant 0 : index
    %get3A_34 = vector.load %arg7[%get3A_31, %get3A_32, %get3A_33] : memref<1x1x2048xi32, #tpu.memory_space<vmem>>, vector<1x1x2048xi32>
    %get3A_35 = vector.shape_cast %get3A_34 : vector<1x1x2048xi32> to vector<1x2048xi32>
    %iota3A = tpu.iota {dimensions = array<i32: 0>} : vector<64x2048xi32>
    %eq3A_36 = vector.broadcast %get3A_35 : vector<1x2048xi32> to vector<64x2048xi32>
    %eq3A_37 = arith.cmpi eq, %iota3A, %eq3A_36 : vector<64x2048xi32>
    %convert_element_type3A_38 = arith.extui %eq3A_37 : vector<64x2048xi1> to vector<64x2048xi32>
    %convert_element_type3A_39 = arith.sitofp %convert_element_type3A_38 : vector<64x2048xi32> to vector<64x2048xf32>
    %get3A_40 = arith.constant 0 : index
    %get3A_41 = arith.constant 0 : index
    %get3A_42 = vector.load %arg15[%get3A_40, %get3A_41] : memref<64x384xf32, #tpu.memory_space<vmem>>, vector<64x384xf32>
    %dot_general3A = arith.constant dense<0.000000e+00> : vector<64x384xf32>
    %dot_general3A_43 = tpu.matmul %convert_element_type3A_39, %concatenate3A, %dot_general3A {dimension_numbers = #tpu.dot_dimension_numbers<[1], [0], [0], [1], [0, 0, 1, 1], [], []>, precision = #tpu.contract_precision<fp32>, transpose_lhs_hint = false} : vector<64x2048xf32>, vector<2048x384xf32>, vector<64x384xf32> -> vector<64x384xf32>
    %add3A_44 = arith.addf %get3A_42, %dot_general3A_43 : vector<64x384xf32>
    %swap3A = arith.constant 0 : index
    %swap3A_45 = arith.constant 0 : index
    %swap3A_46 = vector.load %arg15[%swap3A, %swap3A_45] : memref<64x384xf32, #tpu.memory_space<vmem>>, vector<64x384xf32>
    tpu.vector_store %arg15[%swap3A, %swap3A_45], %add3A_44 {strides = array<i32>} : memref<64x384xf32, #tpu.memory_space<vmem>>, vector<64x384xf32>,
    %get3A_47 = arith.constant 0 : index
    %get3A_48 = arith.constant 0 : index
    %get3A_49 = vector.load %arg16[%get3A_47, %get3A_48] : memref<64x1xf32, #tpu.memory_space<vmem>>, vector<64x1xf32>
    %broadcast_in_dim3A = arith.constant 1.000000e+00 : f32
    %broadcast_in_dim3A_50 = vector.broadcast %broadcast_in_dim3A : f32 to vector<2048x1xf32>
    %dot_general3A_51 = arith.constant dense<0.000000e+00> : vector<64x1xf32>
    %dot_general3A_52 = tpu.matmul %convert_element_type3A_39, %broadcast_in_dim3A_50, %dot_general3A_51 {dimension_numbers = #tpu.dot_dimension_numbers<[1], [0], [0], [1], [0, 0, 1, 1], [], []>, precision = #tpu.contract_precision<fp32>, transpose_lhs_hint = false} : vector<64x2048xf32>, vector<2048x1xf32>, vector<64x1xf32> -> vector<64x1xf32>
    %add3A_53 = arith.addf %get3A_49, %dot_general3A_52 : vector<64x1xf32>
    %swap3A_54 = arith.constant 0 : index
    %swap3A_55 = arith.constant 0 : index
    %swap3A_56 = vector.load %arg16[%swap3A_54, %swap3A_55] : memref<64x1xf32, #tpu.memory_space<vmem>>, vector<64x1xf32>
    tpu.vector_store %arg16[%swap3A_54, %swap3A_55], %add3A_53 {strides = array<i32>} : memref<64x1xf32, #tpu.memory_space<vmem>>, vector<64x1xf32>,
    %eq3A_57 = arith.constant 4 : i32
    %eq3A_58 = arith.cmpi eq, %arg0, %eq3A_57 : i32
    %convert_element_type3A_59 = arith.extui %eq3A_58 : i1 to i32
    %cond3A_60 = arith.constant 0 : i32
    %cond3A_61 = arith.cmpi ne, %convert_element_type3A_59, %cond3A_60 : i32
    scf.if %cond3A_61 {
      %get3A_62 = arith.constant 0 : index
      %get3A_63 = arith.constant 0 : index
      %get3A_64 = vector.load %arg15[%get3A_62, %get3A_63] : memref<64x384xf32, #tpu.memory_space<vmem>>, vector<64x384xf32>
      %get3A_65 = arith.constant 0 : index
      %get3A_66 = arith.constant 0 : index
      %get3A_67 = vector.load %arg16[%get3A_65, %get3A_66] : memref<64x1xf32, #tpu.memory_space<vmem>>, vector<64x1xf32>
      %max3A_68 = arith.constant 1.000000e+00 : f32
      %max3A_69 = vector.broadcast %max3A_68 : f32 to vector<64x1xf32>
      %max3A_70 = arith.maximumf %get3A_67, %max3A_69 : vector<64x1xf32>
      %div3A = vector.broadcast %max3A_70 : vector<64x1xf32> to vector<64x384xf32>
      %div3A_71 = arith.divf %get3A_64, %div3A : vector<64x384xf32>
      %get3A_72 = arith.constant 0 : index
      %get3A_73 = arith.constant 0 : index
      %get3A_74 = vector.load %arg8[%get3A_72, %get3A_73] : memref<384x64xf32, #tpu.memory_space<vmem>>, vector<384x64xf32>
      %dot_general3A_75 = arith.constant dense<0.000000e+00> : vector<64x64xf32>
      %dot_general3A_76 = tpu.matmul %div3A_71, %get3A_74, %dot_general3A_75 {dimension_numbers = #tpu.dot_dimension_numbers<[1], [0], [0], [1], [0, 0, 1, 1], [], []>, precision = #tpu.contract_precision<fp32>, transpose_lhs_hint = false} : vector<64x384xf32>, vector<384x64xf32>, vector<64x64xf32> -> vector<64x64xf32>
      %get3A_77 = arith.constant 0 : index
      %get3A_78 = arith.constant 0 : index
      %get3A_79 = vector.load %arg9[%get3A_77, %get3A_78] : memref<1x64xf32, #tpu.memory_space<vmem>>, vector<1x64xf32>
      %add3A_80 = vector.broadcast %get3A_79 : vector<1x64xf32> to vector<64x64xf32>
      %add3A_81 = arith.addf %dot_general3A_76, %add3A_80 : vector<64x64xf32>
      %max3A_82 = arith.constant 0.000000e+00 : f32
      %max3A_83 = vector.broadcast %max3A_82 : f32 to vector<64x64xf32>
      %max3A_84 = arith.maximumf %add3A_81, %max3A_83 : vector<64x64xf32>
      %get3A_85 = arith.constant 0 : index
      %get3A_86 = arith.constant 0 : index
      %get3A_87 = vector.load %arg10[%get3A_85, %get3A_86] : memref<64x64xf32, #tpu.memory_space<vmem>>, vector<64x64xf32>
      %dot_general3A_88 = arith.constant dense<0.000000e+00> : vector<64x64xf32>
      %dot_general3A_89 = tpu.matmul %max3A_84, %get3A_87, %dot_general3A_88 {dimension_numbers = #tpu.dot_dimension_numbers<[1], [0], [0], [1], [0, 0, 1, 1], [], []>, precision = #tpu.contract_precision<fp32>, transpose_lhs_hint = false} : vector<64x64xf32>, vector<64x64xf32>, vector<64x64xf32> -> vector<64x64xf32>
      %get3A_90 = arith.constant 0 : index
      %get3A_91 = arith.constant 0 : index
      %get3A_92 = vector.load %arg11[%get3A_90, %get3A_91] : memref<1x64xf32, #tpu.memory_space<vmem>>, vector<1x64xf32>
      %add3A_93 = vector.broadcast %get3A_92 : vector<1x64xf32> to vector<64x64xf32>
      %add3A_94 = arith.addf %dot_general3A_89, %add3A_93 : vector<64x64xf32>
      %max3A_95 = arith.constant 0.000000e+00 : f32
      %max3A_96 = vector.broadcast %max3A_95 : f32 to vector<64x64xf32>
      %max3A_97 = arith.maximumf %add3A_94, %max3A_96 : vector<64x64xf32>
      %get3A_98 = arith.constant 0 : index
      %get3A_99 = arith.constant 0 : index
      %get3A_100 = vector.load %arg12[%get3A_98, %get3A_99] : memref<64x1xf32, #tpu.memory_space<vmem>>, vector<64x1xf32>
      %dot_general3A_101 = arith.constant dense<0.000000e+00> : vector<64x1xf32>
      %dot_general3A_102 = tpu.matmul %max3A_97, %get3A_100, %dot_general3A_101 {dimension_numbers = #tpu.dot_dimension_numbers<[1], [0], [0], [1], [0, 0, 1, 1], [], []>, precision = #tpu.contract_precision<fp32>, transpose_lhs_hint = false} : vector<64x64xf32>, vector<64x1xf32>, vector<64x1xf32> -> vector<64x1xf32>
      %get3A_103 = arith.constant 0 : index
      %get3A_104 = arith.constant 0 : index
      %get3A_105 = vector.load %arg13[%get3A_103, %get3A_104] : memref<1x1xf32, #tpu.memory_space<vmem>>, vector<1x1xf32>
      %add3A_106 = vector.broadcast %get3A_105 : vector<1x1xf32> to vector<64x1xf32>
      %add3A_107 = arith.addf %dot_general3A_102, %add3A_106 : vector<64x1xf32>
      %swap3A_108 = arith.constant 0 : index
      %swap3A_109 = arith.constant 0 : index
      %swap3A_110 = vector.load %arg14[%swap3A_108, %swap3A_109] : memref<64x1xf32, #tpu.memory_space<vmem>>, vector<64x1xf32>
      tpu.vector_store %arg14[%swap3A_108, %swap3A_109], %add3A_107 {strides = array<i32>} : memref<64x1xf32, #tpu.memory_space<vmem>>, vector<64x1xf32>,
    } else {
    }
    return
  }
  func.func @transform_0(%arg0: i32) -> (i32, i32) {
    %c0_i32 = arith.constant 0 : i32
    %c0_i32_0 = arith.constant 0 : i32
    return %arg0, %c0_i32 : i32, i32
  }
  func.func @transform_1(%arg0: i32) -> (i32, i32) {
    %c0_i32 = arith.constant 0 : i32
    %c0_i32_0 = arith.constant 0 : i32
    return %arg0, %c0_i32 : i32, i32
  }
  func.func @transform_2(%arg0: i32) -> (i32, i32, i32) {
    %c0_i32 = arith.constant 0 : i32
    %c0_i32_0 = arith.constant 0 : i32
    %c0_i32_1 = arith.constant 0 : i32
    return %c0_i32, %arg0, %c0_i32_0 : i32, i32, i32
  }
  func.func @transform_3(%arg0: i32) -> (i32, i32) {
    %c0_i32 = arith.constant 0 : i32
    %c0_i32_0 = arith.constant 0 : i32
    return %arg0, %c0_i32 : i32, i32
  }
  func.func @transform_4(%arg0: i32) -> (i32, i32) {
    %c0_i32 = arith.constant 0 : i32
    %c0_i32_0 = arith.constant 0 : i32
    return %arg0, %c0_i32 : i32, i32
  }
  func.func @transform_5(%arg0: i32) -> (i32, i32) {
    %c0_i32 = arith.constant 0 : i32
    %c0_i32_0 = arith.constant 0 : i32
    %c0_i32_1 = arith.constant 0 : i32
    return %c0_i32, %c0_i32_0 : i32, i32
  }
  func.func @transform_6(%arg0: i32) -> (i32, i32, i32) {
    %c0_i32 = arith.constant 0 : i32
    %c0_i32_0 = arith.constant 0 : i32
    %c0_i32_1 = arith.constant 0 : i32
    return %arg0, %c0_i32, %c0_i32_0 : i32, i32, i32
  }
  func.func @transform_7(%arg0: i32) -> (i32, i32) {
    %c0_i32 = arith.constant 0 : i32
    %c0_i32_0 = arith.constant 0 : i32
    %c0_i32_1 = arith.constant 0 : i32
    return %c0_i32, %c0_i32_0 : i32, i32
  }
  func.func @transform_8(%arg0: i32) -> (i32, i32) {
    %c0_i32 = arith.constant 0 : i32
    %c0_i32_0 = arith.constant 0 : i32
    %c0_i32_1 = arith.constant 0 : i32
    return %c0_i32, %c0_i32_0 : i32, i32
  }
  func.func @transform_9(%arg0: i32) -> (i32, i32) {
    %c0_i32 = arith.constant 0 : i32
    %c0_i32_0 = arith.constant 0 : i32
    %c0_i32_1 = arith.constant 0 : i32
    return %c0_i32, %c0_i32_0 : i32, i32
  }
  func.func @transform_10(%arg0: i32) -> (i32, i32) {
    %c0_i32 = arith.constant 0 : i32
    %c0_i32_0 = arith.constant 0 : i32
    %c0_i32_1 = arith.constant 0 : i32
    return %c0_i32, %c0_i32_0 : i32, i32
  }
  func.func @transform_11(%arg0: i32) -> (i32, i32) {
    %c0_i32 = arith.constant 0 : i32
    %c0_i32_0 = arith.constant 0 : i32
    %c0_i32_1 = arith.constant 0 : i32
    return %c0_i32, %c0_i32_0 : i32, i32
  }
  func.func @transform_12(%arg0: i32) -> (i32, i32) {
    %c0_i32 = arith.constant 0 : i32
    %c0_i32_0 = arith.constant 0 : i32
    %c0_i32_1 = arith.constant 0 : i32
    return %c0_i32, %c0_i32_0 : i32, i32
  }
  func.func @transform_13(%arg0: i32) -> (i32, i32) {
    %c0_i32 = arith.constant 0 : i32
    %c0_i32_0 = arith.constant 0 : i32
    %c0_i32_1 = arith.constant 0 : i32
    return %c0_i32, %c0_i32_0 : i32, i32
  }
}

</mosaic_0001>

<sc_bundles>
// kernel: kernel.10.cloned.1.call-start
scs
__scs_entry_jumppad:
0x0: {  	(pc) =	sbr.rel $0x88, $3  }
0x1: {  	(tag) =	ssettag $0x0;
	lr =	simm.s32 $0x1  }
0x2: {  	[smem:$0x3F92] =	sst lr;
	_ =	strace $0xD0000000  }
0x3: {  	_ = 	snop  }
0x4: {  	_ = 	snop  }
0x5: {  	_ = 	snop  }
0x6: {  	_ = 	snop  }
0x7: {  	_ = 	snop  }
__scs_overlays_trampoline_lowered:
0x8: {  	[smem:$0x3FA1] =	sst s0  }
0x9: {  	[smem:$0x3FA2] =	sst s1  }
0xa: {  	[smem:$0x3FA3] =	sst s2  }
0xb: {  	[smem:$0x3FA4] =	sst s3  }
0xc: {  	[smem:$0x3FA5] =	sst s4  }
0xd: {  	[smem:$0x3FA6] =	sst s5  }
0xe: {  	[smem:$0x3FA7] =	sst s6  }
0xf: {  	[smem:$0x3FA8] =	sst s7  }
0x10: {  	[smem:$0x3FA9] =	sst s8  }
0x11: {  	[smem:$0x3FAA] =	sst s9;
	s0 =	simm.s32 @!p0 $0x0  }
0x12: {  	s1 =	sld [smem:$0x3F90];
	s0 =	simm.s32 @p0 $0x1  }
0x13: {  	[smem:$0x3FAB] =	sst s0;
	s0 =	simm.s32 @!p1 $0x0  }
0x14: {  	s2 =	sld [smem:$0x3F8F];
	s0 =	simm.s32 @p1 $0x1  }
0x15: {  	[smem:$0x3FAC] =	sst s0;
	s0 =	simm.s32 @!p2 $0x0  }
0x16: {  	s3 =	sld [smem:$0x3FDB];
	s0 =	simm.s32 @p2 $0x1  }
0x17: {  	s4 =	simm.s32 $0x1BF5;
	[smem:$0x3FAE] =	sst s0  }
0x18: {  	s0 =	sld [smem:$0x3F91];
	_ =	swait.ge [sflag:s4], $0x0  }
0x19: {  	s7 =	sld [smem:$0x3F92]  }
0x1a: {  	s8 =	sadd.s32 $0xFFFFE003, lr  }
0x1b: {  	s9 =	sadd.s32 $0xFFFFFEF7, lr;
	s5 =	simm.s32 $0xFFFFFFFF;
	p2 =	slt.u32 s8, $0xFFFFF086  }
0x1c: {  	p1 =	slt.u32 s9, $0xF7A;
	s5 =	simm.s32 @!p2 $0x0  }
0x1d: {  	s5 =	simm.s32 @p1 $0x1;
	p0 =	seq.s32 s7, s2  }
0x1e: {  	s7 =	smul.u32 @!p0 $0xF7A, s2;
	p2 =	seq.s32 @!p0 s5, $0x0  }
0x1f: {  	s9 =	smul.u32 $0xF7A, s1;
	s8 =	simm.s32 @!p0 $0x1BF5;
	p2 =	por !p2, p0  }
0x20: {  	[sflag:s8] =	ssyncset.s32 @!p0 $0xFFFFF086;
	s6 =	sadd.s32 @!p0 s3, s7;
	s7 =	simm.s32 @!p0 $0x108  }
0x21: {  	s3 =	sadd.s32 s3, s9;
	s6 =	sadd.s32 @!p0 $0x88, s6;
	s7 =	simm.s32 @p2 $0x1082  }
0x22: {  	[simem:s7], [sflag:s8] =	dma.local @!p0 [hbm:s6], $0xF7A  }
0x23: {  	s9 =	sor.u32 $0xD0000000, s2;
	s6 =	simm.s32 $0x108;
	_ =	swait.ge @!p0 [sflag:s8], $0x0  }
0x24: {  	s3 =	sadd.s32 $0x88, s3;
	s6 =	simm.s32 @!p1 $0x1082;
	[sflag:s4] =	ssyncset.s32 $0xFFFFF086  }
0x25: {  	[simem:s6], [sflag:s4] =	dma.local [hbm:s3], $0xF7A  }
0x26: {  	[smem:$0x3F92] =	sst s1;
	(tag) =	ssettag s2;
	_ =	strace s9  }
0x27: {  	s1 =	sld [smem:$0x3FA2]  }
0x28: {  	s2 =	sld [smem:$0x3FA3]  }
0x29: {  	s4 =	sld [smem:$0x3FA5]  }
0x2a: {  	p0 =	seq.s32 s5, $0x0;
	s5 =	sld [smem:$0x3FA6]  }
0x2b: {  	s6 =	sld [smem:$0x3FA7]  }
0x2c: {  	s7 =	sld [smem:$0x3FA8]  }
0x2d: {  	s3 =	simm.s32 $0x108;
	s8 =	sld [smem:$0x3FA9]  }
0x2e: {  	s3 =	simm.s32 @!p0 $0x1082;
	s9 =	sld [smem:$0x3FAA]  }
0x2f: {  	lr =	sadd.s32 s0, s3;
	s0 =	sld [smem:$0x3FA1]  }
0x30: {  	s3 =	sld [smem:$0x3FA4]  }
0x31: {  	[smem:$0x3FAD] =	sst s10  }
0x32: {  	s10 =	sld [smem:$0x3FAB];
	_ =	sdelay $0x3  }
0x33: {  	p0 =	seq.s32 s10, $0x1;
	s10 =	sld [smem:$0x3FAD];
	_ =	sdelay $0x3  }
0x34: {  	[smem:$0x3FAD] =	sst s10  }
0x35: {  	s10 =	sld [smem:$0x3FAC];
	_ =	sdelay $0x3  }
0x36: {  	p1 =	seq.s32 s10, $0x1;
	s10 =	sld [smem:$0x3FAD];
	_ =	sdelay $0x3  }
0x37: {  	[smem:$0x3FAD] =	sst s10  }
0x38: {  	s10 =	sld [smem:$0x3FAE]  }
0x39: {  	_ = 	snop;
	(pc) =	sbr.ind lr, $3  }
0x3a: {  	_ = 	snop  }
0x3b: {  	_ = 	snop  }
0x3c: {  	p2 =	seq.s32 s10, $0x1;
	s10 =	sld [smem:$0x3FAD]  }
0x3d: {  	_ =	shalt  }
0x3e: {  	_ =	shalt  }
0x3f: {  	_ =	shalt  }
0x40: {  	_ =	shalt  }
0x41: {  	_ =	shalt  }
0x42: {  	_ =	shalt  }
0x43: {  	_ =	shalt  }
0x44: {  	_ =	shalt  }
0x45: {  	_ =	shalt  }
0x46: {  	_ =	shalt  }
0x47: {  	_ =	shalt  }
0x48: {  	_ =	shalt  }
0x49: {  	_ =	shalt  }
0x4a: {  	_ =	shalt  }
0x4b: {  	_ =	shalt  }
0x4c: {  	_ =	shalt  }
0x4d: {  	_ =	shalt  }
0x4e: {  	_ =	shalt  }
0x4f: {  	_ =	shalt  }
0x50: {  	_ =	shalt  }
0x51: {  	_ =	shalt  }
0x52: {  	_ =	shalt  }
0x53: {  	_ =	shalt  }
0x54: {  	_ =	shalt  }
0x55: {  	_ =	shalt  }
0x56: {  	_ =	shalt  }
0x57: {  	_ =	shalt  }
0x58: {  	_ =	shalt  }
0x59: {  	_ =	shalt  }
0x5a: {  	_ =	shalt  }
0x5b: {  	_ =	shalt  }
0x5c: {  	_ =	shalt  }
0x5d: {  	_ =	shalt  }
0x5e: {  	_ =	shalt  }
0x5f: {  	_ =	shalt  }
0x60: {  	_ =	shalt  }
0x61: {  	_ =	shalt  }
0x62: {  	_ =	shalt  }
0x63: {  	_ =	shalt  }
0x64: {  	_ =	shalt  }
0x65: {  	_ =	shalt  }
0x66: {  	_ =	shalt  }
0x67: {  	_ =	shalt  }
0x68: {  	_ =	shalt  }
0x69: {  	_ =	shalt  }
0x6a: {  	_ =	shalt  }
0x6b: {  	_ =	shalt  }
0x6c: {  	_ =	shalt  }
0x6d: {  	_ =	shalt  }
0x6e: {  	_ =	shalt  }
0x6f: {  	_ =	shalt  }
0x70: {  	_ =	shalt  }
0x71: {  	_ =	shalt  }
0x72: {  	_ =	shalt  }
0x73: {  	_ =	shalt  }
0x74: {  	_ =	shalt  }
0x75: {  	_ =	shalt  }
0x76: {  	_ =	shalt  }
0x77: {  	_ =	shalt  }
0x78: {  	_ =	shalt  }
0x79: {  	_ =	shalt  }
0x7a: {  	_ =	shalt  }
0x7b: {  	_ =	shalt  }
0x7c: {  	_ =	shalt  }
0x7d: {  	_ =	shalt  }
0x7e: {  	_ =	shalt  }
0x7f: {  	_ =	shalt  }
0x80: {  	_ =	shalt  }
0x81: {  	_ =	shalt  }
0x82: {  	_ =	shalt  }
0x83: {  	_ =	shalt  }
0x84: {  	_ =	shalt  }
0x85: {  	_ =	shalt  }
0x86: {  	_ =	shalt  }
0x87: {  	_ =	shalt  }
.Lfunc_end0:
.L_simem_size_0:
called_computation_lowered:
.L_overlay_start_0:
0x88: {  	s2 =	sld [smem:$0x3FD9]  }
0x89: {  	s3 =	sld [smem:$0x3FFE];
	_ =	sdelay $0x1  }
0x8a: {  	s1 =	srdreg.scid  }
0x8b: {  	s0 =	sand.u32 $0x1, s1  }
0x8c: {  	s16 =	sshll.u32 s0, $0xA;
	s2 =	sadd.s32 s3, s2  }
0x8d: {  	s2 =	sadd.s32 s2, s16  }
0x8e: {  	[smem:$0x3FB9] =	sst s2  }
0x8f: {  	_ = 	snop  }
0x90: {  	(tm) =	ssettm $0x1  }
0x91: {  	s17 =	sld [smem:$0x3FFB];
	_ =	sdelay $0x3  }
0x92: {  	_ =	strace s17  }
0x93: {  	s2 =	sld [smem:$0x3FFC];
	_ =	sdelay $0x3  }
0x94: {  	_ =	strace s2  }
0x95: {  	s2 =	sld [smem:$0x3FFD];
	_ =	sdelay $0x3  }
0x96: {  	_ =	strace s2  }
0x97: {  	_ =	strace $0x8FFFFFFF  }
0x98: {  	s18 =	sld [smem:$0x3FDB];
	_ =	sdelay $0x1  }
0x99: {  	s19 =	simm.s32 $_scs_section_size  }
0x9a: {  	s4 =	simm.s32 $_size__tile_overlayer_lowered;
	s5 =	simm.s32 $_tile_overlayer_lowered  }
0x9b: {  	s22 =	simm.s32 $0x1BFF;
	s21 =	sshll.u32 s5, $0x1;
	s2 =	sadd.s32 s19, s18  }
0x9c: {  	s6 =	simm.s32 $0x0;
	s20 =	sshll.u32 s4, $0x1;
	s4 =	sadd.s32 s21, s2  }
0x9d: {  	[timem:s6], [sflag:s22] =	dma.local [hbm:s4], s20  }
0x9e: {  	_ =	swait.ge [sflag:s22], s20  }
0x9f: {  	s3 =	ssub.s32 $0x0, s20;
	[sflag:s22] =	ssyncset.done $0x0  }
0xa0: {  	[sflag:s22] =	ssyncadd.s32 s3;
	_ =	sdelay $0x1  }
0xa1: {  	s23 =	simm.s32 $0x1B8B  }
0xa2: {  	_ =	swait.ge [sflag:s23], $0x1  }
0xa3: {  	[sflag:s23] =	ssyncset.done $0x0  }
0xa4: {  	s25 =	simm.s32 $0x1B8E;
	s24 =	sld [smem:$0x3FFE];
	[sflag:s23] =	ssyncadd.s32 $0xFFFFFFFF  }
0xa5: {  	s26 =	simm.s32 $execute0_lowered;
	[smem:$0x3FD2] =	sst s25  }
0xa6: {  	s4 =	sshll.u32 s26, $0x1;
	_ =	strace $0x80000046;
	[dreg:$0x1] =	wrdreg $0xFFFFFFFF  }
0xa7: {  	s28 =	simm.s32 $_size_execute0_lowered;
	s2 =	sadd.s32 s2, s4;
	[dreg:$0x0] =	wrdreg $0x0  }
0xa8: {  	s4 =	sshll.u32 s28, $0x1;
	[dreg:$0x2] =	wrdreg s2  }
0xa9: {  	[dreg:$0x3] =	wrdreg s4  }
0xaa: {  	[dreg:$0x4] =	wrdreg $0xC0  }
0xab: {  	_ =	task [dreg:s6], $0x5FFFF  }
0xac: {  	[dreg:$0x1] =	wrdreg $0xFFFFFFFF  }
0xad: {  	[dreg:$0x0] =	wrdreg $0x60  }
0xae: {  	[dreg:$0x2] =	wrdreg s24  }
0xaf: {  	[dreg:$0x3] =	wrdreg $0x2B000  }
0xb0: {  	[dreg:$0x4] =	wrdreg $0x9  }
0xb1: {  	_ =	task.clear_ibuf [dreg:s6], $0x5FFFF;
	_ =	strace $0x90000046  }
0xb2: {  	s29 =	simm.s32 $0x9;
	_ =	strace $0x80000048  }
0xb3: {  	_ =	swait.ge [sflag:s29], $0x1  }
0xb4: {  	[sflag:s29] =	ssyncadd.s32 $0xFFFFFFFF  }
0xb5: {  	_ =	strace $0x90000048  }
0xb6: {  	_ =	sfence  }
0xb7: {  	s30 =	sld [smem:$0x0];
	_ =	sdelay $0x2  }
0xb8: {  	s31 =	sshll.u32 s1, $0xD;
	s1 =	sshrl.u32 s1, $0x2  }
0xb9: {  	s3 =	sand.u32 $0x4000, s31;
	s1 =	sadd.s32 s1, s30  }
0xba: {  	s0 =	sor.u32 s3, s0;
	s1 =	sshll.u32 s1, $0x11  }
0xbb: {  	s0 =	sor.u32 s1, s0  }
0xbc: {  	s0 =	sadd.s32 $0x8F2B, s0  }
0xbd: {  	[sflag:s0] =	ssyncadd.remote.s32 $0x1  }
0xbe: {  	_ =	sfence.sel $0xFFFF  }
0xbf: {  	[dreg:$0x0] =	wrdreg $0xFFFFFFFF;
	(pc) =	sbr.abs _section_cstart, $3  }
0xc0: {  	[dreg:$0x1] =	wrdreg $0xFFFFFFFF  }
0xc1: {  	_ =	task.clear_ibuf [dreg:s6], $0x2FFFF;
	_ =	strace $0x9FFFFFFF  }
0xc2: {  	(tm) =	ssettm $0x7FFFFFFF  }
0xc3: {  	_ =	shalt  }
tec
execute0_lowered:
.L_overlay_start_1:
0x0: {  	(tag) =	ssettag $0x1  }
0x1: {  	s4 =	rddreg [dreg:$0x0]  }
0x2: {  	s2 =	rddreg [dreg:$0x1];
	s3 =	srdreg.scid  }
0x3: {  	s1 =	stileid.u32;
	s0 =	rddreg [dreg:$0x2];
	s10 =	simm.s32 $0x80  }
0x4: {  	s11 =	simm.s32 $0x2800;
	s14 =	simm.s32 $0x0;
	s5 =	sand.u32 $0x1, s3  }
0x5: {  	s6 =	smul.u32 $0x280, s1;
	s3 =	simm.s32 $0x0;
	s12 =	sshll.u32 s1, $0x6  }
0x6: {  	s7 =	sshll.u32 s5, $0x4;
	s8 =	smul.u32 $0x2800, s5;
	[smem:$0x7FF] =	sst s3  }
0x7: {  	s5 =	ssub.s32 $0x2, s5;
	s12 =	sor.u32 $0x1C01, s12;
	s7 =	sor.u32 s1, s7  }
0x8: {  	s9 =	sshrl.u32 s5, $0x1;
	s7 =	smul.u32 $0x500, s7;
	s8 =	sadd.s32 s6, s8  }
0x9: {  	_ =	strace $0x80000047;
	s9 =	ssub.s32 s5, s9;
	s8 =	sshrl.u32 s8, $0x3  }
0xa: {  	s5 =	sadd.s32 s6, s2;
	s7 =	sadd.s32 s7, s4;
	s8 =	sadd.s32 s8, s4  }
0xb: {  	s13 =	sshrl.u32 s5, $0x3;
	s4 =	sadd.s32 $0x4400, s7;
	s6 =	sadd.s32 $0xE400, s8  }
0xc: {  	v0 =	vimm.f32 $1.000000000e+00;
	v1 =	vimm.f32 $0.0e+00;
	s7 =	smax.u32 s9, $0x1;
	s8 =	simm.s32 $0x1;
	s9 =	simm.s32 $0x2880  }
.LBB2_1:
0xd: {  	[tilespmem:$0x2800] =	vst v0  }
0xe: {  	[tilespmem:$0x2810] =	vst v0  }
0xf: {  	[tilespmem:$0x2820] =	vst v0  }
0x10: {  	[tilespmem:$0x2830] =	vst v0  }
0x11: {  	[tilespmem:$0x2840] =	vst v0  }
0x12: {  	[tilespmem:$0x2850] =	vst v0  }
0x13: {  	[tilespmem:$0x2860] =	vst v0  }
0x14: {  	[tilespmem:$0x2870] =	vst v0  }
0x15: {  	[tilespmem:$0x2880] =	vst v1  }
0x16: {  	[tilespmem:$0x2890] =	vst v1  }
0x17: {  	[tilespmem:$0x28A0] =	vst v1  }
0x18: {  	[tilespmem:$0x28B0] =	vst v1  }
0x19: {  	[tilespmem:$0x28C0] =	vst v1  }
0x1a: {  	[tilespmem:$0x28D0] =	vst v1  }
0x1b: {  	[tilespmem:$0x28E0] =	vst v1  }
0x1c: {  	[tilespmem:$0x28F0] =	vst v1  }
0x1d: {  	[tilespmem:$0x2900] =	vst v1  }
0x1e: {  	[tilespmem:$0x2910] =	vst v1  }
0x1f: {  	[tilespmem:$0x2920] =	vst v1  }
0x20: {  	[tilespmem:$0x2930] =	vst v1  }
0x21: {  	[tilespmem:$0x2940] =	vst v1  }
0x22: {  	[tilespmem:$0x2950] =	vst v1  }
0x23: {  	[tilespmem:$0x2960] =	vst v1  }
0x24: {  	[tilespmem:$0x2970] =	vst v1  }
0x25: {  	[tilespmem:$0x2980] =	vst v1  }
0x26: {  	[tilespmem:$0x2990] =	vst v1  }
0x27: {  	[tilespmem:$0x29A0] =	vst v1  }
0x28: {  	[tilespmem:$0x29B0] =	vst v1  }
0x29: {  	[tilespmem:$0x29C0] =	vst v1  }
0x2a: {  	[tilespmem:$0x29D0] =	vst v1  }
0x2b: {  	[tilespmem:$0x29E0] =	vst v1  }
0x2c: {  	[tilespmem:$0x29F0] =	vst v1  }
0x2d: {  	[tilespmem:$0x2A00] =	vst v1  }
0x2e: {  	[tilespmem:$0x2A10] =	vst v1  }
0x2f: {  	[tilespmem:$0x2A20] =	vst v1  }
0x30: {  	[tilespmem:$0x2A30] =	vst v1  }
0x31: {  	[tilespmem:$0x2A40] =	vst v1  }
0x32: {  	[tilespmem:$0x2A50] =	vst v1  }
0x33: {  	[tilespmem:$0x2A60] =	vst v1  }
0x34: {  	[tilespmem:$0x2A70] =	vst v1  }
0x35: {  	[tilespmem:$0x2A80] =	vst v1  }
0x36: {  	[tilespmem:$0x2A90] =	vst v1  }
0x37: {  	[tilespmem:$0x2AA0] =	vst v1  }
0x38: {  	[tilespmem:$0x2AB0] =	vst v1  }
0x39: {  	[tilespmem:$0x2AC0] =	vst v1  }
0x3a: {  	[tilespmem:$0x2AD0] =	vst v1  }
0x3b: {  	[tilespmem:$0x2AE0] =	vst v1  }
0x3c: {  	[tilespmem:$0x2AF0] =	vst v1  }
0x3d: {  	[tilespmem:s3], [sflag:$0x1] =	stream.linear.gather [hbm4b:s4+s3], $0x2800, $0x38;
	[tilespmem:$0x2D80] =	vst v63  }
0x3e: {  	_ =	swait.ge [sflag:s8], $0x2800  }
0x3f: {  	[sflag:s8] =	ssyncset.done $0x0  }
0x40: {  	[sflag:s8] =	ssyncadd.s32 $0xFFFFD800  }
0x41: {  	[spmem:s5] =	stream.linear.scatter [tilespmem:s9], [sflag:$0x1], $0x280, $0x38;
	[tilespmem:$0x2D80] =	vst v63  }
0x42: {  	_ =	swait.ge [sflag:s8], $0x280  }
0x43: {  	[sflag:s8] =	ssyncset.done $0x0  }
0x44: {  	[sflag:s8] =	ssyncadd.s32 $0xFFFFFD80  }
0x45: {  	s15 =	simm.s32 $0x0;
	[bflag:$0x0] =	sbarrier.arrive $0xFFFF  }
0x46: {  	[spmem:s2] =	stream.indirect.scatter.add.f32 [tilespmem:s11], [sflag:$0x1], $0x1, s15, s10, $0xb8;
	[tilespmem:$0x2D80] =	vst v63  }
0x47: {  	_ =	swait.ge [sflag:s8], $0x80  }
0x48: {  	s15 =	simm.s32 $0x200;
	[sflag:s8] =	ssyncset.done $0x0  }
.LBB2_2:
0x49: {  	s16 =	sshra.s32 s15, $0x2;
	[sflag:s8] =	ssyncadd.s32 $0xFFFFFF80;
	p0 =	sne.s32 s15, $0x9E00  }
0x4a: {  	[spmem:s2] =	stream.indirect.scatter.add.f32 [tilespmem:s11], [sflag:$0x1], $0x1, s16, s10, $0xb8;
	[tilespmem:$0x2D80] =	vst v63  }
.Ltmp0:
0x4b: {  	_ = 	snop;
	(pc) =	sbr.rel @p0 .LBB2_2-.Ltmp0, $4  }
0x4c: {  	_ = 	snop  }
0x4d: {  	s15 =	sadd.s32 $0x200, s15  }
0x4e: {  	_ =	swait.ge [sflag:s8], $0x80  }
0x4f: {  	[sflag:s8] =	ssyncset.done $0x0  }
0x50: {  	s14 =	sadd.s32 $0x1, s14  }
0x51: {  	[sflag:s8] =	ssyncadd.s32 $0xFFFFFF80;
	p0 =	sne.s32 s14, s7  }
.Ltmp1:
0x52: {  	[bflag:$0x0] =	sbarrier.arrive $0xFFFF;
	(pc) =	sbr.rel @p0 .LBB2_1-.Ltmp1, $4  }
0x53: {  	[hbm:s6], [sflag:s12] =	dma.local [spmem:s13], $0x50  }
0x54: {  	_ =	swait.ge [sflag:s8], $0x50  }
0x55: {  	[sflag:s8] =	ssyncset.done $0x0  }
0x56: {  	[sflag:s8] =	ssyncadd.s32 $0xFFFFFFB0  }
0x57: {  	_ =	sfence.sel $0x180000  }
0x58: {  	[bflag:$0x0] =	sbarrier.arrive $0xFFFF  }
0x59: {  	p0 =	sne.s32 s1, $0x0;
	_ =	strace $0x90000047  }
0x5a: {  	s0 =	sadd.s32 @!p0 $0x100000, s0;
	[bflag:$0x2] =	sbarrier.arrive $0xFFFF  }
0x5b: {  	[sflag:s0] =	ssyncadd.tile.s32 @!p0 $0x1;
	_ =	shalt  }
.Lfunc_end2:
_tile_overlayer_lowered:
.L_overlay_start_2:
0x5c: {  	(tag) =	ssettag $0x2  }
0x5d: {  	s0 =	rddreg [dreg:$0x0];
	s2 =	stileid.u32  }
0x5e: {  	s1 =	rddreg [dreg:$0x1];
	p0 =	sne.s32 s2, $0x0  }
0x5f: {  	s3 =	rddreg [dreg:$0x2];
	[bflag:$0x3] =	sbarrier.arrive $0xFFFF;
	s2 =	simm.s32 @!p0 $0x1C01  }
0x60: {  	[timem:s3], [sflag:s2] =	dma.local @!p0 [hbm:s0], s1  }
0x61: {  	s0 =	simm.s32 @!p0 $0x1  }
0x62: {  	_ =	swait.ge @!p0 [sflag:s0], s1  }
0x63: {  	s1 =	ssub.s32 @!p0 $0x0, s1;
	[sflag:s0] =	ssyncset.done @!p0 $0x0  }
0x64: {  	[sflag:s0] =	ssyncadd.s32 @!p0 s1  }
0x65: {  	[bflag:$0x3] =	sbarrier.arrive $0xFFFF  }
0x66: {  	_ =	shalt  }

// kernel: kernel.13.cloned.1.call-start
scs
__scs_entry_jumppad:
0x0: {  	(pc) =	sbr.rel $0x88, $3  }
0x1: {  	(tag) =	ssettag $0x0;
	lr =	simm.s32 $0x1  }
0x2: {  	[smem:$0x3F92] =	sst lr;
	_ =	strace $0xD0000000  }
0x3: {  	_ = 	snop  }
0x4: {  	_ = 	snop  }
0x5: {  	_ = 	snop  }
0x6: {  	_ = 	snop  }
0x7: {  	_ = 	snop  }
__scs_overlays_trampoline_lowered:
0x8: {  	[smem:$0x3FA1] =	sst s0  }
0x9: {  	[smem:$0x3FA2] =	sst s1  }
0xa: {  	[smem:$0x3FA3] =	sst s2  }
0xb: {  	[smem:$0x3FA4] =	sst s3  }
0xc: {  	[smem:$0x3FA5] =	sst s4  }
0xd: {  	[smem:$0x3FA6] =	sst s5  }
0xe: {  	[smem:$0x3FA7] =	sst s6  }
0xf: {  	[smem:$0x3FA8] =	sst s7  }
0x10: {  	[smem:$0x3FA9] =	sst s8  }
0x11: {  	[smem:$0x3FAA] =	sst s9;
	s0 =	simm.s32 @!p0 $0x0  }
0x12: {  	s1 =	sld [smem:$0x3F90];
	s0 =	simm.s32 @p0 $0x1  }
0x13: {  	[smem:$0x3FAB] =	sst s0;
	s0 =	simm.s32 @!p1 $0x0  }
0x14: {  	s2 =	sld [smem:$0x3F8F];
	s0 =	simm.s32 @p1 $0x1  }
0x15: {  	[smem:$0x3FAC] =	sst s0;
	s0 =	simm.s32 @!p2 $0x0  }
0x16: {  	s3 =	sld [smem:$0x3FDB];
	s0 =	simm.s32 @p2 $0x1  }
0x17: {  	s4 =	simm.s32 $0x1BF5;
	[smem:$0x3FAE] =	sst s0  }
0x18: {  	s0 =	sld [smem:$0x3F91];
	_ =	swait.ge [sflag:s4], $0x0  }
0x19: {  	s7 =	sld [smem:$0x3F92]  }
0x1a: {  	s8 =	sadd.s32 $0xFFFFE003, lr  }
0x1b: {  	s9 =	sadd.s32 $0xFFFFFEF7, lr;
	s5 =	simm.s32 $0xFFFFFFFF;
	p2 =	slt.u32 s8, $0xFFFFF086  }
0x1c: {  	p1 =	slt.u32 s9, $0xF7A;
	s5 =	simm.s32 @!p2 $0x0  }
0x1d: {  	s5 =	simm.s32 @p1 $0x1;
	p0 =	seq.s32 s7, s2  }
0x1e: {  	s7 =	smul.u32 @!p0 $0xF7A, s2;
	p2 =	seq.s32 @!p0 s5, $0x0  }
0x1f: {  	s9 =	smul.u32 $0xF7A, s1;
	s8 =	simm.s32 @!p0 $0x1BF5;
	p2 =	por !p2, p0  }
0x20: {  	[sflag:s8] =	ssyncset.s32 @!p0 $0xFFFFF086;
	s6 =	sadd.s32 @!p0 s3, s7;
	s7 =	simm.s32 @!p0 $0x108  }
0x21: {  	s3 =	sadd.s32 s3, s9;
	s6 =	sadd.s32 @!p0 $0x88, s6;
	s7 =	simm.s32 @p2 $0x1082  }
0x22: {  	[simem:s7], [sflag:s8] =	dma.local @!p0 [hbm:s6], $0xF7A  }
0x23: {  	s9 =	sor.u32 $0xD0000000, s2;
	s6 =	simm.s32 $0x108;
	_ =	swait.ge @!p0 [sflag:s8], $0x0  }
0x24: {  	s3 =	sadd.s32 $0x88, s3;
	s6 =	simm.s32 @!p1 $0x1082;
	[sflag:s4] =	ssyncset.s32 $0xFFFFF086  }
0x25: {  	[simem:s6], [sflag:s4] =	dma.local [hbm:s3], $0xF7A  }
0x26: {  	[smem:$0x3F92] =	sst s1;
	(tag) =	ssettag s2;
	_ =	strace s9  }
0x27: {  	s1 =	sld [smem:$0x3FA2]  }
0x28: {  	s2 =	sld [smem:$0x3FA3]  }
0x29: {  	s4 =	sld [smem:$0x3FA5]  }
0x2a: {  	p0 =	seq.s32 s5, $0x0;
	s5 =	sld [smem:$0x3FA6]  }
0x2b: {  	s6 =	sld [smem:$0x3FA7]  }
0x2c: {  	s7 =	sld [smem:$0x3FA8]  }
0x2d: {  	s3 =	simm.s32 $0x108;
	s8 =	sld [smem:$0x3FA9]  }
0x2e: {  	s3 =	simm.s32 @!p0 $0x1082;
	s9 =	sld [smem:$0x3FAA]  }
0x2f: {  	lr =	sadd.s32 s0, s3;
	s0 =	sld [smem:$0x3FA1]  }
0x30: {  	s3 =	sld [smem:$0x3FA4]  }
0x31: {  	[smem:$0x3FAD] =	sst s10  }
0x32: {  	s10 =	sld [smem:$0x3FAB];
	_ =	sdelay $0x3  }
0x33: {  	p0 =	seq.s32 s10, $0x1;
	s10 =	sld [smem:$0x3FAD];
	_ =	sdelay $0x3  }
0x34: {  	[smem:$0x3FAD] =	sst s10  }
0x35: {  	s10 =	sld [smem:$0x3FAC];
	_ =	sdelay $0x3  }
0x36: {  	p1 =	seq.s32 s10, $0x1;
	s10 =	sld [smem:$0x3FAD];
	_ =	sdelay $0x3  }
0x37: {  	[smem:$0x3FAD] =	sst s10  }
0x38: {  	s10 =	sld [smem:$0x3FAE]  }
0x39: {  	_ = 	snop;
	(pc) =	sbr.ind lr, $3  }
0x3a: {  	_ = 	snop  }
0x3b: {  	_ = 	snop  }
0x3c: {  	p2 =	seq.s32 s10, $0x1;
	s10 =	sld [smem:$0x3FAD]  }
0x3d: {  	_ =	shalt  }
0x3e: {  	_ =	shalt  }
0x3f: {  	_ =	shalt  }
0x40: {  	_ =	shalt  }
0x41: {  	_ =	shalt  }
0x42: {  	_ =	shalt  }
0x43: {  	_ =	shalt  }
0x44: {  	_ =	shalt  }
0x45: {  	_ =	shalt  }
0x46: {  	_ =	shalt  }
0x47: {  	_ =	shalt  }
0x48: {  	_ =	shalt  }
0x49: {  	_ =	shalt  }
0x4a: {  	_ =	shalt  }
0x4b: {  	_ =	shalt  }
0x4c: {  	_ =	shalt  }
0x4d: {  	_ =	shalt  }
0x4e: {  	_ =	shalt  }
0x4f: {  	_ =	shalt  }
0x50: {  	_ =	shalt  }
0x51: {  	_ =	shalt  }
0x52: {  	_ =	shalt  }
0x53: {  	_ =	shalt  }
0x54: {  	_ =	shalt  }
0x55: {  	_ =	shalt  }
0x56: {  	_ =	shalt  }
0x57: {  	_ =	shalt  }
0x58: {  	_ =	shalt  }
0x59: {  	_ =	shalt  }
0x5a: {  	_ =	shalt  }
0x5b: {  	_ =	shalt  }
0x5c: {  	_ =	shalt  }
0x5d: {  	_ =	shalt  }
0x5e: {  	_ =	shalt  }
0x5f: {  	_ =	shalt  }
0x60: {  	_ =	shalt  }
0x61: {  	_ =	shalt  }
0x62: {  	_ =	shalt  }
0x63: {  	_ =	shalt  }
0x64: {  	_ =	shalt  }
0x65: {  	_ =	shalt  }
0x66: {  	_ =	shalt  }
0x67: {  	_ =	shalt  }
0x68: {  	_ =	shalt  }
0x69: {  	_ =	shalt  }
0x6a: {  	_ =	shalt  }
0x6b: {  	_ =	shalt  }
0x6c: {  	_ =	shalt  }
0x6d: {  	_ =	shalt  }
0x6e: {  	_ =	shalt  }
0x6f: {  	_ =	shalt  }
0x70: {  	_ =	shalt  }
0x71: {  	_ =	shalt  }
0x72: {  	_ =	shalt  }
0x73: {  	_ =	shalt  }
0x74: {  	_ =	shalt  }
0x75: {  	_ =	shalt  }
0x76: {  	_ =	shalt  }
0x77: {  	_ =	shalt  }
0x78: {  	_ =	shalt  }
0x79: {  	_ =	shalt  }
0x7a: {  	_ =	shalt  }
0x7b: {  	_ =	shalt  }
0x7c: {  	_ =	shalt  }
0x7d: {  	_ =	shalt  }
0x7e: {  	_ =	shalt  }
0x7f: {  	_ =	shalt  }
0x80: {  	_ =	shalt  }
0x81: {  	_ =	shalt  }
0x82: {  	_ =	shalt  }
0x83: {  	_ =	shalt  }
0x84: {  	_ =	shalt  }
0x85: {  	_ =	shalt  }
0x86: {  	_ =	shalt  }
0x87: {  	_ =	shalt  }
.Lfunc_end0:
.L_simem_size_0:
called_computation.1_lowered:
.L_overlay_start_0:
0x88: {  	s2 =	sld [smem:$0x3FD9]  }
0x89: {  	s3 =	sld [smem:$0x3FFE];
	_ =	sdelay $0x1  }
0x8a: {  	s1 =	srdreg.scid  }
0x8b: {  	s0 =	sand.u32 $0x1, s1  }
0x8c: {  	s16 =	sshll.u32 s0, $0xA;
	s2 =	sadd.s32 s3, s2  }
0x8d: {  	s2 =	sadd.s32 s2, s16  }
0x8e: {  	[smem:$0x3FB9] =	sst s2  }
0x8f: {  	_ = 	snop  }
0x90: {  	(tm) =	ssettm $0x1  }
0x91: {  	s17 =	sld [smem:$0x3FFB];
	_ =	sdelay $0x3  }
0x92: {  	_ =	strace s17  }
0x93: {  	s2 =	sld [smem:$0x3FFC];
	_ =	sdelay $0x3  }
0x94: {  	_ =	strace s2  }
0x95: {  	s2 =	sld [smem:$0x3FFD];
	_ =	sdelay $0x3  }
0x96: {  	_ =	strace s2  }
0x97: {  	_ =	strace $0x8FFFFFFF  }
0x98: {  	s18 =	sld [smem:$0x3FDB];
	_ =	sdelay $0x1  }
0x99: {  	s19 =	simm.s32 $_scs_section_size  }
0x9a: {  	s4 =	simm.s32 $_size__tile_overlayer_lowered;
	s5 =	simm.s32 $_tile_overlayer_lowered  }
0x9b: {  	s22 =	simm.s32 $0x1BFF;
	s21 =	sshll.u32 s5, $0x1;
	s2 =	sadd.s32 s19, s18  }
0x9c: {  	s6 =	simm.s32 $0x0;
	s20 =	sshll.u32 s4, $0x1;
	s4 =	sadd.s32 s21, s2  }
0x9d: {  	[timem:s6], [sflag:s22] =	dma.local [hbm:s4], s20  }
0x9e: {  	_ =	swait.ge [sflag:s22], s20  }
0x9f: {  	s3 =	ssub.s32 $0x0, s20;
	[sflag:s22] =	ssyncset.done $0x0  }
0xa0: {  	[sflag:s22] =	ssyncadd.s32 s3;
	_ =	sdelay $0x1  }
0xa1: {  	s23 =	simm.s32 $0x1B8B  }
0xa2: {  	_ =	swait.ge [sflag:s23], $0x1  }
0xa3: {  	[sflag:s23] =	ssyncset.done $0x0  }
0xa4: {  	s25 =	simm.s32 $0x1B8E;
	s24 =	sld [smem:$0x3FFE];
	[sflag:s23] =	ssyncadd.s32 $0xFFFFFFFF  }
0xa5: {  	s26 =	simm.s32 $execute0_lowered;
	[smem:$0x3FD2] =	sst s25  }
0xa6: {  	s4 =	sshll.u32 s26, $0x1;
	_ =	strace $0x80000049;
	[dreg:$0x1] =	wrdreg $0xFFFFFFFF  }
0xa7: {  	s28 =	simm.s32 $_size_execute0_lowered;
	s2 =	sadd.s32 s2, s4;
	[dreg:$0x0] =	wrdreg $0x0  }
0xa8: {  	s4 =	sshll.u32 s28, $0x1;
	[dreg:$0x2] =	wrdreg s2  }
0xa9: {  	[dreg:$0x3] =	wrdreg s4  }
0xaa: {  	[dreg:$0x4] =	wrdreg $0xC0  }
0xab: {  	_ =	task [dreg:s6], $0x5FFFF  }
0xac: {  	[dreg:$0x1] =	wrdreg $0xFFFFFFFF  }
0xad: {  	[dreg:$0x0] =	wrdreg $0x60  }
0xae: {  	[dreg:$0x2] =	wrdreg s24  }
0xaf: {  	[dreg:$0x3] =	wrdreg $0xAA000  }
0xb0: {  	[dreg:$0x4] =	wrdreg $0x9  }
0xb1: {  	_ =	task.clear_ibuf [dreg:s6], $0x5FFFF;
	_ =	strace $0x90000049  }
0xb2: {  	s29 =	simm.s32 $0x9;
	_ =	strace $0x8000004B  }
0xb3: {  	_ =	swait.ge [sflag:s29], $0x1  }
0xb4: {  	[sflag:s29] =	ssyncadd.s32 $0xFFFFFFFF  }
0xb5: {  	_ =	strace $0x9000004B  }
0xb6: {  	_ =	sfence  }
0xb7: {  	s30 =	sld [smem:$0x0];
	_ =	sdelay $0x2  }
0xb8: {  	s31 =	sshll.u32 s1, $0xD;
	s1 =	sshrl.u32 s1, $0x2  }
0xb9: {  	s3 =	sand.u32 $0x4000, s31;
	s1 =	sadd.s32 s1, s30  }
0xba: {  	s0 =	sor.u32 s3, s0;
	s1 =	sshll.u32 s1, $0x11  }
0xbb: {  	s0 =	sor.u32 s1, s0  }
0xbc: {  	s0 =	sadd.s32 $0x8F2B, s0  }
0xbd: {  	[sflag:s0] =	ssyncadd.remote.s32 $0x1  }
0xbe: {  	_ =	sfence.sel $0xFFFF  }
0xbf: {  	[dreg:$0x0] =	wrdreg $0xFFFFFFFF;
	(pc) =	sbr.abs _section_cstart, $3  }
0xc0: {  	[dreg:$0x1] =	wrdreg $0xFFFFFFFF  }
0xc1: {  	_ =	task.clear_ibuf [dreg:s6], $0x2FFFF;
	_ =	strace $0x9FFFFFFF  }
0xc2: {  	(tm) =	ssettm $0x7FFFFFFF  }
0xc3: {  	_ =	shalt  }
tec
execute0_lowered:
.L_overlay_start_1:
0x0: {  	(tag) =	ssettag $0x1  }
0x1: {  	s0 =	rddreg [dreg:$0x0]  }
0x2: {  	s2 =	rddreg [dreg:$0x1]  }
0x3: {  	s1 =	srdreg.scid;
	s3 =	simm.s32 $0x0;
	s14 =	stileid.u32  }
0x4: {  	s17 =	simm.s32 $0x2800;
	s18 =	simm.s32 $0x2880;
	s19 =	simm.s32 $0x2900  }
0x5: {  	s28 =	simm.s32 $0x3;
	s29 =	simm.s32 $0x6;
	s6 =	smul.u32 $0x14000, s14  }
0x6: {  	s30 =	simm.s32 $0x4;
	s1 =	sand.u32 $0x1, s1;
	s10 =	smul.u32 $0x50000, s14  }
0x7: {  	[smem:$0x7FF] =	sst s3;
	s5 =	sadd.s32 $0xEE00, s0;
	s13 =	smul.u32 $0x500, s14  }
0x8: {  	s31 =	sshll.u32 s14, $0x6;
	s4 =	sshll.u32 s1, $0x4;
	s8 =	smul.u32 $0x140000, s1  }
0x9: {  	_ =	strace $0x8000004A;
	s9 =	ssub.s32 $0x2, s1;
	s1 =	smul.u32 $0x5000, s1  }
0xa: {  	s15 =	sor.u32 $0x1C07, s31;
	s7 =	sor.u32 s14, s4;
	s4 =	sadd.s32 $0x18E00, s0  }
0xb: {  	s12 =	sshrl.u32 s9, $0x1;
	s21 =	sshrl.u32 s10, $0x2;
	s14 =	simm.s32 $0x7  }
0xc: {  	s7 =	smul.u32 $0x500, s7;
	s8 =	sadd.s32 s6, s8;
	s20 =	ssub.s32 s9, s12  }
0xd: {  	s16 =	sadd.s32 s21, s2;
	s6 =	sshrl.u32 s6, $0x3;
	s26 =	sadd.s32 s13, s1  }
0xe: {  	s21 =	simm.s32 $0x1;
	s8 =	sshrl.u32 s8, $0x3;
	s6 =	sadd.s32 s4, s6  }
0xf: {  	s13 =	smax.u32 s20, $0x1;
	[dreg:$0x3] =	wrdreg s26;
	s11 =	sadd.s32 s7, s0  }
0x10: {  	s7 =	sadd.s32 s5, s7;
	[dreg:$0x5] =	wrdreg s6;
	s22 =	sadd.s32 $0x4400, s11  }
0x11: {  	s16 =	sshrl.u32 s16, $0x3;
	s23 =	sadd.s32 $0x10, s7;
	[dreg:$0x4] =	wrdreg s22  }
0x12: {  	s20 =	simm.s32 $0x2980;
	s24 =	sadd.s32 $0x20, s7;
	[dreg:$0x6] =	wrdreg s23  }
0x13: {  	s0 =	sadd.s32 s8, s0;
	s25 =	sadd.s32 $0x30, s7;
	[dreg:$0x7] =	wrdreg s24  }
0x14: {  	s26 =	simm.s32 $0x5;
	s0 =	sadd.s32 $0x40E00, s0;
	[dreg:$0x8] =	wrdreg s25  }
0x15: {  	[dreg:$0x9] =	wrdreg s0;
	s22 =	simm.s32 $0x80;
	s23 =	simm.s32 $0x2A00  }
0x16: {  	s24 =	simm.s32 $0x2;
	s25 =	simm.s32 $0x6A00;
	s0 =	simm.s32 $0x0  }
.LBB2_1:
0x17: {  	s1 =	rddreg [dreg:$0x4]  }
0x18: {  	[tilespmem:s3], [sflag:$0x7] =	stream.linear.gather [hbm4b:s1+s3], $0x2800, $0x38;
	[tilespmem:$0x1EA00] =	vst v63  }
0x19: {  	_ =	swait.ge [sflag:s14], $0x2800  }
0x1a: {  	[sflag:s14] =	ssyncset.done $0x0  }
0x1b: {  	s10 =	rddreg [dreg:$0x5];
	[sflag:s14] =	ssyncadd.s32 $0xFFFFD800  }
0x1c: {  	[spmem:s16], [sflag:s15] =	dma.local [hbm:s10], $0x2800  }
0x1d: {  	_ =	swait.ge [sflag:s14], $0x2800  }
0x1e: {  	[sflag:s14] =	ssyncset.done $0x0  }
0x1f: {  	[sflag:s14] =	ssyncadd.s32 $0xFFFFD800  }
0x20: {  	[bflag:$0x0] =	sbarrier.arrive $0xFFFF  }
0x21: {  	[tilespmem:s17], [sflag:$0x1] =	stream.linear.gather [hbm4b:s7+s3], $0x80, $0x38;
	[tilespmem:$0x1EA00] =	vst v63  }
0x22: {  	s11 =	rddreg [dreg:$0x6]  }
0x23: {  	[tilespmem:s18], [sflag:$0x2] =	stream.linear.gather [hbm4b:s11+s3], $0x80, $0x38;
	[tilespmem:$0x1EA00] =	vst v63  }
0x24: {  	s12 =	rddreg [dreg:$0x7]  }
0x25: {  	[tilespmem:s19], [sflag:$0x3] =	stream.linear.gather [hbm4b:s12+s3], $0x80, $0x38;
	[tilespmem:$0x1EA00] =	vst v63  }
0x26: {  	s6 =	rddreg [dreg:$0x8]  }
0x27: {  	[tilespmem:s20], [sflag:$0x4] =	stream.linear.gather [hbm4b:s6+s3], $0x80, $0x38;
	[tilespmem:$0x1EA00] =	vst v63  }
0x28: {  	_ =	swait.ge [sflag:s21], $0x80  }
0x29: {  	[sflag:s21] =	ssyncset.done $0x0  }
0x2a: {  	[sflag:s21] =	ssyncadd.s32 $0xFFFFFF80  }
0x2b: {  	[tilespmem:s23], [sflag:$0x5] =	stream.indirect.gather [hbm4b:s4+s22], $0x80, s17, s22, $0xb8;
	[tilespmem:$0x1EA00] =	vst v63  }
0x2c: {  	_ =	swait.ge [sflag:s24], $0x80  }
0x2d: {  	[sflag:s24] =	ssyncset.done $0x0  }
0x2e: {  	[sflag:s24] =	ssyncadd.s32 $0xFFFFFF80  }
0x2f: {  	[tilespmem:s25], [sflag:$0x6] =	stream.indirect.gather [hbm4b:s4+s22], $0x80, s18, s22, $0xb8;
	[tilespmem:$0x1EA00] =	vst v63  }
0x30: {  	_ =	swait.ge [sflag:s26], $0x4000  }
0x31: {  	[sflag:s26] =	ssyncset.done $0x0  }
0x32: {  	s8 =	simm.s32 $0x0;
	[sflag:s26] =	ssyncadd.s32 $0xFFFFC000  }
0x33: {  	[spmem:s2] =	stream.indirect.scatter.add.f32 [tilespmem:s23], [sflag:$0x7], $0x80, s8, s22, $0xb8;
	[tilespmem:$0x1EA00] =	vst v63  }
0x34: {  	_ =	swait.ge [sflag:s14], $0x4000  }
0x35: {  	s9 =	rddreg [dreg:$0x3]  }
0x36: {  	s6 =	simm.s32 $0x40;
	s1 =	sadd.s32 $0x70, s9  }
0x37: {  	s6 =	sand.u32 $0x40, s6;
	s8 =	sadd.s32 $0xFFFFFFD0, s1  }
0x38: {  	s6 =	sadd.s32 s5, s6;
	[sflag:s14] =	ssyncset.done $0x0;
	s8 =	sand.u32 $0xFFFFF80, s8  }
0x39: {  	[sflag:s14] =	ssyncadd.s32 $0xFFFFC000;
	s6 =	sadd.s32 s8, s6  }
0x3a: {  	[tilespmem:s17], [sflag:$0x1] =	stream.linear.gather [hbm4b:s6+s3], $0x80, $0x38;
	[tilespmem:$0x1EA00] =	vst v63  }
0x3b: {  	_ =	swait.ge [sflag:s28], $0x80  }
0x3c: {  	[sflag:s28] =	ssyncset.done $0x0  }
0x3d: {  	[sflag:s28] =	ssyncadd.s32 $0xFFFFFF80  }
0x3e: {  	[tilespmem:s23], [sflag:$0x5] =	stream.indirect.gather [hbm4b:s4+s22], $0x80, s19, s22, $0xb8;
	[tilespmem:$0x1EA00] =	vst v63  }
0x3f: {  	_ =	swait.ge [sflag:s29], $0x4000  }
0x40: {  	[sflag:s29] =	ssyncset.done $0x0  }
0x41: {  	s10 =	simm.s32 $0x80;
	s11 =	simm.s32 $0x50;
	[sflag:s29] =	ssyncadd.s32 $0xFFFFC000  }
0x42: {  	[spmem:s2] =	stream.indirect.scatter.add.f32 [tilespmem:s25], [sflag:$0x7], $0x80, s10, s22, $0xb8;
	[tilespmem:$0x1EA00] =	vst v63  }
0x43: {  	s12 =	sadd.s32 $0xFFFFFFE0, s1;
	s8 =	sand.u32 $0x50, s11;
	_ =	swait.ge [sflag:s14], $0x4000  }
0x44: {  	s6 =	sand.u32 $0xFFFFF80, s12;
	s8 =	sadd.s32 s5, s8;
	[sflag:s14] =	ssyncset.done $0x0  }
0x45: {  	s6 =	sadd.s32 s6, s8;
	[sflag:s14] =	ssyncadd.s32 $0xFFFFC000  }
0x46: {  	[tilespmem:s18], [sflag:$0x2] =	stream.linear.gather [hbm4b:s6+s3], $0x80, $0x38;
	[tilespmem:$0x1EA00] =	vst v63  }
0x47: {  	_ =	swait.ge [sflag:s30], $0x80  }
0x48: {  	[sflag:s30] =	ssyncset.done $0x0  }
0x49: {  	[sflag:s30] =	ssyncadd.s32 $0xFFFFFF80  }
0x4a: {  	[tilespmem:s25], [sflag:$0x6] =	stream.indirect.gather [hbm4b:s4+s22], $0x80, s20, s22, $0xb8;
	[tilespmem:$0x1EA00] =	vst v63  }
0x4b: {  	_ =	swait.ge [sflag:s26], $0x4000  }
0x4c: {  	[sflag:s26] =	ssyncset.done $0x0  }
0x4d: {  	s9 =	simm.s32 $0x60;
	s8 =	simm.s32 $0x100;
	[sflag:s26] =	ssyncadd.s32 $0xFFFFC000  }
0x4e: {  	[spmem:s2] =	stream.indirect.scatter.add.f32 [tilespmem:s23], [sflag:$0x7], $0x80, s8, s22, $0xb8;
	[tilespmem:$0x1EA00] =	vst v63  }
0x4f: {  	s10 =	sadd.s32 $0xFFFFFFF0, s1;
	s8 =	sand.u32 $0x60, s9;
	_ =	swait.ge [sflag:s14], $0x4000  }
0x50: {  	s6 =	sand.u32 $0xFFFFF80, s10;
	s8 =	sadd.s32 s5, s8;
	[sflag:s14] =	ssyncset.done $0x0  }
0x51: {  	s6 =	sadd.s32 s6, s8;
	[sflag:s14] =	ssyncadd.s32 $0xFFFFC000  }
0x52: {  	[tilespmem:s19], [sflag:$0x3] =	stream.linear.gather [hbm4b:s6+s3], $0x80, $0x38;
	[tilespmem:$0x1EA00] =	vst v63  }
0x53: {  	_ =	swait.ge [sflag:s21], $0x80  }
0x54: {  	[sflag:s21] =	ssyncset.done $0x0  }
0x55: {  	[sflag:s21] =	ssyncadd.s32 $0xFFFFFF80  }
0x56: {  	[tilespmem:s23], [sflag:$0x5] =	stream.indirect.gather [hbm4b:s4+s22], $0x80, s17, s22, $0xb8;
	[tilespmem:$0x1EA00] =	vst v63  }
0x57: {  	_ =	swait.ge [sflag:s29], $0x4000  }
0x58: {  	[sflag:s29] =	ssyncset.done $0x0  }
0x59: {  	s11 =	simm.s32 $0x180;
	s12 =	simm.s32 $0x70;
	[sflag:s29] =	ssyncadd.s32 $0xFFFFC000  }
0x5a: {  	[spmem:s2] =	stream.indirect.scatter.add.f32 [tilespmem:s25], [sflag:$0x7], $0x80, s11, s22, $0xb8;
	[tilespmem:$0x1EA00] =	vst v63  }
0x5b: {  	s6 =	sand.u32 $0x70, s12;
	_ =	swait.ge [sflag:s14], $0x4000  }
0x5c: {  	s1 =	sand.u32 $0xFFFFF80, s1;
	s6 =	sadd.s32 s5, s6;
	[sflag:s14] =	ssyncset.done $0x0  }
0x5d: {  	s1 =	sadd.s32 s1, s6;
	[sflag:s14] =	ssyncadd.s32 $0xFFFFC000  }
0x5e: {  	[tilespmem:s20], [sflag:$0x4] =	stream.linear.gather [hbm4b:s1+s3], $0x80, $0x38;
	[tilespmem:$0x1EA00] =	vst v63  }
0x5f: {  	_ =	swait.ge [sflag:s24], $0x80  }
0x60: {  	[sflag:s24] =	ssyncset.done $0x0  }
0x61: {  	s31 =	simm.s32 $0x380;
	s1 =	simm.s32 $0xB0;
	[sflag:s24] =	ssyncadd.s32 $0xFFFFFF80  }
.LBB2_2:
0x62: {  	[tilespmem:s25], [sflag:$0x6] =	stream.indirect.gather [hbm4b:s4+s22], $0x80, s18, s22, $0xb8;
	[tilespmem:$0x1EA00] =	vst v63  }
0x63: {  	_ =	swait.ge [sflag:s26], $0x4000  }
0x64: {  	[sflag:s26] =	ssyncset.done $0x0  }
0x65: {  	s8 =	sadd.s32 $0xFFFFFE80, s31;
	[sflag:s26] =	ssyncadd.s32 $0xFFFFC000  }
0x66: {  	[spmem:s2] =	stream.indirect.scatter.add.f32 [tilespmem:s23], [sflag:$0x7], $0x80, s8, s22, $0xb8;
	[tilespmem:$0x1EA00] =	vst v63  }
0x67: {  	_ =	swait.ge [sflag:s14], $0x4000  }
0x68: {  	s6 =	smov.u32 s1;
	s10 =	rddreg [dreg:$0x3]  }
0x69: {  	s9 =	sadd.s32 $0xFFFFFFD0, s6;
	s8 =	sadd.s32 s6, s10  }
0x6a: {  	s9 =	sand.u32 $0x40, s9;
	s10 =	sadd.s32 $0xFFFFFFD0, s8  }
0x6b: {  	s9 =	sadd.s32 s5, s9;
	[sflag:s14] =	ssyncset.done $0x0;
	s10 =	sand.u32 $0xFFFFF80, s10  }
0x6c: {  	[sflag:s14] =	ssyncadd.s32 $0xFFFFC000;
	s9 =	sadd.s32 s10, s9  }
0x6d: {  	[tilespmem:s17], [sflag:$0x1] =	stream.linear.gather [hbm4b:s9+s3], $0x80, $0x38;
	[tilespmem:$0x1EA00] =	vst v63  }
0x6e: {  	_ =	swait.ge [sflag:s28], $0x80  }
0x6f: {  	[sflag:s28] =	ssyncset.done $0x0  }
0x70: {  	[sflag:s28] =	ssyncadd.s32 $0xFFFFFF80  }
0x71: {  	[tilespmem:s23], [sflag:$0x5] =	stream.indirect.gather [hbm4b:s4+s22], $0x80, s19, s22, $0xb8;
	[tilespmem:$0x1EA00] =	vst v63  }
0x72: {  	s12 =	sadd.s32 $0xFFFFFFE0, s6;
	s11 =	sadd.s32 $0xFFFFFFE0, s8;
	_ =	swait.ge [sflag:s29], $0x4000  }
0x73: {  	s10 =	sand.u32 $0xFFFFF80, s11;
	s11 =	sadd.s32 $0xFFFFFFF0, s8;
	[sflag:s29] =	ssyncset.done $0x0  }
0x74: {  	s9 =	sand.u32 $0xFFFFF80, s11;
	s11 =	sadd.s32 $0xFFFFFF00, s31;
	[sflag:s29] =	ssyncadd.s32 $0xFFFFC000  }
0x75: {  	[spmem:s2] =	stream.indirect.scatter.add.f32 [tilespmem:s25], [sflag:$0x7], $0x80, s11, s22, $0xb8;
	[tilespmem:$0x1EA00] =	vst v63  }
0x76: {  	s12 =	sand.u32 $0x50, s12;
	_ =	swait.ge [sflag:s14], $0x4000  }
0x77: {  	s11 =	sadd.s32 s5, s12;
	[sflag:s14] =	ssyncset.done $0x0  }
0x78: {  	s10 =	sadd.s32 s10, s11;
	[sflag:s14] =	ssyncadd.s32 $0xFFFFC000  }
0x79: {  	[tilespmem:s18], [sflag:$0x2] =	stream.linear.gather [hbm4b:s10+s3], $0x80, $0x38;
	[tilespmem:$0x1EA00] =	vst v63  }
0x7a: {  	_ =	swait.ge [sflag:s30], $0x80  }
0x7b: {  	[sflag:s30] =	ssyncset.done $0x0  }
0x7c: {  	[sflag:s30] =	ssyncadd.s32 $0xFFFFFF80  }
0x7d: {  	[tilespmem:s25], [sflag:$0x6] =	stream.indirect.gather [hbm4b:s4+s22], $0x80, s20, s22, $0xb8;
	[tilespmem:$0x1EA00] =	vst v63  }
0x7e: {  	_ =	swait.ge [sflag:s26], $0x4000  }
0x7f: {  	[sflag:s26] =	ssyncset.done $0x0  }
0x80: {  	s12 =	sadd.s32 $0xFFFFFFF0, s6;
	s11 =	sadd.s32 $0xFFFFFF80, s31;
	[sflag:s26] =	ssyncadd.s32 $0xFFFFC000  }
0x81: {  	[spmem:s2] =	stream.indirect.scatter.add.f32 [tilespmem:s23], [sflag:$0x7], $0x80, s11, s22, $0xb8;
	[tilespmem:$0x1EA00] =	vst v63  }
0x82: {  	s12 =	sand.u32 $0x60, s12;
	_ =	swait.ge [sflag:s14], $0x4000  }
0x83: {  	s10 =	sadd.s32 s5, s12;
	[sflag:s14] =	ssyncset.done $0x0  }
0x84: {  	s9 =	sadd.s32 s9, s10;
	[sflag:s14] =	ssyncadd.s32 $0xFFFFC000  }
0x85: {  	[tilespmem:s19], [sflag:$0x3] =	stream.linear.gather [hbm4b:s9+s3], $0x80, $0x38;
	[tilespmem:$0x1EA00] =	vst v63  }
0x86: {  	_ =	swait.ge [sflag:s21], $0x80  }
0x87: {  	[sflag:s21] =	ssyncset.done $0x0  }
0x88: {  	[sflag:s21] =	ssyncadd.s32 $0xFFFFFF80  }
0x89: {  	[tilespmem:s23], [sflag:$0x5] =	stream.indirect.gather [hbm4b:s4+s22], $0x80, s17, s22, $0xb8;
	[tilespmem:$0x1EA00] =	vst v63  }
0x8a: {  	_ =	swait.ge [sflag:s29], $0x4000  }
0x8b: {  	[sflag:s29] =	ssyncset.done $0x0  }
0x8c: {  	[sflag:s29] =	ssyncadd.s32 $0xFFFFC000  }
0x8d: {  	[spmem:s2] =	stream.indirect.scatter.add.f32 [tilespmem:s25], [sflag:$0x7], $0x80, s31, s22, $0xb8;
	[tilespmem:$0x1EA00] =	vst v63  }
0x8e: {  	p0 =	sne.s32 s1, $0x4F0;
	s6 =	sand.u32 $0x70, s6;
	_ =	swait.ge [sflag:s14], $0x4000  }
0x8f: {  	s8 =	sand.u32 $0xFFFFF80, s8;
	s6 =	sadd.s32 s5, s6;
	[sflag:s14] =	ssyncset.done $0x0  }
.Ltmp0:
0x90: {  	s6 =	sadd.s32 s8, s6;
	[sflag:s14] =	ssyncadd.s32 $0xFFFFC000;
	(pc) =	sbr.rel @p0 .LBB2_2-.Ltmp0, $4  }
0x91: {  	[tilespmem:s20], [sflag:$0x4] =	stream.linear.gather [hbm4b:s6+s3], $0x80, $0x38;
	[tilespmem:$0x1EA00] =	vst v63  }
0x92: {  	_ =	swait.ge [sflag:s24], $0x80  }
0x93: {  	[sflag:s24] =	ssyncset.done $0x0  }
0x94: {  	s1 =	sadd.s32 $0x40, s1;
	s31 =	sadd.s32 $0x200, s31;
	[sflag:s24] =	ssyncadd.s32 $0xFFFFFF80  }
0x95: {  	[tilespmem:s25], [sflag:$0x6] =	stream.indirect.gather [hbm4b:s4+s22], $0x80, s18, s22, $0xb8;
	[tilespmem:$0x1EA00] =	vst v63  }
0x96: {  	_ =	swait.ge [sflag:s26], $0x4000  }
0x97: {  	[sflag:s26] =	ssyncset.done $0x0  }
0x98: {  	s1 =	simm.s32 $0x2600;
	[sflag:s26] =	ssyncadd.s32 $0xFFFFC000  }
0x99: {  	[spmem:s2] =	stream.indirect.scatter.add.f32 [tilespmem:s23], [sflag:$0x7], $0x80, s1, s22, $0xb8;
	[tilespmem:$0x1EA00] =	vst v63  }
0x9a: {  	_ =	swait.ge [sflag:s14], $0x4000  }
0x9b: {  	[sflag:s14] =	ssyncset.done $0x0  }
0x9c: {  	[sflag:s14] =	ssyncadd.s32 $0xFFFFC000  }
0x9d: {  	_ =	swait.ge [sflag:s28], $0x80  }
0x9e: {  	[sflag:s28] =	ssyncset.done $0x0  }
0x9f: {  	[sflag:s28] =	ssyncadd.s32 $0xFFFFFF80  }
0xa0: {  	[tilespmem:s23], [sflag:$0x5] =	stream.indirect.gather [hbm4b:s4+s22], $0x80, s19, s22, $0xb8;
	[tilespmem:$0x1EA00] =	vst v63  }
0xa1: {  	_ =	swait.ge [sflag:s29], $0x4000  }
0xa2: {  	[sflag:s29] =	ssyncset.done $0x0  }
0xa3: {  	s10 =	simm.s32 $0x2680;
	[sflag:s29] =	ssyncadd.s32 $0xFFFFC000  }
0xa4: {  	[spmem:s2] =	stream.indirect.scatter.add.f32 [tilespmem:s25], [sflag:$0x7], $0x80, s10, s22, $0xb8;
	[tilespmem:$0x1EA00] =	vst v63  }
0xa5: {  	_ =	swait.ge [sflag:s14], $0x4000  }
0xa6: {  	[sflag:s14] =	ssyncset.done $0x0  }
0xa7: {  	[sflag:s14] =	ssyncadd.s32 $0xFFFFC000  }
0xa8: {  	_ =	swait.ge [sflag:s30], $0x80  }
0xa9: {  	[sflag:s30] =	ssyncset.done $0x0  }
0xaa: {  	[sflag:s30] =	ssyncadd.s32 $0xFFFFFF80  }
0xab: {  	[tilespmem:s25], [sflag:$0x6] =	stream.indirect.gather [hbm4b:s4+s22], $0x80, s20, s22, $0xb8;
	[tilespmem:$0x1EA00] =	vst v63  }
0xac: {  	_ =	swait.ge [sflag:s26], $0x4000  }
0xad: {  	[sflag:s26] =	ssyncset.done $0x0  }
0xae: {  	s11 =	simm.s32 $0x2700;
	[sflag:s26] =	ssyncadd.s32 $0xFFFFC000  }
0xaf: {  	[spmem:s2] =	stream.indirect.scatter.add.f32 [tilespmem:s23], [sflag:$0x7], $0x80, s11, s22, $0xb8;
	[tilespmem:$0x1EA00] =	vst v63  }
0xb0: {  	_ =	swait.ge [sflag:s14], $0x4000  }
0xb1: {  	[sflag:s14] =	ssyncset.done $0x0  }
0xb2: {  	[sflag:s14] =	ssyncadd.s32 $0xFFFFC000  }
0xb3: {  	_ =	swait.ge [sflag:s29], $0x4000  }
0xb4: {  	[sflag:s29] =	ssyncset.done $0x0  }
0xb5: {  	s12 =	simm.s32 $0x2780;
	[sflag:s29] =	ssyncadd.s32 $0xFFFFC000  }
0xb6: {  	[spmem:s2] =	stream.indirect.scatter.add.f32 [tilespmem:s25], [sflag:$0x7], $0x80, s12, s22, $0xb8;
	[tilespmem:$0x1EA00] =	vst v63  }
0xb7: {  	_ =	swait.ge [sflag:s14], $0x4000  }
0xb8: {  	[sflag:s14] =	ssyncset.done $0x0  }
0xb9: {  	s0 =	sadd.s32 $0x1, s0;
	[sflag:s14] =	ssyncadd.s32 $0xFFFFC000  }
0xba: {  	p0 =	sne.s32 s0, s13;
	[bflag:$0x0] =	sbarrier.arrive $0xFFFF  }
.Ltmp1:
0xbb: {  	s31 =	rddreg [dreg:$0x9];
	(pc) =	sbr.rel @p0 .LBB2_1-.Ltmp1, $4  }
0xbc: {  	[hbm:s31], [sflag:s15] =	dma.local [spmem:s16], $0x2800  }
0xbd: {  	_ =	swait.ge [sflag:s14], $0x2800  }
0xbe: {  	[sflag:s14] =	ssyncset.done $0x0  }
0xbf: {  	[sflag:s14] =	ssyncadd.s32 $0xFFFFD800  }
0xc0: {  	_ =	sfence.sel $0x180000  }
0xc1: {  	[bflag:$0x0] =	sbarrier.arrive $0xFFFF  }
0xc2: {  	_ =	strace $0x9000004A  }
0xc3: {  	s0 =	stileid.u32;
	[bflag:$0x2] =	sbarrier.arrive $0xFFFF  }
0xc4: {  	p0 =	sne.s32 s0, $0x0;
	s0 =	rddreg [dreg:$0x2]  }
0xc5: {  	s0 =	sadd.s32 @!p0 $0x100000, s0  }
0xc6: {  	[sflag:s0] =	ssyncadd.tile.s32 @!p0 $0x1;
	_ =	shalt  }
.Lfunc_end2:
_tile_overlayer_lowered:
.L_overlay_start_2:
0xc7: {  	(tag) =	ssettag $0x2  }
0xc8: {  	s0 =	rddreg [dreg:$0x0];
	s2 =	stileid.u32  }
0xc9: {  	s1 =	rddreg [dreg:$0x1];
	p0 =	sne.s32 s2, $0x0  }
0xca: {  	s3 =	rddreg [dreg:$0x2];
	[bflag:$0x3] =	sbarrier.arrive $0xFFFF;
	s2 =	simm.s32 @!p0 $0x1C07  }
0xcb: {  	[timem:s3], [sflag:s2] =	dma.local @!p0 [hbm:s0], s1  }
0xcc: {  	s0 =	simm.s32 @!p0 $0x7  }
0xcd: {  	_ =	swait.ge @!p0 [sflag:s0], s1  }
0xce: {  	s1 =	ssub.s32 @!p0 $0x0, s1;
	[sflag:s0] =	ssyncset.done @!p0 $0x0  }
0xcf: {  	[sflag:s0] =	ssyncadd.s32 @!p0 s1  }
0xd0: {  	[bflag:$0x3] =	sbarrier.arrive $0xFFFF  }
0xd1: {  	_ =	shalt  }

// kernel: kernel.16.cloned.1.call-start
scs
__scs_entry_jumppad:
0x0: {  	(pc) =	sbr.rel $0x88, $3  }
0x1: {  	(tag) =	ssettag $0x0;
	lr =	simm.s32 $0x1  }
0x2: {  	[smem:$0x3F92] =	sst lr;
	_ =	strace $0xD0000000  }
0x3: {  	_ = 	snop  }
0x4: {  	_ = 	snop  }
0x5: {  	_ = 	snop  }
0x6: {  	_ = 	snop  }
0x7: {  	_ = 	snop  }
__scs_overlays_trampoline_lowered:
0x8: {  	[smem:$0x3FA1] =	sst s0  }
0x9: {  	[smem:$0x3FA2] =	sst s1  }
0xa: {  	[smem:$0x3FA3] =	sst s2  }
0xb: {  	[smem:$0x3FA4] =	sst s3  }
0xc: {  	[smem:$0x3FA5] =	sst s4  }
0xd: {  	[smem:$0x3FA6] =	sst s5  }
0xe: {  	[smem:$0x3FA7] =	sst s6  }
0xf: {  	[smem:$0x3FA8] =	sst s7  }
0x10: {  	[smem:$0x3FA9] =	sst s8  }
0x11: {  	[smem:$0x3FAA] =	sst s9;
	s0 =	simm.s32 @!p0 $0x0  }
0x12: {  	s1 =	sld [smem:$0x3F90];
	s0 =	simm.s32 @p0 $0x1  }
0x13: {  	[smem:$0x3FAB] =	sst s0;
	s0 =	simm.s32 @!p1 $0x0  }
0x14: {  	s2 =	sld [smem:$0x3F8F];
	s0 =	simm.s32 @p1 $0x1  }
0x15: {  	[smem:$0x3FAC] =	sst s0;
	s0 =	simm.s32 @!p2 $0x0  }
0x16: {  	s3 =	sld [smem:$0x3FDB];
	s0 =	simm.s32 @p2 $0x1  }
0x17: {  	s4 =	simm.s32 $0x1BF5;
	[smem:$0x3FAE] =	sst s0  }
0x18: {  	s0 =	sld [smem:$0x3F91];
	_ =	swait.ge [sflag:s4], $0x0  }
0x19: {  	s7 =	sld [smem:$0x3F92]  }
0x1a: {  	s8 =	sadd.s32 $0xFFFFE003, lr  }
0x1b: {  	s9 =	sadd.s32 $0xFFFFFEF7, lr;
	s5 =	simm.s32 $0xFFFFFFFF;
	p2 =	slt.u32 s8, $0xFFFFF086  }
0x1c: {  	p1 =	slt.u32 s9, $0xF7A;
	s5 =	simm.s32 @!p2 $0x0  }
0x1d: {  	s5 =	simm.s32 @p1 $0x1;
	p0 =	seq.s32 s7, s2  }
0x1e: {  	s7 =	smul.u32 @!p0 $0xF7A, s2;
	p2 =	seq.s32 @!p0 s5, $0x0  }
0x1f: {  	s9 =	smul.u32 $0xF7A, s1;
	s8 =	simm.s32 @!p0 $0x1BF5;
	p2 =	por !p2, p0  }
0x20: {  	[sflag:s8] =	ssyncset.s32 @!p0 $0xFFFFF086;
	s6 =	sadd.s32 @!p0 s3, s7;
	s7 =	simm.s32 @!p0 $0x108  }
0x21: {  	s3 =	sadd.s32 s3, s9;
	s6 =	sadd.s32 @!p0 $0x88, s6;
	s7 =	simm.s32 @p2 $0x1082  }
0x22: {  	[simem:s7], [sflag:s8] =	dma.local @!p0 [hbm:s6], $0xF7A  }
0x23: {  	s9 =	sor.u32 $0xD0000000, s2;
	s6 =	simm.s32 $0x108;
	_ =	swait.ge @!p0 [sflag:s8], $0x0  }
0x24: {  	s3 =	sadd.s32 $0x88, s3;
	s6 =	simm.s32 @!p1 $0x1082;
	[sflag:s4] =	ssyncset.s32 $0xFFFFF086  }
0x25: {  	[simem:s6], [sflag:s4] =	dma.local [hbm:s3], $0xF7A  }
0x26: {  	[smem:$0x3F92] =	sst s1;
	(tag) =	ssettag s2;
	_ =	strace s9  }
0x27: {  	s1 =	sld [smem:$0x3FA2]  }
0x28: {  	s2 =	sld [smem:$0x3FA3]  }
0x29: {  	s4 =	sld [smem:$0x3FA5]  }
0x2a: {  	p0 =	seq.s32 s5, $0x0;
	s5 =	sld [smem:$0x3FA6]  }
0x2b: {  	s6 =	sld [smem:$0x3FA7]  }
0x2c: {  	s7 =	sld [smem:$0x3FA8]  }
0x2d: {  	s3 =	simm.s32 $0x108;
	s8 =	sld [smem:$0x3FA9]  }
0x2e: {  	s3 =	simm.s32 @!p0 $0x1082;
	s9 =	sld [smem:$0x3FAA]  }
0x2f: {  	lr =	sadd.s32 s0, s3;
	s0 =	sld [smem:$0x3FA1]  }
0x30: {  	s3 =	sld [smem:$0x3FA4]  }
0x31: {  	[smem:$0x3FAD] =	sst s10  }
0x32: {  	s10 =	sld [smem:$0x3FAB];
	_ =	sdelay $0x3  }
0x33: {  	p0 =	seq.s32 s10, $0x1;
	s10 =	sld [smem:$0x3FAD];
	_ =	sdelay $0x3  }
0x34: {  	[smem:$0x3FAD] =	sst s10  }
0x35: {  	s10 =	sld [smem:$0x3FAC];
	_ =	sdelay $0x3  }
0x36: {  	p1 =	seq.s32 s10, $0x1;
	s10 =	sld [smem:$0x3FAD];
	_ =	sdelay $0x3  }
0x37: {  	[smem:$0x3FAD] =	sst s10  }
0x38: {  	s10 =	sld [smem:$0x3FAE]  }
0x39: {  	_ = 	snop;
	(pc) =	sbr.ind lr, $3  }
0x3a: {  	_ = 	snop  }
0x3b: {  	_ = 	snop  }
0x3c: {  	p2 =	seq.s32 s10, $0x1;
	s10 =	sld [smem:$0x3FAD]  }
0x3d: {  	_ =	shalt  }
0x3e: {  	_ =	shalt  }
0x3f: {  	_ =	shalt  }
0x40: {  	_ =	shalt  }
0x41: {  	_ =	shalt  }
0x42: {  	_ =	shalt  }
0x43: {  	_ =	shalt  }
0x44: {  	_ =	shalt  }
0x45: {  	_ =	shalt  }
0x46: {  	_ =	shalt  }
0x47: {  	_ =	shalt  }
0x48: {  	_ =	shalt  }
0x49: {  	_ =	shalt  }
0x4a: {  	_ =	shalt  }
0x4b: {  	_ =	shalt  }
0x4c: {  	_ =	shalt  }
0x4d: {  	_ =	shalt  }
0x4e: {  	_ =	shalt  }
0x4f: {  	_ =	shalt  }
0x50: {  	_ =	shalt  }
0x51: {  	_ =	shalt  }
0x52: {  	_ =	shalt  }
0x53: {  	_ =	shalt  }
0x54: {  	_ =	shalt  }
0x55: {  	_ =	shalt  }
0x56: {  	_ =	shalt  }
0x57: {  	_ =	shalt  }
0x58: {  	_ =	shalt  }
0x59: {  	_ =	shalt  }
0x5a: {  	_ =	shalt  }
0x5b: {  	_ =	shalt  }
0x5c: {  	_ =	shalt  }
0x5d: {  	_ =	shalt  }
0x5e: {  	_ =	shalt  }
0x5f: {  	_ =	shalt  }
0x60: {  	_ =	shalt  }
0x61: {  	_ =	shalt  }
0x62: {  	_ =	shalt  }
0x63: {  	_ =	shalt  }
0x64: {  	_ =	shalt  }
0x65: {  	_ =	shalt  }
0x66: {  	_ =	shalt  }
0x67: {  	_ =	shalt  }
0x68: {  	_ =	shalt  }
0x69: {  	_ =	shalt  }
0x6a: {  	_ =	shalt  }
0x6b: {  	_ =	shalt  }
0x6c: {  	_ =	shalt  }
0x6d: {  	_ =	shalt  }
0x6e: {  	_ =	shalt  }
0x6f: {  	_ =	shalt  }
0x70: {  	_ =	shalt  }
0x71: {  	_ =	shalt  }
0x72: {  	_ =	shalt  }
0x73: {  	_ =	shalt  }
0x74: {  	_ =	shalt  }
0x75: {  	_ =	shalt  }
0x76: {  	_ =	shalt  }
0x77: {  	_ =	shalt  }
0x78: {  	_ =	shalt  }
0x79: {  	_ =	shalt  }
0x7a: {  	_ =	shalt  }
0x7b: {  	_ =	shalt  }
0x7c: {  	_ =	shalt  }
0x7d: {  	_ =	shalt  }
0x7e: {  	_ =	shalt  }
0x7f: {  	_ =	shalt  }
0x80: {  	_ =	shalt  }
0x81: {  	_ =	shalt  }
0x82: {  	_ =	shalt  }
0x83: {  	_ =	shalt  }
0x84: {  	_ =	shalt  }
0x85: {  	_ =	shalt  }
0x86: {  	_ =	shalt  }
0x87: {  	_ =	shalt  }
.Lfunc_end0:
.L_simem_size_0:
called_computation.2_lowered:
.L_overlay_start_0:
0x88: {  	s2 =	sld [smem:$0x3FD9]  }
0x89: {  	s3 =	sld [smem:$0x3FFE];
	_ =	sdelay $0x1  }
0x8a: {  	s1 =	srdreg.scid  }
0x8b: {  	s0 =	sand.u32 $0x1, s1  }
0x8c: {  	s16 =	sshll.u32 s0, $0xA;
	s2 =	sadd.s32 s3, s2  }
0x8d: {  	s2 =	sadd.s32 s2, s16  }
0x8e: {  	[smem:$0x3FB9] =	sst s2  }
0x8f: {  	_ = 	snop  }
0x90: {  	(tm) =	ssettm $0x1  }
0x91: {  	s17 =	sld [smem:$0x3FFB];
	_ =	sdelay $0x3  }
0x92: {  	_ =	strace s17  }
0x93: {  	s2 =	sld [smem:$0x3FFC];
	_ =	sdelay $0x3  }
0x94: {  	_ =	strace s2  }
0x95: {  	s2 =	sld [smem:$0x3FFD];
	_ =	sdelay $0x3  }
0x96: {  	_ =	strace s2  }
0x97: {  	_ =	strace $0x8FFFFFFF  }
0x98: {  	s18 =	sld [smem:$0x3FDB];
	_ =	sdelay $0x1  }
0x99: {  	s19 =	simm.s32 $_scs_section_size  }
0x9a: {  	s4 =	simm.s32 $_size__tile_overlayer_lowered;
	s5 =	simm.s32 $_tile_overlayer_lowered  }
0x9b: {  	s22 =	simm.s32 $0x1BFF;
	s21 =	sshll.u32 s5, $0x1;
	s2 =	sadd.s32 s19, s18  }
0x9c: {  	s6 =	simm.s32 $0x0;
	s20 =	sshll.u32 s4, $0x1;
	s4 =	sadd.s32 s21, s2  }
0x9d: {  	[timem:s6], [sflag:s22] =	dma.local [hbm:s4], s20  }
0x9e: {  	_ =	swait.ge [sflag:s22], s20  }
0x9f: {  	s3 =	ssub.s32 $0x0, s20;
	[sflag:s22] =	ssyncset.done $0x0  }
0xa0: {  	[sflag:s22] =	ssyncadd.s32 s3;
	_ =	sdelay $0x1  }
0xa1: {  	s23 =	simm.s32 $0x1B8B  }
0xa2: {  	_ =	swait.ge [sflag:s23], $0x1  }
0xa3: {  	[sflag:s23] =	ssyncset.done $0x0  }
0xa4: {  	s25 =	simm.s32 $0x1B8E;
	s24 =	sld [smem:$0x3FFE];
	[sflag:s23] =	ssyncadd.s32 $0xFFFFFFFF  }
0xa5: {  	s26 =	simm.s32 $execute0_lowered;
	[smem:$0x3FD2] =	sst s25  }
0xa6: {  	s4 =	sshll.u32 s26, $0x1;
	_ =	strace $0x8000004C;
	[dreg:$0x1] =	wrdreg $0xFFFFFFFF  }
0xa7: {  	s28 =	simm.s32 $_size_execute0_lowered;
	s2 =	sadd.s32 s2, s4;
	[dreg:$0x0] =	wrdreg $0x0  }
0xa8: {  	s4 =	sshll.u32 s28, $0x1;
	[dreg:$0x2] =	wrdreg s2  }
0xa9: {  	[dreg:$0x3] =	wrdreg s4  }
0xaa: {  	[dreg:$0x4] =	wrdreg $0xC0  }
0xab: {  	_ =	task [dreg:s6], $0x5FFFF  }
0xac: {  	[dreg:$0x1] =	wrdreg $0xFFFFFFFF  }
0xad: {  	[dreg:$0x0] =	wrdreg $0x60  }
0xae: {  	[dreg:$0x2] =	wrdreg s24  }
0xaf: {  	[dreg:$0x3] =	wrdreg $0xAA000  }
0xb0: {  	[dreg:$0x4] =	wrdreg $0x9  }
0xb1: {  	_ =	task.clear_ibuf [dreg:s6], $0x5FFFF;
	_ =	strace $0x9000004C  }
0xb2: {  	s29 =	simm.s32 $0x9;
	_ =	strace $0x8000004E  }
0xb3: {  	_ =	swait.ge [sflag:s29], $0x1  }
0xb4: {  	[sflag:s29] =	ssyncadd.s32 $0xFFFFFFFF  }
0xb5: {  	_ =	strace $0x9000004E  }
0xb6: {  	_ =	sfence  }
0xb7: {  	s30 =	sld [smem:$0x0];
	_ =	sdelay $0x2  }
0xb8: {  	s31 =	sshll.u32 s1, $0xD;
	s1 =	sshrl.u32 s1, $0x2  }
0xb9: {  	s3 =	sand.u32 $0x4000, s31;
	s1 =	sadd.s32 s1, s30  }
0xba: {  	s0 =	sor.u32 s3, s0;
	s1 =	sshll.u32 s1, $0x11  }
0xbb: {  	s0 =	sor.u32 s1, s0  }
0xbc: {  	s0 =	sadd.s32 $0x8F2B, s0  }
0xbd: {  	[sflag:s0] =	ssyncadd.remote.s32 $0x1  }
0xbe: {  	_ =	sfence.sel $0xFFFF  }
0xbf: {  	[dreg:$0x0] =	wrdreg $0xFFFFFFFF;
	(pc) =	sbr.abs _section_cstart, $3  }
0xc0: {  	[dreg:$0x1] =	wrdreg $0xFFFFFFFF  }
0xc1: {  	_ =	task.clear_ibuf [dreg:s6], $0x2FFFF;
	_ =	strace $0x9FFFFFFF  }
0xc2: {  	(tm) =	ssettm $0x7FFFFFFF  }
0xc3: {  	_ =	shalt  }
tec
execute0_lowered:
.L_overlay_start_1:
0x0: {  	(tag) =	ssettag $0x1  }
0x1: {  	s0 =	rddreg [dreg:$0x0]  }
0x2: {  	s2 =	rddreg [dreg:$0x1]  }
0x3: {  	s1 =	srdreg.scid;
	s3 =	simm.s32 $0x0;
	s14 =	stileid.u32  }
0x4: {  	s17 =	simm.s32 $0x2800;
	s18 =	simm.s32 $0x2880;
	s19 =	simm.s32 $0x2900  }
0x5: {  	s28 =	simm.s32 $0x3;
	s29 =	simm.s32 $0x6;
	s6 =	smul.u32 $0x14000, s14  }
0x6: {  	s30 =	simm.s32 $0x4;
	s1 =	sand.u32 $0x1, s1;
	s10 =	smul.u32 $0x50000, s14  }
0x7: {  	[smem:$0x7FF] =	sst s3;
	s5 =	sadd.s32 $0xEE00, s0;
	s13 =	smul.u32 $0x500, s14  }
0x8: {  	s31 =	sshll.u32 s14, $0x6;
	s4 =	sshll.u32 s1, $0x4;
	s8 =	smul.u32 $0x140000, s1  }
0x9: {  	_ =	strace $0x8000004D;
	s9 =	ssub.s32 $0x2, s1;
	s1 =	smul.u32 $0x5000, s1  }
0xa: {  	s15 =	sor.u32 $0x1C07, s31;
	s7 =	sor.u32 s14, s4;
	s4 =	sadd.s32 $0x18E00, s0  }
0xb: {  	s12 =	sshrl.u32 s9, $0x1;
	s21 =	sshrl.u32 s10, $0x2;
	s14 =	simm.s32 $0x7  }
0xc: {  	s7 =	smul.u32 $0x500, s7;
	s8 =	sadd.s32 s6, s8;
	s20 =	ssub.s32 s9, s12  }
0xd: {  	s16 =	sadd.s32 s21, s2;
	s6 =	sshrl.u32 s6, $0x3;
	s26 =	sadd.s32 s13, s1  }
0xe: {  	s21 =	simm.s32 $0x1;
	s8 =	sshrl.u32 s8, $0x3;
	s6 =	sadd.s32 s4, s6  }
0xf: {  	s13 =	smax.u32 s20, $0x1;
	[dreg:$0x3] =	wrdreg s26;
	s11 =	sadd.s32 s7, s0  }
0x10: {  	s7 =	sadd.s32 s5, s7;
	[dreg:$0x5] =	wrdreg s6;
	s22 =	sadd.s32 $0x4400, s11  }
0x11: {  	s16 =	sshrl.u32 s16, $0x3;
	s23 =	sadd.s32 $0x10, s7;
	[dreg:$0x4] =	wrdreg s22  }
0x12: {  	s20 =	simm.s32 $0x2980;
	s24 =	sadd.s32 $0x20, s7;
	[dreg:$0x6] =	wrdreg s23  }
0x13: {  	s0 =	sadd.s32 s8, s0;
	s25 =	sadd.s32 $0x30, s7;
	[dreg:$0x7] =	wrdreg s24  }
0x14: {  	s26 =	simm.s32 $0x5;
	s0 =	sadd.s32 $0x40E00, s0;
	[dreg:$0x8] =	wrdreg s25  }
0x15: {  	[dreg:$0x9] =	wrdreg s0;
	s22 =	simm.s32 $0x80;
	s23 =	simm.s32 $0x2A00  }
0x16: {  	s24 =	simm.s32 $0x2;
	s25 =	simm.s32 $0x6A00;
	s0 =	simm.s32 $0x0  }
.LBB2_1:
0x17: {  	s1 =	rddreg [dreg:$0x4]  }
0x18: {  	[tilespmem:s3], [sflag:$0x7] =	stream.linear.gather [hbm4b:s1+s3], $0x2800, $0x38;
	[tilespmem:$0x1EA00] =	vst v63  }
0x19: {  	_ =	swait.ge [sflag:s14], $0x2800  }
0x1a: {  	[sflag:s14] =	ssyncset.done $0x0  }
0x1b: {  	s10 =	rddreg [dreg:$0x5];
	[sflag:s14] =	ssyncadd.s32 $0xFFFFD800  }
0x1c: {  	[spmem:s16], [sflag:s15] =	dma.local [hbm:s10], $0x2800  }
0x1d: {  	_ =	swait.ge [sflag:s14], $0x2800  }
0x1e: {  	[sflag:s14] =	ssyncset.done $0x0  }
0x1f: {  	[sflag:s14] =	ssyncadd.s32 $0xFFFFD800  }
0x20: {  	[bflag:$0x0] =	sbarrier.arrive $0xFFFF  }
0x21: {  	[tilespmem:s17], [sflag:$0x1] =	stream.linear.gather [hbm4b:s7+s3], $0x80, $0x38;
	[tilespmem:$0x1EA00] =	vst v63  }
0x22: {  	s11 =	rddreg [dreg:$0x6]  }
0x23: {  	[tilespmem:s18], [sflag:$0x2] =	stream.linear.gather [hbm4b:s11+s3], $0x80, $0x38;
	[tilespmem:$0x1EA00] =	vst v63  }
0x24: {  	s12 =	rddreg [dreg:$0x7]  }
0x25: {  	[tilespmem:s19], [sflag:$0x3] =	stream.linear.gather [hbm4b:s12+s3], $0x80, $0x38;
	[tilespmem:$0x1EA00] =	vst v63  }
0x26: {  	s6 =	rddreg [dreg:$0x8]  }
0x27: {  	[tilespmem:s20], [sflag:$0x4] =	stream.linear.gather [hbm4b:s6+s3], $0x80, $0x38;
	[tilespmem:$0x1EA00] =	vst v63  }
0x28: {  	_ =	swait.ge [sflag:s21], $0x80  }
0x29: {  	[sflag:s21] =	ssyncset.done $0x0  }
0x2a: {  	[sflag:s21] =	ssyncadd.s32 $0xFFFFFF80  }
0x2b: {  	[tilespmem:s23], [sflag:$0x5] =	stream.indirect.gather [hbm4b:s4+s22], $0x80, s17, s22, $0xb8;
	[tilespmem:$0x1EA00] =	vst v63  }
0x2c: {  	_ =	swait.ge [sflag:s24], $0x80  }
0x2d: {  	[sflag:s24] =	ssyncset.done $0x0  }
0x2e: {  	[sflag:s24] =	ssyncadd.s32 $0xFFFFFF80  }
0x2f: {  	[tilespmem:s25], [sflag:$0x6] =	stream.indirect.gather [hbm4b:s4+s22], $0x80, s18, s22, $0xb8;
	[tilespmem:$0x1EA00] =	vst v63  }
0x30: {  	_ =	swait.ge [sflag:s26], $0x4000  }
0x31: {  	[sflag:s26] =	ssyncset.done $0x0  }
0x32: {  	s8 =	simm.s32 $0x0;
	[sflag:s26] =	ssyncadd.s32 $0xFFFFC000  }
0x33: {  	[spmem:s2] =	stream.indirect.scatter.add.f32 [tilespmem:s23], [sflag:$0x7], $0x80, s8, s22, $0xb8;
	[tilespmem:$0x1EA00] =	vst v63  }
0x34: {  	_ =	swait.ge [sflag:s14], $0x4000  }
0x35: {  	s9 =	rddreg [dreg:$0x3]  }
0x36: {  	s6 =	simm.s32 $0x40;
	s1 =	sadd.s32 $0x70, s9  }
0x37: {  	s6 =	sand.u32 $0x40, s6;
	s8 =	sadd.s32 $0xFFFFFFD0, s1  }
0x38: {  	s6 =	sadd.s32 s5, s6;
	[sflag:s14] =	ssyncset.done $0x0;
	s8 =	sand.u32 $0xFFFFF80, s8  }
0x39: {  	[sflag:s14] =	ssyncadd.s32 $0xFFFFC000;
	s6 =	sadd.s32 s8, s6  }
0x3a: {  	[tilespmem:s17], [sflag:$0x1] =	stream.linear.gather [hbm4b:s6+s3], $0x80, $0x38;
	[tilespmem:$0x1EA00] =	vst v63  }
0x3b: {  	_ =	swait.ge [sflag:s28], $0x80  }
0x3c: {  	[sflag:s28] =	ssyncset.done $0x0  }
0x3d: {  	[sflag:s28] =	ssyncadd.s32 $0xFFFFFF80  }
0x3e: {  	[tilespmem:s23], [sflag:$0x5] =	stream.indirect.gather [hbm4b:s4+s22], $0x80, s19, s22, $0xb8;
	[tilespmem:$0x1EA00] =	vst v63  }
0x3f: {  	_ =	swait.ge [sflag:s29], $0x4000  }
0x40: {  	[sflag:s29] =	ssyncset.done $0x0  }
0x41: {  	s10 =	simm.s32 $0x80;
	s11 =	simm.s32 $0x50;
	[sflag:s29] =	ssyncadd.s32 $0xFFFFC000  }
0x42: {  	[spmem:s2] =	stream.indirect.scatter.add.f32 [tilespmem:s25], [sflag:$0x7], $0x80, s10, s22, $0xb8;
	[tilespmem:$0x1EA00] =	vst v63  }
0x43: {  	s12 =	sadd.s32 $0xFFFFFFE0, s1;
	s8 =	sand.u32 $0x50, s11;
	_ =	swait.ge [sflag:s14], $0x4000  }
0x44: {  	s6 =	sand.u32 $0xFFFFF80, s12;
	s8 =	sadd.s32 s5, s8;
	[sflag:s14] =	ssyncset.done $0x0  }
0x45: {  	s6 =	sadd.s32 s6, s8;
	[sflag:s14] =	ssyncadd.s32 $0xFFFFC000  }
0x46: {  	[tilespmem:s18], [sflag:$0x2] =	stream.linear.gather [hbm4b:s6+s3], $0x80, $0x38;
	[tilespmem:$0x1EA00] =	vst v63  }
0x47: {  	_ =	swait.ge [sflag:s30], $0x80  }
0x48: {  	[sflag:s30] =	ssyncset.done $0x0  }
0x49: {  	[sflag:s30] =	ssyncadd.s32 $0xFFFFFF80  }
0x4a: {  	[tilespmem:s25], [sflag:$0x6] =	stream.indirect.gather [hbm4b:s4+s22], $0x80, s20, s22, $0xb8;
	[tilespmem:$0x1EA00] =	vst v63  }
0x4b: {  	_ =	swait.ge [sflag:s26], $0x4000  }
0x4c: {  	[sflag:s26] =	ssyncset.done $0x0  }
0x4d: {  	s9 =	simm.s32 $0x60;
	s8 =	simm.s32 $0x100;
	[sflag:s26] =	ssyncadd.s32 $0xFFFFC000  }
0x4e: {  	[spmem:s2] =	stream.indirect.scatter.add.f32 [tilespmem:s23], [sflag:$0x7], $0x80, s8, s22, $0xb8;
	[tilespmem:$0x1EA00] =	vst v63  }
0x4f: {  	s10 =	sadd.s32 $0xFFFFFFF0, s1;
	s8 =	sand.u32 $0x60, s9;
	_ =	swait.ge [sflag:s14], $0x4000  }
0x50: {  	s6 =	sand.u32 $0xFFFFF80, s10;
	s8 =	sadd.s32 s5, s8;
	[sflag:s14] =	ssyncset.done $0x0  }
0x51: {  	s6 =	sadd.s32 s6, s8;
	[sflag:s14] =	ssyncadd.s32 $0xFFFFC000  }
0x52: {  	[tilespmem:s19], [sflag:$0x3] =	stream.linear.gather [hbm4b:s6+s3], $0x80, $0x38;
	[tilespmem:$0x1EA00] =	vst v63  }
0x53: {  	_ =	swait.ge [sflag:s21], $0x80  }
0x54: {  	[sflag:s21] =	ssyncset.done $0x0  }
0x55: {  	[sflag:s21] =	ssyncadd.s32 $0xFFFFFF80  }
0x56: {  	[tilespmem:s23], [sflag:$0x5] =	stream.indirect.gather [hbm4b:s4+s22], $0x80, s17, s22, $0xb8;
	[tilespmem:$0x1EA00] =	vst v63  }
0x57: {  	_ =	swait.ge [sflag:s29], $0x4000  }
0x58: {  	[sflag:s29] =	ssyncset.done $0x0  }
0x59: {  	s11 =	simm.s32 $0x180;
	s12 =	simm.s32 $0x70;
	[sflag:s29] =	ssyncadd.s32 $0xFFFFC000  }
0x5a: {  	[spmem:s2] =	stream.indirect.scatter.add.f32 [tilespmem:s25], [sflag:$0x7], $0x80, s11, s22, $0xb8;
	[tilespmem:$0x1EA00] =	vst v63  }
0x5b: {  	s6 =	sand.u32 $0x70, s12;
	_ =	swait.ge [sflag:s14], $0x4000  }
0x5c: {  	s1 =	sand.u32 $0xFFFFF80, s1;
	s6 =	sadd.s32 s5, s6;
	[sflag:s14] =	ssyncset.done $0x0  }
0x5d: {  	s1 =	sadd.s32 s1, s6;
	[sflag:s14] =	ssyncadd.s32 $0xFFFFC000  }
0x5e: {  	[tilespmem:s20], [sflag:$0x4] =	stream.linear.gather [hbm4b:s1+s3], $0x80, $0x38;
	[tilespmem:$0x1EA00] =	vst v63  }
0x5f: {  	_ =	swait.ge [sflag:s24], $0x80  }
0x60: {  	[sflag:s24] =	ssyncset.done $0x0  }
0x61: {  	s31 =	simm.s32 $0x380;
	s1 =	simm.s32 $0xB0;
	[sflag:s24] =	ssyncadd.s32 $0xFFFFFF80  }
.LBB2_2:
0x62: {  	[tilespmem:s25], [sflag:$0x6] =	stream.indirect.gather [hbm4b:s4+s22], $0x80, s18, s22, $0xb8;
	[tilespmem:$0x1EA00] =	vst v63  }
0x63: {  	_ =	swait.ge [sflag:s26], $0x4000  }
0x64: {  	[sflag:s26] =	ssyncset.done $0x0  }
0x65: {  	s8 =	sadd.s32 $0xFFFFFE80, s31;
	[sflag:s26] =	ssyncadd.s32 $0xFFFFC000  }
0x66: {  	[spmem:s2] =	stream.indirect.scatter.add.f32 [tilespmem:s23], [sflag:$0x7], $0x80, s8, s22, $0xb8;
	[tilespmem:$0x1EA00] =	vst v63  }
0x67: {  	_ =	swait.ge [sflag:s14], $0x4000  }
0x68: {  	s6 =	smov.u32 s1;
	s10 =	rddreg [dreg:$0x3]  }
0x69: {  	s9 =	sadd.s32 $0xFFFFFFD0, s6;
	s8 =	sadd.s32 s6, s10  }
0x6a: {  	s9 =	sand.u32 $0x40, s9;
	s10 =	sadd.s32 $0xFFFFFFD0, s8  }
0x6b: {  	s9 =	sadd.s32 s5, s9;
	[sflag:s14] =	ssyncset.done $0x0;
	s10 =	sand.u32 $0xFFFFF80, s10  }
0x6c: {  	[sflag:s14] =	ssyncadd.s32 $0xFFFFC000;
	s9 =	sadd.s32 s10, s9  }
0x6d: {  	[tilespmem:s17], [sflag:$0x1] =	stream.linear.gather [hbm4b:s9+s3], $0x80, $0x38;
	[tilespmem:$0x1EA00] =	vst v63  }
0x6e: {  	_ =	swait.ge [sflag:s28], $0x80  }
0x6f: {  	[sflag:s28] =	ssyncset.done $0x0  }
0x70: {  	[sflag:s28] =	ssyncadd.s32 $0xFFFFFF80  }
0x71: {  	[tilespmem:s23], [sflag:$0x5] =	stream.indirect.gather [hbm4b:s4+s22], $0x80, s19, s22, $0xb8;
	[tilespmem:$0x1EA00] =	vst v63  }
0x72: {  	s12 =	sadd.s32 $0xFFFFFFE0, s6;
	s11 =	sadd.s32 $0xFFFFFFE0, s8;
	_ =	swait.ge [sflag:s29], $0x4000  }
0x73: {  	s10 =	sand.u32 $0xFFFFF80, s11;
	s11 =	sadd.s32 $0xFFFFFFF0, s8;
	[sflag:s29] =	ssyncset.done $0x0  }
0x74: {  	s9 =	sand.u32 $0xFFFFF80, s11;
	s11 =	sadd.s32 $0xFFFFFF00, s31;
	[sflag:s29] =	ssyncadd.s32 $0xFFFFC000  }
0x75: {  	[spmem:s2] =	stream.indirect.scatter.add.f32 [tilespmem:s25], [sflag:$0x7], $0x80, s11, s22, $0xb8;
	[tilespmem:$0x1EA00] =	vst v63  }
0x76: {  	s12 =	sand.u32 $0x50, s12;
	_ =	swait.ge [sflag:s14], $0x4000  }
0x77: {  	s11 =	sadd.s32 s5, s12;
	[sflag:s14] =	ssyncset.done $0x0  }
0x78: {  	s10 =	sadd.s32 s10, s11;
	[sflag:s14] =	ssyncadd.s32 $0xFFFFC000  }
0x79: {  	[tilespmem:s18], [sflag:$0x2] =	stream.linear.gather [hbm4b:s10+s3], $0x80, $0x38;
	[tilespmem:$0x1EA00] =	vst v63  }
0x7a: {  	_ =	swait.ge [sflag:s30], $0x80  }
0x7b: {  	[sflag:s30] =	ssyncset.done $0x0  }
0x7c: {  	[sflag:s30] =	ssyncadd.s32 $0xFFFFFF80  }
0x7d: {  	[tilespmem:s25], [sflag:$0x6] =	stream.indirect.gather [hbm4b:s4+s22], $0x80, s20, s22, $0xb8;
	[tilespmem:$0x1EA00] =	vst v63  }
0x7e: {  	_ =	swait.ge [sflag:s26], $0x4000  }
0x7f: {  	[sflag:s26] =	ssyncset.done $0x0  }
0x80: {  	s12 =	sadd.s32 $0xFFFFFFF0, s6;
	s11 =	sadd.s32 $0xFFFFFF80, s31;
	[sflag:s26] =	ssyncadd.s32 $0xFFFFC000  }
0x81: {  	[spmem:s2] =	stream.indirect.scatter.add.f32 [tilespmem:s23], [sflag:$0x7], $0x80, s11, s22, $0xb8;
	[tilespmem:$0x1EA00] =	vst v63  }
0x82: {  	s12 =	sand.u32 $0x60, s12;
	_ =	swait.ge [sflag:s14], $0x4000  }
0x83: {  	s10 =	sadd.s32 s5, s12;
	[sflag:s14] =	ssyncset.done $0x0  }
0x84: {  	s9 =	sadd.s32 s9, s10;
	[sflag:s14] =	ssyncadd.s32 $0xFFFFC000  }
0x85: {  	[tilespmem:s19], [sflag:$0x3] =	stream.linear.gather [hbm4b:s9+s3], $0x80, $0x38;
	[tilespmem:$0x1EA00] =	vst v63  }
0x86: {  	_ =	swait.ge [sflag:s21], $0x80  }
0x87: {  	[sflag:s21] =	ssyncset.done $0x0  }
0x88: {  	[sflag:s21] =	ssyncadd.s32 $0xFFFFFF80  }
0x89: {  	[tilespmem:s23], [sflag:$0x5] =	stream.indirect.gather [hbm4b:s4+s22], $0x80, s17, s22, $0xb8;
	[tilespmem:$0x1EA00] =	vst v63  }
0x8a: {  	_ =	swait.ge [sflag:s29], $0x4000  }
0x8b: {  	[sflag:s29] =	ssyncset.done $0x0  }
0x8c: {  	[sflag:s29] =	ssyncadd.s32 $0xFFFFC000  }
0x8d: {  	[spmem:s2] =	stream.indirect.scatter.add.f32 [tilespmem:s25], [sflag:$0x7], $0x80, s31, s22, $0xb8;
	[tilespmem:$0x1EA00] =	vst v63  }
0x8e: {  	p0 =	sne.s32 s1, $0x4F0;
	s6 =	sand.u32 $0x70, s6;
	_ =	swait.ge [sflag:s14], $0x4000  }
0x8f: {  	s8 =	sand.u32 $0xFFFFF80, s8;
	s6 =	sadd.s32 s5, s6;
	[sflag:s14] =	ssyncset.done $0x0  }
.Ltmp0:
0x90: {  	s6 =	sadd.s32 s8, s6;
	[sflag:s14] =	ssyncadd.s32 $0xFFFFC000;
	(pc) =	sbr.rel @p0 .LBB2_2-.Ltmp0, $4  }
0x91: {  	[tilespmem:s20], [sflag:$0x4] =	stream.linear.gather [hbm4b:s6+s3], $0x80, $0x38;
	[tilespmem:$0x1EA00] =	vst v63  }
0x92: {  	_ =	swait.ge [sflag:s24], $0x80  }
0x93: {  	[sflag:s24] =	ssyncset.done $0x0  }
0x94: {  	s1 =	sadd.s32 $0x40, s1;
	s31 =	sadd.s32 $0x200, s31;
	[sflag:s24] =	ssyncadd.s32 $0xFFFFFF80  }
0x95: {  	[tilespmem:s25], [sflag:$0x6] =	stream.indirect.gather [hbm4b:s4+s22], $0x80, s18, s22, $0xb8;
	[tilespmem:$0x1EA00] =	vst v63  }
0x96: {  	_ =	swait.ge [sflag:s26], $0x4000  }
0x97: {  	[sflag:s26] =	ssyncset.done $0x0  }
0x98: {  	s1 =	simm.s32 $0x2600;
	[sflag:s26] =	ssyncadd.s32 $0xFFFFC000  }
0x99: {  	[spmem:s2] =	stream.indirect.scatter.add.f32 [tilespmem:s23], [sflag:$0x7], $0x80, s1, s22, $0xb8;
	[tilespmem:$0x1EA00] =	vst v63  }
0x9a: {  	_ =	swait.ge [sflag:s14], $0x4000  }
0x9b: {  	[sflag:s14] =	ssyncset.done $0x0  }
0x9c: {  	[sflag:s14] =	ssyncadd.s32 $0xFFFFC000  }
0x9d: {  	_ =	swait.ge [sflag:s28], $0x80  }
0x9e: {  	[sflag:s28] =	ssyncset.done $0x0  }
0x9f: {  	[sflag:s28] =	ssyncadd.s32 $0xFFFFFF80  }
0xa0: {  	[tilespmem:s23], [sflag:$0x5] =	stream.indirect.gather [hbm4b:s4+s22], $0x80, s19, s22, $0xb8;
	[tilespmem:$0x1EA00] =	vst v63  }
0xa1: {  	_ =	swait.ge [sflag:s29], $0x4000  }
0xa2: {  	[sflag:s29] =	ssyncset.done $0x0  }
0xa3: {  	s10 =	simm.s32 $0x2680;
	[sflag:s29] =	ssyncadd.s32 $0xFFFFC000  }
0xa4: {  	[spmem:s2] =	stream.indirect.scatter.add.f32 [tilespmem:s25], [sflag:$0x7], $0x80, s10, s22, $0xb8;
	[tilespmem:$0x1EA00] =	vst v63  }
0xa5: {  	_ =	swait.ge [sflag:s14], $0x4000  }
0xa6: {  	[sflag:s14] =	ssyncset.done $0x0  }
0xa7: {  	[sflag:s14] =	ssyncadd.s32 $0xFFFFC000  }
0xa8: {  	_ =	swait.ge [sflag:s30], $0x80  }
0xa9: {  	[sflag:s30] =	ssyncset.done $0x0  }
0xaa: {  	[sflag:s30] =	ssyncadd.s32 $0xFFFFFF80  }
0xab: {  	[tilespmem:s25], [sflag:$0x6] =	stream.indirect.gather [hbm4b:s4+s22], $0x80, s20, s22, $0xb8;
	[tilespmem:$0x1EA00] =	vst v63  }
0xac: {  	_ =	swait.ge [sflag:s26], $0x4000  }
0xad: {  	[sflag:s26] =	ssyncset.done $0x0  }
0xae: {  	s11 =	simm.s32 $0x2700;
	[sflag:s26] =	ssyncadd.s32 $0xFFFFC000  }
0xaf: {  	[spmem:s2] =	stream.indirect.scatter.add.f32 [tilespmem:s23], [sflag:$0x7], $0x80, s11, s22, $0xb8;
	[tilespmem:$0x1EA00] =	vst v63  }
0xb0: {  	_ =	swait.ge [sflag:s14], $0x4000  }
0xb1: {  	[sflag:s14] =	ssyncset.done $0x0  }
0xb2: {  	[sflag:s14] =	ssyncadd.s32 $0xFFFFC000  }
0xb3: {  	_ =	swait.ge [sflag:s29], $0x4000  }
0xb4: {  	[sflag:s29] =	ssyncset.done $0x0  }
0xb5: {  	s12 =	simm.s32 $0x2780;
	[sflag:s29] =	ssyncadd.s32 $0xFFFFC000  }
0xb6: {  	[spmem:s2] =	stream.indirect.scatter.add.f32 [tilespmem:s25], [sflag:$0x7], $0x80, s12, s22, $0xb8;
	[tilespmem:$0x1EA00] =	vst v63  }
0xb7: {  	_ =	swait.ge [sflag:s14], $0x4000  }
0xb8: {  	[sflag:s14] =	ssyncset.done $0x0  }
0xb9: {  	s0 =	sadd.s32 $0x1, s0;
	[sflag:s14] =	ssyncadd.s32 $0xFFFFC000  }
0xba: {  	p0 =	sne.s32 s0, s13;
	[bflag:$0x0] =	sbarrier.arrive $0xFFFF  }
.Ltmp1:
0xbb: {  	s31 =	rddreg [dreg:$0x9];
	(pc) =	sbr.rel @p0 .LBB2_1-.Ltmp1, $4  }
0xbc: {  	[hbm:s31], [sflag:s15] =	dma.local [spmem:s16], $0x2800  }
0xbd: {  	_ =	swait.ge [sflag:s14], $0x2800  }
0xbe: {  	[sflag:s14] =	ssyncset.done $0x0  }
0xbf: {  	[sflag:s14] =	ssyncadd.s32 $0xFFFFD800  }
0xc0: {  	_ =	sfence.sel $0x180000  }
0xc1: {  	[bflag:$0x0] =	sbarrier.arrive $0xFFFF  }
0xc2: {  	_ =	strace $0x9000004D  }
0xc3: {  	s0 =	stileid.u32;
	[bflag:$0x2] =	sbarrier.arrive $0xFFFF  }
0xc4: {  	p0 =	sne.s32 s0, $0x0;
	s0 =	rddreg [dreg:$0x2]  }
0xc5: {  	s0 =	sadd.s32 @!p0 $0x100000, s0  }
0xc6: {  	[sflag:s0] =	ssyncadd.tile.s32 @!p0 $0x1;
	_ =	shalt  }
.Lfunc_end2:
_tile_overlayer_lowered:
.L_overlay_start_2:
0xc7: {  	(tag) =	ssettag $0x2  }
0xc8: {  	s0 =	rddreg [dreg:$0x0];
	s2 =	stileid.u32  }
0xc9: {  	s1 =	rddreg [dreg:$0x1];
	p0 =	sne.s32 s2, $0x0  }
0xca: {  	s3 =	rddreg [dreg:$0x2];
	[bflag:$0x3] =	sbarrier.arrive $0xFFFF;
	s2 =	simm.s32 @!p0 $0x1C07  }
0xcb: {  	[timem:s3], [sflag:s2] =	dma.local @!p0 [hbm:s0], s1  }
0xcc: {  	s0 =	simm.s32 @!p0 $0x7  }
0xcd: {  	_ =	swait.ge @!p0 [sflag:s0], s1  }
0xce: {  	s1 =	ssub.s32 @!p0 $0x0, s1;
	[sflag:s0] =	ssyncset.done @!p0 $0x0  }
0xcf: {  	[sflag:s0] =	ssyncadd.s32 @!p0 s1  }
0xd0: {  	[bflag:$0x3] =	sbarrier.arrive $0xFFFF  }
0xd1: {  	_ =	shalt  }

// kernel: kernel.19.cloned.1.call-start
scs
__scs_entry_jumppad:
0x0: {  	(pc) =	sbr.rel $0x88, $3  }
0x1: {  	(tag) =	ssettag $0x0;
	lr =	simm.s32 $0x1  }
0x2: {  	[smem:$0x3F92] =	sst lr;
	_ =	strace $0xD0000000  }
0x3: {  	_ = 	snop  }
0x4: {  	_ = 	snop  }
0x5: {  	_ = 	snop  }
0x6: {  	_ = 	snop  }
0x7: {  	_ = 	snop  }
__scs_overlays_trampoline_lowered:
0x8: {  	[smem:$0x3FA1] =	sst s0  }
0x9: {  	[smem:$0x3FA2] =	sst s1  }
0xa: {  	[smem:$0x3FA3] =	sst s2  }
0xb: {  	[smem:$0x3FA4] =	sst s3  }
0xc: {  	[smem:$0x3FA5] =	sst s4  }
0xd: {  	[smem:$0x3FA6] =	sst s5  }
0xe: {  	[smem:$0x3FA7] =	sst s6  }
0xf: {  	[smem:$0x3FA8] =	sst s7  }
0x10: {  	[smem:$0x3FA9] =	sst s8  }
0x11: {  	[smem:$0x3FAA] =	sst s9;
	s0 =	simm.s32 @!p0 $0x0  }
0x12: {  	s1 =	sld [smem:$0x3F90];
	s0 =	simm.s32 @p0 $0x1  }
0x13: {  	[smem:$0x3FAB] =	sst s0;
	s0 =	simm.s32 @!p1 $0x0  }
0x14: {  	s2 =	sld [smem:$0x3F8F];
	s0 =	simm.s32 @p1 $0x1  }
0x15: {  	[smem:$0x3FAC] =	sst s0;
	s0 =	simm.s32 @!p2 $0x0  }
0x16: {  	s3 =	sld [smem:$0x3FDB];
	s0 =	simm.s32 @p2 $0x1  }
0x17: {  	s4 =	simm.s32 $0x1BF5;
	[smem:$0x3FAE] =	sst s0  }
0x18: {  	s0 =	sld [smem:$0x3F91];
	_ =	swait.ge [sflag:s4], $0x0  }
0x19: {  	s7 =	sld [smem:$0x3F92]  }
0x1a: {  	s8 =	sadd.s32 $0xFFFFE003, lr  }
0x1b: {  	s9 =	sadd.s32 $0xFFFFFEF7, lr;
	s5 =	simm.s32 $0xFFFFFFFF;
	p2 =	slt.u32 s8, $0xFFFFF086  }
0x1c: {  	p1 =	slt.u32 s9, $0xF7A;
	s5 =	simm.s32 @!p2 $0x0  }
0x1d: {  	s5 =	simm.s32 @p1 $0x1;
	p0 =	seq.s32 s7, s2  }
0x1e: {  	s7 =	smul.u32 @!p0 $0xF7A, s2;
	p2 =	seq.s32 @!p0 s5, $0x0  }
0x1f: {  	s9 =	smul.u32 $0xF7A, s1;
	s8 =	simm.s32 @!p0 $0x1BF5;
	p2 =	por !p2, p0  }
0x20: {  	[sflag:s8] =	ssyncset.s32 @!p0 $0xFFFFF086;
	s6 =	sadd.s32 @!p0 s3, s7;
	s7 =	simm.s32 @!p0 $0x108  }
0x21: {  	s3 =	sadd.s32 s3, s9;
	s6 =	sadd.s32 @!p0 $0x88, s6;
	s7 =	simm.s32 @p2 $0x1082  }
0x22: {  	[simem:s7], [sflag:s8] =	dma.local @!p0 [hbm:s6], $0xF7A  }
0x23: {  	s9 =	sor.u32 $0xD0000000, s2;
	s6 =	simm.s32 $0x108;
	_ =	swait.ge @!p0 [sflag:s8], $0x0  }
0x24: {  	s3 =	sadd.s32 $0x88, s3;
	s6 =	simm.s32 @!p1 $0x1082;
	[sflag:s4] =	ssyncset.s32 $0xFFFFF086  }
0x25: {  	[simem:s6], [sflag:s4] =	dma.local [hbm:s3], $0xF7A  }
0x26: {  	[smem:$0x3F92] =	sst s1;
	(tag) =	ssettag s2;
	_ =	strace s9  }
0x27: {  	s1 =	sld [smem:$0x3FA2]  }
0x28: {  	s2 =	sld [smem:$0x3FA3]  }
0x29: {  	s4 =	sld [smem:$0x3FA5]  }
0x2a: {  	p0 =	seq.s32 s5, $0x0;
	s5 =	sld [smem:$0x3FA6]  }
0x2b: {  	s6 =	sld [smem:$0x3FA7]  }
0x2c: {  	s7 =	sld [smem:$0x3FA8]  }
0x2d: {  	s3 =	simm.s32 $0x108;
	s8 =	sld [smem:$0x3FA9]  }
0x2e: {  	s3 =	simm.s32 @!p0 $0x1082;
	s9 =	sld [smem:$0x3FAA]  }
0x2f: {  	lr =	sadd.s32 s0, s3;
	s0 =	sld [smem:$0x3FA1]  }
0x30: {  	s3 =	sld [smem:$0x3FA4]  }
0x31: {  	[smem:$0x3FAD] =	sst s10  }
0x32: {  	s10 =	sld [smem:$0x3FAB];
	_ =	sdelay $0x3  }
0x33: {  	p0 =	seq.s32 s10, $0x1;
	s10 =	sld [smem:$0x3FAD];
	_ =	sdelay $0x3  }
0x34: {  	[smem:$0x3FAD] =	sst s10  }
0x35: {  	s10 =	sld [smem:$0x3FAC];
	_ =	sdelay $0x3  }
0x36: {  	p1 =	seq.s32 s10, $0x1;
	s10 =	sld [smem:$0x3FAD];
	_ =	sdelay $0x3  }
0x37: {  	[smem:$0x3FAD] =	sst s10  }
0x38: {  	s10 =	sld [smem:$0x3FAE]  }
0x39: {  	_ = 	snop;
	(pc) =	sbr.ind lr, $3  }
0x3a: {  	_ = 	snop  }
0x3b: {  	_ = 	snop  }
0x3c: {  	p2 =	seq.s32 s10, $0x1;
	s10 =	sld [smem:$0x3FAD]  }
0x3d: {  	_ =	shalt  }
0x3e: {  	_ =	shalt  }
0x3f: {  	_ =	shalt  }
0x40: {  	_ =	shalt  }
0x41: {  	_ =	shalt  }
0x42: {  	_ =	shalt  }
0x43: {  	_ =	shalt  }
0x44: {  	_ =	shalt  }
0x45: {  	_ =	shalt  }
0x46: {  	_ =	shalt  }
0x47: {  	_ =	shalt  }
0x48: {  	_ =	shalt  }
0x49: {  	_ =	shalt  }
0x4a: {  	_ =	shalt  }
0x4b: {  	_ =	shalt  }
0x4c: {  	_ =	shalt  }
0x4d: {  	_ =	shalt  }
0x4e: {  	_ =	shalt  }
0x4f: {  	_ =	shalt  }
0x50: {  	_ =	shalt  }
0x51: {  	_ =	shalt  }
0x52: {  	_ =	shalt  }
0x53: {  	_ =	shalt  }
0x54: {  	_ =	shalt  }
0x55: {  	_ =	shalt  }
0x56: {  	_ =	shalt  }
0x57: {  	_ =	shalt  }
0x58: {  	_ =	shalt  }
0x59: {  	_ =	shalt  }
0x5a: {  	_ =	shalt  }
0x5b: {  	_ =	shalt  }
0x5c: {  	_ =	shalt  }
0x5d: {  	_ =	shalt  }
0x5e: {  	_ =	shalt  }
0x5f: {  	_ =	shalt  }
0x60: {  	_ =	shalt  }
0x61: {  	_ =	shalt  }
0x62: {  	_ =	shalt  }
0x63: {  	_ =	shalt  }
0x64: {  	_ =	shalt  }
0x65: {  	_ =	shalt  }
0x66: {  	_ =	shalt  }
0x67: {  	_ =	shalt  }
0x68: {  	_ =	shalt  }
0x69: {  	_ =	shalt  }
0x6a: {  	_ =	shalt  }
0x6b: {  	_ =	shalt  }
0x6c: {  	_ =	shalt  }
0x6d: {  	_ =	shalt  }
0x6e: {  	_ =	shalt  }
0x6f: {  	_ =	shalt  }
0x70: {  	_ =	shalt  }
0x71: {  	_ =	shalt  }
0x72: {  	_ =	shalt  }
0x73: {  	_ =	shalt  }
0x74: {  	_ =	shalt  }
0x75: {  	_ =	shalt  }
0x76: {  	_ =	shalt  }
0x77: {  	_ =	shalt  }
0x78: {  	_ =	shalt  }
0x79: {  	_ =	shalt  }
0x7a: {  	_ =	shalt  }
0x7b: {  	_ =	shalt  }
0x7c: {  	_ =	shalt  }
0x7d: {  	_ =	shalt  }
0x7e: {  	_ =	shalt  }
0x7f: {  	_ =	shalt  }
0x80: {  	_ =	shalt  }
0x81: {  	_ =	shalt  }
0x82: {  	_ =	shalt  }
0x83: {  	_ =	shalt  }
0x84: {  	_ =	shalt  }
0x85: {  	_ =	shalt  }
0x86: {  	_ =	shalt  }
0x87: {  	_ =	shalt  }
.Lfunc_end0:
.L_simem_size_0:
called_computation.3_lowered:
.L_overlay_start_0:
0x88: {  	s2 =	sld [smem:$0x3FD9]  }
0x89: {  	s3 =	sld [smem:$0x3FFE];
	_ =	sdelay $0x1  }
0x8a: {  	s1 =	srdreg.scid  }
0x8b: {  	s0 =	sand.u32 $0x1, s1  }
0x8c: {  	s16 =	sshll.u32 s0, $0xA;
	s2 =	sadd.s32 s3, s2  }
0x8d: {  	s2 =	sadd.s32 s2, s16  }
0x8e: {  	[smem:$0x3FB9] =	sst s2  }
0x8f: {  	_ = 	snop  }
0x90: {  	(tm) =	ssettm $0x1  }
0x91: {  	s17 =	sld [smem:$0x3FFB];
	_ =	sdelay $0x3  }
0x92: {  	_ =	strace s17  }
0x93: {  	s2 =	sld [smem:$0x3FFC];
	_ =	sdelay $0x3  }
0x94: {  	_ =	strace s2  }
0x95: {  	s2 =	sld [smem:$0x3FFD];
	_ =	sdelay $0x3  }
0x96: {  	_ =	strace s2  }
0x97: {  	_ =	strace $0x8FFFFFFF  }
0x98: {  	s18 =	sld [smem:$0x3FDB];
	_ =	sdelay $0x1  }
0x99: {  	s19 =	simm.s32 $_scs_section_size  }
0x9a: {  	s4 =	simm.s32 $_size__tile_overlayer_lowered;
	s5 =	simm.s32 $_tile_overlayer_lowered  }
0x9b: {  	s22 =	simm.s32 $0x1BFF;
	s21 =	sshll.u32 s5, $0x1;
	s2 =	sadd.s32 s19, s18  }
0x9c: {  	s6 =	simm.s32 $0x0;
	s20 =	sshll.u32 s4, $0x1;
	s4 =	sadd.s32 s21, s2  }
0x9d: {  	[timem:s6], [sflag:s22] =	dma.local [hbm:s4], s20  }
0x9e: {  	_ =	swait.ge [sflag:s22], s20  }
0x9f: {  	s3 =	ssub.s32 $0x0, s20;
	[sflag:s22] =	ssyncset.done $0x0  }
0xa0: {  	[sflag:s22] =	ssyncadd.s32 s3;
	_ =	sdelay $0x1  }
0xa1: {  	s23 =	simm.s32 $0x1B8B  }
0xa2: {  	_ =	swait.ge [sflag:s23], $0x1  }
0xa3: {  	[sflag:s23] =	ssyncset.done $0x0  }
0xa4: {  	s25 =	simm.s32 $0x1B8E;
	s24 =	sld [smem:$0x3FFE];
	[sflag:s23] =	ssyncadd.s32 $0xFFFFFFFF  }
0xa5: {  	s26 =	simm.s32 $execute0_lowered;
	[smem:$0x3FD2] =	sst s25  }
0xa6: {  	s4 =	sshll.u32 s26, $0x1;
	_ =	strace $0x8000004F;
	[dreg:$0x1] =	wrdreg $0xFFFFFFFF  }
0xa7: {  	s28 =	simm.s32 $_size_execute0_lowered;
	s2 =	sadd.s32 s2, s4;
	[dreg:$0x0] =	wrdreg $0x0  }
0xa8: {  	s4 =	sshll.u32 s28, $0x1;
	[dreg:$0x2] =	wrdreg s2  }
0xa9: {  	[dreg:$0x3] =	wrdreg s4  }
0xaa: {  	[dreg:$0x4] =	wrdreg $0xC0  }
0xab: {  	_ =	task [dreg:s6], $0x5FFFF  }
0xac: {  	[dreg:$0x1] =	wrdreg $0xFFFFFFFF  }
0xad: {  	[dreg:$0x0] =	wrdreg $0x60  }
0xae: {  	[dreg:$0x2] =	wrdreg s24  }
0xaf: {  	[dreg:$0x3] =	wrdreg $0xAA000  }
0xb0: {  	[dreg:$0x4] =	wrdreg $0x9  }
0xb1: {  	_ =	task.clear_ibuf [dreg:s6], $0x5FFFF;
	_ =	strace $0x9000004F  }
0xb2: {  	s29 =	simm.s32 $0x9;
	_ =	strace $0x80000051  }
0xb3: {  	_ =	swait.ge [sflag:s29], $0x1  }
0xb4: {  	[sflag:s29] =	ssyncadd.s32 $0xFFFFFFFF  }
0xb5: {  	_ =	strace $0x90000051  }
0xb6: {  	_ =	sfence  }
0xb7: {  	s30 =	sld [smem:$0x0];
	_ =	sdelay $0x2  }
0xb8: {  	s31 =	sshll.u32 s1, $0xD;
	s1 =	sshrl.u32 s1, $0x2  }
0xb9: {  	s3 =	sand.u32 $0x4000, s31;
	s1 =	sadd.s32 s1, s30  }
0xba: {  	s0 =	sor.u32 s3, s0;
	s1 =	sshll.u32 s1, $0x11  }
0xbb: {  	s0 =	sor.u32 s1, s0  }
0xbc: {  	s0 =	sadd.s32 $0x8F2B, s0  }
0xbd: {  	[sflag:s0] =	ssyncadd.remote.s32 $0x1  }
0xbe: {  	_ =	sfence.sel $0xFFFF  }
0xbf: {  	[dreg:$0x0] =	wrdreg $0xFFFFFFFF;
	(pc) =	sbr.abs _section_cstart, $3  }
0xc0: {  	[dreg:$0x1] =	wrdreg $0xFFFFFFFF  }
0xc1: {  	_ =	task.clear_ibuf [dreg:s6], $0x2FFFF;
	_ =	strace $0x9FFFFFFF  }
0xc2: {  	(tm) =	ssettm $0x7FFFFFFF  }
0xc3: {  	_ =	shalt  }
tec
execute0_lowered:
.L_overlay_start_1:
0x0: {  	(tag) =	ssettag $0x1  }
0x1: {  	s0 =	rddreg [dreg:$0x0]  }
0x2: {  	s2 =	rddreg [dreg:$0x1]  }
0x3: {  	s1 =	srdreg.scid;
	s3 =	simm.s32 $0x0;
	s14 =	stileid.u32  }
0x4: {  	s17 =	simm.s32 $0x2800;
	s18 =	simm.s32 $0x2880;
	s19 =	simm.s32 $0x2900  }
0x5: {  	s28 =	simm.s32 $0x3;
	s29 =	simm.s32 $0x6;
	s6 =	smul.u32 $0x14000, s14  }
0x6: {  	s30 =	simm.s32 $0x4;
	s1 =	sand.u32 $0x1, s1;
	s10 =	smul.u32 $0x50000, s14  }
0x7: {  	[smem:$0x7FF] =	sst s3;
	s5 =	sadd.s32 $0xEE00, s0;
	s13 =	smul.u32 $0x500, s14  }
0x8: {  	s31 =	sshll.u32 s14, $0x6;
	s4 =	sshll.u32 s1, $0x4;
	s8 =	smul.u32 $0x140000, s1  }
0x9: {  	_ =	strace $0x80000050;
	s9 =	ssub.s32 $0x2, s1;
	s1 =	smul.u32 $0x5000, s1  }
0xa: {  	s15 =	sor.u32 $0x1C07, s31;
	s7 =	sor.u32 s14, s4;
	s4 =	sadd.s32 $0x18E00, s0  }
0xb: {  	s12 =	sshrl.u32 s9, $0x1;
	s21 =	sshrl.u32 s10, $0x2;
	s14 =	simm.s32 $0x7  }
0xc: {  	s7 =	smul.u32 $0x500, s7;
	s8 =	sadd.s32 s6, s8;
	s20 =	ssub.s32 s9, s12  }
0xd: {  	s16 =	sadd.s32 s21, s2;
	s6 =	sshrl.u32 s6, $0x3;
	s26 =	sadd.s32 s13, s1  }
0xe: {  	s21 =	simm.s32 $0x1;
	s8 =	sshrl.u32 s8, $0x3;
	s6 =	sadd.s32 s4, s6  }
0xf: {  	s13 =	smax.u32 s20, $0x1;
	[dreg:$0x3] =	wrdreg s26;
	s11 =	sadd.s32 s7, s0  }
0x10: {  	s7 =	sadd.s32 s5, s7;
	[dreg:$0x5] =	wrdreg s6;
	s22 =	sadd.s32 $0x4400, s11  }
0x11: {  	s16 =	sshrl.u32 s16, $0x3;
	s23 =	sadd.s32 $0x10, s7;
	[dreg:$0x4] =	wrdreg s22  }
0x12: {  	s20 =	simm.s32 $0x2980;
	s24 =	sadd.s32 $0x20, s7;
	[dreg:$0x6] =	wrdreg s23  }
0x13: {  	s0 =	sadd.s32 s8, s0;
	s25 =	sadd.s32 $0x30, s7;
	[dreg:$0x7] =	wrdreg s24  }
0x14: {  	s26 =	simm.s32 $0x5;
	s0 =	sadd.s32 $0x40E00, s0;
	[dreg:$0x8] =	wrdreg s25  }
0x15: {  	[dreg:$0x9] =	wrdreg s0;
	s22 =	simm.s32 $0x80;
	s23 =	simm.s32 $0x2A00  }
0x16: {  	s24 =	simm.s32 $0x2;
	s25 =	simm.s32 $0x6A00;
	s0 =	simm.s32 $0x0  }
.LBB2_1:
0x17: {  	s1 =	rddreg [dreg:$0x4]  }
0x18: {  	[tilespmem:s3], [sflag:$0x7] =	stream.linear.gather [hbm4b:s1+s3], $0x2800, $0x38;
	[tilespmem:$0x1EA00] =	vst v63  }
0x19: {  	_ =	swait.ge [sflag:s14], $0x2800  }
0x1a: {  	[sflag:s14] =	ssyncset.done $0x0  }
0x1b: {  	s10 =	rddreg [dreg:$0x5];
	[sflag:s14] =	ssyncadd.s32 $0xFFFFD800  }
0x1c: {  	[spmem:s16], [sflag:s15] =	dma.local [hbm:s10], $0x2800  }
0x1d: {  	_ =	swait.ge [sflag:s14], $0x2800  }
0x1e: {  	[sflag:s14] =	ssyncset.done $0x0  }
0x1f: {  	[sflag:s14] =	ssyncadd.s32 $0xFFFFD800  }
0x20: {  	[bflag:$0x0] =	sbarrier.arrive $0xFFFF  }
0x21: {  	[tilespmem:s17], [sflag:$0x1] =	stream.linear.gather [hbm4b:s7+s3], $0x80, $0x38;
	[tilespmem:$0x1EA00] =	vst v63  }
0x22: {  	s11 =	rddreg [dreg:$0x6]  }
0x23: {  	[tilespmem:s18], [sflag:$0x2] =	stream.linear.gather [hbm4b:s11+s3], $0x80, $0x38;
	[tilespmem:$0x1EA00] =	vst v63  }
0x24: {  	s12 =	rddreg [dreg:$0x7]  }
0x25: {  	[tilespmem:s19], [sflag:$0x3] =	stream.linear.gather [hbm4b:s12+s3], $0x80, $0x38;
	[tilespmem:$0x1EA00] =	vst v63  }
0x26: {  	s6 =	rddreg [dreg:$0x8]  }
0x27: {  	[tilespmem:s20], [sflag:$0x4] =	stream.linear.gather [hbm4b:s6+s3], $0x80, $0x38;
	[tilespmem:$0x1EA00] =	vst v63  }
0x28: {  	_ =	swait.ge [sflag:s21], $0x80  }
0x29: {  	[sflag:s21] =	ssyncset.done $0x0  }
0x2a: {  	[sflag:s21] =	ssyncadd.s32 $0xFFFFFF80  }
0x2b: {  	[tilespmem:s23], [sflag:$0x5] =	stream.indirect.gather [hbm4b:s4+s22], $0x80, s17, s22, $0xb8;
	[tilespmem:$0x1EA00] =	vst v63  }
0x2c: {  	_ =	swait.ge [sflag:s24], $0x80  }
0x2d: {  	[sflag:s24] =	ssyncset.done $0x0  }
0x2e: {  	[sflag:s24] =	ssyncadd.s32 $0xFFFFFF80  }
0x2f: {  	[tilespmem:s25], [sflag:$0x6] =	stream.indirect.gather [hbm4b:s4+s22], $0x80, s18, s22, $0xb8;
	[tilespmem:$0x1EA00] =	vst v63  }
0x30: {  	_ =	swait.ge [sflag:s26], $0x4000  }
0x31: {  	[sflag:s26] =	ssyncset.done $0x0  }
0x32: {  	s8 =	simm.s32 $0x0;
	[sflag:s26] =	ssyncadd.s32 $0xFFFFC000  }
0x33: {  	[spmem:s2] =	stream.indirect.scatter.add.f32 [tilespmem:s23], [sflag:$0x7], $0x80, s8, s22, $0xb8;
	[tilespmem:$0x1EA00] =	vst v63  }
0x34: {  	_ =	swait.ge [sflag:s14], $0x4000  }
0x35: {  	s9 =	rddreg [dreg:$0x3]  }
0x36: {  	s6 =	simm.s32 $0x40;
	s1 =	sadd.s32 $0x70, s9  }
0x37: {  	s6 =	sand.u32 $0x40, s6;
	s8 =	sadd.s32 $0xFFFFFFD0, s1  }
0x38: {  	s6 =	sadd.s32 s5, s6;
	[sflag:s14] =	ssyncset.done $0x0;
	s8 =	sand.u32 $0xFFFFF80, s8  }
0x39: {  	[sflag:s14] =	ssyncadd.s32 $0xFFFFC000;
	s6 =	sadd.s32 s8, s6  }
0x3a: {  	[tilespmem:s17], [sflag:$0x1] =	stream.linear.gather [hbm4b:s6+s3], $0x80, $0x38;
	[tilespmem:$0x1EA00] =	vst v63  }
0x3b: {  	_ =	swait.ge [sflag:s28], $0x80  }
0x3c: {  	[sflag:s28] =	ssyncset.done $0x0  }
0x3d: {  	[sflag:s28] =	ssyncadd.s32 $0xFFFFFF80  }
0x3e: {  	[tilespmem:s23], [sflag:$0x5] =	stream.indirect.gather [hbm4b:s4+s22], $0x80, s19, s22, $0xb8;
	[tilespmem:$0x1EA00] =	vst v63  }
0x3f: {  	_ =	swait.ge [sflag:s29], $0x4000  }
0x40: {  	[sflag:s29] =	ssyncset.done $0x0  }
0x41: {  	s10 =	simm.s32 $0x80;
	s11 =	simm.s32 $0x50;
	[sflag:s29] =	ssyncadd.s32 $0xFFFFC000  }
0x42: {  	[spmem:s2] =	stream.indirect.scatter.add.f32 [tilespmem:s25], [sflag:$0x7], $0x80, s10, s22, $0xb8;
	[tilespmem:$0x1EA00] =	vst v63  }
0x43: {  	s12 =	sadd.s32 $0xFFFFFFE0, s1;
	s8 =	sand.u32 $0x50, s11;
	_ =	swait.ge [sflag:s14], $0x4000  }
0x44: {  	s6 =	sand.u32 $0xFFFFF80, s12;
	s8 =	sadd.s32 s5, s8;
	[sflag:s14] =	ssyncset.done $0x0  }
0x45: {  	s6 =	sadd.s32 s6, s8;
	[sflag:s14] =	ssyncadd.s32 $0xFFFFC000  }
0x46: {  	[tilespmem:s18], [sflag:$0x2] =	stream.linear.gather [hbm4b:s6+s3], $0x80, $0x38;
	[tilespmem:$0x1EA00] =	vst v63  }
0x47: {  	_ =	swait.ge [sflag:s30], $0x80  }
0x48: {  	[sflag:s30] =	ssyncset.done $0x0  }
0x49: {  	[sflag:s30] =	ssyncadd.s32 $0xFFFFFF80  }
0x4a: {  	[tilespmem:s25], [sflag:$0x6] =	stream.indirect.gather [hbm4b:s4+s22], $0x80, s20, s22, $0xb8;
	[tilespmem:$0x1EA00] =	vst v63  }
0x4b: {  	_ =	swait.ge [sflag:s26], $0x4000  }
0x4c: {  	[sflag:s26] =	ssyncset.done $0x0  }
0x4d: {  	s9 =	simm.s32 $0x60;
	s8 =	simm.s32 $0x100;
	[sflag:s26] =	ssyncadd.s32 $0xFFFFC000  }
0x4e: {  	[spmem:s2] =	stream.indirect.scatter.add.f32 [tilespmem:s23], [sflag:$0x7], $0x80, s8, s22, $0xb8;
	[tilespmem:$0x1EA00] =	vst v63  }
0x4f: {  	s10 =	sadd.s32 $0xFFFFFFF0, s1;
	s8 =	sand.u32 $0x60, s9;
	_ =	swait.ge [sflag:s14], $0x4000  }
0x50: {  	s6 =	sand.u32 $0xFFFFF80, s10;
	s8 =	sadd.s32 s5, s8;
	[sflag:s14] =	ssyncset.done $0x0  }
0x51: {  	s6 =	sadd.s32 s6, s8;
	[sflag:s14] =	ssyncadd.s32 $0xFFFFC000  }
0x52: {  	[tilespmem:s19], [sflag:$0x3] =	stream.linear.gather [hbm4b:s6+s3], $0x80, $0x38;
	[tilespmem:$0x1EA00] =	vst v63  }
0x53: {  	_ =	swait.ge [sflag:s21], $0x80  }
0x54: {  	[sflag:s21] =	ssyncset.done $0x0  }
0x55: {  	[sflag:s21] =	ssyncadd.s32 $0xFFFFFF80  }
0x56: {  	[tilespmem:s23], [sflag:$0x5] =	stream.indirect.gather [hbm4b:s4+s22], $0x80, s17, s22, $0xb8;
	[tilespmem:$0x1EA00] =	vst v63  }
0x57: {  	_ =	swait.ge [sflag:s29], $0x4000  }
0x58: {  	[sflag:s29] =	ssyncset.done $0x0  }
0x59: {  	s11 =	simm.s32 $0x180;
	s12 =	simm.s32 $0x70;
	[sflag:s29] =	ssyncadd.s32 $0xFFFFC000  }
0x5a: {  	[spmem:s2] =	stream.indirect.scatter.add.f32 [tilespmem:s25], [sflag:$0x7], $0x80, s11, s22, $0xb8;
	[tilespmem:$0x1EA00] =	vst v63  }
0x5b: {  	s6 =	sand.u32 $0x70, s12;
	_ =	swait.ge [sflag:s14], $0x4000  }
0x5c: {  	s1 =	sand.u32 $0xFFFFF80, s1;
	s6 =	sadd.s32 s5, s6;
	[sflag:s14] =	ssyncset.done $0x0  }
0x5d: {  	s1 =	sadd.s32 s1, s6;
	[sflag:s14] =	ssyncadd.s32 $0xFFFFC000  }
0x5e: {  	[tilespmem:s20], [sflag:$0x4] =	stream.linear.gather [hbm4b:s1+s3], $0x80, $0x38;
	[tilespmem:$0x1EA00] =	vst v63  }
0x5f: {  	_ =	swait.ge [sflag:s24], $0x80  }
0x60: {  	[sflag:s24] =	ssyncset.done $0x0  }
0x61: {  	s31 =	simm.s32 $0x380;
	s1 =	simm.s32 $0xB0;
	[sflag:s24] =	ssyncadd.s32 $0xFFFFFF80  }
.LBB2_2:
0x62: {  	[tilespmem:s25], [sflag:$0x6] =	stream.indirect.gather [hbm4b:s4+s22], $0x80, s18, s22, $0xb8;
	[tilespmem:$0x1EA00] =	vst v63  }
0x63: {  	_ =	swait.ge [sflag:s26], $0x4000  }
0x64: {  	[sflag:s26] =	ssyncset.done $0x0  }
0x65: {  	s8 =	sadd.s32 $0xFFFFFE80, s31;
	[sflag:s26] =	ssyncadd.s32 $0xFFFFC000  }
0x66: {  	[spmem:s2] =	stream.indirect.scatter.add.f32 [tilespmem:s23], [sflag:$0x7], $0x80, s8, s22, $0xb8;
	[tilespmem:$0x1EA00] =	vst v63  }
0x67: {  	_ =	swait.ge [sflag:s14], $0x4000  }
0x68: {  	s6 =	smov.u32 s1;
	s10 =	rddreg [dreg:$0x3]  }
0x69: {  	s9 =	sadd.s32 $0xFFFFFFD0, s6;
	s8 =	sadd.s32 s6, s10  }
0x6a: {  	s9 =	sand.u32 $0x40, s9;
	s10 =	sadd.s32 $0xFFFFFFD0, s8  }
0x6b: {  	s9 =	sadd.s32 s5, s9;
	[sflag:s14] =	ssyncset.done $0x0;
	s10 =	sand.u32 $0xFFFFF80, s10  }
0x6c: {  	[sflag:s14] =	ssyncadd.s32 $0xFFFFC000;
	s9 =	sadd.s32 s10, s9  }
0x6d: {  	[tilespmem:s17], [sflag:$0x1] =	stream.linear.gather [hbm4b:s9+s3], $0x80, $0x38;
	[tilespmem:$0x1EA00] =	vst v63  }
0x6e: {  	_ =	swait.ge [sflag:s28], $0x80  }
0x6f: {  	[sflag:s28] =	ssyncset.done $0x0  }
0x70: {  	[sflag:s28] =	ssyncadd.s32 $0xFFFFFF80  }
0x71: {  	[tilespmem:s23], [sflag:$0x5] =	stream.indirect.gather [hbm4b:s4+s22], $0x80, s19, s22, $0xb8;
	[tilespmem:$0x1EA00] =	vst v63  }
0x72: {  	s12 =	sadd.s32 $0xFFFFFFE0, s6;
	s11 =	sadd.s32 $0xFFFFFFE0, s8;
	_ =	swait.ge [sflag:s29], $0x4000  }
0x73: {  	s10 =	sand.u32 $0xFFFFF80, s11;
	s11 =	sadd.s32 $0xFFFFFFF0, s8;
	[sflag:s29] =	ssyncset.done $0x0  }
0x74: {  	s9 =	sand.u32 $0xFFFFF80, s11;
	s11 =	sadd.s32 $0xFFFFFF00, s31;
	[sflag:s29] =	ssyncadd.s32 $0xFFFFC000  }
0x75: {  	[spmem:s2] =	stream.indirect.scatter.add.f32 [tilespmem:s25], [sflag:$0x7], $0x80, s11, s22, $0xb8;
	[tilespmem:$0x1EA00] =	vst v63  }
0x76: {  	s12 =	sand.u32 $0x50, s12;
	_ =	swait.ge [sflag:s14], $0x4000  }
0x77: {  	s11 =	sadd.s32 s5, s12;
	[sflag:s14] =	ssyncset.done $0x0  }
0x78: {  	s10 =	sadd.s32 s10, s11;
	[sflag:s14] =	ssyncadd.s32 $0xFFFFC000  }
0x79: {  	[tilespmem:s18], [sflag:$0x2] =	stream.linear.gather [hbm4b:s10+s3], $0x80, $0x38;
	[tilespmem:$0x1EA00] =	vst v63  }
0x7a: {  	_ =	swait.ge [sflag:s30], $0x80  }
0x7b: {  	[sflag:s30] =	ssyncset.done $0x0  }
0x7c: {  	[sflag:s30] =	ssyncadd.s32 $0xFFFFFF80  }
0x7d: {  	[tilespmem:s25], [sflag:$0x6] =	stream.indirect.gather [hbm4b:s4+s22], $0x80, s20, s22, $0xb8;
	[tilespmem:$0x1EA00] =	vst v63  }
0x7e: {  	_ =	swait.ge [sflag:s26], $0x4000  }
0x7f: {  	[sflag:s26] =	ssyncset.done $0x0  }
0x80: {  	s12 =	sadd.s32 $0xFFFFFFF0, s6;
	s11 =	sadd.s32 $0xFFFFFF80, s31;
	[sflag:s26] =	ssyncadd.s32 $0xFFFFC000  }
0x81: {  	[spmem:s2] =	stream.indirect.scatter.add.f32 [tilespmem:s23], [sflag:$0x7], $0x80, s11, s22, $0xb8;
	[tilespmem:$0x1EA00] =	vst v63  }
0x82: {  	s12 =	sand.u32 $0x60, s12;
	_ =	swait.ge [sflag:s14], $0x4000  }
0x83: {  	s10 =	sadd.s32 s5, s12;
	[sflag:s14] =	ssyncset.done $0x0  }
0x84: {  	s9 =	sadd.s32 s9, s10;
	[sflag:s14] =	ssyncadd.s32 $0xFFFFC000  }
0x85: {  	[tilespmem:s19], [sflag:$0x3] =	stream.linear.gather [hbm4b:s9+s3], $0x80, $0x38;
	[tilespmem:$0x1EA00] =	vst v63  }
0x86: {  	_ =	swait.ge [sflag:s21], $0x80  }
0x87: {  	[sflag:s21] =	ssyncset.done $0x0  }
0x88: {  	[sflag:s21] =	ssyncadd.s32 $0xFFFFFF80  }
0x89: {  	[tilespmem:s23], [sflag:$0x5] =	stream.indirect.gather [hbm4b:s4+s22], $0x80, s17, s22, $0xb8;
	[tilespmem:$0x1EA00] =	vst v63  }
0x8a: {  	_ =	swait.ge [sflag:s29], $0x4000  }
0x8b: {  	[sflag:s29] =	ssyncset.done $0x0  }
0x8c: {  	[sflag:s29] =	ssyncadd.s32 $0xFFFFC000  }
0x8d: {  	[spmem:s2] =	stream.indirect.scatter.add.f32 [tilespmem:s25], [sflag:$0x7], $0x80, s31, s22, $0xb8;
	[tilespmem:$0x1EA00] =	vst v63  }
0x8e: {  	p0 =	sne.s32 s1, $0x4F0;
	s6 =	sand.u32 $0x70, s6;
	_ =	swait.ge [sflag:s14], $0x4000  }
0x8f: {  	s8 =	sand.u32 $0xFFFFF80, s8;
	s6 =	sadd.s32 s5, s6;
	[sflag:s14] =	ssyncset.done $0x0  }
.Ltmp0:
0x90: {  	s6 =	sadd.s32 s8, s6;
	[sflag:s14] =	ssyncadd.s32 $0xFFFFC000;
	(pc) =	sbr.rel @p0 .LBB2_2-.Ltmp0, $4  }
0x91: {  	[tilespmem:s20], [sflag:$0x4] =	stream.linear.gather [hbm4b:s6+s3], $0x80, $0x38;
	[tilespmem:$0x1EA00] =	vst v63  }
0x92: {  	_ =	swait.ge [sflag:s24], $0x80  }
0x93: {  	[sflag:s24] =	ssyncset.done $0x0  }
0x94: {  	s1 =	sadd.s32 $0x40, s1;
	s31 =	sadd.s32 $0x200, s31;
	[sflag:s24] =	ssyncadd.s32 $0xFFFFFF80  }
0x95: {  	[tilespmem:s25], [sflag:$0x6] =	stream.indirect.gather [hbm4b:s4+s22], $0x80, s18, s22, $0xb8;
	[tilespmem:$0x1EA00] =	vst v63  }
0x96: {  	_ =	swait.ge [sflag:s26], $0x4000  }
0x97: {  	[sflag:s26] =	ssyncset.done $0x0  }
0x98: {  	s1 =	simm.s32 $0x2600;
	[sflag:s26] =	ssyncadd.s32 $0xFFFFC000  }
0x99: {  	[spmem:s2] =	stream.indirect.scatter.add.f32 [tilespmem:s23], [sflag:$0x7], $0x80, s1, s22, $0xb8;
	[tilespmem:$0x1EA00] =	vst v63  }
0x9a: {  	_ =	swait.ge [sflag:s14], $0x4000  }
0x9b: {  	[sflag:s14] =	ssyncset.done $0x0  }
0x9c: {  	[sflag:s14] =	ssyncadd.s32 $0xFFFFC000  }
0x9d: {  	_ =	swait.ge [sflag:s28], $0x80  }
0x9e: {  	[sflag:s28] =	ssyncset.done $0x0  }
0x9f: {  	[sflag:s28] =	ssyncadd.s32 $0xFFFFFF80  }
0xa0: {  	[tilespmem:s23], [sflag:$0x5] =	stream.indirect.gather [hbm4b:s4+s22], $0x80, s19, s22, $0xb8;
	[tilespmem:$0x1EA00] =	vst v63  }
0xa1: {  	_ =	swait.ge [sflag:s29], $0x4000  }
0xa2: {  	[sflag:s29] =	ssyncset.done $0x0  }
0xa3: {  	s10 =	simm.s32 $0x2680;
	[sflag:s29] =	ssyncadd.s32 $0xFFFFC000  }
0xa4: {  	[spmem:s2] =	stream.indirect.scatter.add.f32 [tilespmem:s25], [sflag:$0x7], $0x80, s10, s22, $0xb8;
	[tilespmem:$0x1EA00] =	vst v63  }
0xa5: {  	_ =	swait.ge [sflag:s14], $0x4000  }
0xa6: {  	[sflag:s14] =	ssyncset.done $0x0  }
0xa7: {  	[sflag:s14] =	ssyncadd.s32 $0xFFFFC000  }
0xa8: {  	_ =	swait.ge [sflag:s30], $0x80  }
0xa9: {  	[sflag:s30] =	ssyncset.done $0x0  }
0xaa: {  	[sflag:s30] =	ssyncadd.s32 $0xFFFFFF80  }
0xab: {  	[tilespmem:s25], [sflag:$0x6] =	stream.indirect.gather [hbm4b:s4+s22], $0x80, s20, s22, $0xb8;
	[tilespmem:$0x1EA00] =	vst v63  }
0xac: {  	_ =	swait.ge [sflag:s26], $0x4000  }
0xad: {  	[sflag:s26] =	ssyncset.done $0x0  }
0xae: {  	s11 =	simm.s32 $0x2700;
	[sflag:s26] =	ssyncadd.s32 $0xFFFFC000  }
0xaf: {  	[spmem:s2] =	stream.indirect.scatter.add.f32 [tilespmem:s23], [sflag:$0x7], $0x80, s11, s22, $0xb8;
	[tilespmem:$0x1EA00] =	vst v63  }
0xb0: {  	_ =	swait.ge [sflag:s14], $0x4000  }
0xb1: {  	[sflag:s14] =	ssyncset.done $0x0  }
0xb2: {  	[sflag:s14] =	ssyncadd.s32 $0xFFFFC000  }
0xb3: {  	_ =	swait.ge [sflag:s29], $0x4000  }
0xb4: {  	[sflag:s29] =	ssyncset.done $0x0  }
0xb5: {  	s12 =	simm.s32 $0x2780;
	[sflag:s29] =	ssyncadd.s32 $0xFFFFC000  }
0xb6: {  	[spmem:s2] =	stream.indirect.scatter.add.f32 [tilespmem:s25], [sflag:$0x7], $0x80, s12, s22, $0xb8;
	[tilespmem:$0x1EA00] =	vst v63  }
0xb7: {  	_ =	swait.ge [sflag:s14], $0x4000  }
0xb8: {  	[sflag:s14] =	ssyncset.done $0x0  }
0xb9: {  	s0 =	sadd.s32 $0x1, s0;
	[sflag:s14] =	ssyncadd.s32 $0xFFFFC000  }
0xba: {  	p0 =	sne.s32 s0, s13;
	[bflag:$0x0] =	sbarrier.arrive $0xFFFF  }
.Ltmp1:
0xbb: {  	s31 =	rddreg [dreg:$0x9];
	(pc) =	sbr.rel @p0 .LBB2_1-.Ltmp1, $4  }
0xbc: {  	[hbm:s31], [sflag:s15] =	dma.local [spmem:s16], $0x2800  }
0xbd: {  	_ =	swait.ge [sflag:s14], $0x2800  }
0xbe: {  	[sflag:s14] =	ssyncset.done $0x0  }
0xbf: {  	[sflag:s14] =	ssyncadd.s32 $0xFFFFD800  }
0xc0: {  	_ =	sfence.sel $0x180000  }
0xc1: {  	[bflag:$0x0] =	sbarrier.arrive $0xFFFF  }
0xc2: {  	_ =	strace $0x90000050  }
0xc3: {  	s0 =	stileid.u32;
	[bflag:$0x2] =	sbarrier.arrive $0xFFFF  }
0xc4: {  	p0 =	sne.s32 s0, $0x0;
	s0 =	rddreg [dreg:$0x2]  }
0xc5: {  	s0 =	sadd.s32 @!p0 $0x100000, s0  }
0xc6: {  	[sflag:s0] =	ssyncadd.tile.s32 @!p0 $0x1;
	_ =	shalt  }
.Lfunc_end2:
_tile_overlayer_lowered:
.L_overlay_start_2:
0xc7: {  	(tag) =	ssettag $0x2  }
0xc8: {  	s0 =	rddreg [dreg:$0x0];
	s2 =	stileid.u32  }
0xc9: {  	s1 =	rddreg [dreg:$0x1];
	p0 =	sne.s32 s2, $0x0  }
0xca: {  	s3 =	rddreg [dreg:$0x2];
	[bflag:$0x3] =	sbarrier.arrive $0xFFFF;
	s2 =	simm.s32 @!p0 $0x1C07  }
0xcb: {  	[timem:s3], [sflag:s2] =	dma.local @!p0 [hbm:s0], s1  }
0xcc: {  	s0 =	simm.s32 @!p0 $0x7  }
0xcd: {  	_ =	swait.ge @!p0 [sflag:s0], s1  }
0xce: {  	s1 =	ssub.s32 @!p0 $0x0, s1;
	[sflag:s0] =	ssyncset.done @!p0 $0x0  }
0xcf: {  	[sflag:s0] =	ssyncadd.s32 @!p0 s1  }
0xd0: {  	[bflag:$0x3] =	sbarrier.arrive $0xFFFF  }
0xd1: {  	_ =	shalt  }

</sc_bundles>
